<compile_context>
chip_gen: v7x
topology: tpu7x:2x2x1
jax: 0.10.2.dev20260603
libtpu: 0.0.44.dev20260713+nightly
codegen_flags: <defaults>
</compile_context>

<pallas_src>
import jax
import jax.numpy as jnp
from jax import lax
from jax.experimental import pallas as pl
from jax.experimental.pallas import tpu as pltpu
from jax.experimental.pallas import tpu_sc as plsc

_NC = 2
_NS = 16
_NW = _NC * _NS
_CHUNK = 128
_EB = 512
_NB = 512


def _sc_mesh():
    return plsc.VectorSubcoreMesh(core_axis_name="c", subcore_axis_name="s",
                                  num_cores=_NC, num_subcores=_NS)


def _sc_gather(table, idx3):
    _, F = table.shape
    _, nch, _ = idx3.shape
    per = nch * _CHUNK

    def body(table_ref, idx_ref, out_ref, idx_v, rows_v, sem):
        wid = lax.axis_index("c") * _NS + lax.axis_index("s")
        pltpu.sync_copy(idx_ref.at[wid], idx_v)
        base = wid * per
        for j in range(nch):
            pltpu.async_copy(table_ref.at[idx_v.at[j]], rows_v, sem).wait()
            pltpu.sync_copy(rows_v, out_ref.at[pl.ds(base + j * _CHUNK, _CHUNK)])

    return pl.kernel(
        body,
        out_type=jax.ShapeDtypeStruct((_NW * per, F), jnp.float32),
        mesh=_sc_mesh(),
        scratch_types=[
            pltpu.VMEM((nch, _CHUNK), jnp.int32),
            pltpu.VMEM((_CHUNK, F), jnp.float32),
            pltpu.SemaphoreType.DMA,
        ],
        name="sc_gather",
    )(table, idx3)


def _sc_scatter(msg, idx3, npad):
    _, W = msg.shape
    _, nch, _ = idx3.shape
    per = nch * _CHUNK
    rpt = npad // _NS

    def body(msg_ref, idx_ref, zeros_ref, out_ref, idx_v, dbuf, acc, sem):
        c = lax.axis_index("c")
        s = lax.axis_index("s")
        wid = c * _NS + s
        r0 = s * rpt
        pltpu.sync_copy(zeros_ref.at[pl.ds(r0, rpt)], acc.at[pl.ds(r0, rpt)])
        pltpu.sync_copy(idx_ref.at[wid], idx_v)
        plsc.subcore_barrier()
        base = wid * per
        for j in range(nch):
            pltpu.sync_copy(msg_ref.at[pl.ds(base + j * _CHUNK, _CHUNK)], dbuf)
            pltpu.sync_copy(dbuf, acc.at[idx_v.at[j]], add=True)
        plsc.subcore_barrier()
        pltpu.sync_copy(acc.at[pl.ds(r0, rpt)], out_ref.at[c, pl.ds(r0, rpt)])

    zeros = jnp.zeros((npad, W), jnp.float32)
    return pl.kernel(
        body,
        out_type=jax.ShapeDtypeStruct((_NC, npad, W), jnp.float32),
        mesh=_sc_mesh(),
        scratch_types=[
            pltpu.VMEM((nch, _CHUNK), jnp.int32),
            pltpu.VMEM((_CHUNK, W), jnp.float32),
            pltpu.VMEM_SHARED((npad, W), jnp.float32),
            pltpu.SemaphoreType.DMA,
        ],
        name="sc_scatter",
    )(msg, idx3, zeros)


def _full(shape):
    return pl.BlockSpec(shape, lambda i: (0,) * len(shape))


def _tc_edge(ea, xs, IN, ws, bs):
    EP, _ = ea.shape
    hid = ws[3].shape[0]
    H = ws[3].shape[1] // IN
    W = 128

    def body(ea_ref, xs_ref, w0r, b0r, w1r, b1r, w2r, b2r, w3r, b3r, Rr,
             out_ref):
        f32, bf = jnp.float32, jnp.bfloat16
        h = jnp.maximum(jnp.dot(ea_ref[...].astype(bf), w0r[...],
                                preferred_element_type=f32) + b0r[...], 0.0)
        h = jnp.maximum(jnp.dot(h.astype(bf), w1r[...],
                                preferred_element_type=f32) + b1r[...], 0.0)
        h = jnp.maximum(jnp.dot(h.astype(bf), w2r[...],
                                preferred_element_type=f32) + b2r[...], 0.0)
        P = jnp.dot(h.astype(bf), w3r[...], preferred_element_type=f32)
        xsb = xs_ref[...][:, :IN].astype(bf)
        xrep = jnp.dot(xsb, Rr[...], preferred_element_type=f32)
        s = xrep[:, 0:128] * P[:, 0:128]
        for j in range(1, (IN * H) // 128):
            s = s + xrep[:, 128 * j:128 * (j + 1)] * P[:, 128 * j:128 * (j + 1)]
        msg = s[:, :H] + s[:, H:] + jnp.dot(xsb, b3r[...],
                                            preferred_element_type=f32)
        out_ref[...] = jnp.concatenate(
            [msg, jnp.ones((_EB, W - H), f32)], axis=1)

    ii = jax.lax.broadcasted_iota(jnp.int32, (IN, IN * H), 0)
    jj = jax.lax.broadcasted_iota(jnp.int32, (IN, IN * H), 1)
    R = (jj // H == ii).astype(jnp.bfloat16)

    f16 = ea.shape[1]
    return pl.pallas_call(
        body,
        grid=(EP // _EB,),
        in_specs=[
            pl.BlockSpec((_EB, f16), lambda i: (i, 0)),
            pl.BlockSpec((_EB, 128), lambda i: (i, 0)),
            _full(ws[0].shape), _full((1, hid)),
            _full(ws[1].shape), _full((1, hid)),
            _full(ws[2].shape), _full((1, hid)),
            _full(ws[3].shape), _full((IN, H)),
            _full(R.shape),
        ],
        out_specs=pl.BlockSpec((_EB, W), lambda i: (i, 0)),
        out_shape=jax.ShapeDtypeStruct((EP, W), jnp.float32),
    )(ea, xs, ws[0].astype(jnp.bfloat16), bs[0].reshape(1, -1),
      ws[1].astype(jnp.bfloat16), bs[1].reshape(1, -1),
      ws[2].astype(jnp.bfloat16), bs[2].reshape(1, -1),
      ws[3].astype(jnp.bfloat16), bs[3].reshape(IN, H).astype(jnp.bfloat16),
      R)


def _tc_node1(p, x, IN, root, bias):
    npad = x.shape[0]
    H = root.shape[1]
    W = p.shape[2]

    def body(p0r, p1r, xr, rootr, br, h_ref, cnt_ref):
        s = p0r[0] + p1r[0]
        cntc = jnp.maximum(s[:, H:H + 1], 1.0)
        z = s[:, :H] / cntc
        z = z + jnp.dot(xr[...][:, :IN], rootr[...],
                        preferred_element_type=jnp.float32)
        z = z + br[...]
        h = jnp.where(z > 0, z, jnp.exp(z) - 1.0)
        h_ref[...] = jnp.concatenate(
            [h, jnp.zeros((_NB, 128 - H), jnp.float32)], axis=1)
        cnt_ref[...] = cntc

    return pl.pallas_call(
        body,
        grid=(npad // _NB,),
        in_specs=[
            pl.BlockSpec((1, _NB, W), lambda i: (0, i, 0)),
            pl.BlockSpec((1, _NB, W), lambda i: (1, i, 0)),
            pl.BlockSpec((_NB, 128), lambda i: (i, 0)),
            _full(root.shape), _full((1, H)),
        ],
        out_specs=[pl.BlockSpec((_NB, 128), lambda i: (i, 0)),
                   pl.BlockSpec((_NB, 1), lambda i: (i, 0))],
        out_shape=[jax.ShapeDtypeStruct((npad, 128), jnp.float32),
                   jax.ShapeDtypeStruct((npad, 1), jnp.float32)],
    )(p, p, x, root, bias.reshape(1, -1))


def _tc_node2(p, cntc, hprev, root, bias):
    npad = hprev.shape[0]
    H = root.shape[1]
    W = p.shape[2]

    def body(p0r, p1r, cr, hr, rootr, br, out_ref):
        s = p0r[0] + p1r[0]
        z = s[:, :H] / cr[...]
        z = z + jnp.dot(hr[...][:, :H], rootr[...],
                        preferred_element_type=jnp.float32)
        z = z + br[...]
        out_ref[...] = jnp.where(z > 0, z, jnp.exp(z) - 1.0)

    return pl.pallas_call(
        body,
        grid=(npad // _NB,),
        in_specs=[
            pl.BlockSpec((1, _NB, W), lambda i: (0, i, 0)),
            pl.BlockSpec((1, _NB, W), lambda i: (1, i, 0)),
            pl.BlockSpec((_NB, 1), lambda i: (i, 0)),
            pl.BlockSpec((_NB, 128), lambda i: (i, 0)),
            _full(root.shape), _full((1, H)),
        ],
        out_specs=pl.BlockSpec((_NB, H), lambda i: (i, 0)),
        out_shape=jax.ShapeDtypeStruct((npad, H), jnp.float32),
    )(p, p, cntc, hprev, root, bias.reshape(1, -1))


def _tc_head(h, fc1_w, fc1_b, fc2_w, fc2_b):
    npad, H = h.shape
    NCLS = fc2_w.shape[1]

    def body(hr, w1r, b1r, w2r, b2r, out_ref):
        f32 = jnp.float32
        z = jnp.dot(hr[...], w1r[...], preferred_element_type=f32) + b1r[...]
        t = jnp.where(z > 0, z, jnp.exp(z) - 1.0)
        logits = jnp.dot(t, w2r[...], preferred_element_type=f32) + b2r[...]
        m = jnp.max(logits, axis=1, keepdims=True)
        e = jnp.exp(logits - m)
        lse = jnp.log(jnp.sum(e, axis=1, keepdims=True)) + m
        out_ref[...] = logits - lse

    return pl.pallas_call(
        body,
        grid=(npad // _NB,),
        in_specs=[
            pl.BlockSpec((_NB, H), lambda i: (i, 0)),
            _full(fc1_w.shape), _full((1, H)),
            _full(fc2_w.shape), _full((1, NCLS)),
        ],
        out_specs=pl.BlockSpec((_NB, NCLS), lambda i: (i, 0)),
        out_shape=jax.ShapeDtypeStruct((npad, NCLS), jnp.float32),
    )(h, fc1_w, fc1_b.reshape(1, -1), fc2_w, fc2_b.reshape(1, -1))


def kernel(x, edge_index, edge_attr,
           mlp1_w0, mlp1_b0, mlp1_w1, mlp1_b1, mlp1_w2, mlp1_b2,
           mlp1_w3, mlp1_b3, root1, conv1_b,
           mlp2_w0, mlp2_b0, mlp2_w1, mlp2_b1, mlp2_w2, mlp2_b2,
           mlp2_w3, mlp2_b3, root2, conv2_b,
           fc1_w, fc1_b, fc2_w, fc2_b):
    N, _ = x.shape
    E = edge_index.shape[1]
    H = root1.shape[1]

    nch = -(-E // (_NW * _CHUNK))
    epad = _NW * nch * _CHUNK
    npad = -(-N // _NB) * _NB
    pad_e = epad - E

    IN1 = x.shape[1]

    src = edge_index[0]
    dst = edge_index[1]
    src3 = jnp.concatenate(
        [src, jnp.zeros((pad_e,), jnp.int32)]).reshape(_NW, nch, _CHUNK)
    dst3 = jnp.concatenate(
        [dst, jnp.full((pad_e,), N, jnp.int32)]).reshape(_NW, nch, _CHUNK)
    ea_p = jnp.pad(edge_attr, ((0, pad_e), (0, 0)))
    x_p = jnp.pad(x, ((0, npad - N), (0, 128 - IN1)))

    xsrc = _sc_gather(x_p, src3)
    msg1 = _tc_edge(ea_p, xsrc, IN1,
                    (mlp1_w0, mlp1_w1, mlp1_w2, mlp1_w3),
                    (mlp1_b0, mlp1_b1, mlp1_b2, mlp1_b3))
    part1 = _sc_scatter(msg1, dst3, npad)
    h, cntc = _tc_node1(part1, x_p, IN1, root1, conv1_b)

    hsrc = _sc_gather(h, src3)
    msg2 = _tc_edge(ea_p, hsrc, H,
                    (mlp2_w0, mlp2_w1, mlp2_w2, mlp2_w3),
                    (mlp2_b0, mlp2_b1, mlp2_b2, mlp2_b3))
    part2 = _sc_scatter(msg2, dst3, npad)
    h2 = _tc_node2(part2, cntc, h, root2, conv2_b)

    out = _tc_head(h2, fc1_w, fc1_b, fc2_w, fc2_b)
    return out[:N]

# --- scband reference (transcript-rebuilt; emitter-appended) ---
"""Pipeline reference for scband-sequoia-67370857005114 (READ-ONLY COPY).

The authoritative reference and input builder live on the scoring server;
editing this copy changes nothing except your own understanding.
"""

import jax, jax.numpy as jnp
import numpy as np

N = 10000
E = 50000
F_IN = 32
F_EDGE = 16
H = 64
NCLS = 16


def setup_inputs(seed: int = 0):
    key = jax.random.key(seed)
    ks = jax.random.split(key, 32)

    def p(k, shape, scale=0.05):
        return jax.random.normal(k, shape, dtype=jnp.float32) * scale

    inp = {}
    inp['x'] = jax.random.normal(ks[0], (N, F_IN), dtype=jnp.float32)
    inp['edge_index'] = jax.random.randint(ks[1], (2, E), 0, N, dtype=jnp.int32)
    inp['edge_attr'] = jax.random.normal(ks[2], (E, F_EDGE), dtype=jnp.float32)
    inp['mlp1_w0'] = p(ks[3], (F_EDGE, 64)); inp['mlp1_b0'] = jnp.zeros((64,), jnp.float32)
    inp['mlp1_w1'] = p(ks[4], (64, 64)); inp['mlp1_b1'] = jnp.zeros((64,), jnp.float32)
    inp['mlp1_w2'] = p(ks[5], (64, 64)); inp['mlp1_b2'] = jnp.zeros((64,), jnp.float32)
    inp['mlp1_w3'] = p(ks[6], (64, F_IN * H)); inp['mlp1_b3'] = jnp.zeros((F_IN * H,), jnp.float32)
    inp['root1'] = p(ks[7], (F_IN, H)); inp['conv1_b'] = jnp.zeros((H,), jnp.float32)
    inp['mlp2_w0'] = p(ks[8], (F_EDGE, 25)); inp['mlp2_b0'] = jnp.zeros((25,), jnp.float32)
    inp['mlp2_w1'] = p(ks[9], (25, 25)); inp['mlp2_b1'] = jnp.zeros((25,), jnp.float32)
    inp['mlp2_w2'] = p(ks[10], (25, 25)); inp['mlp2_b2'] = jnp.zeros((25,), jnp.float32)
    inp['mlp2_w3'] = p(ks[11], (25, H * H)); inp['mlp2_b3'] = jnp.zeros((H * H,), jnp.float32)
    inp['root2'] = p(ks[12], (H, H)); inp['conv2_b'] = jnp.zeros((H,), jnp.float32)
    inp['fc1_w'] = p(ks[13], (H, H)); inp['fc1_b'] = jnp.zeros((H,), jnp.float32)
    inp['fc2_w'] = p(ks[14], (H, NCLS)); inp['fc2_b'] = jnp.zeros((NCLS,), jnp.float32)
    return inp


def _mlp(e, ws, bs):
    h = e
    for i in range(len(ws)):
        h = h @ ws[i] + bs[i]
        if i < len(ws) - 1:
            h = jax.nn.relu(h)
    return h


def _nnconv(x, edge_index, edge_attr, ws, bs, root, bias, in_ch, out_ch):
    # NNConv (edge-conditioned conv), aggr='mean', with root weight and bias
    w = _mlp(edge_attr, ws, bs).reshape(-1, in_ch, out_ch)
    src = edge_index[0]
    dst = edge_index[1]
    msg = jnp.einsum('ei,eio->eo', x[src], w)
    s = jax.ops.segment_sum(msg, dst, num_segments=N)
    cnt = jax.ops.segment_sum(jnp.ones((msg.shape[0],), dtype=msg.dtype), dst, num_segments=N)
    mean = s / jnp.clip(cnt, 1.0)[:, None]
    return mean + x @ root + bias


def reference(x, edge_index, edge_attr, mlp1_w0, mlp1_b0, mlp1_w1, mlp1_b1, mlp1_w2, mlp1_b2, mlp1_w3, mlp1_b3, root1, conv1_b, mlp2_w0, mlp2_b0, mlp2_w1, mlp2_b1, mlp2_w2, mlp2_b2, mlp2_w3, mlp2_b3, root2, conv2_b, fc1_w, fc1_b, fc2_w, fc2_b):
    h = jax.nn.elu(_nnconv(x, edge_index, edge_attr,
                           (mlp1_w0, mlp1_w1, mlp1_w2, mlp1_w3),
                           (mlp1_b0, mlp1_b1, mlp1_b2, mlp1_b3),
                           root1, conv1_b, F_IN, H))
    h = jax.nn.elu(_nnconv(h, edge_index, edge_attr,
                           (mlp2_w0, mlp2_w1, mlp2_w2, mlp2_w3),
                           (mlp2_b0, mlp2_b1, mlp2_b2, mlp2_b3),
                           root2, conv2_b, H, H))
    h = jax.nn.elu(h @ fc1_w + fc1_b)
    # F.dropout with training=False is identity
    logits = h @ fc2_w + fc2_b
    return jax.nn.log_softmax(logits, axis=1)

if __name__ == "__main__":
    import jax
    _d = setup_inputs()
    print(jax.jit(kernel)(*tuple(_d.values())))

</pallas_src>

<mosaic_0001>
#map = affine_map<(d0, d1) -> (0, 0)>
#map1 = affine_map<(d0, d1) -> (0, 0, 0)>
module attributes {stable_mosaic.version = 14 : i64} {
  func.func @sc_scatter(%arg0: i32, %arg1: i32, %arg2: memref<53248x128xf32, #tpu.memory_space<hbm>>, %arg3: memref<32x13x128xi32, #tpu.memory_space<hbm>>, %arg4: memref<10240x128xf32, #tpu.memory_space<hbm>>, %arg5: memref<2x10240x128xf32, #tpu.memory_space<hbm>>, %arg6: memref<13x128xi32, #tpu.memory_space<vmem>>, %arg7: memref<128x128xf32, #tpu.memory_space<vmem>>, %arg8: memref<10240x128xf32, #tpu.memory_space<vmem_shared>>, %arg9: memref<!tpu.dma_semaphore, #tpu.memory_space<semaphore_mem>>) attributes {dimension_semantics = [#tpu.dimension_semantics<core_parallel>, #tpu.dimension_semantics<subcore_parallel>], iteration_bounds = array<i64: 2, 16>, scalar_prefetch = 0 : i64, scratch_operands = 4 : i64, tpu.core_type = #tpu.core_type<sc_vector_subcore>, window_params = [{transform_indices = #map}, {transform_indices = #map1}, {transform_indices = #map}, {transform_indices = #map1}]} {
    %mul3A = arith.constant 16 : i32
    %mul3A_0 = arith.muli %arg0, %mul3A : i32
    %add3A = arith.addi %mul3A_0, %arg1 : i32
    %mul3A_1 = arith.constant 640 : i32
    %mul3A_2 = arith.muli %arg1, %mul3A_1 : i32
    "tpu.region"() ({
      %run_scoped3A_44 = tpu.sem_alloc : memref<!tpu.dma_semaphore, #tpu.memory_space<semaphore_mem>>
      %dma_start3A = arith.constant 0 : i32
      %dma_start3A_45 = tpu.memref_slice %arg8[%mul3A_2, %dma_start3A] : memref<10240x128xf32, #tpu.memory_space<vmem_shared>> -> memref<640x128xf32, #tpu.memory_space<vmem_shared>>
      %dma_start3A_46 = arith.constant 0 : i32
      %dma_start3A_47 = tpu.memref_slice %arg4[%mul3A_2, %dma_start3A_46] : memref<10240x128xf32, #tpu.memory_space<hbm>> -> memref<640x128xf32, #tpu.memory_space<hbm>>
      tpu.enqueue_dma source(%dma_start3A_47 : memref<640x128xf32, #tpu.memory_space<hbm>>) target(%dma_start3A_45 : memref<640x128xf32, #tpu.memory_space<vmem_shared>>) target_semaphore(%run_scoped3A_44 : memref<!tpu.dma_semaphore, #tpu.memory_space<semaphore_mem>>)
      %dma_wait3A = arith.constant 0 : i32
      %dma_wait3A_48 = tpu.memref_slice %arg8[%mul3A_2, %dma_wait3A] : memref<10240x128xf32, #tpu.memory_space<vmem_shared>> -> memref<640x128xf32, #tpu.memory_space<vmem_shared>>
      %dma_wait3A_49 = arith.constant 0 : i32
      %dma_wait3A_50 = tpu.memref_slice %arg4[%mul3A_2, %dma_wait3A_49] : memref<10240x128xf32, #tpu.memory_space<hbm>> -> memref<640x128xf32, #tpu.memory_space<hbm>>
      tpu.wait_dma2 semaphore(%run_scoped3A_44 : memref<!tpu.dma_semaphore, #tpu.memory_space<semaphore_mem>>) src(%dma_wait3A_50 : memref<640x128xf32, #tpu.memory_space<hbm>>) dst(%dma_wait3A_48 : memref<640x128xf32, #tpu.memory_space<vmem_shared>>)
      tpu.yield
    }) : () -> ()
    "tpu.region"() ({
      %run_scoped3A_44 = tpu.sem_alloc : memref<!tpu.dma_semaphore, #tpu.memory_space<semaphore_mem>>
      %dma_start3A = arith.constant 0 : i32
      %dma_start3A_45 = arith.constant 0 : i32
      %dma_start3A_46 = tpu.memref_slice %arg3[%add3A, %dma_start3A, %dma_start3A_45] : memref<32x13x128xi32, #tpu.memory_space<hbm>> -> memref<1x13x128xi32, #tpu.memory_space<hbm>>
      %dma_start3A_47 = tpu.memref_squeeze %dma_start3A_46 : memref<1x13x128xi32, #tpu.memory_space<hbm>> -> memref<13x128xi32, #tpu.memory_space<hbm>>
      %dma_start3A_48 = arith.constant 0 : i32
      %dma_start3A_49 = arith.constant 0 : i32
      %dma_start3A_50 = tpu.memref_slice %arg3[%add3A, %dma_start3A_48, %dma_start3A_49] : memref<32x13x128xi32, #tpu.memory_space<hbm>> -> memref<1x13x128xi32, #tpu.memory_space<hbm>>
      %dma_start3A_51 = tpu.memref_squeeze %dma_start3A_50 : memref<1x13x128xi32, #tpu.memory_space<hbm>> -> memref<13x128xi32, #tpu.memory_space<hbm>>
      tpu.enqueue_dma source(%dma_start3A_51 : memref<13x128xi32, #tpu.memory_space<hbm>>) target(%arg6 : memref<13x128xi32, #tpu.memory_space<vmem>>) target_semaphore(%run_scoped3A_44 : memref<!tpu.dma_semaphore, #tpu.memory_space<semaphore_mem>>)
      %dma_wait3A = arith.constant 0 : i32
      %dma_wait3A_52 = arith.constant 0 : i32
      %dma_wait3A_53 = tpu.memref_slice %arg3[%add3A, %dma_wait3A, %dma_wait3A_52] : memref<32x13x128xi32, #tpu.memory_space<hbm>> -> memref<1x13x128xi32, #tpu.memory_space<hbm>>
      %dma_wait3A_54 = tpu.memref_squeeze %dma_wait3A_53 : memref<1x13x128xi32, #tpu.memory_space<hbm>> -> memref<13x128xi32, #tpu.memory_space<hbm>>
      %dma_wait3A_55 = arith.constant 0 : i32
      %dma_wait3A_56 = arith.constant 0 : i32
      %dma_wait3A_57 = tpu.memref_slice %arg3[%add3A, %dma_wait3A_55, %dma_wait3A_56] : memref<32x13x128xi32, #tpu.memory_space<hbm>> -> memref<1x13x128xi32, #tpu.memory_space<hbm>>
      %dma_wait3A_58 = tpu.memref_squeeze %dma_wait3A_57 : memref<1x13x128xi32, #tpu.memory_space<hbm>> -> memref<13x128xi32, #tpu.memory_space<hbm>>
      tpu.wait_dma2 semaphore(%run_scoped3A_44 : memref<!tpu.dma_semaphore, #tpu.memory_space<semaphore_mem>>) src(%dma_wait3A_58 : memref<13x128xi32, #tpu.memory_space<hbm>>) dst(%arg6 : memref<13x128xi32, #tpu.memory_space<vmem>>)
      tpu.yield
    }) : () -> ()
    %barrier3A = arith.constant 0 : index
    tpu.barrier barrier_id(%barrier3A)
    %mul3A_3 = arith.constant 1664 : i32
    %mul3A_4 = arith.muli %add3A, %mul3A_3 : i32
    %add3A_5 = arith.constant 0 : i32
    %add3A_6 = arith.addi %mul3A_4, %add3A_5 : i32
    "tpu.region"() ({
      %run_scoped3A_44 = tpu.sem_alloc : memref<!tpu.dma_semaphore, #tpu.memory_space<semaphore_mem>>
      %dma_start3A = arith.constant 0 : i32
      %dma_start3A_45 = tpu.memref_slice %arg2[%add3A_6, %dma_start3A] : memref<53248x128xf32, #tpu.memory_space<hbm>> -> memref<128x128xf32, #tpu.memory_space<hbm>>
      %dma_start3A_46 = arith.constant 0 : i32
      %dma_start3A_47 = tpu.memref_slice %arg2[%add3A_6, %dma_start3A_46] : memref<53248x128xf32, #tpu.memory_space<hbm>> -> memref<128x128xf32, #tpu.memory_space<hbm>>
      tpu.enqueue_dma source(%dma_start3A_47 : memref<128x128xf32, #tpu.memory_space<hbm>>) target(%arg7 : memref<128x128xf32, #tpu.memory_space<vmem>>) target_semaphore(%run_scoped3A_44 : memref<!tpu.dma_semaphore, #tpu.memory_space<semaphore_mem>>)
      %dma_wait3A = arith.constant 0 : i32
      %dma_wait3A_48 = tpu.memref_slice %arg2[%add3A_6, %dma_wait3A] : memref<53248x128xf32, #tpu.memory_space<hbm>> -> memref<128x128xf32, #tpu.memory_space<hbm>>
      %dma_wait3A_49 = arith.constant 0 : i32
      %dma_wait3A_50 = tpu.memref_slice %arg2[%add3A_6, %dma_wait3A_49] : memref<53248x128xf32, #tpu.memory_space<hbm>> -> memref<128x128xf32, #tpu.memory_space<hbm>>
      tpu.wait_dma2 semaphore(%run_scoped3A_44 : memref<!tpu.dma_semaphore, #tpu.memory_space<semaphore_mem>>) src(%dma_wait3A_50 : memref<128x128xf32, #tpu.memory_space<hbm>>) dst(%arg7 : memref<128x128xf32, #tpu.memory_space<vmem>>)
      tpu.yield
    }) : () -> ()
    %run_scoped3A = arith.constant 0 : i32
    "tpu.region"() ({
      %run_scoped3A_44 = tpu.sem_alloc : memref<!tpu.dma_semaphore, #tpu.memory_space<semaphore_mem>>
      %dma_start3A = arith.constant 0 : i32
      %dma_start3A_45 = tpu.memref_slice %arg6[%run_scoped3A, %dma_start3A] : memref<13x128xi32, #tpu.memory_space<vmem>> -> memref<1x128xi32, #tpu.memory_space<vmem>>
      %dma_start3A_46 = tpu.memref_squeeze %dma_start3A_45 : memref<1x128xi32, #tpu.memory_space<vmem>> -> memref<128xi32, #tpu.memory_space<vmem>>
      %dma_start3A_47 = arith.constant 0 : i32
      %dma_start3A_48 = arith.constant 0 : i32
      %dma_start3A_49 = tpu.memref_slice %arg8[%dma_start3A_47, %dma_start3A_48] : memref<10240x128xf32, #tpu.memory_space<vmem_shared>> -> memref<10240x128xf32, #tpu.memory_space<vmem_shared>>
      tpu.enqueue_indirect_dma source(%arg7 : memref<128x128xf32, #tpu.memory_space<vmem>>) target(%dma_start3A_49 : memref<10240x128xf32, #tpu.memory_space<vmem_shared>>) offsets(%dma_start3A_46 : memref<128xi32, #tpu.memory_space<vmem>>) semaphore(%run_scoped3A_44 : memref<!tpu.dma_semaphore, #tpu.memory_space<semaphore_mem>>) {add = true}
      %dma_wait3A = arith.constant 0 : i32
      %dma_wait3A_50 = tpu.memref_slice %arg6[%run_scoped3A, %dma_wait3A] : memref<13x128xi32, #tpu.memory_space<vmem>> -> memref<1x128xi32, #tpu.memory_space<vmem>>
      %dma_wait3A_51 = tpu.memref_squeeze %dma_wait3A_50 : memref<1x128xi32, #tpu.memory_space<vmem>> -> memref<128xi32, #tpu.memory_space<vmem>>
      %dma_wait3A_52 = arith.constant 0 : i32
      %dma_wait3A_53 = arith.constant 0 : i32
      %dma_wait3A_54 = tpu.memref_slice %arg8[%dma_wait3A_52, %dma_wait3A_53] : memref<10240x128xf32, #tpu.memory_space<vmem_shared>> -> memref<10240x128xf32, #tpu.memory_space<vmem_shared>>
      tpu.wait_indirect_dma semaphore(%run_scoped3A_44 : memref<!tpu.dma_semaphore, #tpu.memory_space<semaphore_mem>>) src(%arg7 : memref<128x128xf32, #tpu.memory_space<vmem>>) dst(%dma_wait3A_54 : memref<10240x128xf32, #tpu.memory_space<vmem_shared>>)
      tpu.yield
    }) : () -> ()
    %add3A_7 = arith.constant 128 : i32
    %add3A_8 = arith.addi %mul3A_4, %add3A_7 : i32
    "tpu.region"() ({
      %run_scoped3A_44 = tpu.sem_alloc : memref<!tpu.dma_semaphore, #tpu.memory_space<semaphore_mem>>
      %dma_start3A = arith.constant 0 : i32
      %dma_start3A_45 = tpu.memref_slice %arg2[%add3A_8, %dma_start3A] : memref<53248x128xf32, #tpu.memory_space<hbm>> -> memref<128x128xf32, #tpu.memory_space<hbm>>
      %dma_start3A_46 = arith.constant 0 : i32
      %dma_start3A_47 = tpu.memref_slice %arg2[%add3A_8, %dma_start3A_46] : memref<53248x128xf32, #tpu.memory_space<hbm>> -> memref<128x128xf32, #tpu.memory_space<hbm>>
      tpu.enqueue_dma source(%dma_start3A_47 : memref<128x128xf32, #tpu.memory_space<hbm>>) target(%arg7 : memref<128x128xf32, #tpu.memory_space<vmem>>) target_semaphore(%run_scoped3A_44 : memref<!tpu.dma_semaphore, #tpu.memory_space<semaphore_mem>>)
      %dma_wait3A = arith.constant 0 : i32
      %dma_wait3A_48 = tpu.memref_slice %arg2[%add3A_8, %dma_wait3A] : memref<53248x128xf32, #tpu.memory_space<hbm>> -> memref<128x128xf32, #tpu.memory_space<hbm>>
      %dma_wait3A_49 = arith.constant 0 : i32
      %dma_wait3A_50 = tpu.memref_slice %arg2[%add3A_8, %dma_wait3A_49] : memref<53248x128xf32, #tpu.memory_space<hbm>> -> memref<128x128xf32, #tpu.memory_space<hbm>>
      tpu.wait_dma2 semaphore(%run_scoped3A_44 : memref<!tpu.dma_semaphore, #tpu.memory_space<semaphore_mem>>) src(%dma_wait3A_50 : memref<128x128xf32, #tpu.memory_space<hbm>>) dst(%arg7 : memref<128x128xf32, #tpu.memory_space<vmem>>)
      tpu.yield
    }) : () -> ()
    %run_scoped3A_9 = arith.constant 1 : i32
    "tpu.region"() ({
      %run_scoped3A_44 = tpu.sem_alloc : memref<!tpu.dma_semaphore, #tpu.memory_space<semaphore_mem>>
      %dma_start3A = arith.constant 0 : i32
      %dma_start3A_45 = tpu.memref_slice %arg6[%run_scoped3A_9, %dma_start3A] : memref<13x128xi32, #tpu.memory_space<vmem>> -> memref<1x128xi32, #tpu.memory_space<vmem>>
      %dma_start3A_46 = tpu.memref_squeeze %dma_start3A_45 : memref<1x128xi32, #tpu.memory_space<vmem>> -> memref<128xi32, #tpu.memory_space<vmem>>
      %dma_start3A_47 = arith.constant 0 : i32
      %dma_start3A_48 = arith.constant 0 : i32
      %dma_start3A_49 = tpu.memref_slice %arg8[%dma_start3A_47, %dma_start3A_48] : memref<10240x128xf32, #tpu.memory_space<vmem_shared>> -> memref<10240x128xf32, #tpu.memory_space<vmem_shared>>
      tpu.enqueue_indirect_dma source(%arg7 : memref<128x128xf32, #tpu.memory_space<vmem>>) target(%dma_start3A_49 : memref<10240x128xf32, #tpu.memory_space<vmem_shared>>) offsets(%dma_start3A_46 : memref<128xi32, #tpu.memory_space<vmem>>) semaphore(%run_scoped3A_44 : memref<!tpu.dma_semaphore, #tpu.memory_space<semaphore_mem>>) {add = true}
      %dma_wait3A = arith.constant 0 : i32
      %dma_wait3A_50 = tpu.memref_slice %arg6[%run_scoped3A_9, %dma_wait3A] : memref<13x128xi32, #tpu.memory_space<vmem>> -> memref<1x128xi32, #tpu.memory_space<vmem>>
      %dma_wait3A_51 = tpu.memref_squeeze %dma_wait3A_50 : memref<1x128xi32, #tpu.memory_space<vmem>> -> memref<128xi32, #tpu.memory_space<vmem>>
      %dma_wait3A_52 = arith.constant 0 : i32
      %dma_wait3A_53 = arith.constant 0 : i32
      %dma_wait3A_54 = tpu.memref_slice %arg8[%dma_wait3A_52, %dma_wait3A_53] : memref<10240x128xf32, #tpu.memory_space<vmem_shared>> -> memref<10240x128xf32, #tpu.memory_space<vmem_shared>>
      tpu.wait_indirect_dma semaphore(%run_scoped3A_44 : memref<!tpu.dma_semaphore, #tpu.memory_space<semaphore_mem>>) src(%arg7 : memref<128x128xf32, #tpu.memory_space<vmem>>) dst(%dma_wait3A_54 : memref<10240x128xf32, #tpu.memory_space<vmem_shared>>)
      tpu.yield
    }) : () -> ()
    %add3A_10 = arith.constant 256 : i32
    %add3A_11 = arith.addi %mul3A_4, %add3A_10 : i32
    "tpu.region"() ({
      %run_scoped3A_44 = tpu.sem_alloc : memref<!tpu.dma_semaphore, #tpu.memory_space<semaphore_mem>>
      %dma_start3A = arith.constant 0 : i32
      %dma_start3A_45 = tpu.memref_slice %arg2[%add3A_11, %dma_start3A] : memref<53248x128xf32, #tpu.memory_space<hbm>> -> memref<128x128xf32, #tpu.memory_space<hbm>>
      %dma_start3A_46 = arith.constant 0 : i32
      %dma_start3A_47 = tpu.memref_slice %arg2[%add3A_11, %dma_start3A_46] : memref<53248x128xf32, #tpu.memory_space<hbm>> -> memref<128x128xf32, #tpu.memory_space<hbm>>
      tpu.enqueue_dma source(%dma_start3A_47 : memref<128x128xf32, #tpu.memory_space<hbm>>) target(%arg7 : memref<128x128xf32, #tpu.memory_space<vmem>>) target_semaphore(%run_scoped3A_44 : memref<!tpu.dma_semaphore, #tpu.memory_space<semaphore_mem>>)
      %dma_wait3A = arith.constant 0 : i32
      %dma_wait3A_48 = tpu.memref_slice %arg2[%add3A_11, %dma_wait3A] : memref<53248x128xf32, #tpu.memory_space<hbm>> -> memref<128x128xf32, #tpu.memory_space<hbm>>
      %dma_wait3A_49 = arith.constant 0 : i32
      %dma_wait3A_50 = tpu.memref_slice %arg2[%add3A_11, %dma_wait3A_49] : memref<53248x128xf32, #tpu.memory_space<hbm>> -> memref<128x128xf32, #tpu.memory_space<hbm>>
      tpu.wait_dma2 semaphore(%run_scoped3A_44 : memref<!tpu.dma_semaphore, #tpu.memory_space<semaphore_mem>>) src(%dma_wait3A_50 : memref<128x128xf32, #tpu.memory_space<hbm>>) dst(%arg7 : memref<128x128xf32, #tpu.memory_space<vmem>>)
      tpu.yield
    }) : () -> ()
    %run_scoped3A_12 = arith.constant 2 : i32
    "tpu.region"() ({
      %run_scoped3A_44 = tpu.sem_alloc : memref<!tpu.dma_semaphore, #tpu.memory_space<semaphore_mem>>
      %dma_start3A = arith.constant 0 : i32
      %dma_start3A_45 = tpu.memref_slice %arg6[%run_scoped3A_12, %dma_start3A] : memref<13x128xi32, #tpu.memory_space<vmem>> -> memref<1x128xi32, #tpu.memory_space<vmem>>
      %dma_start3A_46 = tpu.memref_squeeze %dma_start3A_45 : memref<1x128xi32, #tpu.memory_space<vmem>> -> memref<128xi32, #tpu.memory_space<vmem>>
      %dma_start3A_47 = arith.constant 0 : i32
      %dma_start3A_48 = arith.constant 0 : i32
      %dma_start3A_49 = tpu.memref_slice %arg8[%dma_start3A_47, %dma_start3A_48] : memref<10240x128xf32, #tpu.memory_space<vmem_shared>> -> memref<10240x128xf32, #tpu.memory_space<vmem_shared>>
      tpu.enqueue_indirect_dma source(%arg7 : memref<128x128xf32, #tpu.memory_space<vmem>>) target(%dma_start3A_49 : memref<10240x128xf32, #tpu.memory_space<vmem_shared>>) offsets(%dma_start3A_46 : memref<128xi32, #tpu.memory_space<vmem>>) semaphore(%run_scoped3A_44 : memref<!tpu.dma_semaphore, #tpu.memory_space<semaphore_mem>>) {add = true}
      %dma_wait3A = arith.constant 0 : i32
      %dma_wait3A_50 = tpu.memref_slice %arg6[%run_scoped3A_12, %dma_wait3A] : memref<13x128xi32, #tpu.memory_space<vmem>> -> memref<1x128xi32, #tpu.memory_space<vmem>>
      %dma_wait3A_51 = tpu.memref_squeeze %dma_wait3A_50 : memref<1x128xi32, #tpu.memory_space<vmem>> -> memref<128xi32, #tpu.memory_space<vmem>>
      %dma_wait3A_52 = arith.constant 0 : i32
      %dma_wait3A_53 = arith.constant 0 : i32
      %dma_wait3A_54 = tpu.memref_slice %arg8[%dma_wait3A_52, %dma_wait3A_53] : memref<10240x128xf32, #tpu.memory_space<vmem_shared>> -> memref<10240x128xf32, #tpu.memory_space<vmem_shared>>
      tpu.wait_indirect_dma semaphore(%run_scoped3A_44 : memref<!tpu.dma_semaphore, #tpu.memory_space<semaphore_mem>>) src(%arg7 : memref<128x128xf32, #tpu.memory_space<vmem>>) dst(%dma_wait3A_54 : memref<10240x128xf32, #tpu.memory_space<vmem_shared>>)
      tpu.yield
    }) : () -> ()
    %add3A_13 = arith.constant 384 : i32
    %add3A_14 = arith.addi %mul3A_4, %add3A_13 : i32
    "tpu.region"() ({
      %run_scoped3A_44 = tpu.sem_alloc : memref<!tpu.dma_semaphore, #tpu.memory_space<semaphore_mem>>
      %dma_start3A = arith.constant 0 : i32
      %dma_start3A_45 = tpu.memref_slice %arg2[%add3A_14, %dma_start3A] : memref<53248x128xf32, #tpu.memory_space<hbm>> -> memref<128x128xf32, #tpu.memory_space<hbm>>
      %dma_start3A_46 = arith.constant 0 : i32
      %dma_start3A_47 = tpu.memref_slice %arg2[%add3A_14, %dma_start3A_46] : memref<53248x128xf32, #tpu.memory_space<hbm>> -> memref<128x128xf32, #tpu.memory_space<hbm>>
      tpu.enqueue_dma source(%dma_start3A_47 : memref<128x128xf32, #tpu.memory_space<hbm>>) target(%arg7 : memref<128x128xf32, #tpu.memory_space<vmem>>) target_semaphore(%run_scoped3A_44 : memref<!tpu.dma_semaphore, #tpu.memory_space<semaphore_mem>>)
      %dma_wait3A = arith.constant 0 : i32
      %dma_wait3A_48 = tpu.memref_slice %arg2[%add3A_14, %dma_wait3A] : memref<53248x128xf32, #tpu.memory_space<hbm>> -> memref<128x128xf32, #tpu.memory_space<hbm>>
      %dma_wait3A_49 = arith.constant 0 : i32
      %dma_wait3A_50 = tpu.memref_slice %arg2[%add3A_14, %dma_wait3A_49] : memref<53248x128xf32, #tpu.memory_space<hbm>> -> memref<128x128xf32, #tpu.memory_space<hbm>>
      tpu.wait_dma2 semaphore(%run_scoped3A_44 : memref<!tpu.dma_semaphore, #tpu.memory_space<semaphore_mem>>) src(%dma_wait3A_50 : memref<128x128xf32, #tpu.memory_space<hbm>>) dst(%arg7 : memref<128x128xf32, #tpu.memory_space<vmem>>)
      tpu.yield
    }) : () -> ()
    %run_scoped3A_15 = arith.constant 3 : i32
    "tpu.region"() ({
      %run_scoped3A_44 = tpu.sem_alloc : memref<!tpu.dma_semaphore, #tpu.memory_space<semaphore_mem>>
      %dma_start3A = arith.constant 0 : i32
      %dma_start3A_45 = tpu.memref_slice %arg6[%run_scoped3A_15, %dma_start3A] : memref<13x128xi32, #tpu.memory_space<vmem>> -> memref<1x128xi32, #tpu.memory_space<vmem>>
      %dma_start3A_46 = tpu.memref_squeeze %dma_start3A_45 : memref<1x128xi32, #tpu.memory_space<vmem>> -> memref<128xi32, #tpu.memory_space<vmem>>
      %dma_start3A_47 = arith.constant 0 : i32
      %dma_start3A_48 = arith.constant 0 : i32
      %dma_start3A_49 = tpu.memref_slice %arg8[%dma_start3A_47, %dma_start3A_48] : memref<10240x128xf32, #tpu.memory_space<vmem_shared>> -> memref<10240x128xf32, #tpu.memory_space<vmem_shared>>
      tpu.enqueue_indirect_dma source(%arg7 : memref<128x128xf32, #tpu.memory_space<vmem>>) target(%dma_start3A_49 : memref<10240x128xf32, #tpu.memory_space<vmem_shared>>) offsets(%dma_start3A_46 : memref<128xi32, #tpu.memory_space<vmem>>) semaphore(%run_scoped3A_44 : memref<!tpu.dma_semaphore, #tpu.memory_space<semaphore_mem>>) {add = true}
      %dma_wait3A = arith.constant 0 : i32
      %dma_wait3A_50 = tpu.memref_slice %arg6[%run_scoped3A_15, %dma_wait3A] : memref<13x128xi32, #tpu.memory_space<vmem>> -> memref<1x128xi32, #tpu.memory_space<vmem>>
      %dma_wait3A_51 = tpu.memref_squeeze %dma_wait3A_50 : memref<1x128xi32, #tpu.memory_space<vmem>> -> memref<128xi32, #tpu.memory_space<vmem>>
      %dma_wait3A_52 = arith.constant 0 : i32
      %dma_wait3A_53 = arith.constant 0 : i32
      %dma_wait3A_54 = tpu.memref_slice %arg8[%dma_wait3A_52, %dma_wait3A_53] : memref<10240x128xf32, #tpu.memory_space<vmem_shared>> -> memref<10240x128xf32, #tpu.memory_space<vmem_shared>>
      tpu.wait_indirect_dma semaphore(%run_scoped3A_44 : memref<!tpu.dma_semaphore, #tpu.memory_space<semaphore_mem>>) src(%arg7 : memref<128x128xf32, #tpu.memory_space<vmem>>) dst(%dma_wait3A_54 : memref<10240x128xf32, #tpu.memory_space<vmem_shared>>)
      tpu.yield
    }) : () -> ()
    %add3A_16 = arith.constant 512 : i32
    %add3A_17 = arith.addi %mul3A_4, %add3A_16 : i32
    "tpu.region"() ({
      %run_scoped3A_44 = tpu.sem_alloc : memref<!tpu.dma_semaphore, #tpu.memory_space<semaphore_mem>>
      %dma_start3A = arith.constant 0 : i32
      %dma_start3A_45 = tpu.memref_slice %arg2[%add3A_17, %dma_start3A] : memref<53248x128xf32, #tpu.memory_space<hbm>> -> memref<128x128xf32, #tpu.memory_space<hbm>>
      %dma_start3A_46 = arith.constant 0 : i32
      %dma_start3A_47 = tpu.memref_slice %arg2[%add3A_17, %dma_start3A_46] : memref<53248x128xf32, #tpu.memory_space<hbm>> -> memref<128x128xf32, #tpu.memory_space<hbm>>
      tpu.enqueue_dma source(%dma_start3A_47 : memref<128x128xf32, #tpu.memory_space<hbm>>) target(%arg7 : memref<128x128xf32, #tpu.memory_space<vmem>>) target_semaphore(%run_scoped3A_44 : memref<!tpu.dma_semaphore, #tpu.memory_space<semaphore_mem>>)
      %dma_wait3A = arith.constant 0 : i32
      %dma_wait3A_48 = tpu.memref_slice %arg2[%add3A_17, %dma_wait3A] : memref<53248x128xf32, #tpu.memory_space<hbm>> -> memref<128x128xf32, #tpu.memory_space<hbm>>
      %dma_wait3A_49 = arith.constant 0 : i32
      %dma_wait3A_50 = tpu.memref_slice %arg2[%add3A_17, %dma_wait3A_49] : memref<53248x128xf32, #tpu.memory_space<hbm>> -> memref<128x128xf32, #tpu.memory_space<hbm>>
      tpu.wait_dma2 semaphore(%run_scoped3A_44 : memref<!tpu.dma_semaphore, #tpu.memory_space<semaphore_mem>>) src(%dma_wait3A_50 : memref<128x128xf32, #tpu.memory_space<hbm>>) dst(%arg7 : memref<128x128xf32, #tpu.memory_space<vmem>>)
      tpu.yield
    }) : () -> ()
    %run_scoped3A_18 = arith.constant 4 : i32
    "tpu.region"() ({
      %run_scoped3A_44 = tpu.sem_alloc : memref<!tpu.dma_semaphore, #tpu.memory_space<semaphore_mem>>
      %dma_start3A = arith.constant 0 : i32
      %dma_start3A_45 = tpu.memref_slice %arg6[%run_scoped3A_18, %dma_start3A] : memref<13x128xi32, #tpu.memory_space<vmem>> -> memref<1x128xi32, #tpu.memory_space<vmem>>
      %dma_start3A_46 = tpu.memref_squeeze %dma_start3A_45 : memref<1x128xi32, #tpu.memory_space<vmem>> -> memref<128xi32, #tpu.memory_space<vmem>>
      %dma_start3A_47 = arith.constant 0 : i32
      %dma_start3A_48 = arith.constant 0 : i32
      %dma_start3A_49 = tpu.memref_slice %arg8[%dma_start3A_47, %dma_start3A_48] : memref<10240x128xf32, #tpu.memory_space<vmem_shared>> -> memref<10240x128xf32, #tpu.memory_space<vmem_shared>>
      tpu.enqueue_indirect_dma source(%arg7 : memref<128x128xf32, #tpu.memory_space<vmem>>) target(%dma_start3A_49 : memref<10240x128xf32, #tpu.memory_space<vmem_shared>>) offsets(%dma_start3A_46 : memref<128xi32, #tpu.memory_space<vmem>>) semaphore(%run_scoped3A_44 : memref<!tpu.dma_semaphore, #tpu.memory_space<semaphore_mem>>) {add = true}
      %dma_wait3A = arith.constant 0 : i32
      %dma_wait3A_50 = tpu.memref_slice %arg6[%run_scoped3A_18, %dma_wait3A] : memref<13x128xi32, #tpu.memory_space<vmem>> -> memref<1x128xi32, #tpu.memory_space<vmem>>
      %dma_wait3A_51 = tpu.memref_squeeze %dma_wait3A_50 : memref<1x128xi32, #tpu.memory_space<vmem>> -> memref<128xi32, #tpu.memory_space<vmem>>
      %dma_wait3A_52 = arith.constant 0 : i32
      %dma_wait3A_53 = arith.constant 0 : i32
      %dma_wait3A_54 = tpu.memref_slice %arg8[%dma_wait3A_52, %dma_wait3A_53] : memref<10240x128xf32, #tpu.memory_space<vmem_shared>> -> memref<10240x128xf32, #tpu.memory_space<vmem_shared>>
      tpu.wait_indirect_dma semaphore(%run_scoped3A_44 : memref<!tpu.dma_semaphore, #tpu.memory_space<semaphore_mem>>) src(%arg7 : memref<128x128xf32, #tpu.memory_space<vmem>>) dst(%dma_wait3A_54 : memref<10240x128xf32, #tpu.memory_space<vmem_shared>>)
      tpu.yield
    }) : () -> ()
    %add3A_19 = arith.constant 640 : i32
    %add3A_20 = arith.addi %mul3A_4, %add3A_19 : i32
    "tpu.region"() ({
      %run_scoped3A_44 = tpu.sem_alloc : memref<!tpu.dma_semaphore, #tpu.memory_space<semaphore_mem>>
      %dma_start3A = arith.constant 0 : i32
      %dma_start3A_45 = tpu.memref_slice %arg2[%add3A_20, %dma_start3A] : memref<53248x128xf32, #tpu.memory_space<hbm>> -> memref<128x128xf32, #tpu.memory_space<hbm>>
      %dma_start3A_46 = arith.constant 0 : i32
      %dma_start3A_47 = tpu.memref_slice %arg2[%add3A_20, %dma_start3A_46] : memref<53248x128xf32, #tpu.memory_space<hbm>> -> memref<128x128xf32, #tpu.memory_space<hbm>>
      tpu.enqueue_dma source(%dma_start3A_47 : memref<128x128xf32, #tpu.memory_space<hbm>>) target(%arg7 : memref<128x128xf32, #tpu.memory_space<vmem>>) target_semaphore(%run_scoped3A_44 : memref<!tpu.dma_semaphore, #tpu.memory_space<semaphore_mem>>)
      %dma_wait3A = arith.constant 0 : i32
      %dma_wait3A_48 = tpu.memref_slice %arg2[%add3A_20, %dma_wait3A] : memref<53248x128xf32, #tpu.memory_space<hbm>> -> memref<128x128xf32, #tpu.memory_space<hbm>>
      %dma_wait3A_49 = arith.constant 0 : i32
      %dma_wait3A_50 = tpu.memref_slice %arg2[%add3A_20, %dma_wait3A_49] : memref<53248x128xf32, #tpu.memory_space<hbm>> -> memref<128x128xf32, #tpu.memory_space<hbm>>
      tpu.wait_dma2 semaphore(%run_scoped3A_44 : memref<!tpu.dma_semaphore, #tpu.memory_space<semaphore_mem>>) src(%dma_wait3A_50 : memref<128x128xf32, #tpu.memory_space<hbm>>) dst(%arg7 : memref<128x128xf32, #tpu.memory_space<vmem>>)
      tpu.yield
    }) : () -> ()
    %run_scoped3A_21 = arith.constant 5 : i32
    "tpu.region"() ({
      %run_scoped3A_44 = tpu.sem_alloc : memref<!tpu.dma_semaphore, #tpu.memory_space<semaphore_mem>>
      %dma_start3A = arith.constant 0 : i32
      %dma_start3A_45 = tpu.memref_slice %arg6[%run_scoped3A_21, %dma_start3A] : memref<13x128xi32, #tpu.memory_space<vmem>> -> memref<1x128xi32, #tpu.memory_space<vmem>>
      %dma_start3A_46 = tpu.memref_squeeze %dma_start3A_45 : memref<1x128xi32, #tpu.memory_space<vmem>> -> memref<128xi32, #tpu.memory_space<vmem>>
      %dma_start3A_47 = arith.constant 0 : i32
      %dma_start3A_48 = arith.constant 0 : i32
      %dma_start3A_49 = tpu.memref_slice %arg8[%dma_start3A_47, %dma_start3A_48] : memref<10240x128xf32, #tpu.memory_space<vmem_shared>> -> memref<10240x128xf32, #tpu.memory_space<vmem_shared>>
      tpu.enqueue_indirect_dma source(%arg7 : memref<128x128xf32, #tpu.memory_space<vmem>>) target(%dma_start3A_49 : memref<10240x128xf32, #tpu.memory_space<vmem_shared>>) offsets(%dma_start3A_46 : memref<128xi32, #tpu.memory_space<vmem>>) semaphore(%run_scoped3A_44 : memref<!tpu.dma_semaphore, #tpu.memory_space<semaphore_mem>>) {add = true}
      %dma_wait3A = arith.constant 0 : i32
      %dma_wait3A_50 = tpu.memref_slice %arg6[%run_scoped3A_21, %dma_wait3A] : memref<13x128xi32, #tpu.memory_space<vmem>> -> memref<1x128xi32, #tpu.memory_space<vmem>>
      %dma_wait3A_51 = tpu.memref_squeeze %dma_wait3A_50 : memref<1x128xi32, #tpu.memory_space<vmem>> -> memref<128xi32, #tpu.memory_space<vmem>>
      %dma_wait3A_52 = arith.constant 0 : i32
      %dma_wait3A_53 = arith.constant 0 : i32
      %dma_wait3A_54 = tpu.memref_slice %arg8[%dma_wait3A_52, %dma_wait3A_53] : memref<10240x128xf32, #tpu.memory_space<vmem_shared>> -> memref<10240x128xf32, #tpu.memory_space<vmem_shared>>
      tpu.wait_indirect_dma semaphore(%run_scoped3A_44 : memref<!tpu.dma_semaphore, #tpu.memory_space<semaphore_mem>>) src(%arg7 : memref<128x128xf32, #tpu.memory_space<vmem>>) dst(%dma_wait3A_54 : memref<10240x128xf32, #tpu.memory_space<vmem_shared>>)
      tpu.yield
    }) : () -> ()
    %add3A_22 = arith.constant 768 : i32
    %add3A_23 = arith.addi %mul3A_4, %add3A_22 : i32
    "tpu.region"() ({
      %run_scoped3A_44 = tpu.sem_alloc : memref<!tpu.dma_semaphore, #tpu.memory_space<semaphore_mem>>
      %dma_start3A = arith.constant 0 : i32
      %dma_start3A_45 = tpu.memref_slice %arg2[%add3A_23, %dma_start3A] : memref<53248x128xf32, #tpu.memory_space<hbm>> -> memref<128x128xf32, #tpu.memory_space<hbm>>
      %dma_start3A_46 = arith.constant 0 : i32
      %dma_start3A_47 = tpu.memref_slice %arg2[%add3A_23, %dma_start3A_46] : memref<53248x128xf32, #tpu.memory_space<hbm>> -> memref<128x128xf32, #tpu.memory_space<hbm>>
      tpu.enqueue_dma source(%dma_start3A_47 : memref<128x128xf32, #tpu.memory_space<hbm>>) target(%arg7 : memref<128x128xf32, #tpu.memory_space<vmem>>) target_semaphore(%run_scoped3A_44 : memref<!tpu.dma_semaphore, #tpu.memory_space<semaphore_mem>>)
      %dma_wait3A = arith.constant 0 : i32
      %dma_wait3A_48 = tpu.memref_slice %arg2[%add3A_23, %dma_wait3A] : memref<53248x128xf32, #tpu.memory_space<hbm>> -> memref<128x128xf32, #tpu.memory_space<hbm>>
      %dma_wait3A_49 = arith.constant 0 : i32
      %dma_wait3A_50 = tpu.memref_slice %arg2[%add3A_23, %dma_wait3A_49] : memref<53248x128xf32, #tpu.memory_space<hbm>> -> memref<128x128xf32, #tpu.memory_space<hbm>>
      tpu.wait_dma2 semaphore(%run_scoped3A_44 : memref<!tpu.dma_semaphore, #tpu.memory_space<semaphore_mem>>) src(%dma_wait3A_50 : memref<128x128xf32, #tpu.memory_space<hbm>>) dst(%arg7 : memref<128x128xf32, #tpu.memory_space<vmem>>)
      tpu.yield
    }) : () -> ()
    %run_scoped3A_24 = arith.constant 6 : i32
    "tpu.region"() ({
      %run_scoped3A_44 = tpu.sem_alloc : memref<!tpu.dma_semaphore, #tpu.memory_space<semaphore_mem>>
      %dma_start3A = arith.constant 0 : i32
      %dma_start3A_45 = tpu.memref_slice %arg6[%run_scoped3A_24, %dma_start3A] : memref<13x128xi32, #tpu.memory_space<vmem>> -> memref<1x128xi32, #tpu.memory_space<vmem>>
      %dma_start3A_46 = tpu.memref_squeeze %dma_start3A_45 : memref<1x128xi32, #tpu.memory_space<vmem>> -> memref<128xi32, #tpu.memory_space<vmem>>
      %dma_start3A_47 = arith.constant 0 : i32
      %dma_start3A_48 = arith.constant 0 : i32
      %dma_start3A_49 = tpu.memref_slice %arg8[%dma_start3A_47, %dma_start3A_48] : memref<10240x128xf32, #tpu.memory_space<vmem_shared>> -> memref<10240x128xf32, #tpu.memory_space<vmem_shared>>
      tpu.enqueue_indirect_dma source(%arg7 : memref<128x128xf32, #tpu.memory_space<vmem>>) target(%dma_start3A_49 : memref<10240x128xf32, #tpu.memory_space<vmem_shared>>) offsets(%dma_start3A_46 : memref<128xi32, #tpu.memory_space<vmem>>) semaphore(%run_scoped3A_44 : memref<!tpu.dma_semaphore, #tpu.memory_space<semaphore_mem>>) {add = true}
      %dma_wait3A = arith.constant 0 : i32
      %dma_wait3A_50 = tpu.memref_slice %arg6[%run_scoped3A_24, %dma_wait3A] : memref<13x128xi32, #tpu.memory_space<vmem>> -> memref<1x128xi32, #tpu.memory_space<vmem>>
      %dma_wait3A_51 = tpu.memref_squeeze %dma_wait3A_50 : memref<1x128xi32, #tpu.memory_space<vmem>> -> memref<128xi32, #tpu.memory_space<vmem>>
      %dma_wait3A_52 = arith.constant 0 : i32
      %dma_wait3A_53 = arith.constant 0 : i32
      %dma_wait3A_54 = tpu.memref_slice %arg8[%dma_wait3A_52, %dma_wait3A_53] : memref<10240x128xf32, #tpu.memory_space<vmem_shared>> -> memref<10240x128xf32, #tpu.memory_space<vmem_shared>>
      tpu.wait_indirect_dma semaphore(%run_scoped3A_44 : memref<!tpu.dma_semaphore, #tpu.memory_space<semaphore_mem>>) src(%arg7 : memref<128x128xf32, #tpu.memory_space<vmem>>) dst(%dma_wait3A_54 : memref<10240x128xf32, #tpu.memory_space<vmem_shared>>)
      tpu.yield
    }) : () -> ()
    %add3A_25 = arith.constant 896 : i32
    %add3A_26 = arith.addi %mul3A_4, %add3A_25 : i32
    "tpu.region"() ({
      %run_scoped3A_44 = tpu.sem_alloc : memref<!tpu.dma_semaphore, #tpu.memory_space<semaphore_mem>>
      %dma_start3A = arith.constant 0 : i32
      %dma_start3A_45 = tpu.memref_slice %arg2[%add3A_26, %dma_start3A] : memref<53248x128xf32, #tpu.memory_space<hbm>> -> memref<128x128xf32, #tpu.memory_space<hbm>>
      %dma_start3A_46 = arith.constant 0 : i32
      %dma_start3A_47 = tpu.memref_slice %arg2[%add3A_26, %dma_start3A_46] : memref<53248x128xf32, #tpu.memory_space<hbm>> -> memref<128x128xf32, #tpu.memory_space<hbm>>
      tpu.enqueue_dma source(%dma_start3A_47 : memref<128x128xf32, #tpu.memory_space<hbm>>) target(%arg7 : memref<128x128xf32, #tpu.memory_space<vmem>>) target_semaphore(%run_scoped3A_44 : memref<!tpu.dma_semaphore, #tpu.memory_space<semaphore_mem>>)
      %dma_wait3A = arith.constant 0 : i32
      %dma_wait3A_48 = tpu.memref_slice %arg2[%add3A_26, %dma_wait3A] : memref<53248x128xf32, #tpu.memory_space<hbm>> -> memref<128x128xf32, #tpu.memory_space<hbm>>
      %dma_wait3A_49 = arith.constant 0 : i32
      %dma_wait3A_50 = tpu.memref_slice %arg2[%add3A_26, %dma_wait3A_49] : memref<53248x128xf32, #tpu.memory_space<hbm>> -> memref<128x128xf32, #tpu.memory_space<hbm>>
      tpu.wait_dma2 semaphore(%run_scoped3A_44 : memref<!tpu.dma_semaphore, #tpu.memory_space<semaphore_mem>>) src(%dma_wait3A_50 : memref<128x128xf32, #tpu.memory_space<hbm>>) dst(%arg7 : memref<128x128xf32, #tpu.memory_space<vmem>>)
      tpu.yield
    }) : () -> ()
    %run_scoped3A_27 = arith.constant 7 : i32
    "tpu.region"() ({
      %run_scoped3A_44 = tpu.sem_alloc : memref<!tpu.dma_semaphore, #tpu.memory_space<semaphore_mem>>
      %dma_start3A = arith.constant 0 : i32
      %dma_start3A_45 = tpu.memref_slice %arg6[%run_scoped3A_27, %dma_start3A] : memref<13x128xi32, #tpu.memory_space<vmem>> -> memref<1x128xi32, #tpu.memory_space<vmem>>
      %dma_start3A_46 = tpu.memref_squeeze %dma_start3A_45 : memref<1x128xi32, #tpu.memory_space<vmem>> -> memref<128xi32, #tpu.memory_space<vmem>>
      %dma_start3A_47 = arith.constant 0 : i32
      %dma_start3A_48 = arith.constant 0 : i32
      %dma_start3A_49 = tpu.memref_slice %arg8[%dma_start3A_47, %dma_start3A_48] : memref<10240x128xf32, #tpu.memory_space<vmem_shared>> -> memref<10240x128xf32, #tpu.memory_space<vmem_shared>>
      tpu.enqueue_indirect_dma source(%arg7 : memref<128x128xf32, #tpu.memory_space<vmem>>) target(%dma_start3A_49 : memref<10240x128xf32, #tpu.memory_space<vmem_shared>>) offsets(%dma_start3A_46 : memref<128xi32, #tpu.memory_space<vmem>>) semaphore(%run_scoped3A_44 : memref<!tpu.dma_semaphore, #tpu.memory_space<semaphore_mem>>) {add = true}
      %dma_wait3A = arith.constant 0 : i32
      %dma_wait3A_50 = tpu.memref_slice %arg6[%run_scoped3A_27, %dma_wait3A] : memref<13x128xi32, #tpu.memory_space<vmem>> -> memref<1x128xi32, #tpu.memory_space<vmem>>
      %dma_wait3A_51 = tpu.memref_squeeze %dma_wait3A_50 : memref<1x128xi32, #tpu.memory_space<vmem>> -> memref<128xi32, #tpu.memory_space<vmem>>
      %dma_wait3A_52 = arith.constant 0 : i32
      %dma_wait3A_53 = arith.constant 0 : i32
      %dma_wait3A_54 = tpu.memref_slice %arg8[%dma_wait3A_52, %dma_wait3A_53] : memref<10240x128xf32, #tpu.memory_space<vmem_shared>> -> memref<10240x128xf32, #tpu.memory_space<vmem_shared>>
      tpu.wait_indirect_dma semaphore(%run_scoped3A_44 : memref<!tpu.dma_semaphore, #tpu.memory_space<semaphore_mem>>) src(%arg7 : memref<128x128xf32, #tpu.memory_space<vmem>>) dst(%dma_wait3A_54 : memref<10240x128xf32, #tpu.memory_space<vmem_shared>>)
      tpu.yield
    }) : () -> ()
    %add3A_28 = arith.constant 1024 : i32
    %add3A_29 = arith.addi %mul3A_4, %add3A_28 : i32
    "tpu.region"() ({
      %run_scoped3A_44 = tpu.sem_alloc : memref<!tpu.dma_semaphore, #tpu.memory_space<semaphore_mem>>
      %dma_start3A = arith.constant 0 : i32
      %dma_start3A_45 = tpu.memref_slice %arg2[%add3A_29, %dma_start3A] : memref<53248x128xf32, #tpu.memory_space<hbm>> -> memref<128x128xf32, #tpu.memory_space<hbm>>
      %dma_start3A_46 = arith.constant 0 : i32
      %dma_start3A_47 = tpu.memref_slice %arg2[%add3A_29, %dma_start3A_46] : memref<53248x128xf32, #tpu.memory_space<hbm>> -> memref<128x128xf32, #tpu.memory_space<hbm>>
      tpu.enqueue_dma source(%dma_start3A_47 : memref<128x128xf32, #tpu.memory_space<hbm>>) target(%arg7 : memref<128x128xf32, #tpu.memory_space<vmem>>) target_semaphore(%run_scoped3A_44 : memref<!tpu.dma_semaphore, #tpu.memory_space<semaphore_mem>>)
      %dma_wait3A = arith.constant 0 : i32
      %dma_wait3A_48 = tpu.memref_slice %arg2[%add3A_29, %dma_wait3A] : memref<53248x128xf32, #tpu.memory_space<hbm>> -> memref<128x128xf32, #tpu.memory_space<hbm>>
      %dma_wait3A_49 = arith.constant 0 : i32
      %dma_wait3A_50 = tpu.memref_slice %arg2[%add3A_29, %dma_wait3A_49] : memref<53248x128xf32, #tpu.memory_space<hbm>> -> memref<128x128xf32, #tpu.memory_space<hbm>>
      tpu.wait_dma2 semaphore(%run_scoped3A_44 : memref<!tpu.dma_semaphore, #tpu.memory_space<semaphore_mem>>) src(%dma_wait3A_50 : memref<128x128xf32, #tpu.memory_space<hbm>>) dst(%arg7 : memref<128x128xf32, #tpu.memory_space<vmem>>)
      tpu.yield
    }) : () -> ()
    %run_scoped3A_30 = arith.constant 8 : i32
    "tpu.region"() ({
      %run_scoped3A_44 = tpu.sem_alloc : memref<!tpu.dma_semaphore, #tpu.memory_space<semaphore_mem>>
      %dma_start3A = arith.constant 0 : i32
      %dma_start3A_45 = tpu.memref_slice %arg6[%run_scoped3A_30, %dma_start3A] : memref<13x128xi32, #tpu.memory_space<vmem>> -> memref<1x128xi32, #tpu.memory_space<vmem>>
      %dma_start3A_46 = tpu.memref_squeeze %dma_start3A_45 : memref<1x128xi32, #tpu.memory_space<vmem>> -> memref<128xi32, #tpu.memory_space<vmem>>
      %dma_start3A_47 = arith.constant 0 : i32
      %dma_start3A_48 = arith.constant 0 : i32
      %dma_start3A_49 = tpu.memref_slice %arg8[%dma_start3A_47, %dma_start3A_48] : memref<10240x128xf32, #tpu.memory_space<vmem_shared>> -> memref<10240x128xf32, #tpu.memory_space<vmem_shared>>
      tpu.enqueue_indirect_dma source(%arg7 : memref<128x128xf32, #tpu.memory_space<vmem>>) target(%dma_start3A_49 : memref<10240x128xf32, #tpu.memory_space<vmem_shared>>) offsets(%dma_start3A_46 : memref<128xi32, #tpu.memory_space<vmem>>) semaphore(%run_scoped3A_44 : memref<!tpu.dma_semaphore, #tpu.memory_space<semaphore_mem>>) {add = true}
      %dma_wait3A = arith.constant 0 : i32
      %dma_wait3A_50 = tpu.memref_slice %arg6[%run_scoped3A_30, %dma_wait3A] : memref<13x128xi32, #tpu.memory_space<vmem>> -> memref<1x128xi32, #tpu.memory_space<vmem>>
      %dma_wait3A_51 = tpu.memref_squeeze %dma_wait3A_50 : memref<1x128xi32, #tpu.memory_space<vmem>> -> memref<128xi32, #tpu.memory_space<vmem>>
      %dma_wait3A_52 = arith.constant 0 : i32
      %dma_wait3A_53 = arith.constant 0 : i32
      %dma_wait3A_54 = tpu.memref_slice %arg8[%dma_wait3A_52, %dma_wait3A_53] : memref<10240x128xf32, #tpu.memory_space<vmem_shared>> -> memref<10240x128xf32, #tpu.memory_space<vmem_shared>>
      tpu.wait_indirect_dma semaphore(%run_scoped3A_44 : memref<!tpu.dma_semaphore, #tpu.memory_space<semaphore_mem>>) src(%arg7 : memref<128x128xf32, #tpu.memory_space<vmem>>) dst(%dma_wait3A_54 : memref<10240x128xf32, #tpu.memory_space<vmem_shared>>)
      tpu.yield
    }) : () -> ()
    %add3A_31 = arith.constant 1152 : i32
    %add3A_32 = arith.addi %mul3A_4, %add3A_31 : i32
    "tpu.region"() ({
      %run_scoped3A_44 = tpu.sem_alloc : memref<!tpu.dma_semaphore, #tpu.memory_space<semaphore_mem>>
      %dma_start3A = arith.constant 0 : i32
      %dma_start3A_45 = tpu.memref_slice %arg2[%add3A_32, %dma_start3A] : memref<53248x128xf32, #tpu.memory_space<hbm>> -> memref<128x128xf32, #tpu.memory_space<hbm>>
      %dma_start3A_46 = arith.constant 0 : i32
      %dma_start3A_47 = tpu.memref_slice %arg2[%add3A_32, %dma_start3A_46] : memref<53248x128xf32, #tpu.memory_space<hbm>> -> memref<128x128xf32, #tpu.memory_space<hbm>>
      tpu.enqueue_dma source(%dma_start3A_47 : memref<128x128xf32, #tpu.memory_space<hbm>>) target(%arg7 : memref<128x128xf32, #tpu.memory_space<vmem>>) target_semaphore(%run_scoped3A_44 : memref<!tpu.dma_semaphore, #tpu.memory_space<semaphore_mem>>)
      %dma_wait3A = arith.constant 0 : i32
      %dma_wait3A_48 = tpu.memref_slice %arg2[%add3A_32, %dma_wait3A] : memref<53248x128xf32, #tpu.memory_space<hbm>> -> memref<128x128xf32, #tpu.memory_space<hbm>>
      %dma_wait3A_49 = arith.constant 0 : i32
      %dma_wait3A_50 = tpu.memref_slice %arg2[%add3A_32, %dma_wait3A_49] : memref<53248x128xf32, #tpu.memory_space<hbm>> -> memref<128x128xf32, #tpu.memory_space<hbm>>
      tpu.wait_dma2 semaphore(%run_scoped3A_44 : memref<!tpu.dma_semaphore, #tpu.memory_space<semaphore_mem>>) src(%dma_wait3A_50 : memref<128x128xf32, #tpu.memory_space<hbm>>) dst(%arg7 : memref<128x128xf32, #tpu.memory_space<vmem>>)
      tpu.yield
    }) : () -> ()
    %run_scoped3A_33 = arith.constant 9 : i32
    "tpu.region"() ({
      %run_scoped3A_44 = tpu.sem_alloc : memref<!tpu.dma_semaphore, #tpu.memory_space<semaphore_mem>>
      %dma_start3A = arith.constant 0 : i32
      %dma_start3A_45 = tpu.memref_slice %arg6[%run_scoped3A_33, %dma_start3A] : memref<13x128xi32, #tpu.memory_space<vmem>> -> memref<1x128xi32, #tpu.memory_space<vmem>>
      %dma_start3A_46 = tpu.memref_squeeze %dma_start3A_45 : memref<1x128xi32, #tpu.memory_space<vmem>> -> memref<128xi32, #tpu.memory_space<vmem>>
      %dma_start3A_47 = arith.constant 0 : i32
      %dma_start3A_48 = arith.constant 0 : i32
      %dma_start3A_49 = tpu.memref_slice %arg8[%dma_start3A_47, %dma_start3A_48] : memref<10240x128xf32, #tpu.memory_space<vmem_shared>> -> memref<10240x128xf32, #tpu.memory_space<vmem_shared>>
      tpu.enqueue_indirect_dma source(%arg7 : memref<128x128xf32, #tpu.memory_space<vmem>>) target(%dma_start3A_49 : memref<10240x128xf32, #tpu.memory_space<vmem_shared>>) offsets(%dma_start3A_46 : memref<128xi32, #tpu.memory_space<vmem>>) semaphore(%run_scoped3A_44 : memref<!tpu.dma_semaphore, #tpu.memory_space<semaphore_mem>>) {add = true}
      %dma_wait3A = arith.constant 0 : i32
      %dma_wait3A_50 = tpu.memref_slice %arg6[%run_scoped3A_33, %dma_wait3A] : memref<13x128xi32, #tpu.memory_space<vmem>> -> memref<1x128xi32, #tpu.memory_space<vmem>>
      %dma_wait3A_51 = tpu.memref_squeeze %dma_wait3A_50 : memref<1x128xi32, #tpu.memory_space<vmem>> -> memref<128xi32, #tpu.memory_space<vmem>>
      %dma_wait3A_52 = arith.constant 0 : i32
      %dma_wait3A_53 = arith.constant 0 : i32
      %dma_wait3A_54 = tpu.memref_slice %arg8[%dma_wait3A_52, %dma_wait3A_53] : memref<10240x128xf32, #tpu.memory_space<vmem_shared>> -> memref<10240x128xf32, #tpu.memory_space<vmem_shared>>
      tpu.wait_indirect_dma semaphore(%run_scoped3A_44 : memref<!tpu.dma_semaphore, #tpu.memory_space<semaphore_mem>>) src(%arg7 : memref<128x128xf32, #tpu.memory_space<vmem>>) dst(%dma_wait3A_54 : memref<10240x128xf32, #tpu.memory_space<vmem_shared>>)
      tpu.yield
    }) : () -> ()
    %add3A_34 = arith.constant 1280 : i32
    %add3A_35 = arith.addi %mul3A_4, %add3A_34 : i32
    "tpu.region"() ({
      %run_scoped3A_44 = tpu.sem_alloc : memref<!tpu.dma_semaphore, #tpu.memory_space<semaphore_mem>>
      %dma_start3A = arith.constant 0 : i32
      %dma_start3A_45 = tpu.memref_slice %arg2[%add3A_35, %dma_start3A] : memref<53248x128xf32, #tpu.memory_space<hbm>> -> memref<128x128xf32, #tpu.memory_space<hbm>>
      %dma_start3A_46 = arith.constant 0 : i32
      %dma_start3A_47 = tpu.memref_slice %arg2[%add3A_35, %dma_start3A_46] : memref<53248x128xf32, #tpu.memory_space<hbm>> -> memref<128x128xf32, #tpu.memory_space<hbm>>
      tpu.enqueue_dma source(%dma_start3A_47 : memref<128x128xf32, #tpu.memory_space<hbm>>) target(%arg7 : memref<128x128xf32, #tpu.memory_space<vmem>>) target_semaphore(%run_scoped3A_44 : memref<!tpu.dma_semaphore, #tpu.memory_space<semaphore_mem>>)
      %dma_wait3A = arith.constant 0 : i32
      %dma_wait3A_48 = tpu.memref_slice %arg2[%add3A_35, %dma_wait3A] : memref<53248x128xf32, #tpu.memory_space<hbm>> -> memref<128x128xf32, #tpu.memory_space<hbm>>
      %dma_wait3A_49 = arith.constant 0 : i32
      %dma_wait3A_50 = tpu.memref_slice %arg2[%add3A_35, %dma_wait3A_49] : memref<53248x128xf32, #tpu.memory_space<hbm>> -> memref<128x128xf32, #tpu.memory_space<hbm>>
      tpu.wait_dma2 semaphore(%run_scoped3A_44 : memref<!tpu.dma_semaphore, #tpu.memory_space<semaphore_mem>>) src(%dma_wait3A_50 : memref<128x128xf32, #tpu.memory_space<hbm>>) dst(%arg7 : memref<128x128xf32, #tpu.memory_space<vmem>>)
      tpu.yield
    }) : () -> ()
    %run_scoped3A_36 = arith.constant 10 : i32
    "tpu.region"() ({
      %run_scoped3A_44 = tpu.sem_alloc : memref<!tpu.dma_semaphore, #tpu.memory_space<semaphore_mem>>
      %dma_start3A = arith.constant 0 : i32
      %dma_start3A_45 = tpu.memref_slice %arg6[%run_scoped3A_36, %dma_start3A] : memref<13x128xi32, #tpu.memory_space<vmem>> -> memref<1x128xi32, #tpu.memory_space<vmem>>
      %dma_start3A_46 = tpu.memref_squeeze %dma_start3A_45 : memref<1x128xi32, #tpu.memory_space<vmem>> -> memref<128xi32, #tpu.memory_space<vmem>>
      %dma_start3A_47 = arith.constant 0 : i32
      %dma_start3A_48 = arith.constant 0 : i32
      %dma_start3A_49 = tpu.memref_slice %arg8[%dma_start3A_47, %dma_start3A_48] : memref<10240x128xf32, #tpu.memory_space<vmem_shared>> -> memref<10240x128xf32, #tpu.memory_space<vmem_shared>>
      tpu.enqueue_indirect_dma source(%arg7 : memref<128x128xf32, #tpu.memory_space<vmem>>) target(%dma_start3A_49 : memref<10240x128xf32, #tpu.memory_space<vmem_shared>>) offsets(%dma_start3A_46 : memref<128xi32, #tpu.memory_space<vmem>>) semaphore(%run_scoped3A_44 : memref<!tpu.dma_semaphore, #tpu.memory_space<semaphore_mem>>) {add = true}
      %dma_wait3A = arith.constant 0 : i32
      %dma_wait3A_50 = tpu.memref_slice %arg6[%run_scoped3A_36, %dma_wait3A] : memref<13x128xi32, #tpu.memory_space<vmem>> -> memref<1x128xi32, #tpu.memory_space<vmem>>
      %dma_wait3A_51 = tpu.memref_squeeze %dma_wait3A_50 : memref<1x128xi32, #tpu.memory_space<vmem>> -> memref<128xi32, #tpu.memory_space<vmem>>
      %dma_wait3A_52 = arith.constant 0 : i32
      %dma_wait3A_53 = arith.constant 0 : i32
      %dma_wait3A_54 = tpu.memref_slice %arg8[%dma_wait3A_52, %dma_wait3A_53] : memref<10240x128xf32, #tpu.memory_space<vmem_shared>> -> memref<10240x128xf32, #tpu.memory_space<vmem_shared>>
      tpu.wait_indirect_dma semaphore(%run_scoped3A_44 : memref<!tpu.dma_semaphore, #tpu.memory_space<semaphore_mem>>) src(%arg7 : memref<128x128xf32, #tpu.memory_space<vmem>>) dst(%dma_wait3A_54 : memref<10240x128xf32, #tpu.memory_space<vmem_shared>>)
      tpu.yield
    }) : () -> ()
    %add3A_37 = arith.constant 1408 : i32
    %add3A_38 = arith.addi %mul3A_4, %add3A_37 : i32
    "tpu.region"() ({
      %run_scoped3A_44 = tpu.sem_alloc : memref<!tpu.dma_semaphore, #tpu.memory_space<semaphore_mem>>
      %dma_start3A = arith.constant 0 : i32
      %dma_start3A_45 = tpu.memref_slice %arg2[%add3A_38, %dma_start3A] : memref<53248x128xf32, #tpu.memory_space<hbm>> -> memref<128x128xf32, #tpu.memory_space<hbm>>
      %dma_start3A_46 = arith.constant 0 : i32
      %dma_start3A_47 = tpu.memref_slice %arg2[%add3A_38, %dma_start3A_46] : memref<53248x128xf32, #tpu.memory_space<hbm>> -> memref<128x128xf32, #tpu.memory_space<hbm>>
      tpu.enqueue_dma source(%dma_start3A_47 : memref<128x128xf32, #tpu.memory_space<hbm>>) target(%arg7 : memref<128x128xf32, #tpu.memory_space<vmem>>) target_semaphore(%run_scoped3A_44 : memref<!tpu.dma_semaphore, #tpu.memory_space<semaphore_mem>>)
      %dma_wait3A = arith.constant 0 : i32
      %dma_wait3A_48 = tpu.memref_slice %arg2[%add3A_38, %dma_wait3A] : memref<53248x128xf32, #tpu.memory_space<hbm>> -> memref<128x128xf32, #tpu.memory_space<hbm>>
      %dma_wait3A_49 = arith.constant 0 : i32
      %dma_wait3A_50 = tpu.memref_slice %arg2[%add3A_38, %dma_wait3A_49] : memref<53248x128xf32, #tpu.memory_space<hbm>> -> memref<128x128xf32, #tpu.memory_space<hbm>>
      tpu.wait_dma2 semaphore(%run_scoped3A_44 : memref<!tpu.dma_semaphore, #tpu.memory_space<semaphore_mem>>) src(%dma_wait3A_50 : memref<128x128xf32, #tpu.memory_space<hbm>>) dst(%arg7 : memref<128x128xf32, #tpu.memory_space<vmem>>)
      tpu.yield
    }) : () -> ()
    %run_scoped3A_39 = arith.constant 11 : i32
    "tpu.region"() ({
      %run_scoped3A_44 = tpu.sem_alloc : memref<!tpu.dma_semaphore, #tpu.memory_space<semaphore_mem>>
      %dma_start3A = arith.constant 0 : i32
      %dma_start3A_45 = tpu.memref_slice %arg6[%run_scoped3A_39, %dma_start3A] : memref<13x128xi32, #tpu.memory_space<vmem>> -> memref<1x128xi32, #tpu.memory_space<vmem>>
      %dma_start3A_46 = tpu.memref_squeeze %dma_start3A_45 : memref<1x128xi32, #tpu.memory_space<vmem>> -> memref<128xi32, #tpu.memory_space<vmem>>
      %dma_start3A_47 = arith.constant 0 : i32
      %dma_start3A_48 = arith.constant 0 : i32
      %dma_start3A_49 = tpu.memref_slice %arg8[%dma_start3A_47, %dma_start3A_48] : memref<10240x128xf32, #tpu.memory_space<vmem_shared>> -> memref<10240x128xf32, #tpu.memory_space<vmem_shared>>
      tpu.enqueue_indirect_dma source(%arg7 : memref<128x128xf32, #tpu.memory_space<vmem>>) target(%dma_start3A_49 : memref<10240x128xf32, #tpu.memory_space<vmem_shared>>) offsets(%dma_start3A_46 : memref<128xi32, #tpu.memory_space<vmem>>) semaphore(%run_scoped3A_44 : memref<!tpu.dma_semaphore, #tpu.memory_space<semaphore_mem>>) {add = true}
      %dma_wait3A = arith.constant 0 : i32
      %dma_wait3A_50 = tpu.memref_slice %arg6[%run_scoped3A_39, %dma_wait3A] : memref<13x128xi32, #tpu.memory_space<vmem>> -> memref<1x128xi32, #tpu.memory_space<vmem>>
      %dma_wait3A_51 = tpu.memref_squeeze %dma_wait3A_50 : memref<1x128xi32, #tpu.memory_space<vmem>> -> memref<128xi32, #tpu.memory_space<vmem>>
      %dma_wait3A_52 = arith.constant 0 : i32
      %dma_wait3A_53 = arith.constant 0 : i32
      %dma_wait3A_54 = tpu.memref_slice %arg8[%dma_wait3A_52, %dma_wait3A_53] : memref<10240x128xf32, #tpu.memory_space<vmem_shared>> -> memref<10240x128xf32, #tpu.memory_space<vmem_shared>>
      tpu.wait_indirect_dma semaphore(%run_scoped3A_44 : memref<!tpu.dma_semaphore, #tpu.memory_space<semaphore_mem>>) src(%arg7 : memref<128x128xf32, #tpu.memory_space<vmem>>) dst(%dma_wait3A_54 : memref<10240x128xf32, #tpu.memory_space<vmem_shared>>)
      tpu.yield
    }) : () -> ()
    %add3A_40 = arith.constant 1536 : i32
    %add3A_41 = arith.addi %mul3A_4, %add3A_40 : i32
    "tpu.region"() ({
      %run_scoped3A_44 = tpu.sem_alloc : memref<!tpu.dma_semaphore, #tpu.memory_space<semaphore_mem>>
      %dma_start3A = arith.constant 0 : i32
      %dma_start3A_45 = tpu.memref_slice %arg2[%add3A_41, %dma_start3A] : memref<53248x128xf32, #tpu.memory_space<hbm>> -> memref<128x128xf32, #tpu.memory_space<hbm>>
      %dma_start3A_46 = arith.constant 0 : i32
      %dma_start3A_47 = tpu.memref_slice %arg2[%add3A_41, %dma_start3A_46] : memref<53248x128xf32, #tpu.memory_space<hbm>> -> memref<128x128xf32, #tpu.memory_space<hbm>>
      tpu.enqueue_dma source(%dma_start3A_47 : memref<128x128xf32, #tpu.memory_space<hbm>>) target(%arg7 : memref<128x128xf32, #tpu.memory_space<vmem>>) target_semaphore(%run_scoped3A_44 : memref<!tpu.dma_semaphore, #tpu.memory_space<semaphore_mem>>)
      %dma_wait3A = arith.constant 0 : i32
      %dma_wait3A_48 = tpu.memref_slice %arg2[%add3A_41, %dma_wait3A] : memref<53248x128xf32, #tpu.memory_space<hbm>> -> memref<128x128xf32, #tpu.memory_space<hbm>>
      %dma_wait3A_49 = arith.constant 0 : i32
      %dma_wait3A_50 = tpu.memref_slice %arg2[%add3A_41, %dma_wait3A_49] : memref<53248x128xf32, #tpu.memory_space<hbm>> -> memref<128x128xf32, #tpu.memory_space<hbm>>
      tpu.wait_dma2 semaphore(%run_scoped3A_44 : memref<!tpu.dma_semaphore, #tpu.memory_space<semaphore_mem>>) src(%dma_wait3A_50 : memref<128x128xf32, #tpu.memory_space<hbm>>) dst(%arg7 : memref<128x128xf32, #tpu.memory_space<vmem>>)
      tpu.yield
    }) : () -> ()
    %run_scoped3A_42 = arith.constant 12 : i32
    "tpu.region"() ({
      %run_scoped3A_44 = tpu.sem_alloc : memref<!tpu.dma_semaphore, #tpu.memory_space<semaphore_mem>>
      %dma_start3A = arith.constant 0 : i32
      %dma_start3A_45 = tpu.memref_slice %arg6[%run_scoped3A_42, %dma_start3A] : memref<13x128xi32, #tpu.memory_space<vmem>> -> memref<1x128xi32, #tpu.memory_space<vmem>>
      %dma_start3A_46 = tpu.memref_squeeze %dma_start3A_45 : memref<1x128xi32, #tpu.memory_space<vmem>> -> memref<128xi32, #tpu.memory_space<vmem>>
      %dma_start3A_47 = arith.constant 0 : i32
      %dma_start3A_48 = arith.constant 0 : i32
      %dma_start3A_49 = tpu.memref_slice %arg8[%dma_start3A_47, %dma_start3A_48] : memref<10240x128xf32, #tpu.memory_space<vmem_shared>> -> memref<10240x128xf32, #tpu.memory_space<vmem_shared>>
      tpu.enqueue_indirect_dma source(%arg7 : memref<128x128xf32, #tpu.memory_space<vmem>>) target(%dma_start3A_49 : memref<10240x128xf32, #tpu.memory_space<vmem_shared>>) offsets(%dma_start3A_46 : memref<128xi32, #tpu.memory_space<vmem>>) semaphore(%run_scoped3A_44 : memref<!tpu.dma_semaphore, #tpu.memory_space<semaphore_mem>>) {add = true}
      %dma_wait3A = arith.constant 0 : i32
      %dma_wait3A_50 = tpu.memref_slice %arg6[%run_scoped3A_42, %dma_wait3A] : memref<13x128xi32, #tpu.memory_space<vmem>> -> memref<1x128xi32, #tpu.memory_space<vmem>>
      %dma_wait3A_51 = tpu.memref_squeeze %dma_wait3A_50 : memref<1x128xi32, #tpu.memory_space<vmem>> -> memref<128xi32, #tpu.memory_space<vmem>>
      %dma_wait3A_52 = arith.constant 0 : i32
      %dma_wait3A_53 = arith.constant 0 : i32
      %dma_wait3A_54 = tpu.memref_slice %arg8[%dma_wait3A_52, %dma_wait3A_53] : memref<10240x128xf32, #tpu.memory_space<vmem_shared>> -> memref<10240x128xf32, #tpu.memory_space<vmem_shared>>
      tpu.wait_indirect_dma semaphore(%run_scoped3A_44 : memref<!tpu.dma_semaphore, #tpu.memory_space<semaphore_mem>>) src(%arg7 : memref<128x128xf32, #tpu.memory_space<vmem>>) dst(%dma_wait3A_54 : memref<10240x128xf32, #tpu.memory_space<vmem_shared>>)
      tpu.yield
    }) : () -> ()
    %barrier3A_43 = arith.constant 0 : index
    tpu.barrier barrier_id(%barrier3A_43)
    "tpu.region"() ({
      %run_scoped3A_44 = tpu.sem_alloc : memref<!tpu.dma_semaphore, #tpu.memory_space<semaphore_mem>>
      %dma_start3A = arith.constant 0 : i32
      %dma_start3A_45 = tpu.memref_slice %arg5[%arg0, %mul3A_2, %dma_start3A] : memref<2x10240x128xf32, #tpu.memory_space<hbm>> -> memref<1x640x128xf32, #tpu.memory_space<hbm>>
      %dma_start3A_46 = tpu.memref_squeeze %dma_start3A_45 : memref<1x640x128xf32, #tpu.memory_space<hbm>> -> memref<640x128xf32, #tpu.memory_space<hbm>>
      %dma_start3A_47 = arith.constant 0 : i32
      %dma_start3A_48 = tpu.memref_slice %arg8[%mul3A_2, %dma_start3A_47] : memref<10240x128xf32, #tpu.memory_space<vmem_shared>> -> memref<640x128xf32, #tpu.memory_space<vmem_shared>>
      tpu.enqueue_dma source(%dma_start3A_48 : memref<640x128xf32, #tpu.memory_space<vmem_shared>>) target(%dma_start3A_46 : memref<640x128xf32, #tpu.memory_space<hbm>>) target_semaphore(%run_scoped3A_44 : memref<!tpu.dma_semaphore, #tpu.memory_space<semaphore_mem>>)
      %dma_wait3A = arith.constant 0 : i32
      %dma_wait3A_49 = tpu.memref_slice %arg5[%arg0, %mul3A_2, %dma_wait3A] : memref<2x10240x128xf32, #tpu.memory_space<hbm>> -> memref<1x640x128xf32, #tpu.memory_space<hbm>>
      %dma_wait3A_50 = tpu.memref_squeeze %dma_wait3A_49 : memref<1x640x128xf32, #tpu.memory_space<hbm>> -> memref<640x128xf32, #tpu.memory_space<hbm>>
      %dma_wait3A_51 = arith.constant 0 : i32
      %dma_wait3A_52 = tpu.memref_slice %arg8[%mul3A_2, %dma_wait3A_51] : memref<10240x128xf32, #tpu.memory_space<vmem_shared>> -> memref<640x128xf32, #tpu.memory_space<vmem_shared>>
      tpu.wait_dma2 semaphore(%run_scoped3A_44 : memref<!tpu.dma_semaphore, #tpu.memory_space<semaphore_mem>>) src(%dma_wait3A_52 : memref<640x128xf32, #tpu.memory_space<vmem_shared>>) dst(%dma_wait3A_50 : memref<640x128xf32, #tpu.memory_space<hbm>>)
      tpu.yield
    }) : () -> ()
    return
  }
}

#map = affine_map<(d0, d1) -> (0, 0)>
#map1 = affine_map<(d0, d1) -> (0, 0, 0)>
module attributes {stable_mosaic.version = 14 : i64} {
  func.func @sc_gather(%arg0: i32, %arg1: i32, %arg2: memref<10240x128xf32, #tpu.memory_space<hbm>>, %arg3: memref<32x13x128xi32, #tpu.memory_space<hbm>>, %arg4: memref<53248x128xf32, #tpu.memory_space<hbm>>, %arg5: memref<13x128xi32, #tpu.memory_space<vmem>>, %arg6: memref<128x128xf32, #tpu.memory_space<vmem>>, %arg7: memref<!tpu.dma_semaphore, #tpu.memory_space<semaphore_mem>>) attributes {dimension_semantics = [#tpu.dimension_semantics<core_parallel>, #tpu.dimension_semantics<subcore_parallel>], iteration_bounds = array<i64: 2, 16>, scalar_prefetch = 0 : i64, scratch_operands = 3 : i64, tpu.core_type = #tpu.core_type<sc_vector_subcore>, window_params = [{transform_indices = #map}, {transform_indices = #map1}, {transform_indices = #map}]} {
    %mul3A = arith.constant 16 : i32
    %mul3A_0 = arith.muli %arg0, %mul3A : i32
    %add3A = arith.addi %mul3A_0, %arg1 : i32
    "tpu.region"() ({
      %run_scoped3A = tpu.sem_alloc : memref<!tpu.dma_semaphore, #tpu.memory_space<semaphore_mem>>
      %dma_start3A_209 = arith.constant 0 : i32
      %dma_start3A_210 = arith.constant 0 : i32
      %dma_start3A_211 = tpu.memref_slice %arg3[%add3A, %dma_start3A_209, %dma_start3A_210] : memref<32x13x128xi32, #tpu.memory_space<hbm>> -> memref<1x13x128xi32, #tpu.memory_space<hbm>>
      %dma_start3A_212 = tpu.memref_squeeze %dma_start3A_211 : memref<1x13x128xi32, #tpu.memory_space<hbm>> -> memref<13x128xi32, #tpu.memory_space<hbm>>
      %dma_start3A_213 = arith.constant 0 : i32
      %dma_start3A_214 = arith.constant 0 : i32
      %dma_start3A_215 = tpu.memref_slice %arg3[%add3A, %dma_start3A_213, %dma_start3A_214] : memref<32x13x128xi32, #tpu.memory_space<hbm>> -> memref<1x13x128xi32, #tpu.memory_space<hbm>>
      %dma_start3A_216 = tpu.memref_squeeze %dma_start3A_215 : memref<1x13x128xi32, #tpu.memory_space<hbm>> -> memref<13x128xi32, #tpu.memory_space<hbm>>
      tpu.enqueue_dma source(%dma_start3A_216 : memref<13x128xi32, #tpu.memory_space<hbm>>) target(%arg5 : memref<13x128xi32, #tpu.memory_space<vmem>>) target_semaphore(%run_scoped3A : memref<!tpu.dma_semaphore, #tpu.memory_space<semaphore_mem>>)
      %dma_wait3A_217 = arith.constant 0 : i32
      %dma_wait3A_218 = arith.constant 0 : i32
      %dma_wait3A_219 = tpu.memref_slice %arg3[%add3A, %dma_wait3A_217, %dma_wait3A_218] : memref<32x13x128xi32, #tpu.memory_space<hbm>> -> memref<1x13x128xi32, #tpu.memory_space<hbm>>
      %dma_wait3A_220 = tpu.memref_squeeze %dma_wait3A_219 : memref<1x13x128xi32, #tpu.memory_space<hbm>> -> memref<13x128xi32, #tpu.memory_space<hbm>>
      %dma_wait3A_221 = arith.constant 0 : i32
      %dma_wait3A_222 = arith.constant 0 : i32
      %dma_wait3A_223 = tpu.memref_slice %arg3[%add3A, %dma_wait3A_221, %dma_wait3A_222] : memref<32x13x128xi32, #tpu.memory_space<hbm>> -> memref<1x13x128xi32, #tpu.memory_space<hbm>>
      %dma_wait3A_224 = tpu.memref_squeeze %dma_wait3A_223 : memref<1x13x128xi32, #tpu.memory_space<hbm>> -> memref<13x128xi32, #tpu.memory_space<hbm>>
      tpu.wait_dma2 semaphore(%run_scoped3A : memref<!tpu.dma_semaphore, #tpu.memory_space<semaphore_mem>>) src(%dma_wait3A_224 : memref<13x128xi32, #tpu.memory_space<hbm>>) dst(%arg5 : memref<13x128xi32, #tpu.memory_space<vmem>>)
      tpu.yield
    }) : () -> ()
    %mul3A_1 = arith.constant 1664 : i32
    %mul3A_2 = arith.muli %add3A, %mul3A_1 : i32
    %dma_start3A = arith.constant 0 : i32
    %dma_start3A_3 = arith.constant 0 : i32
    %dma_start3A_4 = tpu.memref_slice %arg5[%dma_start3A, %dma_start3A_3] : memref<13x128xi32, #tpu.memory_space<vmem>> -> memref<1x128xi32, #tpu.memory_space<vmem>>
    %dma_start3A_5 = tpu.memref_squeeze %dma_start3A_4 : memref<1x128xi32, #tpu.memory_space<vmem>> -> memref<128xi32, #tpu.memory_space<vmem>>
    %dma_start3A_6 = arith.constant 0 : i32
    %dma_start3A_7 = arith.constant 0 : i32
    %dma_start3A_8 = tpu.memref_slice %arg2[%dma_start3A_6, %dma_start3A_7] : memref<10240x128xf32, #tpu.memory_space<hbm>> -> memref<10240x128xf32, #tpu.memory_space<hbm>>
    tpu.enqueue_indirect_dma source(%dma_start3A_8 : memref<10240x128xf32, #tpu.memory_space<hbm>>) target(%arg6 : memref<128x128xf32, #tpu.memory_space<vmem>>) offsets(%dma_start3A_5 : memref<128xi32, #tpu.memory_space<vmem>>) semaphore(%arg7 : memref<!tpu.dma_semaphore, #tpu.memory_space<semaphore_mem>>)
    %dma_wait3A = arith.constant 0 : i32
    %dma_wait3A_9 = arith.constant 0 : i32
    %dma_wait3A_10 = tpu.memref_slice %arg5[%dma_wait3A, %dma_wait3A_9] : memref<13x128xi32, #tpu.memory_space<vmem>> -> memref<1x128xi32, #tpu.memory_space<vmem>>
    %dma_wait3A_11 = tpu.memref_squeeze %dma_wait3A_10 : memref<1x128xi32, #tpu.memory_space<vmem>> -> memref<128xi32, #tpu.memory_space<vmem>>
    %dma_wait3A_12 = arith.constant 0 : i32
    %dma_wait3A_13 = arith.constant 0 : i32
    %dma_wait3A_14 = tpu.memref_slice %arg2[%dma_wait3A_12, %dma_wait3A_13] : memref<10240x128xf32, #tpu.memory_space<hbm>> -> memref<10240x128xf32, #tpu.memory_space<hbm>>
    tpu.wait_indirect_dma semaphore(%arg7 : memref<!tpu.dma_semaphore, #tpu.memory_space<semaphore_mem>>) src(%dma_wait3A_14 : memref<10240x128xf32, #tpu.memory_space<hbm>>) dst(%arg6 : memref<128x128xf32, #tpu.memory_space<vmem>>)
    %add3A_15 = arith.constant 0 : i32
    %add3A_16 = arith.addi %mul3A_2, %add3A_15 : i32
    "tpu.region"() ({
      %run_scoped3A = tpu.sem_alloc : memref<!tpu.dma_semaphore, #tpu.memory_space<semaphore_mem>>
      %dma_start3A_209 = arith.constant 0 : i32
      %dma_start3A_210 = tpu.memref_slice %arg4[%add3A_16, %dma_start3A_209] : memref<53248x128xf32, #tpu.memory_space<hbm>> -> memref<128x128xf32, #tpu.memory_space<hbm>>
      %dma_start3A_211 = arith.constant 0 : i32
      %dma_start3A_212 = tpu.memref_slice %arg4[%add3A_16, %dma_start3A_211] : memref<53248x128xf32, #tpu.memory_space<hbm>> -> memref<128x128xf32, #tpu.memory_space<hbm>>
      tpu.enqueue_dma source(%arg6 : memref<128x128xf32, #tpu.memory_space<vmem>>) target(%dma_start3A_212 : memref<128x128xf32, #tpu.memory_space<hbm>>) target_semaphore(%run_scoped3A : memref<!tpu.dma_semaphore, #tpu.memory_space<semaphore_mem>>)
      %dma_wait3A_213 = arith.constant 0 : i32
      %dma_wait3A_214 = tpu.memref_slice %arg4[%add3A_16, %dma_wait3A_213] : memref<53248x128xf32, #tpu.memory_space<hbm>> -> memref<128x128xf32, #tpu.memory_space<hbm>>
      %dma_wait3A_215 = arith.constant 0 : i32
      %dma_wait3A_216 = tpu.memref_slice %arg4[%add3A_16, %dma_wait3A_215] : memref<53248x128xf32, #tpu.memory_space<hbm>> -> memref<128x128xf32, #tpu.memory_space<hbm>>
      tpu.wait_dma2 semaphore(%run_scoped3A : memref<!tpu.dma_semaphore, #tpu.memory_space<semaphore_mem>>) src(%arg6 : memref<128x128xf32, #tpu.memory_space<vmem>>) dst(%dma_wait3A_216 : memref<128x128xf32, #tpu.memory_space<hbm>>)
      tpu.yield
    }) : () -> ()
    %dma_start3A_17 = arith.constant 1 : i32
    %dma_start3A_18 = arith.constant 0 : i32
    %dma_start3A_19 = tpu.memref_slice %arg5[%dma_start3A_17, %dma_start3A_18] : memref<13x128xi32, #tpu.memory_space<vmem>> -> memref<1x128xi32, #tpu.memory_space<vmem>>
    %dma_start3A_20 = tpu.memref_squeeze %dma_start3A_19 : memref<1x128xi32, #tpu.memory_space<vmem>> -> memref<128xi32, #tpu.memory_space<vmem>>
    %dma_start3A_21 = arith.constant 0 : i32
    %dma_start3A_22 = arith.constant 0 : i32
    %dma_start3A_23 = tpu.memref_slice %arg2[%dma_start3A_21, %dma_start3A_22] : memref<10240x128xf32, #tpu.memory_space<hbm>> -> memref<10240x128xf32, #tpu.memory_space<hbm>>
    tpu.enqueue_indirect_dma source(%dma_start3A_23 : memref<10240x128xf32, #tpu.memory_space<hbm>>) target(%arg6 : memref<128x128xf32, #tpu.memory_space<vmem>>) offsets(%dma_start3A_20 : memref<128xi32, #tpu.memory_space<vmem>>) semaphore(%arg7 : memref<!tpu.dma_semaphore, #tpu.memory_space<semaphore_mem>>)
    %dma_wait3A_24 = arith.constant 1 : i32
    %dma_wait3A_25 = arith.constant 0 : i32
    %dma_wait3A_26 = tpu.memref_slice %arg5[%dma_wait3A_24, %dma_wait3A_25] : memref<13x128xi32, #tpu.memory_space<vmem>> -> memref<1x128xi32, #tpu.memory_space<vmem>>
    %dma_wait3A_27 = tpu.memref_squeeze %dma_wait3A_26 : memref<1x128xi32, #tpu.memory_space<vmem>> -> memref<128xi32, #tpu.memory_space<vmem>>
    %dma_wait3A_28 = arith.constant 0 : i32
    %dma_wait3A_29 = arith.constant 0 : i32
    %dma_wait3A_30 = tpu.memref_slice %arg2[%dma_wait3A_28, %dma_wait3A_29] : memref<10240x128xf32, #tpu.memory_space<hbm>> -> memref<10240x128xf32, #tpu.memory_space<hbm>>
    tpu.wait_indirect_dma semaphore(%arg7 : memref<!tpu.dma_semaphore, #tpu.memory_space<semaphore_mem>>) src(%dma_wait3A_30 : memref<10240x128xf32, #tpu.memory_space<hbm>>) dst(%arg6 : memref<128x128xf32, #tpu.memory_space<vmem>>)
    %add3A_31 = arith.constant 128 : i32
    %add3A_32 = arith.addi %mul3A_2, %add3A_31 : i32
    "tpu.region"() ({
      %run_scoped3A = tpu.sem_alloc : memref<!tpu.dma_semaphore, #tpu.memory_space<semaphore_mem>>
      %dma_start3A_209 = arith.constant 0 : i32
      %dma_start3A_210 = tpu.memref_slice %arg4[%add3A_32, %dma_start3A_209] : memref<53248x128xf32, #tpu.memory_space<hbm>> -> memref<128x128xf32, #tpu.memory_space<hbm>>
      %dma_start3A_211 = arith.constant 0 : i32
      %dma_start3A_212 = tpu.memref_slice %arg4[%add3A_32, %dma_start3A_211] : memref<53248x128xf32, #tpu.memory_space<hbm>> -> memref<128x128xf32, #tpu.memory_space<hbm>>
      tpu.enqueue_dma source(%arg6 : memref<128x128xf32, #tpu.memory_space<vmem>>) target(%dma_start3A_212 : memref<128x128xf32, #tpu.memory_space<hbm>>) target_semaphore(%run_scoped3A : memref<!tpu.dma_semaphore, #tpu.memory_space<semaphore_mem>>)
      %dma_wait3A_213 = arith.constant 0 : i32
      %dma_wait3A_214 = tpu.memref_slice %arg4[%add3A_32, %dma_wait3A_213] : memref<53248x128xf32, #tpu.memory_space<hbm>> -> memref<128x128xf32, #tpu.memory_space<hbm>>
      %dma_wait3A_215 = arith.constant 0 : i32
      %dma_wait3A_216 = tpu.memref_slice %arg4[%add3A_32, %dma_wait3A_215] : memref<53248x128xf32, #tpu.memory_space<hbm>> -> memref<128x128xf32, #tpu.memory_space<hbm>>
      tpu.wait_dma2 semaphore(%run_scoped3A : memref<!tpu.dma_semaphore, #tpu.memory_space<semaphore_mem>>) src(%arg6 : memref<128x128xf32, #tpu.memory_space<vmem>>) dst(%dma_wait3A_216 : memref<128x128xf32, #tpu.memory_space<hbm>>)
      tpu.yield
    }) : () -> ()
    %dma_start3A_33 = arith.constant 2 : i32
    %dma_start3A_34 = arith.constant 0 : i32
    %dma_start3A_35 = tpu.memref_slice %arg5[%dma_start3A_33, %dma_start3A_34] : memref<13x128xi32, #tpu.memory_space<vmem>> -> memref<1x128xi32, #tpu.memory_space<vmem>>
    %dma_start3A_36 = tpu.memref_squeeze %dma_start3A_35 : memref<1x128xi32, #tpu.memory_space<vmem>> -> memref<128xi32, #tpu.memory_space<vmem>>
    %dma_start3A_37 = arith.constant 0 : i32
    %dma_start3A_38 = arith.constant 0 : i32
    %dma_start3A_39 = tpu.memref_slice %arg2[%dma_start3A_37, %dma_start3A_38] : memref<10240x128xf32, #tpu.memory_space<hbm>> -> memref<10240x128xf32, #tpu.memory_space<hbm>>
    tpu.enqueue_indirect_dma source(%dma_start3A_39 : memref<10240x128xf32, #tpu.memory_space<hbm>>) target(%arg6 : memref<128x128xf32, #tpu.memory_space<vmem>>) offsets(%dma_start3A_36 : memref<128xi32, #tpu.memory_space<vmem>>) semaphore(%arg7 : memref<!tpu.dma_semaphore, #tpu.memory_space<semaphore_mem>>)
    %dma_wait3A_40 = arith.constant 2 : i32
    %dma_wait3A_41 = arith.constant 0 : i32
    %dma_wait3A_42 = tpu.memref_slice %arg5[%dma_wait3A_40, %dma_wait3A_41] : memref<13x128xi32, #tpu.memory_space<vmem>> -> memref<1x128xi32, #tpu.memory_space<vmem>>
    %dma_wait3A_43 = tpu.memref_squeeze %dma_wait3A_42 : memref<1x128xi32, #tpu.memory_space<vmem>> -> memref<128xi32, #tpu.memory_space<vmem>>
    %dma_wait3A_44 = arith.constant 0 : i32
    %dma_wait3A_45 = arith.constant 0 : i32
    %dma_wait3A_46 = tpu.memref_slice %arg2[%dma_wait3A_44, %dma_wait3A_45] : memref<10240x128xf32, #tpu.memory_space<hbm>> -> memref<10240x128xf32, #tpu.memory_space<hbm>>
    tpu.wait_indirect_dma semaphore(%arg7 : memref<!tpu.dma_semaphore, #tpu.memory_space<semaphore_mem>>) src(%dma_wait3A_46 : memref<10240x128xf32, #tpu.memory_space<hbm>>) dst(%arg6 : memref<128x128xf32, #tpu.memory_space<vmem>>)
    %add3A_47 = arith.constant 256 : i32
    %add3A_48 = arith.addi %mul3A_2, %add3A_47 : i32
    "tpu.region"() ({
      %run_scoped3A = tpu.sem_alloc : memref<!tpu.dma_semaphore, #tpu.memory_space<semaphore_mem>>
      %dma_start3A_209 = arith.constant 0 : i32
      %dma_start3A_210 = tpu.memref_slice %arg4[%add3A_48, %dma_start3A_209] : memref<53248x128xf32, #tpu.memory_space<hbm>> -> memref<128x128xf32, #tpu.memory_space<hbm>>
      %dma_start3A_211 = arith.constant 0 : i32
      %dma_start3A_212 = tpu.memref_slice %arg4[%add3A_48, %dma_start3A_211] : memref<53248x128xf32, #tpu.memory_space<hbm>> -> memref<128x128xf32, #tpu.memory_space<hbm>>
      tpu.enqueue_dma source(%arg6 : memref<128x128xf32, #tpu.memory_space<vmem>>) target(%dma_start3A_212 : memref<128x128xf32, #tpu.memory_space<hbm>>) target_semaphore(%run_scoped3A : memref<!tpu.dma_semaphore, #tpu.memory_space<semaphore_mem>>)
      %dma_wait3A_213 = arith.constant 0 : i32
      %dma_wait3A_214 = tpu.memref_slice %arg4[%add3A_48, %dma_wait3A_213] : memref<53248x128xf32, #tpu.memory_space<hbm>> -> memref<128x128xf32, #tpu.memory_space<hbm>>
      %dma_wait3A_215 = arith.constant 0 : i32
      %dma_wait3A_216 = tpu.memref_slice %arg4[%add3A_48, %dma_wait3A_215] : memref<53248x128xf32, #tpu.memory_space<hbm>> -> memref<128x128xf32, #tpu.memory_space<hbm>>
      tpu.wait_dma2 semaphore(%run_scoped3A : memref<!tpu.dma_semaphore, #tpu.memory_space<semaphore_mem>>) src(%arg6 : memref<128x128xf32, #tpu.memory_space<vmem>>) dst(%dma_wait3A_216 : memref<128x128xf32, #tpu.memory_space<hbm>>)
      tpu.yield
    }) : () -> ()
    %dma_start3A_49 = arith.constant 3 : i32
    %dma_start3A_50 = arith.constant 0 : i32
    %dma_start3A_51 = tpu.memref_slice %arg5[%dma_start3A_49, %dma_start3A_50] : memref<13x128xi32, #tpu.memory_space<vmem>> -> memref<1x128xi32, #tpu.memory_space<vmem>>
    %dma_start3A_52 = tpu.memref_squeeze %dma_start3A_51 : memref<1x128xi32, #tpu.memory_space<vmem>> -> memref<128xi32, #tpu.memory_space<vmem>>
    %dma_start3A_53 = arith.constant 0 : i32
    %dma_start3A_54 = arith.constant 0 : i32
    %dma_start3A_55 = tpu.memref_slice %arg2[%dma_start3A_53, %dma_start3A_54] : memref<10240x128xf32, #tpu.memory_space<hbm>> -> memref<10240x128xf32, #tpu.memory_space<hbm>>
    tpu.enqueue_indirect_dma source(%dma_start3A_55 : memref<10240x128xf32, #tpu.memory_space<hbm>>) target(%arg6 : memref<128x128xf32, #tpu.memory_space<vmem>>) offsets(%dma_start3A_52 : memref<128xi32, #tpu.memory_space<vmem>>) semaphore(%arg7 : memref<!tpu.dma_semaphore, #tpu.memory_space<semaphore_mem>>)
    %dma_wait3A_56 = arith.constant 3 : i32
    %dma_wait3A_57 = arith.constant 0 : i32
    %dma_wait3A_58 = tpu.memref_slice %arg5[%dma_wait3A_56, %dma_wait3A_57] : memref<13x128xi32, #tpu.memory_space<vmem>> -> memref<1x128xi32, #tpu.memory_space<vmem>>
    %dma_wait3A_59 = tpu.memref_squeeze %dma_wait3A_58 : memref<1x128xi32, #tpu.memory_space<vmem>> -> memref<128xi32, #tpu.memory_space<vmem>>
    %dma_wait3A_60 = arith.constant 0 : i32
    %dma_wait3A_61 = arith.constant 0 : i32
    %dma_wait3A_62 = tpu.memref_slice %arg2[%dma_wait3A_60, %dma_wait3A_61] : memref<10240x128xf32, #tpu.memory_space<hbm>> -> memref<10240x128xf32, #tpu.memory_space<hbm>>
    tpu.wait_indirect_dma semaphore(%arg7 : memref<!tpu.dma_semaphore, #tpu.memory_space<semaphore_mem>>) src(%dma_wait3A_62 : memref<10240x128xf32, #tpu.memory_space<hbm>>) dst(%arg6 : memref<128x128xf32, #tpu.memory_space<vmem>>)
    %add3A_63 = arith.constant 384 : i32
    %add3A_64 = arith.addi %mul3A_2, %add3A_63 : i32
    "tpu.region"() ({
      %run_scoped3A = tpu.sem_alloc : memref<!tpu.dma_semaphore, #tpu.memory_space<semaphore_mem>>
      %dma_start3A_209 = arith.constant 0 : i32
      %dma_start3A_210 = tpu.memref_slice %arg4[%add3A_64, %dma_start3A_209] : memref<53248x128xf32, #tpu.memory_space<hbm>> -> memref<128x128xf32, #tpu.memory_space<hbm>>
      %dma_start3A_211 = arith.constant 0 : i32
      %dma_start3A_212 = tpu.memref_slice %arg4[%add3A_64, %dma_start3A_211] : memref<53248x128xf32, #tpu.memory_space<hbm>> -> memref<128x128xf32, #tpu.memory_space<hbm>>
      tpu.enqueue_dma source(%arg6 : memref<128x128xf32, #tpu.memory_space<vmem>>) target(%dma_start3A_212 : memref<128x128xf32, #tpu.memory_space<hbm>>) target_semaphore(%run_scoped3A : memref<!tpu.dma_semaphore, #tpu.memory_space<semaphore_mem>>)
      %dma_wait3A_213 = arith.constant 0 : i32
      %dma_wait3A_214 = tpu.memref_slice %arg4[%add3A_64, %dma_wait3A_213] : memref<53248x128xf32, #tpu.memory_space<hbm>> -> memref<128x128xf32, #tpu.memory_space<hbm>>
      %dma_wait3A_215 = arith.constant 0 : i32
      %dma_wait3A_216 = tpu.memref_slice %arg4[%add3A_64, %dma_wait3A_215] : memref<53248x128xf32, #tpu.memory_space<hbm>> -> memref<128x128xf32, #tpu.memory_space<hbm>>
      tpu.wait_dma2 semaphore(%run_scoped3A : memref<!tpu.dma_semaphore, #tpu.memory_space<semaphore_mem>>) src(%arg6 : memref<128x128xf32, #tpu.memory_space<vmem>>) dst(%dma_wait3A_216 : memref<128x128xf32, #tpu.memory_space<hbm>>)
      tpu.yield
    }) : () -> ()
    %dma_start3A_65 = arith.constant 4 : i32
    %dma_start3A_66 = arith.constant 0 : i32
    %dma_start3A_67 = tpu.memref_slice %arg5[%dma_start3A_65, %dma_start3A_66] : memref<13x128xi32, #tpu.memory_space<vmem>> -> memref<1x128xi32, #tpu.memory_space<vmem>>
    %dma_start3A_68 = tpu.memref_squeeze %dma_start3A_67 : memref<1x128xi32, #tpu.memory_space<vmem>> -> memref<128xi32, #tpu.memory_space<vmem>>
    %dma_start3A_69 = arith.constant 0 : i32
    %dma_start3A_70 = arith.constant 0 : i32
    %dma_start3A_71 = tpu.memref_slice %arg2[%dma_start3A_69, %dma_start3A_70] : memref<10240x128xf32, #tpu.memory_space<hbm>> -> memref<10240x128xf32, #tpu.memory_space<hbm>>
    tpu.enqueue_indirect_dma source(%dma_start3A_71 : memref<10240x128xf32, #tpu.memory_space<hbm>>) target(%arg6 : memref<128x128xf32, #tpu.memory_space<vmem>>) offsets(%dma_start3A_68 : memref<128xi32, #tpu.memory_space<vmem>>) semaphore(%arg7 : memref<!tpu.dma_semaphore, #tpu.memory_space<semaphore_mem>>)
    %dma_wait3A_72 = arith.constant 4 : i32
    %dma_wait3A_73 = arith.constant 0 : i32
    %dma_wait3A_74 = tpu.memref_slice %arg5[%dma_wait3A_72, %dma_wait3A_73] : memref<13x128xi32, #tpu.memory_space<vmem>> -> memref<1x128xi32, #tpu.memory_space<vmem>>
    %dma_wait3A_75 = tpu.memref_squeeze %dma_wait3A_74 : memref<1x128xi32, #tpu.memory_space<vmem>> -> memref<128xi32, #tpu.memory_space<vmem>>
    %dma_wait3A_76 = arith.constant 0 : i32
    %dma_wait3A_77 = arith.constant 0 : i32
    %dma_wait3A_78 = tpu.memref_slice %arg2[%dma_wait3A_76, %dma_wait3A_77] : memref<10240x128xf32, #tpu.memory_space<hbm>> -> memref<10240x128xf32, #tpu.memory_space<hbm>>
    tpu.wait_indirect_dma semaphore(%arg7 : memref<!tpu.dma_semaphore, #tpu.memory_space<semaphore_mem>>) src(%dma_wait3A_78 : memref<10240x128xf32, #tpu.memory_space<hbm>>) dst(%arg6 : memref<128x128xf32, #tpu.memory_space<vmem>>)
    %add3A_79 = arith.constant 512 : i32
    %add3A_80 = arith.addi %mul3A_2, %add3A_79 : i32
    "tpu.region"() ({
      %run_scoped3A = tpu.sem_alloc : memref<!tpu.dma_semaphore, #tpu.memory_space<semaphore_mem>>
      %dma_start3A_209 = arith.constant 0 : i32
      %dma_start3A_210 = tpu.memref_slice %arg4[%add3A_80, %dma_start3A_209] : memref<53248x128xf32, #tpu.memory_space<hbm>> -> memref<128x128xf32, #tpu.memory_space<hbm>>
      %dma_start3A_211 = arith.constant 0 : i32
      %dma_start3A_212 = tpu.memref_slice %arg4[%add3A_80, %dma_start3A_211] : memref<53248x128xf32, #tpu.memory_space<hbm>> -> memref<128x128xf32, #tpu.memory_space<hbm>>
      tpu.enqueue_dma source(%arg6 : memref<128x128xf32, #tpu.memory_space<vmem>>) target(%dma_start3A_212 : memref<128x128xf32, #tpu.memory_space<hbm>>) target_semaphore(%run_scoped3A : memref<!tpu.dma_semaphore, #tpu.memory_space<semaphore_mem>>)
      %dma_wait3A_213 = arith.constant 0 : i32
      %dma_wait3A_214 = tpu.memref_slice %arg4[%add3A_80, %dma_wait3A_213] : memref<53248x128xf32, #tpu.memory_space<hbm>> -> memref<128x128xf32, #tpu.memory_space<hbm>>
      %dma_wait3A_215 = arith.constant 0 : i32
      %dma_wait3A_216 = tpu.memref_slice %arg4[%add3A_80, %dma_wait3A_215] : memref<53248x128xf32, #tpu.memory_space<hbm>> -> memref<128x128xf32, #tpu.memory_space<hbm>>
      tpu.wait_dma2 semaphore(%run_scoped3A : memref<!tpu.dma_semaphore, #tpu.memory_space<semaphore_mem>>) src(%arg6 : memref<128x128xf32, #tpu.memory_space<vmem>>) dst(%dma_wait3A_216 : memref<128x128xf32, #tpu.memory_space<hbm>>)
      tpu.yield
    }) : () -> ()
    %dma_start3A_81 = arith.constant 5 : i32
    %dma_start3A_82 = arith.constant 0 : i32
    %dma_start3A_83 = tpu.memref_slice %arg5[%dma_start3A_81, %dma_start3A_82] : memref<13x128xi32, #tpu.memory_space<vmem>> -> memref<1x128xi32, #tpu.memory_space<vmem>>
    %dma_start3A_84 = tpu.memref_squeeze %dma_start3A_83 : memref<1x128xi32, #tpu.memory_space<vmem>> -> memref<128xi32, #tpu.memory_space<vmem>>
    %dma_start3A_85 = arith.constant 0 : i32
    %dma_start3A_86 = arith.constant 0 : i32
    %dma_start3A_87 = tpu.memref_slice %arg2[%dma_start3A_85, %dma_start3A_86] : memref<10240x128xf32, #tpu.memory_space<hbm>> -> memref<10240x128xf32, #tpu.memory_space<hbm>>
    tpu.enqueue_indirect_dma source(%dma_start3A_87 : memref<10240x128xf32, #tpu.memory_space<hbm>>) target(%arg6 : memref<128x128xf32, #tpu.memory_space<vmem>>) offsets(%dma_start3A_84 : memref<128xi32, #tpu.memory_space<vmem>>) semaphore(%arg7 : memref<!tpu.dma_semaphore, #tpu.memory_space<semaphore_mem>>)
    %dma_wait3A_88 = arith.constant 5 : i32
    %dma_wait3A_89 = arith.constant 0 : i32
    %dma_wait3A_90 = tpu.memref_slice %arg5[%dma_wait3A_88, %dma_wait3A_89] : memref<13x128xi32, #tpu.memory_space<vmem>> -> memref<1x128xi32, #tpu.memory_space<vmem>>
    %dma_wait3A_91 = tpu.memref_squeeze %dma_wait3A_90 : memref<1x128xi32, #tpu.memory_space<vmem>> -> memref<128xi32, #tpu.memory_space<vmem>>
    %dma_wait3A_92 = arith.constant 0 : i32
    %dma_wait3A_93 = arith.constant 0 : i32
    %dma_wait3A_94 = tpu.memref_slice %arg2[%dma_wait3A_92, %dma_wait3A_93] : memref<10240x128xf32, #tpu.memory_space<hbm>> -> memref<10240x128xf32, #tpu.memory_space<hbm>>
    tpu.wait_indirect_dma semaphore(%arg7 : memref<!tpu.dma_semaphore, #tpu.memory_space<semaphore_mem>>) src(%dma_wait3A_94 : memref<10240x128xf32, #tpu.memory_space<hbm>>) dst(%arg6 : memref<128x128xf32, #tpu.memory_space<vmem>>)
    %add3A_95 = arith.constant 640 : i32
    %add3A_96 = arith.addi %mul3A_2, %add3A_95 : i32
    "tpu.region"() ({
      %run_scoped3A = tpu.sem_alloc : memref<!tpu.dma_semaphore, #tpu.memory_space<semaphore_mem>>
      %dma_start3A_209 = arith.constant 0 : i32
      %dma_start3A_210 = tpu.memref_slice %arg4[%add3A_96, %dma_start3A_209] : memref<53248x128xf32, #tpu.memory_space<hbm>> -> memref<128x128xf32, #tpu.memory_space<hbm>>
      %dma_start3A_211 = arith.constant 0 : i32
      %dma_start3A_212 = tpu.memref_slice %arg4[%add3A_96, %dma_start3A_211] : memref<53248x128xf32, #tpu.memory_space<hbm>> -> memref<128x128xf32, #tpu.memory_space<hbm>>
      tpu.enqueue_dma source(%arg6 : memref<128x128xf32, #tpu.memory_space<vmem>>) target(%dma_start3A_212 : memref<128x128xf32, #tpu.memory_space<hbm>>) target_semaphore(%run_scoped3A : memref<!tpu.dma_semaphore, #tpu.memory_space<semaphore_mem>>)
      %dma_wait3A_213 = arith.constant 0 : i32
      %dma_wait3A_214 = tpu.memref_slice %arg4[%add3A_96, %dma_wait3A_213] : memref<53248x128xf32, #tpu.memory_space<hbm>> -> memref<128x128xf32, #tpu.memory_space<hbm>>
      %dma_wait3A_215 = arith.constant 0 : i32
      %dma_wait3A_216 = tpu.memref_slice %arg4[%add3A_96, %dma_wait3A_215] : memref<53248x128xf32, #tpu.memory_space<hbm>> -> memref<128x128xf32, #tpu.memory_space<hbm>>
      tpu.wait_dma2 semaphore(%run_scoped3A : memref<!tpu.dma_semaphore, #tpu.memory_space<semaphore_mem>>) src(%arg6 : memref<128x128xf32, #tpu.memory_space<vmem>>) dst(%dma_wait3A_216 : memref<128x128xf32, #tpu.memory_space<hbm>>)
      tpu.yield
    }) : () -> ()
    %dma_start3A_97 = arith.constant 6 : i32
    %dma_start3A_98 = arith.constant 0 : i32
    %dma_start3A_99 = tpu.memref_slice %arg5[%dma_start3A_97, %dma_start3A_98] : memref<13x128xi32, #tpu.memory_space<vmem>> -> memref<1x128xi32, #tpu.memory_space<vmem>>
    %dma_start3A_100 = tpu.memref_squeeze %dma_start3A_99 : memref<1x128xi32, #tpu.memory_space<vmem>> -> memref<128xi32, #tpu.memory_space<vmem>>
    %dma_start3A_101 = arith.constant 0 : i32
    %dma_start3A_102 = arith.constant 0 : i32
    %dma_start3A_103 = tpu.memref_slice %arg2[%dma_start3A_101, %dma_start3A_102] : memref<10240x128xf32, #tpu.memory_space<hbm>> -> memref<10240x128xf32, #tpu.memory_space<hbm>>
    tpu.enqueue_indirect_dma source(%dma_start3A_103 : memref<10240x128xf32, #tpu.memory_space<hbm>>) target(%arg6 : memref<128x128xf32, #tpu.memory_space<vmem>>) offsets(%dma_start3A_100 : memref<128xi32, #tpu.memory_space<vmem>>) semaphore(%arg7 : memref<!tpu.dma_semaphore, #tpu.memory_space<semaphore_mem>>)
    %dma_wait3A_104 = arith.constant 6 : i32
    %dma_wait3A_105 = arith.constant 0 : i32
    %dma_wait3A_106 = tpu.memref_slice %arg5[%dma_wait3A_104, %dma_wait3A_105] : memref<13x128xi32, #tpu.memory_space<vmem>> -> memref<1x128xi32, #tpu.memory_space<vmem>>
    %dma_wait3A_107 = tpu.memref_squeeze %dma_wait3A_106 : memref<1x128xi32, #tpu.memory_space<vmem>> -> memref<128xi32, #tpu.memory_space<vmem>>
    %dma_wait3A_108 = arith.constant 0 : i32
    %dma_wait3A_109 = arith.constant 0 : i32
    %dma_wait3A_110 = tpu.memref_slice %arg2[%dma_wait3A_108, %dma_wait3A_109] : memref<10240x128xf32, #tpu.memory_space<hbm>> -> memref<10240x128xf32, #tpu.memory_space<hbm>>
    tpu.wait_indirect_dma semaphore(%arg7 : memref<!tpu.dma_semaphore, #tpu.memory_space<semaphore_mem>>) src(%dma_wait3A_110 : memref<10240x128xf32, #tpu.memory_space<hbm>>) dst(%arg6 : memref<128x128xf32, #tpu.memory_space<vmem>>)
    %add3A_111 = arith.constant 768 : i32
    %add3A_112 = arith.addi %mul3A_2, %add3A_111 : i32
    "tpu.region"() ({
      %run_scoped3A = tpu.sem_alloc : memref<!tpu.dma_semaphore, #tpu.memory_space<semaphore_mem>>
      %dma_start3A_209 = arith.constant 0 : i32
      %dma_start3A_210 = tpu.memref_slice %arg4[%add3A_112, %dma_start3A_209] : memref<53248x128xf32, #tpu.memory_space<hbm>> -> memref<128x128xf32, #tpu.memory_space<hbm>>
      %dma_start3A_211 = arith.constant 0 : i32
      %dma_start3A_212 = tpu.memref_slice %arg4[%add3A_112, %dma_start3A_211] : memref<53248x128xf32, #tpu.memory_space<hbm>> -> memref<128x128xf32, #tpu.memory_space<hbm>>
      tpu.enqueue_dma source(%arg6 : memref<128x128xf32, #tpu.memory_space<vmem>>) target(%dma_start3A_212 : memref<128x128xf32, #tpu.memory_space<hbm>>) target_semaphore(%run_scoped3A : memref<!tpu.dma_semaphore, #tpu.memory_space<semaphore_mem>>)
      %dma_wait3A_213 = arith.constant 0 : i32
      %dma_wait3A_214 = tpu.memref_slice %arg4[%add3A_112, %dma_wait3A_213] : memref<53248x128xf32, #tpu.memory_space<hbm>> -> memref<128x128xf32, #tpu.memory_space<hbm>>
      %dma_wait3A_215 = arith.constant 0 : i32
      %dma_wait3A_216 = tpu.memref_slice %arg4[%add3A_112, %dma_wait3A_215] : memref<53248x128xf32, #tpu.memory_space<hbm>> -> memref<128x128xf32, #tpu.memory_space<hbm>>
      tpu.wait_dma2 semaphore(%run_scoped3A : memref<!tpu.dma_semaphore, #tpu.memory_space<semaphore_mem>>) src(%arg6 : memref<128x128xf32, #tpu.memory_space<vmem>>) dst(%dma_wait3A_216 : memref<128x128xf32, #tpu.memory_space<hbm>>)
      tpu.yield
    }) : () -> ()
    %dma_start3A_113 = arith.constant 7 : i32
    %dma_start3A_114 = arith.constant 0 : i32
    %dma_start3A_115 = tpu.memref_slice %arg5[%dma_start3A_113, %dma_start3A_114] : memref<13x128xi32, #tpu.memory_space<vmem>> -> memref<1x128xi32, #tpu.memory_space<vmem>>
    %dma_start3A_116 = tpu.memref_squeeze %dma_start3A_115 : memref<1x128xi32, #tpu.memory_space<vmem>> -> memref<128xi32, #tpu.memory_space<vmem>>
    %dma_start3A_117 = arith.constant 0 : i32
    %dma_start3A_118 = arith.constant 0 : i32
    %dma_start3A_119 = tpu.memref_slice %arg2[%dma_start3A_117, %dma_start3A_118] : memref<10240x128xf32, #tpu.memory_space<hbm>> -> memref<10240x128xf32, #tpu.memory_space<hbm>>
    tpu.enqueue_indirect_dma source(%dma_start3A_119 : memref<10240x128xf32, #tpu.memory_space<hbm>>) target(%arg6 : memref<128x128xf32, #tpu.memory_space<vmem>>) offsets(%dma_start3A_116 : memref<128xi32, #tpu.memory_space<vmem>>) semaphore(%arg7 : memref<!tpu.dma_semaphore, #tpu.memory_space<semaphore_mem>>)
    %dma_wait3A_120 = arith.constant 7 : i32
    %dma_wait3A_121 = arith.constant 0 : i32
    %dma_wait3A_122 = tpu.memref_slice %arg5[%dma_wait3A_120, %dma_wait3A_121] : memref<13x128xi32, #tpu.memory_space<vmem>> -> memref<1x128xi32, #tpu.memory_space<vmem>>
    %dma_wait3A_123 = tpu.memref_squeeze %dma_wait3A_122 : memref<1x128xi32, #tpu.memory_space<vmem>> -> memref<128xi32, #tpu.memory_space<vmem>>
    %dma_wait3A_124 = arith.constant 0 : i32
    %dma_wait3A_125 = arith.constant 0 : i32
    %dma_wait3A_126 = tpu.memref_slice %arg2[%dma_wait3A_124, %dma_wait3A_125] : memref<10240x128xf32, #tpu.memory_space<hbm>> -> memref<10240x128xf32, #tpu.memory_space<hbm>>
    tpu.wait_indirect_dma semaphore(%arg7 : memref<!tpu.dma_semaphore, #tpu.memory_space<semaphore_mem>>) src(%dma_wait3A_126 : memref<10240x128xf32, #tpu.memory_space<hbm>>) dst(%arg6 : memref<128x128xf32, #tpu.memory_space<vmem>>)
    %add3A_127 = arith.constant 896 : i32
    %add3A_128 = arith.addi %mul3A_2, %add3A_127 : i32
    "tpu.region"() ({
      %run_scoped3A = tpu.sem_alloc : memref<!tpu.dma_semaphore, #tpu.memory_space<semaphore_mem>>
      %dma_start3A_209 = arith.constant 0 : i32
      %dma_start3A_210 = tpu.memref_slice %arg4[%add3A_128, %dma_start3A_209] : memref<53248x128xf32, #tpu.memory_space<hbm>> -> memref<128x128xf32, #tpu.memory_space<hbm>>
      %dma_start3A_211 = arith.constant 0 : i32
      %dma_start3A_212 = tpu.memref_slice %arg4[%add3A_128, %dma_start3A_211] : memref<53248x128xf32, #tpu.memory_space<hbm>> -> memref<128x128xf32, #tpu.memory_space<hbm>>
      tpu.enqueue_dma source(%arg6 : memref<128x128xf32, #tpu.memory_space<vmem>>) target(%dma_start3A_212 : memref<128x128xf32, #tpu.memory_space<hbm>>) target_semaphore(%run_scoped3A : memref<!tpu.dma_semaphore, #tpu.memory_space<semaphore_mem>>)
      %dma_wait3A_213 = arith.constant 0 : i32
      %dma_wait3A_214 = tpu.memref_slice %arg4[%add3A_128, %dma_wait3A_213] : memref<53248x128xf32, #tpu.memory_space<hbm>> -> memref<128x128xf32, #tpu.memory_space<hbm>>
      %dma_wait3A_215 = arith.constant 0 : i32
      %dma_wait3A_216 = tpu.memref_slice %arg4[%add3A_128, %dma_wait3A_215] : memref<53248x128xf32, #tpu.memory_space<hbm>> -> memref<128x128xf32, #tpu.memory_space<hbm>>
      tpu.wait_dma2 semaphore(%run_scoped3A : memref<!tpu.dma_semaphore, #tpu.memory_space<semaphore_mem>>) src(%arg6 : memref<128x128xf32, #tpu.memory_space<vmem>>) dst(%dma_wait3A_216 : memref<128x128xf32, #tpu.memory_space<hbm>>)
      tpu.yield
    }) : () -> ()
    %dma_start3A_129 = arith.constant 8 : i32
    %dma_start3A_130 = arith.constant 0 : i32
    %dma_start3A_131 = tpu.memref_slice %arg5[%dma_start3A_129, %dma_start3A_130] : memref<13x128xi32, #tpu.memory_space<vmem>> -> memref<1x128xi32, #tpu.memory_space<vmem>>
    %dma_start3A_132 = tpu.memref_squeeze %dma_start3A_131 : memref<1x128xi32, #tpu.memory_space<vmem>> -> memref<128xi32, #tpu.memory_space<vmem>>
    %dma_start3A_133 = arith.constant 0 : i32
    %dma_start3A_134 = arith.constant 0 : i32
    %dma_start3A_135 = tpu.memref_slice %arg2[%dma_start3A_133, %dma_start3A_134] : memref<10240x128xf32, #tpu.memory_space<hbm>> -> memref<10240x128xf32, #tpu.memory_space<hbm>>
    tpu.enqueue_indirect_dma source(%dma_start3A_135 : memref<10240x128xf32, #tpu.memory_space<hbm>>) target(%arg6 : memref<128x128xf32, #tpu.memory_space<vmem>>) offsets(%dma_start3A_132 : memref<128xi32, #tpu.memory_space<vmem>>) semaphore(%arg7 : memref<!tpu.dma_semaphore, #tpu.memory_space<semaphore_mem>>)
    %dma_wait3A_136 = arith.constant 8 : i32
    %dma_wait3A_137 = arith.constant 0 : i32
    %dma_wait3A_138 = tpu.memref_slice %arg5[%dma_wait3A_136, %dma_wait3A_137] : memref<13x128xi32, #tpu.memory_space<vmem>> -> memref<1x128xi32, #tpu.memory_space<vmem>>
    %dma_wait3A_139 = tpu.memref_squeeze %dma_wait3A_138 : memref<1x128xi32, #tpu.memory_space<vmem>> -> memref<128xi32, #tpu.memory_space<vmem>>
    %dma_wait3A_140 = arith.constant 0 : i32
    %dma_wait3A_141 = arith.constant 0 : i32
    %dma_wait3A_142 = tpu.memref_slice %arg2[%dma_wait3A_140, %dma_wait3A_141] : memref<10240x128xf32, #tpu.memory_space<hbm>> -> memref<10240x128xf32, #tpu.memory_space<hbm>>
    tpu.wait_indirect_dma semaphore(%arg7 : memref<!tpu.dma_semaphore, #tpu.memory_space<semaphore_mem>>) src(%dma_wait3A_142 : memref<10240x128xf32, #tpu.memory_space<hbm>>) dst(%arg6 : memref<128x128xf32, #tpu.memory_space<vmem>>)
    %add3A_143 = arith.constant 1024 : i32
    %add3A_144 = arith.addi %mul3A_2, %add3A_143 : i32
    "tpu.region"() ({
      %run_scoped3A = tpu.sem_alloc : memref<!tpu.dma_semaphore, #tpu.memory_space<semaphore_mem>>
      %dma_start3A_209 = arith.constant 0 : i32
      %dma_start3A_210 = tpu.memref_slice %arg4[%add3A_144, %dma_start3A_209] : memref<53248x128xf32, #tpu.memory_space<hbm>> -> memref<128x128xf32, #tpu.memory_space<hbm>>
      %dma_start3A_211 = arith.constant 0 : i32
      %dma_start3A_212 = tpu.memref_slice %arg4[%add3A_144, %dma_start3A_211] : memref<53248x128xf32, #tpu.memory_space<hbm>> -> memref<128x128xf32, #tpu.memory_space<hbm>>
      tpu.enqueue_dma source(%arg6 : memref<128x128xf32, #tpu.memory_space<vmem>>) target(%dma_start3A_212 : memref<128x128xf32, #tpu.memory_space<hbm>>) target_semaphore(%run_scoped3A : memref<!tpu.dma_semaphore, #tpu.memory_space<semaphore_mem>>)
      %dma_wait3A_213 = arith.constant 0 : i32
      %dma_wait3A_214 = tpu.memref_slice %arg4[%add3A_144, %dma_wait3A_213] : memref<53248x128xf32, #tpu.memory_space<hbm>> -> memref<128x128xf32, #tpu.memory_space<hbm>>
      %dma_wait3A_215 = arith.constant 0 : i32
      %dma_wait3A_216 = tpu.memref_slice %arg4[%add3A_144, %dma_wait3A_215] : memref<53248x128xf32, #tpu.memory_space<hbm>> -> memref<128x128xf32, #tpu.memory_space<hbm>>
      tpu.wait_dma2 semaphore(%run_scoped3A : memref<!tpu.dma_semaphore, #tpu.memory_space<semaphore_mem>>) src(%arg6 : memref<128x128xf32, #tpu.memory_space<vmem>>) dst(%dma_wait3A_216 : memref<128x128xf32, #tpu.memory_space<hbm>>)
      tpu.yield
    }) : () -> ()
    %dma_start3A_145 = arith.constant 9 : i32
    %dma_start3A_146 = arith.constant 0 : i32
    %dma_start3A_147 = tpu.memref_slice %arg5[%dma_start3A_145, %dma_start3A_146] : memref<13x128xi32, #tpu.memory_space<vmem>> -> memref<1x128xi32, #tpu.memory_space<vmem>>
    %dma_start3A_148 = tpu.memref_squeeze %dma_start3A_147 : memref<1x128xi32, #tpu.memory_space<vmem>> -> memref<128xi32, #tpu.memory_space<vmem>>
    %dma_start3A_149 = arith.constant 0 : i32
    %dma_start3A_150 = arith.constant 0 : i32
    %dma_start3A_151 = tpu.memref_slice %arg2[%dma_start3A_149, %dma_start3A_150] : memref<10240x128xf32, #tpu.memory_space<hbm>> -> memref<10240x128xf32, #tpu.memory_space<hbm>>
    tpu.enqueue_indirect_dma source(%dma_start3A_151 : memref<10240x128xf32, #tpu.memory_space<hbm>>) target(%arg6 : memref<128x128xf32, #tpu.memory_space<vmem>>) offsets(%dma_start3A_148 : memref<128xi32, #tpu.memory_space<vmem>>) semaphore(%arg7 : memref<!tpu.dma_semaphore, #tpu.memory_space<semaphore_mem>>)
    %dma_wait3A_152 = arith.constant 9 : i32
    %dma_wait3A_153 = arith.constant 0 : i32
    %dma_wait3A_154 = tpu.memref_slice %arg5[%dma_wait3A_152, %dma_wait3A_153] : memref<13x128xi32, #tpu.memory_space<vmem>> -> memref<1x128xi32, #tpu.memory_space<vmem>>
    %dma_wait3A_155 = tpu.memref_squeeze %dma_wait3A_154 : memref<1x128xi32, #tpu.memory_space<vmem>> -> memref<128xi32, #tpu.memory_space<vmem>>
    %dma_wait3A_156 = arith.constant 0 : i32
    %dma_wait3A_157 = arith.constant 0 : i32
    %dma_wait3A_158 = tpu.memref_slice %arg2[%dma_wait3A_156, %dma_wait3A_157] : memref<10240x128xf32, #tpu.memory_space<hbm>> -> memref<10240x128xf32, #tpu.memory_space<hbm>>
    tpu.wait_indirect_dma semaphore(%arg7 : memref<!tpu.dma_semaphore, #tpu.memory_space<semaphore_mem>>) src(%dma_wait3A_158 : memref<10240x128xf32, #tpu.memory_space<hbm>>) dst(%arg6 : memref<128x128xf32, #tpu.memory_space<vmem>>)
    %add3A_159 = arith.constant 1152 : i32
    %add3A_160 = arith.addi %mul3A_2, %add3A_159 : i32
    "tpu.region"() ({
      %run_scoped3A = tpu.sem_alloc : memref<!tpu.dma_semaphore, #tpu.memory_space<semaphore_mem>>
      %dma_start3A_209 = arith.constant 0 : i32
      %dma_start3A_210 = tpu.memref_slice %arg4[%add3A_160, %dma_start3A_209] : memref<53248x128xf32, #tpu.memory_space<hbm>> -> memref<128x128xf32, #tpu.memory_space<hbm>>
      %dma_start3A_211 = arith.constant 0 : i32
      %dma_start3A_212 = tpu.memref_slice %arg4[%add3A_160, %dma_start3A_211] : memref<53248x128xf32, #tpu.memory_space<hbm>> -> memref<128x128xf32, #tpu.memory_space<hbm>>
      tpu.enqueue_dma source(%arg6 : memref<128x128xf32, #tpu.memory_space<vmem>>) target(%dma_start3A_212 : memref<128x128xf32, #tpu.memory_space<hbm>>) target_semaphore(%run_scoped3A : memref<!tpu.dma_semaphore, #tpu.memory_space<semaphore_mem>>)
      %dma_wait3A_213 = arith.constant 0 : i32
      %dma_wait3A_214 = tpu.memref_slice %arg4[%add3A_160, %dma_wait3A_213] : memref<53248x128xf32, #tpu.memory_space<hbm>> -> memref<128x128xf32, #tpu.memory_space<hbm>>
      %dma_wait3A_215 = arith.constant 0 : i32
      %dma_wait3A_216 = tpu.memref_slice %arg4[%add3A_160, %dma_wait3A_215] : memref<53248x128xf32, #tpu.memory_space<hbm>> -> memref<128x128xf32, #tpu.memory_space<hbm>>
      tpu.wait_dma2 semaphore(%run_scoped3A : memref<!tpu.dma_semaphore, #tpu.memory_space<semaphore_mem>>) src(%arg6 : memref<128x128xf32, #tpu.memory_space<vmem>>) dst(%dma_wait3A_216 : memref<128x128xf32, #tpu.memory_space<hbm>>)
      tpu.yield
    }) : () -> ()
    %dma_start3A_161 = arith.constant 10 : i32
    %dma_start3A_162 = arith.constant 0 : i32
    %dma_start3A_163 = tpu.memref_slice %arg5[%dma_start3A_161, %dma_start3A_162] : memref<13x128xi32, #tpu.memory_space<vmem>> -> memref<1x128xi32, #tpu.memory_space<vmem>>
    %dma_start3A_164 = tpu.memref_squeeze %dma_start3A_163 : memref<1x128xi32, #tpu.memory_space<vmem>> -> memref<128xi32, #tpu.memory_space<vmem>>
    %dma_start3A_165 = arith.constant 0 : i32
    %dma_start3A_166 = arith.constant 0 : i32
    %dma_start3A_167 = tpu.memref_slice %arg2[%dma_start3A_165, %dma_start3A_166] : memref<10240x128xf32, #tpu.memory_space<hbm>> -> memref<10240x128xf32, #tpu.memory_space<hbm>>
    tpu.enqueue_indirect_dma source(%dma_start3A_167 : memref<10240x128xf32, #tpu.memory_space<hbm>>) target(%arg6 : memref<128x128xf32, #tpu.memory_space<vmem>>) offsets(%dma_start3A_164 : memref<128xi32, #tpu.memory_space<vmem>>) semaphore(%arg7 : memref<!tpu.dma_semaphore, #tpu.memory_space<semaphore_mem>>)
    %dma_wait3A_168 = arith.constant 10 : i32
    %dma_wait3A_169 = arith.constant 0 : i32
    %dma_wait3A_170 = tpu.memref_slice %arg5[%dma_wait3A_168, %dma_wait3A_169] : memref<13x128xi32, #tpu.memory_space<vmem>> -> memref<1x128xi32, #tpu.memory_space<vmem>>
    %dma_wait3A_171 = tpu.memref_squeeze %dma_wait3A_170 : memref<1x128xi32, #tpu.memory_space<vmem>> -> memref<128xi32, #tpu.memory_space<vmem>>
    %dma_wait3A_172 = arith.constant 0 : i32
    %dma_wait3A_173 = arith.constant 0 : i32
    %dma_wait3A_174 = tpu.memref_slice %arg2[%dma_wait3A_172, %dma_wait3A_173] : memref<10240x128xf32, #tpu.memory_space<hbm>> -> memref<10240x128xf32, #tpu.memory_space<hbm>>
    tpu.wait_indirect_dma semaphore(%arg7 : memref<!tpu.dma_semaphore, #tpu.memory_space<semaphore_mem>>) src(%dma_wait3A_174 : memref<10240x128xf32, #tpu.memory_space<hbm>>) dst(%arg6 : memref<128x128xf32, #tpu.memory_space<vmem>>)
    %add3A_175 = arith.constant 1280 : i32
    %add3A_176 = arith.addi %mul3A_2, %add3A_175 : i32
    "tpu.region"() ({
      %run_scoped3A = tpu.sem_alloc : memref<!tpu.dma_semaphore, #tpu.memory_space<semaphore_mem>>
      %dma_start3A_209 = arith.constant 0 : i32
      %dma_start3A_210 = tpu.memref_slice %arg4[%add3A_176, %dma_start3A_209] : memref<53248x128xf32, #tpu.memory_space<hbm>> -> memref<128x128xf32, #tpu.memory_space<hbm>>
      %dma_start3A_211 = arith.constant 0 : i32
      %dma_start3A_212 = tpu.memref_slice %arg4[%add3A_176, %dma_start3A_211] : memref<53248x128xf32, #tpu.memory_space<hbm>> -> memref<128x128xf32, #tpu.memory_space<hbm>>
      tpu.enqueue_dma source(%arg6 : memref<128x128xf32, #tpu.memory_space<vmem>>) target(%dma_start3A_212 : memref<128x128xf32, #tpu.memory_space<hbm>>) target_semaphore(%run_scoped3A : memref<!tpu.dma_semaphore, #tpu.memory_space<semaphore_mem>>)
      %dma_wait3A_213 = arith.constant 0 : i32
      %dma_wait3A_214 = tpu.memref_slice %arg4[%add3A_176, %dma_wait3A_213] : memref<53248x128xf32, #tpu.memory_space<hbm>> -> memref<128x128xf32, #tpu.memory_space<hbm>>
      %dma_wait3A_215 = arith.constant 0 : i32
      %dma_wait3A_216 = tpu.memref_slice %arg4[%add3A_176, %dma_wait3A_215] : memref<53248x128xf32, #tpu.memory_space<hbm>> -> memref<128x128xf32, #tpu.memory_space<hbm>>
      tpu.wait_dma2 semaphore(%run_scoped3A : memref<!tpu.dma_semaphore, #tpu.memory_space<semaphore_mem>>) src(%arg6 : memref<128x128xf32, #tpu.memory_space<vmem>>) dst(%dma_wait3A_216 : memref<128x128xf32, #tpu.memory_space<hbm>>)
      tpu.yield
    }) : () -> ()
    %dma_start3A_177 = arith.constant 11 : i32
    %dma_start3A_178 = arith.constant 0 : i32
    %dma_start3A_179 = tpu.memref_slice %arg5[%dma_start3A_177, %dma_start3A_178] : memref<13x128xi32, #tpu.memory_space<vmem>> -> memref<1x128xi32, #tpu.memory_space<vmem>>
    %dma_start3A_180 = tpu.memref_squeeze %dma_start3A_179 : memref<1x128xi32, #tpu.memory_space<vmem>> -> memref<128xi32, #tpu.memory_space<vmem>>
    %dma_start3A_181 = arith.constant 0 : i32
    %dma_start3A_182 = arith.constant 0 : i32
    %dma_start3A_183 = tpu.memref_slice %arg2[%dma_start3A_181, %dma_start3A_182] : memref<10240x128xf32, #tpu.memory_space<hbm>> -> memref<10240x128xf32, #tpu.memory_space<hbm>>
    tpu.enqueue_indirect_dma source(%dma_start3A_183 : memref<10240x128xf32, #tpu.memory_space<hbm>>) target(%arg6 : memref<128x128xf32, #tpu.memory_space<vmem>>) offsets(%dma_start3A_180 : memref<128xi32, #tpu.memory_space<vmem>>) semaphore(%arg7 : memref<!tpu.dma_semaphore, #tpu.memory_space<semaphore_mem>>)
    %dma_wait3A_184 = arith.constant 11 : i32
    %dma_wait3A_185 = arith.constant 0 : i32
    %dma_wait3A_186 = tpu.memref_slice %arg5[%dma_wait3A_184, %dma_wait3A_185] : memref<13x128xi32, #tpu.memory_space<vmem>> -> memref<1x128xi32, #tpu.memory_space<vmem>>
    %dma_wait3A_187 = tpu.memref_squeeze %dma_wait3A_186 : memref<1x128xi32, #tpu.memory_space<vmem>> -> memref<128xi32, #tpu.memory_space<vmem>>
    %dma_wait3A_188 = arith.constant 0 : i32
    %dma_wait3A_189 = arith.constant 0 : i32
    %dma_wait3A_190 = tpu.memref_slice %arg2[%dma_wait3A_188, %dma_wait3A_189] : memref<10240x128xf32, #tpu.memory_space<hbm>> -> memref<10240x128xf32, #tpu.memory_space<hbm>>
    tpu.wait_indirect_dma semaphore(%arg7 : memref<!tpu.dma_semaphore, #tpu.memory_space<semaphore_mem>>) src(%dma_wait3A_190 : memref<10240x128xf32, #tpu.memory_space<hbm>>) dst(%arg6 : memref<128x128xf32, #tpu.memory_space<vmem>>)
    %add3A_191 = arith.constant 1408 : i32
    %add3A_192 = arith.addi %mul3A_2, %add3A_191 : i32
    "tpu.region"() ({
      %run_scoped3A = tpu.sem_alloc : memref<!tpu.dma_semaphore, #tpu.memory_space<semaphore_mem>>
      %dma_start3A_209 = arith.constant 0 : i32
      %dma_start3A_210 = tpu.memref_slice %arg4[%add3A_192, %dma_start3A_209] : memref<53248x128xf32, #tpu.memory_space<hbm>> -> memref<128x128xf32, #tpu.memory_space<hbm>>
      %dma_start3A_211 = arith.constant 0 : i32
      %dma_start3A_212 = tpu.memref_slice %arg4[%add3A_192, %dma_start3A_211] : memref<53248x128xf32, #tpu.memory_space<hbm>> -> memref<128x128xf32, #tpu.memory_space<hbm>>
      tpu.enqueue_dma source(%arg6 : memref<128x128xf32, #tpu.memory_space<vmem>>) target(%dma_start3A_212 : memref<128x128xf32, #tpu.memory_space<hbm>>) target_semaphore(%run_scoped3A : memref<!tpu.dma_semaphore, #tpu.memory_space<semaphore_mem>>)
      %dma_wait3A_213 = arith.constant 0 : i32
      %dma_wait3A_214 = tpu.memref_slice %arg4[%add3A_192, %dma_wait3A_213] : memref<53248x128xf32, #tpu.memory_space<hbm>> -> memref<128x128xf32, #tpu.memory_space<hbm>>
      %dma_wait3A_215 = arith.constant 0 : i32
      %dma_wait3A_216 = tpu.memref_slice %arg4[%add3A_192, %dma_wait3A_215] : memref<53248x128xf32, #tpu.memory_space<hbm>> -> memref<128x128xf32, #tpu.memory_space<hbm>>
      tpu.wait_dma2 semaphore(%run_scoped3A : memref<!tpu.dma_semaphore, #tpu.memory_space<semaphore_mem>>) src(%arg6 : memref<128x128xf32, #tpu.memory_space<vmem>>) dst(%dma_wait3A_216 : memref<128x128xf32, #tpu.memory_space<hbm>>)
      tpu.yield
    }) : () -> ()
    %dma_start3A_193 = arith.constant 12 : i32
    %dma_start3A_194 = arith.constant 0 : i32
    %dma_start3A_195 = tpu.memref_slice %arg5[%dma_start3A_193, %dma_start3A_194] : memref<13x128xi32, #tpu.memory_space<vmem>> -> memref<1x128xi32, #tpu.memory_space<vmem>>
    %dma_start3A_196 = tpu.memref_squeeze %dma_start3A_195 : memref<1x128xi32, #tpu.memory_space<vmem>> -> memref<128xi32, #tpu.memory_space<vmem>>
    %dma_start3A_197 = arith.constant 0 : i32
    %dma_start3A_198 = arith.constant 0 : i32
    %dma_start3A_199 = tpu.memref_slice %arg2[%dma_start3A_197, %dma_start3A_198] : memref<10240x128xf32, #tpu.memory_space<hbm>> -> memref<10240x128xf32, #tpu.memory_space<hbm>>
    tpu.enqueue_indirect_dma source(%dma_start3A_199 : memref<10240x128xf32, #tpu.memory_space<hbm>>) target(%arg6 : memref<128x128xf32, #tpu.memory_space<vmem>>) offsets(%dma_start3A_196 : memref<128xi32, #tpu.memory_space<vmem>>) semaphore(%arg7 : memref<!tpu.dma_semaphore, #tpu.memory_space<semaphore_mem>>)
    %dma_wait3A_200 = arith.constant 12 : i32
    %dma_wait3A_201 = arith.constant 0 : i32
    %dma_wait3A_202 = tpu.memref_slice %arg5[%dma_wait3A_200, %dma_wait3A_201] : memref<13x128xi32, #tpu.memory_space<vmem>> -> memref<1x128xi32, #tpu.memory_space<vmem>>
    %dma_wait3A_203 = tpu.memref_squeeze %dma_wait3A_202 : memref<1x128xi32, #tpu.memory_space<vmem>> -> memref<128xi32, #tpu.memory_space<vmem>>
    %dma_wait3A_204 = arith.constant 0 : i32
    %dma_wait3A_205 = arith.constant 0 : i32
    %dma_wait3A_206 = tpu.memref_slice %arg2[%dma_wait3A_204, %dma_wait3A_205] : memref<10240x128xf32, #tpu.memory_space<hbm>> -> memref<10240x128xf32, #tpu.memory_space<hbm>>
    tpu.wait_indirect_dma semaphore(%arg7 : memref<!tpu.dma_semaphore, #tpu.memory_space<semaphore_mem>>) src(%dma_wait3A_206 : memref<10240x128xf32, #tpu.memory_space<hbm>>) dst(%arg6 : memref<128x128xf32, #tpu.memory_space<vmem>>)
    %add3A_207 = arith.constant 1536 : i32
    %add3A_208 = arith.addi %mul3A_2, %add3A_207 : i32
    "tpu.region"() ({
      %run_scoped3A = tpu.sem_alloc : memref<!tpu.dma_semaphore, #tpu.memory_space<semaphore_mem>>
      %dma_start3A_209 = arith.constant 0 : i32
      %dma_start3A_210 = tpu.memref_slice %arg4[%add3A_208, %dma_start3A_209] : memref<53248x128xf32, #tpu.memory_space<hbm>> -> memref<128x128xf32, #tpu.memory_space<hbm>>
      %dma_start3A_211 = arith.constant 0 : i32
      %dma_start3A_212 = tpu.memref_slice %arg4[%add3A_208, %dma_start3A_211] : memref<53248x128xf32, #tpu.memory_space<hbm>> -> memref<128x128xf32, #tpu.memory_space<hbm>>
      tpu.enqueue_dma source(%arg6 : memref<128x128xf32, #tpu.memory_space<vmem>>) target(%dma_start3A_212 : memref<128x128xf32, #tpu.memory_space<hbm>>) target_semaphore(%run_scoped3A : memref<!tpu.dma_semaphore, #tpu.memory_space<semaphore_mem>>)
      %dma_wait3A_213 = arith.constant 0 : i32
      %dma_wait3A_214 = tpu.memref_slice %arg4[%add3A_208, %dma_wait3A_213] : memref<53248x128xf32, #tpu.memory_space<hbm>> -> memref<128x128xf32, #tpu.memory_space<hbm>>
      %dma_wait3A_215 = arith.constant 0 : i32
      %dma_wait3A_216 = tpu.memref_slice %arg4[%add3A_208, %dma_wait3A_215] : memref<53248x128xf32, #tpu.memory_space<hbm>> -> memref<128x128xf32, #tpu.memory_space<hbm>>
      tpu.wait_dma2 semaphore(%run_scoped3A : memref<!tpu.dma_semaphore, #tpu.memory_space<semaphore_mem>>) src(%arg6 : memref<128x128xf32, #tpu.memory_space<vmem>>) dst(%dma_wait3A_216 : memref<128x128xf32, #tpu.memory_space<hbm>>)
      tpu.yield
    }) : () -> ()
    return
  }
}

#map = affine_map<(d0, d1) -> (0, 0)>
#map1 = affine_map<(d0, d1) -> (0, 0, 0)>
module attributes {stable_mosaic.version = 14 : i64} {
  func.func @sc_scatter(%arg0: i32, %arg1: i32, %arg2: memref<53248x128xf32, #tpu.memory_space<hbm>>, %arg3: memref<32x13x128xi32, #tpu.memory_space<hbm>>, %arg4: memref<10240x128xf32, #tpu.memory_space<hbm>>, %arg5: memref<2x10240x128xf32, #tpu.memory_space<hbm>>, %arg6: memref<13x128xi32, #tpu.memory_space<vmem>>, %arg7: memref<128x128xf32, #tpu.memory_space<vmem>>, %arg8: memref<10240x128xf32, #tpu.memory_space<vmem_shared>>, %arg9: memref<!tpu.dma_semaphore, #tpu.memory_space<semaphore_mem>>) attributes {dimension_semantics = [#tpu.dimension_semantics<core_parallel>, #tpu.dimension_semantics<subcore_parallel>], iteration_bounds = array<i64: 2, 16>, scalar_prefetch = 0 : i64, scratch_operands = 4 : i64, tpu.core_type = #tpu.core_type<sc_vector_subcore>, window_params = [{transform_indices = #map}, {transform_indices = #map1}, {transform_indices = #map}, {transform_indices = #map1}]} {
    %mul3A = arith.constant 16 : i32
    %mul3A_0 = arith.muli %arg0, %mul3A : i32
    %add3A = arith.addi %mul3A_0, %arg1 : i32
    %mul3A_1 = arith.constant 640 : i32
    %mul3A_2 = arith.muli %arg1, %mul3A_1 : i32
    "tpu.region"() ({
      %run_scoped3A_44 = tpu.sem_alloc : memref<!tpu.dma_semaphore, #tpu.memory_space<semaphore_mem>>
      %dma_start3A = arith.constant 0 : i32
      %dma_start3A_45 = tpu.memref_slice %arg8[%mul3A_2, %dma_start3A] : memref<10240x128xf32, #tpu.memory_space<vmem_shared>> -> memref<640x128xf32, #tpu.memory_space<vmem_shared>>
      %dma_start3A_46 = arith.constant 0 : i32
      %dma_start3A_47 = tpu.memref_slice %arg4[%mul3A_2, %dma_start3A_46] : memref<10240x128xf32, #tpu.memory_space<hbm>> -> memref<640x128xf32, #tpu.memory_space<hbm>>
      tpu.enqueue_dma source(%dma_start3A_47 : memref<640x128xf32, #tpu.memory_space<hbm>>) target(%dma_start3A_45 : memref<640x128xf32, #tpu.memory_space<vmem_shared>>) target_semaphore(%run_scoped3A_44 : memref<!tpu.dma_semaphore, #tpu.memory_space<semaphore_mem>>)
      %dma_wait3A = arith.constant 0 : i32
      %dma_wait3A_48 = tpu.memref_slice %arg8[%mul3A_2, %dma_wait3A] : memref<10240x128xf32, #tpu.memory_space<vmem_shared>> -> memref<640x128xf32, #tpu.memory_space<vmem_shared>>
      %dma_wait3A_49 = arith.constant 0 : i32
      %dma_wait3A_50 = tpu.memref_slice %arg4[%mul3A_2, %dma_wait3A_49] : memref<10240x128xf32, #tpu.memory_space<hbm>> -> memref<640x128xf32, #tpu.memory_space<hbm>>
      tpu.wait_dma2 semaphore(%run_scoped3A_44 : memref<!tpu.dma_semaphore, #tpu.memory_space<semaphore_mem>>) src(%dma_wait3A_50 : memref<640x128xf32, #tpu.memory_space<hbm>>) dst(%dma_wait3A_48 : memref<640x128xf32, #tpu.memory_space<vmem_shared>>)
      tpu.yield
    }) : () -> ()
    "tpu.region"() ({
      %run_scoped3A_44 = tpu.sem_alloc : memref<!tpu.dma_semaphore, #tpu.memory_space<semaphore_mem>>
      %dma_start3A = arith.constant 0 : i32
      %dma_start3A_45 = arith.constant 0 : i32
      %dma_start3A_46 = tpu.memref_slice %arg3[%add3A, %dma_start3A, %dma_start3A_45] : memref<32x13x128xi32, #tpu.memory_space<hbm>> -> memref<1x13x128xi32, #tpu.memory_space<hbm>>
      %dma_start3A_47 = tpu.memref_squeeze %dma_start3A_46 : memref<1x13x128xi32, #tpu.memory_space<hbm>> -> memref<13x128xi32, #tpu.memory_space<hbm>>
      %dma_start3A_48 = arith.constant 0 : i32
      %dma_start3A_49 = arith.constant 0 : i32
      %dma_start3A_50 = tpu.memref_slice %arg3[%add3A, %dma_start3A_48, %dma_start3A_49] : memref<32x13x128xi32, #tpu.memory_space<hbm>> -> memref<1x13x128xi32, #tpu.memory_space<hbm>>
      %dma_start3A_51 = tpu.memref_squeeze %dma_start3A_50 : memref<1x13x128xi32, #tpu.memory_space<hbm>> -> memref<13x128xi32, #tpu.memory_space<hbm>>
      tpu.enqueue_dma source(%dma_start3A_51 : memref<13x128xi32, #tpu.memory_space<hbm>>) target(%arg6 : memref<13x128xi32, #tpu.memory_space<vmem>>) target_semaphore(%run_scoped3A_44 : memref<!tpu.dma_semaphore, #tpu.memory_space<semaphore_mem>>)
      %dma_wait3A = arith.constant 0 : i32
      %dma_wait3A_52 = arith.constant 0 : i32
      %dma_wait3A_53 = tpu.memref_slice %arg3[%add3A, %dma_wait3A, %dma_wait3A_52] : memref<32x13x128xi32, #tpu.memory_space<hbm>> -> memref<1x13x128xi32, #tpu.memory_space<hbm>>
      %dma_wait3A_54 = tpu.memref_squeeze %dma_wait3A_53 : memref<1x13x128xi32, #tpu.memory_space<hbm>> -> memref<13x128xi32, #tpu.memory_space<hbm>>
      %dma_wait3A_55 = arith.constant 0 : i32
      %dma_wait3A_56 = arith.constant 0 : i32
      %dma_wait3A_57 = tpu.memref_slice %arg3[%add3A, %dma_wait3A_55, %dma_wait3A_56] : memref<32x13x128xi32, #tpu.memory_space<hbm>> -> memref<1x13x128xi32, #tpu.memory_space<hbm>>
      %dma_wait3A_58 = tpu.memref_squeeze %dma_wait3A_57 : memref<1x13x128xi32, #tpu.memory_space<hbm>> -> memref<13x128xi32, #tpu.memory_space<hbm>>
      tpu.wait_dma2 semaphore(%run_scoped3A_44 : memref<!tpu.dma_semaphore, #tpu.memory_space<semaphore_mem>>) src(%dma_wait3A_58 : memref<13x128xi32, #tpu.memory_space<hbm>>) dst(%arg6 : memref<13x128xi32, #tpu.memory_space<vmem>>)
      tpu.yield
    }) : () -> ()
    %barrier3A = arith.constant 0 : index
    tpu.barrier barrier_id(%barrier3A)
    %mul3A_3 = arith.constant 1664 : i32
    %mul3A_4 = arith.muli %add3A, %mul3A_3 : i32
    %add3A_5 = arith.constant 0 : i32
    %add3A_6 = arith.addi %mul3A_4, %add3A_5 : i32
    "tpu.region"() ({
      %run_scoped3A_44 = tpu.sem_alloc : memref<!tpu.dma_semaphore, #tpu.memory_space<semaphore_mem>>
      %dma_start3A = arith.constant 0 : i32
      %dma_start3A_45 = tpu.memref_slice %arg2[%add3A_6, %dma_start3A] : memref<53248x128xf32, #tpu.memory_space<hbm>> -> memref<128x128xf32, #tpu.memory_space<hbm>>
      %dma_start3A_46 = arith.constant 0 : i32
      %dma_start3A_47 = tpu.memref_slice %arg2[%add3A_6, %dma_start3A_46] : memref<53248x128xf32, #tpu.memory_space<hbm>> -> memref<128x128xf32, #tpu.memory_space<hbm>>
      tpu.enqueue_dma source(%dma_start3A_47 : memref<128x128xf32, #tpu.memory_space<hbm>>) target(%arg7 : memref<128x128xf32, #tpu.memory_space<vmem>>) target_semaphore(%run_scoped3A_44 : memref<!tpu.dma_semaphore, #tpu.memory_space<semaphore_mem>>)
      %dma_wait3A = arith.constant 0 : i32
      %dma_wait3A_48 = tpu.memref_slice %arg2[%add3A_6, %dma_wait3A] : memref<53248x128xf32, #tpu.memory_space<hbm>> -> memref<128x128xf32, #tpu.memory_space<hbm>>
      %dma_wait3A_49 = arith.constant 0 : i32
      %dma_wait3A_50 = tpu.memref_slice %arg2[%add3A_6, %dma_wait3A_49] : memref<53248x128xf32, #tpu.memory_space<hbm>> -> memref<128x128xf32, #tpu.memory_space<hbm>>
      tpu.wait_dma2 semaphore(%run_scoped3A_44 : memref<!tpu.dma_semaphore, #tpu.memory_space<semaphore_mem>>) src(%dma_wait3A_50 : memref<128x128xf32, #tpu.memory_space<hbm>>) dst(%arg7 : memref<128x128xf32, #tpu.memory_space<vmem>>)
      tpu.yield
    }) : () -> ()
    %run_scoped3A = arith.constant 0 : i32
    "tpu.region"() ({
      %run_scoped3A_44 = tpu.sem_alloc : memref<!tpu.dma_semaphore, #tpu.memory_space<semaphore_mem>>
      %dma_start3A = arith.constant 0 : i32
      %dma_start3A_45 = tpu.memref_slice %arg6[%run_scoped3A, %dma_start3A] : memref<13x128xi32, #tpu.memory_space<vmem>> -> memref<1x128xi32, #tpu.memory_space<vmem>>
      %dma_start3A_46 = tpu.memref_squeeze %dma_start3A_45 : memref<1x128xi32, #tpu.memory_space<vmem>> -> memref<128xi32, #tpu.memory_space<vmem>>
      %dma_start3A_47 = arith.constant 0 : i32
      %dma_start3A_48 = arith.constant 0 : i32
      %dma_start3A_49 = tpu.memref_slice %arg8[%dma_start3A_47, %dma_start3A_48] : memref<10240x128xf32, #tpu.memory_space<vmem_shared>> -> memref<10240x128xf32, #tpu.memory_space<vmem_shared>>
      tpu.enqueue_indirect_dma source(%arg7 : memref<128x128xf32, #tpu.memory_space<vmem>>) target(%dma_start3A_49 : memref<10240x128xf32, #tpu.memory_space<vmem_shared>>) offsets(%dma_start3A_46 : memref<128xi32, #tpu.memory_space<vmem>>) semaphore(%run_scoped3A_44 : memref<!tpu.dma_semaphore, #tpu.memory_space<semaphore_mem>>) {add = true}
      %dma_wait3A = arith.constant 0 : i32
      %dma_wait3A_50 = tpu.memref_slice %arg6[%run_scoped3A, %dma_wait3A] : memref<13x128xi32, #tpu.memory_space<vmem>> -> memref<1x128xi32, #tpu.memory_space<vmem>>
      %dma_wait3A_51 = tpu.memref_squeeze %dma_wait3A_50 : memref<1x128xi32, #tpu.memory_space<vmem>> -> memref<128xi32, #tpu.memory_space<vmem>>
      %dma_wait3A_52 = arith.constant 0 : i32
      %dma_wait3A_53 = arith.constant 0 : i32
      %dma_wait3A_54 = tpu.memref_slice %arg8[%dma_wait3A_52, %dma_wait3A_53] : memref<10240x128xf32, #tpu.memory_space<vmem_shared>> -> memref<10240x128xf32, #tpu.memory_space<vmem_shared>>
      tpu.wait_indirect_dma semaphore(%run_scoped3A_44 : memref<!tpu.dma_semaphore, #tpu.memory_space<semaphore_mem>>) src(%arg7 : memref<128x128xf32, #tpu.memory_space<vmem>>) dst(%dma_wait3A_54 : memref<10240x128xf32, #tpu.memory_space<vmem_shared>>)
      tpu.yield
    }) : () -> ()
    %add3A_7 = arith.constant 128 : i32
    %add3A_8 = arith.addi %mul3A_4, %add3A_7 : i32
    "tpu.region"() ({
      %run_scoped3A_44 = tpu.sem_alloc : memref<!tpu.dma_semaphore, #tpu.memory_space<semaphore_mem>>
      %dma_start3A = arith.constant 0 : i32
      %dma_start3A_45 = tpu.memref_slice %arg2[%add3A_8, %dma_start3A] : memref<53248x128xf32, #tpu.memory_space<hbm>> -> memref<128x128xf32, #tpu.memory_space<hbm>>
      %dma_start3A_46 = arith.constant 0 : i32
      %dma_start3A_47 = tpu.memref_slice %arg2[%add3A_8, %dma_start3A_46] : memref<53248x128xf32, #tpu.memory_space<hbm>> -> memref<128x128xf32, #tpu.memory_space<hbm>>
      tpu.enqueue_dma source(%dma_start3A_47 : memref<128x128xf32, #tpu.memory_space<hbm>>) target(%arg7 : memref<128x128xf32, #tpu.memory_space<vmem>>) target_semaphore(%run_scoped3A_44 : memref<!tpu.dma_semaphore, #tpu.memory_space<semaphore_mem>>)
      %dma_wait3A = arith.constant 0 : i32
      %dma_wait3A_48 = tpu.memref_slice %arg2[%add3A_8, %dma_wait3A] : memref<53248x128xf32, #tpu.memory_space<hbm>> -> memref<128x128xf32, #tpu.memory_space<hbm>>
      %dma_wait3A_49 = arith.constant 0 : i32
      %dma_wait3A_50 = tpu.memref_slice %arg2[%add3A_8, %dma_wait3A_49] : memref<53248x128xf32, #tpu.memory_space<hbm>> -> memref<128x128xf32, #tpu.memory_space<hbm>>
      tpu.wait_dma2 semaphore(%run_scoped3A_44 : memref<!tpu.dma_semaphore, #tpu.memory_space<semaphore_mem>>) src(%dma_wait3A_50 : memref<128x128xf32, #tpu.memory_space<hbm>>) dst(%arg7 : memref<128x128xf32, #tpu.memory_space<vmem>>)
      tpu.yield
    }) : () -> ()
    %run_scoped3A_9 = arith.constant 1 : i32
    "tpu.region"() ({
      %run_scoped3A_44 = tpu.sem_alloc : memref<!tpu.dma_semaphore, #tpu.memory_space<semaphore_mem>>
      %dma_start3A = arith.constant 0 : i32
      %dma_start3A_45 = tpu.memref_slice %arg6[%run_scoped3A_9, %dma_start3A] : memref<13x128xi32, #tpu.memory_space<vmem>> -> memref<1x128xi32, #tpu.memory_space<vmem>>
      %dma_start3A_46 = tpu.memref_squeeze %dma_start3A_45 : memref<1x128xi32, #tpu.memory_space<vmem>> -> memref<128xi32, #tpu.memory_space<vmem>>
      %dma_start3A_47 = arith.constant 0 : i32
      %dma_start3A_48 = arith.constant 0 : i32
      %dma_start3A_49 = tpu.memref_slice %arg8[%dma_start3A_47, %dma_start3A_48] : memref<10240x128xf32, #tpu.memory_space<vmem_shared>> -> memref<10240x128xf32, #tpu.memory_space<vmem_shared>>
      tpu.enqueue_indirect_dma source(%arg7 : memref<128x128xf32, #tpu.memory_space<vmem>>) target(%dma_start3A_49 : memref<10240x128xf32, #tpu.memory_space<vmem_shared>>) offsets(%dma_start3A_46 : memref<128xi32, #tpu.memory_space<vmem>>) semaphore(%run_scoped3A_44 : memref<!tpu.dma_semaphore, #tpu.memory_space<semaphore_mem>>) {add = true}
      %dma_wait3A = arith.constant 0 : i32
      %dma_wait3A_50 = tpu.memref_slice %arg6[%run_scoped3A_9, %dma_wait3A] : memref<13x128xi32, #tpu.memory_space<vmem>> -> memref<1x128xi32, #tpu.memory_space<vmem>>
      %dma_wait3A_51 = tpu.memref_squeeze %dma_wait3A_50 : memref<1x128xi32, #tpu.memory_space<vmem>> -> memref<128xi32, #tpu.memory_space<vmem>>
      %dma_wait3A_52 = arith.constant 0 : i32
      %dma_wait3A_53 = arith.constant 0 : i32
      %dma_wait3A_54 = tpu.memref_slice %arg8[%dma_wait3A_52, %dma_wait3A_53] : memref<10240x128xf32, #tpu.memory_space<vmem_shared>> -> memref<10240x128xf32, #tpu.memory_space<vmem_shared>>
      tpu.wait_indirect_dma semaphore(%run_scoped3A_44 : memref<!tpu.dma_semaphore, #tpu.memory_space<semaphore_mem>>) src(%arg7 : memref<128x128xf32, #tpu.memory_space<vmem>>) dst(%dma_wait3A_54 : memref<10240x128xf32, #tpu.memory_space<vmem_shared>>)
      tpu.yield
    }) : () -> ()
    %add3A_10 = arith.constant 256 : i32
    %add3A_11 = arith.addi %mul3A_4, %add3A_10 : i32
    "tpu.region"() ({
      %run_scoped3A_44 = tpu.sem_alloc : memref<!tpu.dma_semaphore, #tpu.memory_space<semaphore_mem>>
      %dma_start3A = arith.constant 0 : i32
      %dma_start3A_45 = tpu.memref_slice %arg2[%add3A_11, %dma_start3A] : memref<53248x128xf32, #tpu.memory_space<hbm>> -> memref<128x128xf32, #tpu.memory_space<hbm>>
      %dma_start3A_46 = arith.constant 0 : i32
      %dma_start3A_47 = tpu.memref_slice %arg2[%add3A_11, %dma_start3A_46] : memref<53248x128xf32, #tpu.memory_space<hbm>> -> memref<128x128xf32, #tpu.memory_space<hbm>>
      tpu.enqueue_dma source(%dma_start3A_47 : memref<128x128xf32, #tpu.memory_space<hbm>>) target(%arg7 : memref<128x128xf32, #tpu.memory_space<vmem>>) target_semaphore(%run_scoped3A_44 : memref<!tpu.dma_semaphore, #tpu.memory_space<semaphore_mem>>)
      %dma_wait3A = arith.constant 0 : i32
      %dma_wait3A_48 = tpu.memref_slice %arg2[%add3A_11, %dma_wait3A] : memref<53248x128xf32, #tpu.memory_space<hbm>> -> memref<128x128xf32, #tpu.memory_space<hbm>>
      %dma_wait3A_49 = arith.constant 0 : i32
      %dma_wait3A_50 = tpu.memref_slice %arg2[%add3A_11, %dma_wait3A_49] : memref<53248x128xf32, #tpu.memory_space<hbm>> -> memref<128x128xf32, #tpu.memory_space<hbm>>
      tpu.wait_dma2 semaphore(%run_scoped3A_44 : memref<!tpu.dma_semaphore, #tpu.memory_space<semaphore_mem>>) src(%dma_wait3A_50 : memref<128x128xf32, #tpu.memory_space<hbm>>) dst(%arg7 : memref<128x128xf32, #tpu.memory_space<vmem>>)
      tpu.yield
    }) : () -> ()
    %run_scoped3A_12 = arith.constant 2 : i32
    "tpu.region"() ({
      %run_scoped3A_44 = tpu.sem_alloc : memref<!tpu.dma_semaphore, #tpu.memory_space<semaphore_mem>>
      %dma_start3A = arith.constant 0 : i32
      %dma_start3A_45 = tpu.memref_slice %arg6[%run_scoped3A_12, %dma_start3A] : memref<13x128xi32, #tpu.memory_space<vmem>> -> memref<1x128xi32, #tpu.memory_space<vmem>>
      %dma_start3A_46 = tpu.memref_squeeze %dma_start3A_45 : memref<1x128xi32, #tpu.memory_space<vmem>> -> memref<128xi32, #tpu.memory_space<vmem>>
      %dma_start3A_47 = arith.constant 0 : i32
      %dma_start3A_48 = arith.constant 0 : i32
      %dma_start3A_49 = tpu.memref_slice %arg8[%dma_start3A_47, %dma_start3A_48] : memref<10240x128xf32, #tpu.memory_space<vmem_shared>> -> memref<10240x128xf32, #tpu.memory_space<vmem_shared>>
      tpu.enqueue_indirect_dma source(%arg7 : memref<128x128xf32, #tpu.memory_space<vmem>>) target(%dma_start3A_49 : memref<10240x128xf32, #tpu.memory_space<vmem_shared>>) offsets(%dma_start3A_46 : memref<128xi32, #tpu.memory_space<vmem>>) semaphore(%run_scoped3A_44 : memref<!tpu.dma_semaphore, #tpu.memory_space<semaphore_mem>>) {add = true}
      %dma_wait3A = arith.constant 0 : i32
      %dma_wait3A_50 = tpu.memref_slice %arg6[%run_scoped3A_12, %dma_wait3A] : memref<13x128xi32, #tpu.memory_space<vmem>> -> memref<1x128xi32, #tpu.memory_space<vmem>>
      %dma_wait3A_51 = tpu.memref_squeeze %dma_wait3A_50 : memref<1x128xi32, #tpu.memory_space<vmem>> -> memref<128xi32, #tpu.memory_space<vmem>>
      %dma_wait3A_52 = arith.constant 0 : i32
      %dma_wait3A_53 = arith.constant 0 : i32
      %dma_wait3A_54 = tpu.memref_slice %arg8[%dma_wait3A_52, %dma_wait3A_53] : memref<10240x128xf32, #tpu.memory_space<vmem_shared>> -> memref<10240x128xf32, #tpu.memory_space<vmem_shared>>
      tpu.wait_indirect_dma semaphore(%run_scoped3A_44 : memref<!tpu.dma_semaphore, #tpu.memory_space<semaphore_mem>>) src(%arg7 : memref<128x128xf32, #tpu.memory_space<vmem>>) dst(%dma_wait3A_54 : memref<10240x128xf32, #tpu.memory_space<vmem_shared>>)
      tpu.yield
    }) : () -> ()
    %add3A_13 = arith.constant 384 : i32
    %add3A_14 = arith.addi %mul3A_4, %add3A_13 : i32
    "tpu.region"() ({
      %run_scoped3A_44 = tpu.sem_alloc : memref<!tpu.dma_semaphore, #tpu.memory_space<semaphore_mem>>
      %dma_start3A = arith.constant 0 : i32
      %dma_start3A_45 = tpu.memref_slice %arg2[%add3A_14, %dma_start3A] : memref<53248x128xf32, #tpu.memory_space<hbm>> -> memref<128x128xf32, #tpu.memory_space<hbm>>
      %dma_start3A_46 = arith.constant 0 : i32
      %dma_start3A_47 = tpu.memref_slice %arg2[%add3A_14, %dma_start3A_46] : memref<53248x128xf32, #tpu.memory_space<hbm>> -> memref<128x128xf32, #tpu.memory_space<hbm>>
      tpu.enqueue_dma source(%dma_start3A_47 : memref<128x128xf32, #tpu.memory_space<hbm>>) target(%arg7 : memref<128x128xf32, #tpu.memory_space<vmem>>) target_semaphore(%run_scoped3A_44 : memref<!tpu.dma_semaphore, #tpu.memory_space<semaphore_mem>>)
      %dma_wait3A = arith.constant 0 : i32
      %dma_wait3A_48 = tpu.memref_slice %arg2[%add3A_14, %dma_wait3A] : memref<53248x128xf32, #tpu.memory_space<hbm>> -> memref<128x128xf32, #tpu.memory_space<hbm>>
      %dma_wait3A_49 = arith.constant 0 : i32
      %dma_wait3A_50 = tpu.memref_slice %arg2[%add3A_14, %dma_wait3A_49] : memref<53248x128xf32, #tpu.memory_space<hbm>> -> memref<128x128xf32, #tpu.memory_space<hbm>>
      tpu.wait_dma2 semaphore(%run_scoped3A_44 : memref<!tpu.dma_semaphore, #tpu.memory_space<semaphore_mem>>) src(%dma_wait3A_50 : memref<128x128xf32, #tpu.memory_space<hbm>>) dst(%arg7 : memref<128x128xf32, #tpu.memory_space<vmem>>)
      tpu.yield
    }) : () -> ()
    %run_scoped3A_15 = arith.constant 3 : i32
    "tpu.region"() ({
      %run_scoped3A_44 = tpu.sem_alloc : memref<!tpu.dma_semaphore, #tpu.memory_space<semaphore_mem>>
      %dma_start3A = arith.constant 0 : i32
      %dma_start3A_45 = tpu.memref_slice %arg6[%run_scoped3A_15, %dma_start3A] : memref<13x128xi32, #tpu.memory_space<vmem>> -> memref<1x128xi32, #tpu.memory_space<vmem>>
      %dma_start3A_46 = tpu.memref_squeeze %dma_start3A_45 : memref<1x128xi32, #tpu.memory_space<vmem>> -> memref<128xi32, #tpu.memory_space<vmem>>
      %dma_start3A_47 = arith.constant 0 : i32
      %dma_start3A_48 = arith.constant 0 : i32
      %dma_start3A_49 = tpu.memref_slice %arg8[%dma_start3A_47, %dma_start3A_48] : memref<10240x128xf32, #tpu.memory_space<vmem_shared>> -> memref<10240x128xf32, #tpu.memory_space<vmem_shared>>
      tpu.enqueue_indirect_dma source(%arg7 : memref<128x128xf32, #tpu.memory_space<vmem>>) target(%dma_start3A_49 : memref<10240x128xf32, #tpu.memory_space<vmem_shared>>) offsets(%dma_start3A_46 : memref<128xi32, #tpu.memory_space<vmem>>) semaphore(%run_scoped3A_44 : memref<!tpu.dma_semaphore, #tpu.memory_space<semaphore_mem>>) {add = true}
      %dma_wait3A = arith.constant 0 : i32
      %dma_wait3A_50 = tpu.memref_slice %arg6[%run_scoped3A_15, %dma_wait3A] : memref<13x128xi32, #tpu.memory_space<vmem>> -> memref<1x128xi32, #tpu.memory_space<vmem>>
      %dma_wait3A_51 = tpu.memref_squeeze %dma_wait3A_50 : memref<1x128xi32, #tpu.memory_space<vmem>> -> memref<128xi32, #tpu.memory_space<vmem>>
      %dma_wait3A_52 = arith.constant 0 : i32
      %dma_wait3A_53 = arith.constant 0 : i32
      %dma_wait3A_54 = tpu.memref_slice %arg8[%dma_wait3A_52, %dma_wait3A_53] : memref<10240x128xf32, #tpu.memory_space<vmem_shared>> -> memref<10240x128xf32, #tpu.memory_space<vmem_shared>>
      tpu.wait_indirect_dma semaphore(%run_scoped3A_44 : memref<!tpu.dma_semaphore, #tpu.memory_space<semaphore_mem>>) src(%arg7 : memref<128x128xf32, #tpu.memory_space<vmem>>) dst(%dma_wait3A_54 : memref<10240x128xf32, #tpu.memory_space<vmem_shared>>)
      tpu.yield
    }) : () -> ()
    %add3A_16 = arith.constant 512 : i32
    %add3A_17 = arith.addi %mul3A_4, %add3A_16 : i32
    "tpu.region"() ({
      %run_scoped3A_44 = tpu.sem_alloc : memref<!tpu.dma_semaphore, #tpu.memory_space<semaphore_mem>>
      %dma_start3A = arith.constant 0 : i32
      %dma_start3A_45 = tpu.memref_slice %arg2[%add3A_17, %dma_start3A] : memref<53248x128xf32, #tpu.memory_space<hbm>> -> memref<128x128xf32, #tpu.memory_space<hbm>>
      %dma_start3A_46 = arith.constant 0 : i32
      %dma_start3A_47 = tpu.memref_slice %arg2[%add3A_17, %dma_start3A_46] : memref<53248x128xf32, #tpu.memory_space<hbm>> -> memref<128x128xf32, #tpu.memory_space<hbm>>
      tpu.enqueue_dma source(%dma_start3A_47 : memref<128x128xf32, #tpu.memory_space<hbm>>) target(%arg7 : memref<128x128xf32, #tpu.memory_space<vmem>>) target_semaphore(%run_scoped3A_44 : memref<!tpu.dma_semaphore, #tpu.memory_space<semaphore_mem>>)
      %dma_wait3A = arith.constant 0 : i32
      %dma_wait3A_48 = tpu.memref_slice %arg2[%add3A_17, %dma_wait3A] : memref<53248x128xf32, #tpu.memory_space<hbm>> -> memref<128x128xf32, #tpu.memory_space<hbm>>
      %dma_wait3A_49 = arith.constant 0 : i32
      %dma_wait3A_50 = tpu.memref_slice %arg2[%add3A_17, %dma_wait3A_49] : memref<53248x128xf32, #tpu.memory_space<hbm>> -> memref<128x128xf32, #tpu.memory_space<hbm>>
      tpu.wait_dma2 semaphore(%run_scoped3A_44 : memref<!tpu.dma_semaphore, #tpu.memory_space<semaphore_mem>>) src(%dma_wait3A_50 : memref<128x128xf32, #tpu.memory_space<hbm>>) dst(%arg7 : memref<128x128xf32, #tpu.memory_space<vmem>>)
      tpu.yield
    }) : () -> ()
    %run_scoped3A_18 = arith.constant 4 : i32
    "tpu.region"() ({
      %run_scoped3A_44 = tpu.sem_alloc : memref<!tpu.dma_semaphore, #tpu.memory_space<semaphore_mem>>
      %dma_start3A = arith.constant 0 : i32
      %dma_start3A_45 = tpu.memref_slice %arg6[%run_scoped3A_18, %dma_start3A] : memref<13x128xi32, #tpu.memory_space<vmem>> -> memref<1x128xi32, #tpu.memory_space<vmem>>
      %dma_start3A_46 = tpu.memref_squeeze %dma_start3A_45 : memref<1x128xi32, #tpu.memory_space<vmem>> -> memref<128xi32, #tpu.memory_space<vmem>>
      %dma_start3A_47 = arith.constant 0 : i32
      %dma_start3A_48 = arith.constant 0 : i32
      %dma_start3A_49 = tpu.memref_slice %arg8[%dma_start3A_47, %dma_start3A_48] : memref<10240x128xf32, #tpu.memory_space<vmem_shared>> -> memref<10240x128xf32, #tpu.memory_space<vmem_shared>>
      tpu.enqueue_indirect_dma source(%arg7 : memref<128x128xf32, #tpu.memory_space<vmem>>) target(%dma_start3A_49 : memref<10240x128xf32, #tpu.memory_space<vmem_shared>>) offsets(%dma_start3A_46 : memref<128xi32, #tpu.memory_space<vmem>>) semaphore(%run_scoped3A_44 : memref<!tpu.dma_semaphore, #tpu.memory_space<semaphore_mem>>) {add = true}
      %dma_wait3A = arith.constant 0 : i32
      %dma_wait3A_50 = tpu.memref_slice %arg6[%run_scoped3A_18, %dma_wait3A] : memref<13x128xi32, #tpu.memory_space<vmem>> -> memref<1x128xi32, #tpu.memory_space<vmem>>
      %dma_wait3A_51 = tpu.memref_squeeze %dma_wait3A_50 : memref<1x128xi32, #tpu.memory_space<vmem>> -> memref<128xi32, #tpu.memory_space<vmem>>
      %dma_wait3A_52 = arith.constant 0 : i32
      %dma_wait3A_53 = arith.constant 0 : i32
      %dma_wait3A_54 = tpu.memref_slice %arg8[%dma_wait3A_52, %dma_wait3A_53] : memref<10240x128xf32, #tpu.memory_space<vmem_shared>> -> memref<10240x128xf32, #tpu.memory_space<vmem_shared>>
      tpu.wait_indirect_dma semaphore(%run_scoped3A_44 : memref<!tpu.dma_semaphore, #tpu.memory_space<semaphore_mem>>) src(%arg7 : memref<128x128xf32, #tpu.memory_space<vmem>>) dst(%dma_wait3A_54 : memref<10240x128xf32, #tpu.memory_space<vmem_shared>>)
      tpu.yield
    }) : () -> ()
    %add3A_19 = arith.constant 640 : i32
    %add3A_20 = arith.addi %mul3A_4, %add3A_19 : i32
    "tpu.region"() ({
      %run_scoped3A_44 = tpu.sem_alloc : memref<!tpu.dma_semaphore, #tpu.memory_space<semaphore_mem>>
      %dma_start3A = arith.constant 0 : i32
      %dma_start3A_45 = tpu.memref_slice %arg2[%add3A_20, %dma_start3A] : memref<53248x128xf32, #tpu.memory_space<hbm>> -> memref<128x128xf32, #tpu.memory_space<hbm>>
      %dma_start3A_46 = arith.constant 0 : i32
      %dma_start3A_47 = tpu.memref_slice %arg2[%add3A_20, %dma_start3A_46] : memref<53248x128xf32, #tpu.memory_space<hbm>> -> memref<128x128xf32, #tpu.memory_space<hbm>>
      tpu.enqueue_dma source(%dma_start3A_47 : memref<128x128xf32, #tpu.memory_space<hbm>>) target(%arg7 : memref<128x128xf32, #tpu.memory_space<vmem>>) target_semaphore(%run_scoped3A_44 : memref<!tpu.dma_semaphore, #tpu.memory_space<semaphore_mem>>)
      %dma_wait3A = arith.constant 0 : i32
      %dma_wait3A_48 = tpu.memref_slice %arg2[%add3A_20, %dma_wait3A] : memref<53248x128xf32, #tpu.memory_space<hbm>> -> memref<128x128xf32, #tpu.memory_space<hbm>>
      %dma_wait3A_49 = arith.constant 0 : i32
      %dma_wait3A_50 = tpu.memref_slice %arg2[%add3A_20, %dma_wait3A_49] : memref<53248x128xf32, #tpu.memory_space<hbm>> -> memref<128x128xf32, #tpu.memory_space<hbm>>
      tpu.wait_dma2 semaphore(%run_scoped3A_44 : memref<!tpu.dma_semaphore, #tpu.memory_space<semaphore_mem>>) src(%dma_wait3A_50 : memref<128x128xf32, #tpu.memory_space<hbm>>) dst(%arg7 : memref<128x128xf32, #tpu.memory_space<vmem>>)
      tpu.yield
    }) : () -> ()
    %run_scoped3A_21 = arith.constant 5 : i32
    "tpu.region"() ({
      %run_scoped3A_44 = tpu.sem_alloc : memref<!tpu.dma_semaphore, #tpu.memory_space<semaphore_mem>>
      %dma_start3A = arith.constant 0 : i32
      %dma_start3A_45 = tpu.memref_slice %arg6[%run_scoped3A_21, %dma_start3A] : memref<13x128xi32, #tpu.memory_space<vmem>> -> memref<1x128xi32, #tpu.memory_space<vmem>>
      %dma_start3A_46 = tpu.memref_squeeze %dma_start3A_45 : memref<1x128xi32, #tpu.memory_space<vmem>> -> memref<128xi32, #tpu.memory_space<vmem>>
      %dma_start3A_47 = arith.constant 0 : i32
      %dma_start3A_48 = arith.constant 0 : i32
      %dma_start3A_49 = tpu.memref_slice %arg8[%dma_start3A_47, %dma_start3A_48] : memref<10240x128xf32, #tpu.memory_space<vmem_shared>> -> memref<10240x128xf32, #tpu.memory_space<vmem_shared>>
      tpu.enqueue_indirect_dma source(%arg7 : memref<128x128xf32, #tpu.memory_space<vmem>>) target(%dma_start3A_49 : memref<10240x128xf32, #tpu.memory_space<vmem_shared>>) offsets(%dma_start3A_46 : memref<128xi32, #tpu.memory_space<vmem>>) semaphore(%run_scoped3A_44 : memref<!tpu.dma_semaphore, #tpu.memory_space<semaphore_mem>>) {add = true}
      %dma_wait3A = arith.constant 0 : i32
      %dma_wait3A_50 = tpu.memref_slice %arg6[%run_scoped3A_21, %dma_wait3A] : memref<13x128xi32, #tpu.memory_space<vmem>> -> memref<1x128xi32, #tpu.memory_space<vmem>>
      %dma_wait3A_51 = tpu.memref_squeeze %dma_wait3A_50 : memref<1x128xi32, #tpu.memory_space<vmem>> -> memref<128xi32, #tpu.memory_space<vmem>>
      %dma_wait3A_52 = arith.constant 0 : i32
      %dma_wait3A_53 = arith.constant 0 : i32
      %dma_wait3A_54 = tpu.memref_slice %arg8[%dma_wait3A_52, %dma_wait3A_53] : memref<10240x128xf32, #tpu.memory_space<vmem_shared>> -> memref<10240x128xf32, #tpu.memory_space<vmem_shared>>
      tpu.wait_indirect_dma semaphore(%run_scoped3A_44 : memref<!tpu.dma_semaphore, #tpu.memory_space<semaphore_mem>>) src(%arg7 : memref<128x128xf32, #tpu.memory_space<vmem>>) dst(%dma_wait3A_54 : memref<10240x128xf32, #tpu.memory_space<vmem_shared>>)
      tpu.yield
    }) : () -> ()
    %add3A_22 = arith.constant 768 : i32
    %add3A_23 = arith.addi %mul3A_4, %add3A_22 : i32
    "tpu.region"() ({
      %run_scoped3A_44 = tpu.sem_alloc : memref<!tpu.dma_semaphore, #tpu.memory_space<semaphore_mem>>
      %dma_start3A = arith.constant 0 : i32
      %dma_start3A_45 = tpu.memref_slice %arg2[%add3A_23, %dma_start3A] : memref<53248x128xf32, #tpu.memory_space<hbm>> -> memref<128x128xf32, #tpu.memory_space<hbm>>
      %dma_start3A_46 = arith.constant 0 : i32
      %dma_start3A_47 = tpu.memref_slice %arg2[%add3A_23, %dma_start3A_46] : memref<53248x128xf32, #tpu.memory_space<hbm>> -> memref<128x128xf32, #tpu.memory_space<hbm>>
      tpu.enqueue_dma source(%dma_start3A_47 : memref<128x128xf32, #tpu.memory_space<hbm>>) target(%arg7 : memref<128x128xf32, #tpu.memory_space<vmem>>) target_semaphore(%run_scoped3A_44 : memref<!tpu.dma_semaphore, #tpu.memory_space<semaphore_mem>>)
      %dma_wait3A = arith.constant 0 : i32
      %dma_wait3A_48 = tpu.memref_slice %arg2[%add3A_23, %dma_wait3A] : memref<53248x128xf32, #tpu.memory_space<hbm>> -> memref<128x128xf32, #tpu.memory_space<hbm>>
      %dma_wait3A_49 = arith.constant 0 : i32
      %dma_wait3A_50 = tpu.memref_slice %arg2[%add3A_23, %dma_wait3A_49] : memref<53248x128xf32, #tpu.memory_space<hbm>> -> memref<128x128xf32, #tpu.memory_space<hbm>>
      tpu.wait_dma2 semaphore(%run_scoped3A_44 : memref<!tpu.dma_semaphore, #tpu.memory_space<semaphore_mem>>) src(%dma_wait3A_50 : memref<128x128xf32, #tpu.memory_space<hbm>>) dst(%arg7 : memref<128x128xf32, #tpu.memory_space<vmem>>)
      tpu.yield
    }) : () -> ()
    %run_scoped3A_24 = arith.constant 6 : i32
    "tpu.region"() ({
      %run_scoped3A_44 = tpu.sem_alloc : memref<!tpu.dma_semaphore, #tpu.memory_space<semaphore_mem>>
      %dma_start3A = arith.constant 0 : i32
      %dma_start3A_45 = tpu.memref_slice %arg6[%run_scoped3A_24, %dma_start3A] : memref<13x128xi32, #tpu.memory_space<vmem>> -> memref<1x128xi32, #tpu.memory_space<vmem>>
      %dma_start3A_46 = tpu.memref_squeeze %dma_start3A_45 : memref<1x128xi32, #tpu.memory_space<vmem>> -> memref<128xi32, #tpu.memory_space<vmem>>
      %dma_start3A_47 = arith.constant 0 : i32
      %dma_start3A_48 = arith.constant 0 : i32
      %dma_start3A_49 = tpu.memref_slice %arg8[%dma_start3A_47, %dma_start3A_48] : memref<10240x128xf32, #tpu.memory_space<vmem_shared>> -> memref<10240x128xf32, #tpu.memory_space<vmem_shared>>
      tpu.enqueue_indirect_dma source(%arg7 : memref<128x128xf32, #tpu.memory_space<vmem>>) target(%dma_start3A_49 : memref<10240x128xf32, #tpu.memory_space<vmem_shared>>) offsets(%dma_start3A_46 : memref<128xi32, #tpu.memory_space<vmem>>) semaphore(%run_scoped3A_44 : memref<!tpu.dma_semaphore, #tpu.memory_space<semaphore_mem>>) {add = true}
      %dma_wait3A = arith.constant 0 : i32
      %dma_wait3A_50 = tpu.memref_slice %arg6[%run_scoped3A_24, %dma_wait3A] : memref<13x128xi32, #tpu.memory_space<vmem>> -> memref<1x128xi32, #tpu.memory_space<vmem>>
      %dma_wait3A_51 = tpu.memref_squeeze %dma_wait3A_50 : memref<1x128xi32, #tpu.memory_space<vmem>> -> memref<128xi32, #tpu.memory_space<vmem>>
      %dma_wait3A_52 = arith.constant 0 : i32
      %dma_wait3A_53 = arith.constant 0 : i32
      %dma_wait3A_54 = tpu.memref_slice %arg8[%dma_wait3A_52, %dma_wait3A_53] : memref<10240x128xf32, #tpu.memory_space<vmem_shared>> -> memref<10240x128xf32, #tpu.memory_space<vmem_shared>>
      tpu.wait_indirect_dma semaphore(%run_scoped3A_44 : memref<!tpu.dma_semaphore, #tpu.memory_space<semaphore_mem>>) src(%arg7 : memref<128x128xf32, #tpu.memory_space<vmem>>) dst(%dma_wait3A_54 : memref<10240x128xf32, #tpu.memory_space<vmem_shared>>)
      tpu.yield
    }) : () -> ()
    %add3A_25 = arith.constant 896 : i32
    %add3A_26 = arith.addi %mul3A_4, %add3A_25 : i32
    "tpu.region"() ({
      %run_scoped3A_44 = tpu.sem_alloc : memref<!tpu.dma_semaphore, #tpu.memory_space<semaphore_mem>>
      %dma_start3A = arith.constant 0 : i32
      %dma_start3A_45 = tpu.memref_slice %arg2[%add3A_26, %dma_start3A] : memref<53248x128xf32, #tpu.memory_space<hbm>> -> memref<128x128xf32, #tpu.memory_space<hbm>>
      %dma_start3A_46 = arith.constant 0 : i32
      %dma_start3A_47 = tpu.memref_slice %arg2[%add3A_26, %dma_start3A_46] : memref<53248x128xf32, #tpu.memory_space<hbm>> -> memref<128x128xf32, #tpu.memory_space<hbm>>
      tpu.enqueue_dma source(%dma_start3A_47 : memref<128x128xf32, #tpu.memory_space<hbm>>) target(%arg7 : memref<128x128xf32, #tpu.memory_space<vmem>>) target_semaphore(%run_scoped3A_44 : memref<!tpu.dma_semaphore, #tpu.memory_space<semaphore_mem>>)
      %dma_wait3A = arith.constant 0 : i32
      %dma_wait3A_48 = tpu.memref_slice %arg2[%add3A_26, %dma_wait3A] : memref<53248x128xf32, #tpu.memory_space<hbm>> -> memref<128x128xf32, #tpu.memory_space<hbm>>
      %dma_wait3A_49 = arith.constant 0 : i32
      %dma_wait3A_50 = tpu.memref_slice %arg2[%add3A_26, %dma_wait3A_49] : memref<53248x128xf32, #tpu.memory_space<hbm>> -> memref<128x128xf32, #tpu.memory_space<hbm>>
      tpu.wait_dma2 semaphore(%run_scoped3A_44 : memref<!tpu.dma_semaphore, #tpu.memory_space<semaphore_mem>>) src(%dma_wait3A_50 : memref<128x128xf32, #tpu.memory_space<hbm>>) dst(%arg7 : memref<128x128xf32, #tpu.memory_space<vmem>>)
      tpu.yield
    }) : () -> ()
    %run_scoped3A_27 = arith.constant 7 : i32
    "tpu.region"() ({
      %run_scoped3A_44 = tpu.sem_alloc : memref<!tpu.dma_semaphore, #tpu.memory_space<semaphore_mem>>
      %dma_start3A = arith.constant 0 : i32
      %dma_start3A_45 = tpu.memref_slice %arg6[%run_scoped3A_27, %dma_start3A] : memref<13x128xi32, #tpu.memory_space<vmem>> -> memref<1x128xi32, #tpu.memory_space<vmem>>
      %dma_start3A_46 = tpu.memref_squeeze %dma_start3A_45 : memref<1x128xi32, #tpu.memory_space<vmem>> -> memref<128xi32, #tpu.memory_space<vmem>>
      %dma_start3A_47 = arith.constant 0 : i32
      %dma_start3A_48 = arith.constant 0 : i32
      %dma_start3A_49 = tpu.memref_slice %arg8[%dma_start3A_47, %dma_start3A_48] : memref<10240x128xf32, #tpu.memory_space<vmem_shared>> -> memref<10240x128xf32, #tpu.memory_space<vmem_shared>>
      tpu.enqueue_indirect_dma source(%arg7 : memref<128x128xf32, #tpu.memory_space<vmem>>) target(%dma_start3A_49 : memref<10240x128xf32, #tpu.memory_space<vmem_shared>>) offsets(%dma_start3A_46 : memref<128xi32, #tpu.memory_space<vmem>>) semaphore(%run_scoped3A_44 : memref<!tpu.dma_semaphore, #tpu.memory_space<semaphore_mem>>) {add = true}
      %dma_wait3A = arith.constant 0 : i32
      %dma_wait3A_50 = tpu.memref_slice %arg6[%run_scoped3A_27, %dma_wait3A] : memref<13x128xi32, #tpu.memory_space<vmem>> -> memref<1x128xi32, #tpu.memory_space<vmem>>
      %dma_wait3A_51 = tpu.memref_squeeze %dma_wait3A_50 : memref<1x128xi32, #tpu.memory_space<vmem>> -> memref<128xi32, #tpu.memory_space<vmem>>
      %dma_wait3A_52 = arith.constant 0 : i32
      %dma_wait3A_53 = arith.constant 0 : i32
      %dma_wait3A_54 = tpu.memref_slice %arg8[%dma_wait3A_52, %dma_wait3A_53] : memref<10240x128xf32, #tpu.memory_space<vmem_shared>> -> memref<10240x128xf32, #tpu.memory_space<vmem_shared>>
      tpu.wait_indirect_dma semaphore(%run_scoped3A_44 : memref<!tpu.dma_semaphore, #tpu.memory_space<semaphore_mem>>) src(%arg7 : memref<128x128xf32, #tpu.memory_space<vmem>>) dst(%dma_wait3A_54 : memref<10240x128xf32, #tpu.memory_space<vmem_shared>>)
      tpu.yield
    }) : () -> ()
    %add3A_28 = arith.constant 1024 : i32
    %add3A_29 = arith.addi %mul3A_4, %add3A_28 : i32
    "tpu.region"() ({
      %run_scoped3A_44 = tpu.sem_alloc : memref<!tpu.dma_semaphore, #tpu.memory_space<semaphore_mem>>
      %dma_start3A = arith.constant 0 : i32
      %dma_start3A_45 = tpu.memref_slice %arg2[%add3A_29, %dma_start3A] : memref<53248x128xf32, #tpu.memory_space<hbm>> -> memref<128x128xf32, #tpu.memory_space<hbm>>
      %dma_start3A_46 = arith.constant 0 : i32
      %dma_start3A_47 = tpu.memref_slice %arg2[%add3A_29, %dma_start3A_46] : memref<53248x128xf32, #tpu.memory_space<hbm>> -> memref<128x128xf32, #tpu.memory_space<hbm>>
      tpu.enqueue_dma source(%dma_start3A_47 : memref<128x128xf32, #tpu.memory_space<hbm>>) target(%arg7 : memref<128x128xf32, #tpu.memory_space<vmem>>) target_semaphore(%run_scoped3A_44 : memref<!tpu.dma_semaphore, #tpu.memory_space<semaphore_mem>>)
      %dma_wait3A = arith.constant 0 : i32
      %dma_wait3A_48 = tpu.memref_slice %arg2[%add3A_29, %dma_wait3A] : memref<53248x128xf32, #tpu.memory_space<hbm>> -> memref<128x128xf32, #tpu.memory_space<hbm>>
      %dma_wait3A_49 = arith.constant 0 : i32
      %dma_wait3A_50 = tpu.memref_slice %arg2[%add3A_29, %dma_wait3A_49] : memref<53248x128xf32, #tpu.memory_space<hbm>> -> memref<128x128xf32, #tpu.memory_space<hbm>>
      tpu.wait_dma2 semaphore(%run_scoped3A_44 : memref<!tpu.dma_semaphore, #tpu.memory_space<semaphore_mem>>) src(%dma_wait3A_50 : memref<128x128xf32, #tpu.memory_space<hbm>>) dst(%arg7 : memref<128x128xf32, #tpu.memory_space<vmem>>)
      tpu.yield
    }) : () -> ()
    %run_scoped3A_30 = arith.constant 8 : i32
    "tpu.region"() ({
      %run_scoped3A_44 = tpu.sem_alloc : memref<!tpu.dma_semaphore, #tpu.memory_space<semaphore_mem>>
      %dma_start3A = arith.constant 0 : i32
      %dma_start3A_45 = tpu.memref_slice %arg6[%run_scoped3A_30, %dma_start3A] : memref<13x128xi32, #tpu.memory_space<vmem>> -> memref<1x128xi32, #tpu.memory_space<vmem>>
      %dma_start3A_46 = tpu.memref_squeeze %dma_start3A_45 : memref<1x128xi32, #tpu.memory_space<vmem>> -> memref<128xi32, #tpu.memory_space<vmem>>
      %dma_start3A_47 = arith.constant 0 : i32
      %dma_start3A_48 = arith.constant 0 : i32
      %dma_start3A_49 = tpu.memref_slice %arg8[%dma_start3A_47, %dma_start3A_48] : memref<10240x128xf32, #tpu.memory_space<vmem_shared>> -> memref<10240x128xf32, #tpu.memory_space<vmem_shared>>
      tpu.enqueue_indirect_dma source(%arg7 : memref<128x128xf32, #tpu.memory_space<vmem>>) target(%dma_start3A_49 : memref<10240x128xf32, #tpu.memory_space<vmem_shared>>) offsets(%dma_start3A_46 : memref<128xi32, #tpu.memory_space<vmem>>) semaphore(%run_scoped3A_44 : memref<!tpu.dma_semaphore, #tpu.memory_space<semaphore_mem>>) {add = true}
      %dma_wait3A = arith.constant 0 : i32
      %dma_wait3A_50 = tpu.memref_slice %arg6[%run_scoped3A_30, %dma_wait3A] : memref<13x128xi32, #tpu.memory_space<vmem>> -> memref<1x128xi32, #tpu.memory_space<vmem>>
      %dma_wait3A_51 = tpu.memref_squeeze %dma_wait3A_50 : memref<1x128xi32, #tpu.memory_space<vmem>> -> memref<128xi32, #tpu.memory_space<vmem>>
      %dma_wait3A_52 = arith.constant 0 : i32
      %dma_wait3A_53 = arith.constant 0 : i32
      %dma_wait3A_54 = tpu.memref_slice %arg8[%dma_wait3A_52, %dma_wait3A_53] : memref<10240x128xf32, #tpu.memory_space<vmem_shared>> -> memref<10240x128xf32, #tpu.memory_space<vmem_shared>>
      tpu.wait_indirect_dma semaphore(%run_scoped3A_44 : memref<!tpu.dma_semaphore, #tpu.memory_space<semaphore_mem>>) src(%arg7 : memref<128x128xf32, #tpu.memory_space<vmem>>) dst(%dma_wait3A_54 : memref<10240x128xf32, #tpu.memory_space<vmem_shared>>)
      tpu.yield
    }) : () -> ()
    %add3A_31 = arith.constant 1152 : i32
    %add3A_32 = arith.addi %mul3A_4, %add3A_31 : i32
    "tpu.region"() ({
      %run_scoped3A_44 = tpu.sem_alloc : memref<!tpu.dma_semaphore, #tpu.memory_space<semaphore_mem>>
      %dma_start3A = arith.constant 0 : i32
      %dma_start3A_45 = tpu.memref_slice %arg2[%add3A_32, %dma_start3A] : memref<53248x128xf32, #tpu.memory_space<hbm>> -> memref<128x128xf32, #tpu.memory_space<hbm>>
      %dma_start3A_46 = arith.constant 0 : i32
      %dma_start3A_47 = tpu.memref_slice %arg2[%add3A_32, %dma_start3A_46] : memref<53248x128xf32, #tpu.memory_space<hbm>> -> memref<128x128xf32, #tpu.memory_space<hbm>>
      tpu.enqueue_dma source(%dma_start3A_47 : memref<128x128xf32, #tpu.memory_space<hbm>>) target(%arg7 : memref<128x128xf32, #tpu.memory_space<vmem>>) target_semaphore(%run_scoped3A_44 : memref<!tpu.dma_semaphore, #tpu.memory_space<semaphore_mem>>)
      %dma_wait3A = arith.constant 0 : i32
      %dma_wait3A_48 = tpu.memref_slice %arg2[%add3A_32, %dma_wait3A] : memref<53248x128xf32, #tpu.memory_space<hbm>> -> memref<128x128xf32, #tpu.memory_space<hbm>>
      %dma_wait3A_49 = arith.constant 0 : i32
      %dma_wait3A_50 = tpu.memref_slice %arg2[%add3A_32, %dma_wait3A_49] : memref<53248x128xf32, #tpu.memory_space<hbm>> -> memref<128x128xf32, #tpu.memory_space<hbm>>
      tpu.wait_dma2 semaphore(%run_scoped3A_44 : memref<!tpu.dma_semaphore, #tpu.memory_space<semaphore_mem>>) src(%dma_wait3A_50 : memref<128x128xf32, #tpu.memory_space<hbm>>) dst(%arg7 : memref<128x128xf32, #tpu.memory_space<vmem>>)
      tpu.yield
    }) : () -> ()
    %run_scoped3A_33 = arith.constant 9 : i32
    "tpu.region"() ({
      %run_scoped3A_44 = tpu.sem_alloc : memref<!tpu.dma_semaphore, #tpu.memory_space<semaphore_mem>>
      %dma_start3A = arith.constant 0 : i32
      %dma_start3A_45 = tpu.memref_slice %arg6[%run_scoped3A_33, %dma_start3A] : memref<13x128xi32, #tpu.memory_space<vmem>> -> memref<1x128xi32, #tpu.memory_space<vmem>>
      %dma_start3A_46 = tpu.memref_squeeze %dma_start3A_45 : memref<1x128xi32, #tpu.memory_space<vmem>> -> memref<128xi32, #tpu.memory_space<vmem>>
      %dma_start3A_47 = arith.constant 0 : i32
      %dma_start3A_48 = arith.constant 0 : i32
      %dma_start3A_49 = tpu.memref_slice %arg8[%dma_start3A_47, %dma_start3A_48] : memref<10240x128xf32, #tpu.memory_space<vmem_shared>> -> memref<10240x128xf32, #tpu.memory_space<vmem_shared>>
      tpu.enqueue_indirect_dma source(%arg7 : memref<128x128xf32, #tpu.memory_space<vmem>>) target(%dma_start3A_49 : memref<10240x128xf32, #tpu.memory_space<vmem_shared>>) offsets(%dma_start3A_46 : memref<128xi32, #tpu.memory_space<vmem>>) semaphore(%run_scoped3A_44 : memref<!tpu.dma_semaphore, #tpu.memory_space<semaphore_mem>>) {add = true}
      %dma_wait3A = arith.constant 0 : i32
      %dma_wait3A_50 = tpu.memref_slice %arg6[%run_scoped3A_33, %dma_wait3A] : memref<13x128xi32, #tpu.memory_space<vmem>> -> memref<1x128xi32, #tpu.memory_space<vmem>>
      %dma_wait3A_51 = tpu.memref_squeeze %dma_wait3A_50 : memref<1x128xi32, #tpu.memory_space<vmem>> -> memref<128xi32, #tpu.memory_space<vmem>>
      %dma_wait3A_52 = arith.constant 0 : i32
      %dma_wait3A_53 = arith.constant 0 : i32
      %dma_wait3A_54 = tpu.memref_slice %arg8[%dma_wait3A_52, %dma_wait3A_53] : memref<10240x128xf32, #tpu.memory_space<vmem_shared>> -> memref<10240x128xf32, #tpu.memory_space<vmem_shared>>
      tpu.wait_indirect_dma semaphore(%run_scoped3A_44 : memref<!tpu.dma_semaphore, #tpu.memory_space<semaphore_mem>>) src(%arg7 : memref<128x128xf32, #tpu.memory_space<vmem>>) dst(%dma_wait3A_54 : memref<10240x128xf32, #tpu.memory_space<vmem_shared>>)
      tpu.yield
    }) : () -> ()
    %add3A_34 = arith.constant 1280 : i32
    %add3A_35 = arith.addi %mul3A_4, %add3A_34 : i32
    "tpu.region"() ({
      %run_scoped3A_44 = tpu.sem_alloc : memref<!tpu.dma_semaphore, #tpu.memory_space<semaphore_mem>>
      %dma_start3A = arith.constant 0 : i32
      %dma_start3A_45 = tpu.memref_slice %arg2[%add3A_35, %dma_start3A] : memref<53248x128xf32, #tpu.memory_space<hbm>> -> memref<128x128xf32, #tpu.memory_space<hbm>>
      %dma_start3A_46 = arith.constant 0 : i32
      %dma_start3A_47 = tpu.memref_slice %arg2[%add3A_35, %dma_start3A_46] : memref<53248x128xf32, #tpu.memory_space<hbm>> -> memref<128x128xf32, #tpu.memory_space<hbm>>
      tpu.enqueue_dma source(%dma_start3A_47 : memref<128x128xf32, #tpu.memory_space<hbm>>) target(%arg7 : memref<128x128xf32, #tpu.memory_space<vmem>>) target_semaphore(%run_scoped3A_44 : memref<!tpu.dma_semaphore, #tpu.memory_space<semaphore_mem>>)
      %dma_wait3A = arith.constant 0 : i32
      %dma_wait3A_48 = tpu.memref_slice %arg2[%add3A_35, %dma_wait3A] : memref<53248x128xf32, #tpu.memory_space<hbm>> -> memref<128x128xf32, #tpu.memory_space<hbm>>
      %dma_wait3A_49 = arith.constant 0 : i32
      %dma_wait3A_50 = tpu.memref_slice %arg2[%add3A_35, %dma_wait3A_49] : memref<53248x128xf32, #tpu.memory_space<hbm>> -> memref<128x128xf32, #tpu.memory_space<hbm>>
      tpu.wait_dma2 semaphore(%run_scoped3A_44 : memref<!tpu.dma_semaphore, #tpu.memory_space<semaphore_mem>>) src(%dma_wait3A_50 : memref<128x128xf32, #tpu.memory_space<hbm>>) dst(%arg7 : memref<128x128xf32, #tpu.memory_space<vmem>>)
      tpu.yield
    }) : () -> ()
    %run_scoped3A_36 = arith.constant 10 : i32
    "tpu.region"() ({
      %run_scoped3A_44 = tpu.sem_alloc : memref<!tpu.dma_semaphore, #tpu.memory_space<semaphore_mem>>
      %dma_start3A = arith.constant 0 : i32
      %dma_start3A_45 = tpu.memref_slice %arg6[%run_scoped3A_36, %dma_start3A] : memref<13x128xi32, #tpu.memory_space<vmem>> -> memref<1x128xi32, #tpu.memory_space<vmem>>
      %dma_start3A_46 = tpu.memref_squeeze %dma_start3A_45 : memref<1x128xi32, #tpu.memory_space<vmem>> -> memref<128xi32, #tpu.memory_space<vmem>>
      %dma_start3A_47 = arith.constant 0 : i32
      %dma_start3A_48 = arith.constant 0 : i32
      %dma_start3A_49 = tpu.memref_slice %arg8[%dma_start3A_47, %dma_start3A_48] : memref<10240x128xf32, #tpu.memory_space<vmem_shared>> -> memref<10240x128xf32, #tpu.memory_space<vmem_shared>>
      tpu.enqueue_indirect_dma source(%arg7 : memref<128x128xf32, #tpu.memory_space<vmem>>) target(%dma_start3A_49 : memref<10240x128xf32, #tpu.memory_space<vmem_shared>>) offsets(%dma_start3A_46 : memref<128xi32, #tpu.memory_space<vmem>>) semaphore(%run_scoped3A_44 : memref<!tpu.dma_semaphore, #tpu.memory_space<semaphore_mem>>) {add = true}
      %dma_wait3A = arith.constant 0 : i32
      %dma_wait3A_50 = tpu.memref_slice %arg6[%run_scoped3A_36, %dma_wait3A] : memref<13x128xi32, #tpu.memory_space<vmem>> -> memref<1x128xi32, #tpu.memory_space<vmem>>
      %dma_wait3A_51 = tpu.memref_squeeze %dma_wait3A_50 : memref<1x128xi32, #tpu.memory_space<vmem>> -> memref<128xi32, #tpu.memory_space<vmem>>
      %dma_wait3A_52 = arith.constant 0 : i32
      %dma_wait3A_53 = arith.constant 0 : i32
      %dma_wait3A_54 = tpu.memref_slice %arg8[%dma_wait3A_52, %dma_wait3A_53] : memref<10240x128xf32, #tpu.memory_space<vmem_shared>> -> memref<10240x128xf32, #tpu.memory_space<vmem_shared>>
      tpu.wait_indirect_dma semaphore(%run_scoped3A_44 : memref<!tpu.dma_semaphore, #tpu.memory_space<semaphore_mem>>) src(%arg7 : memref<128x128xf32, #tpu.memory_space<vmem>>) dst(%dma_wait3A_54 : memref<10240x128xf32, #tpu.memory_space<vmem_shared>>)
      tpu.yield
    }) : () -> ()
    %add3A_37 = arith.constant 1408 : i32
    %add3A_38 = arith.addi %mul3A_4, %add3A_37 : i32
    "tpu.region"() ({
      %run_scoped3A_44 = tpu.sem_alloc : memref<!tpu.dma_semaphore, #tpu.memory_space<semaphore_mem>>
      %dma_start3A = arith.constant 0 : i32
      %dma_start3A_45 = tpu.memref_slice %arg2[%add3A_38, %dma_start3A] : memref<53248x128xf32, #tpu.memory_space<hbm>> -> memref<128x128xf32, #tpu.memory_space<hbm>>
      %dma_start3A_46 = arith.constant 0 : i32
      %dma_start3A_47 = tpu.memref_slice %arg2[%add3A_38, %dma_start3A_46] : memref<53248x128xf32, #tpu.memory_space<hbm>> -> memref<128x128xf32, #tpu.memory_space<hbm>>
      tpu.enqueue_dma source(%dma_start3A_47 : memref<128x128xf32, #tpu.memory_space<hbm>>) target(%arg7 : memref<128x128xf32, #tpu.memory_space<vmem>>) target_semaphore(%run_scoped3A_44 : memref<!tpu.dma_semaphore, #tpu.memory_space<semaphore_mem>>)
      %dma_wait3A = arith.constant 0 : i32
      %dma_wait3A_48 = tpu.memref_slice %arg2[%add3A_38, %dma_wait3A] : memref<53248x128xf32, #tpu.memory_space<hbm>> -> memref<128x128xf32, #tpu.memory_space<hbm>>
      %dma_wait3A_49 = arith.constant 0 : i32
      %dma_wait3A_50 = tpu.memref_slice %arg2[%add3A_38, %dma_wait3A_49] : memref<53248x128xf32, #tpu.memory_space<hbm>> -> memref<128x128xf32, #tpu.memory_space<hbm>>
      tpu.wait_dma2 semaphore(%run_scoped3A_44 : memref<!tpu.dma_semaphore, #tpu.memory_space<semaphore_mem>>) src(%dma_wait3A_50 : memref<128x128xf32, #tpu.memory_space<hbm>>) dst(%arg7 : memref<128x128xf32, #tpu.memory_space<vmem>>)
      tpu.yield
    }) : () -> ()
    %run_scoped3A_39 = arith.constant 11 : i32
    "tpu.region"() ({
      %run_scoped3A_44 = tpu.sem_alloc : memref<!tpu.dma_semaphore, #tpu.memory_space<semaphore_mem>>
      %dma_start3A = arith.constant 0 : i32
      %dma_start3A_45 = tpu.memref_slice %arg6[%run_scoped3A_39, %dma_start3A] : memref<13x128xi32, #tpu.memory_space<vmem>> -> memref<1x128xi32, #tpu.memory_space<vmem>>
      %dma_start3A_46 = tpu.memref_squeeze %dma_start3A_45 : memref<1x128xi32, #tpu.memory_space<vmem>> -> memref<128xi32, #tpu.memory_space<vmem>>
      %dma_start3A_47 = arith.constant 0 : i32
      %dma_start3A_48 = arith.constant 0 : i32
      %dma_start3A_49 = tpu.memref_slice %arg8[%dma_start3A_47, %dma_start3A_48] : memref<10240x128xf32, #tpu.memory_space<vmem_shared>> -> memref<10240x128xf32, #tpu.memory_space<vmem_shared>>
      tpu.enqueue_indirect_dma source(%arg7 : memref<128x128xf32, #tpu.memory_space<vmem>>) target(%dma_start3A_49 : memref<10240x128xf32, #tpu.memory_space<vmem_shared>>) offsets(%dma_start3A_46 : memref<128xi32, #tpu.memory_space<vmem>>) semaphore(%run_scoped3A_44 : memref<!tpu.dma_semaphore, #tpu.memory_space<semaphore_mem>>) {add = true}
      %dma_wait3A = arith.constant 0 : i32
      %dma_wait3A_50 = tpu.memref_slice %arg6[%run_scoped3A_39, %dma_wait3A] : memref<13x128xi32, #tpu.memory_space<vmem>> -> memref<1x128xi32, #tpu.memory_space<vmem>>
      %dma_wait3A_51 = tpu.memref_squeeze %dma_wait3A_50 : memref<1x128xi32, #tpu.memory_space<vmem>> -> memref<128xi32, #tpu.memory_space<vmem>>
      %dma_wait3A_52 = arith.constant 0 : i32
      %dma_wait3A_53 = arith.constant 0 : i32
      %dma_wait3A_54 = tpu.memref_slice %arg8[%dma_wait3A_52, %dma_wait3A_53] : memref<10240x128xf32, #tpu.memory_space<vmem_shared>> -> memref<10240x128xf32, #tpu.memory_space<vmem_shared>>
      tpu.wait_indirect_dma semaphore(%run_scoped3A_44 : memref<!tpu.dma_semaphore, #tpu.memory_space<semaphore_mem>>) src(%arg7 : memref<128x128xf32, #tpu.memory_space<vmem>>) dst(%dma_wait3A_54 : memref<10240x128xf32, #tpu.memory_space<vmem_shared>>)
      tpu.yield
    }) : () -> ()
    %add3A_40 = arith.constant 1536 : i32
    %add3A_41 = arith.addi %mul3A_4, %add3A_40 : i32
    "tpu.region"() ({
      %run_scoped3A_44 = tpu.sem_alloc : memref<!tpu.dma_semaphore, #tpu.memory_space<semaphore_mem>>
      %dma_start3A = arith.constant 0 : i32
      %dma_start3A_45 = tpu.memref_slice %arg2[%add3A_41, %dma_start3A] : memref<53248x128xf32, #tpu.memory_space<hbm>> -> memref<128x128xf32, #tpu.memory_space<hbm>>
      %dma_start3A_46 = arith.constant 0 : i32
      %dma_start3A_47 = tpu.memref_slice %arg2[%add3A_41, %dma_start3A_46] : memref<53248x128xf32, #tpu.memory_space<hbm>> -> memref<128x128xf32, #tpu.memory_space<hbm>>
      tpu.enqueue_dma source(%dma_start3A_47 : memref<128x128xf32, #tpu.memory_space<hbm>>) target(%arg7 : memref<128x128xf32, #tpu.memory_space<vmem>>) target_semaphore(%run_scoped3A_44 : memref<!tpu.dma_semaphore, #tpu.memory_space<semaphore_mem>>)
      %dma_wait3A = arith.constant 0 : i32
      %dma_wait3A_48 = tpu.memref_slice %arg2[%add3A_41, %dma_wait3A] : memref<53248x128xf32, #tpu.memory_space<hbm>> -> memref<128x128xf32, #tpu.memory_space<hbm>>
      %dma_wait3A_49 = arith.constant 0 : i32
      %dma_wait3A_50 = tpu.memref_slice %arg2[%add3A_41, %dma_wait3A_49] : memref<53248x128xf32, #tpu.memory_space<hbm>> -> memref<128x128xf32, #tpu.memory_space<hbm>>
      tpu.wait_dma2 semaphore(%run_scoped3A_44 : memref<!tpu.dma_semaphore, #tpu.memory_space<semaphore_mem>>) src(%dma_wait3A_50 : memref<128x128xf32, #tpu.memory_space<hbm>>) dst(%arg7 : memref<128x128xf32, #tpu.memory_space<vmem>>)
      tpu.yield
    }) : () -> ()
    %run_scoped3A_42 = arith.constant 12 : i32
    "tpu.region"() ({
      %run_scoped3A_44 = tpu.sem_alloc : memref<!tpu.dma_semaphore, #tpu.memory_space<semaphore_mem>>
      %dma_start3A = arith.constant 0 : i32
      %dma_start3A_45 = tpu.memref_slice %arg6[%run_scoped3A_42, %dma_start3A] : memref<13x128xi32, #tpu.memory_space<vmem>> -> memref<1x128xi32, #tpu.memory_space<vmem>>
      %dma_start3A_46 = tpu.memref_squeeze %dma_start3A_45 : memref<1x128xi32, #tpu.memory_space<vmem>> -> memref<128xi32, #tpu.memory_space<vmem>>
      %dma_start3A_47 = arith.constant 0 : i32
      %dma_start3A_48 = arith.constant 0 : i32
      %dma_start3A_49 = tpu.memref_slice %arg8[%dma_start3A_47, %dma_start3A_48] : memref<10240x128xf32, #tpu.memory_space<vmem_shared>> -> memref<10240x128xf32, #tpu.memory_space<vmem_shared>>
      tpu.enqueue_indirect_dma source(%arg7 : memref<128x128xf32, #tpu.memory_space<vmem>>) target(%dma_start3A_49 : memref<10240x128xf32, #tpu.memory_space<vmem_shared>>) offsets(%dma_start3A_46 : memref<128xi32, #tpu.memory_space<vmem>>) semaphore(%run_scoped3A_44 : memref<!tpu.dma_semaphore, #tpu.memory_space<semaphore_mem>>) {add = true}
      %dma_wait3A = arith.constant 0 : i32
      %dma_wait3A_50 = tpu.memref_slice %arg6[%run_scoped3A_42, %dma_wait3A] : memref<13x128xi32, #tpu.memory_space<vmem>> -> memref<1x128xi32, #tpu.memory_space<vmem>>
      %dma_wait3A_51 = tpu.memref_squeeze %dma_wait3A_50 : memref<1x128xi32, #tpu.memory_space<vmem>> -> memref<128xi32, #tpu.memory_space<vmem>>
      %dma_wait3A_52 = arith.constant 0 : i32
      %dma_wait3A_53 = arith.constant 0 : i32
      %dma_wait3A_54 = tpu.memref_slice %arg8[%dma_wait3A_52, %dma_wait3A_53] : memref<10240x128xf32, #tpu.memory_space<vmem_shared>> -> memref<10240x128xf32, #tpu.memory_space<vmem_shared>>
      tpu.wait_indirect_dma semaphore(%run_scoped3A_44 : memref<!tpu.dma_semaphore, #tpu.memory_space<semaphore_mem>>) src(%arg7 : memref<128x128xf32, #tpu.memory_space<vmem>>) dst(%dma_wait3A_54 : memref<10240x128xf32, #tpu.memory_space<vmem_shared>>)
      tpu.yield
    }) : () -> ()
    %barrier3A_43 = arith.constant 0 : index
    tpu.barrier barrier_id(%barrier3A_43)
    "tpu.region"() ({
      %run_scoped3A_44 = tpu.sem_alloc : memref<!tpu.dma_semaphore, #tpu.memory_space<semaphore_mem>>
      %dma_start3A = arith.constant 0 : i32
      %dma_start3A_45 = tpu.memref_slice %arg5[%arg0, %mul3A_2, %dma_start3A] : memref<2x10240x128xf32, #tpu.memory_space<hbm>> -> memref<1x640x128xf32, #tpu.memory_space<hbm>>
      %dma_start3A_46 = tpu.memref_squeeze %dma_start3A_45 : memref<1x640x128xf32, #tpu.memory_space<hbm>> -> memref<640x128xf32, #tpu.memory_space<hbm>>
      %dma_start3A_47 = arith.constant 0 : i32
      %dma_start3A_48 = tpu.memref_slice %arg8[%mul3A_2, %dma_start3A_47] : memref<10240x128xf32, #tpu.memory_space<vmem_shared>> -> memref<640x128xf32, #tpu.memory_space<vmem_shared>>
      tpu.enqueue_dma source(%dma_start3A_48 : memref<640x128xf32, #tpu.memory_space<vmem_shared>>) target(%dma_start3A_46 : memref<640x128xf32, #tpu.memory_space<hbm>>) target_semaphore(%run_scoped3A_44 : memref<!tpu.dma_semaphore, #tpu.memory_space<semaphore_mem>>)
      %dma_wait3A = arith.constant 0 : i32
      %dma_wait3A_49 = tpu.memref_slice %arg5[%arg0, %mul3A_2, %dma_wait3A] : memref<2x10240x128xf32, #tpu.memory_space<hbm>> -> memref<1x640x128xf32, #tpu.memory_space<hbm>>
      %dma_wait3A_50 = tpu.memref_squeeze %dma_wait3A_49 : memref<1x640x128xf32, #tpu.memory_space<hbm>> -> memref<640x128xf32, #tpu.memory_space<hbm>>
      %dma_wait3A_51 = arith.constant 0 : i32
      %dma_wait3A_52 = tpu.memref_slice %arg8[%mul3A_2, %dma_wait3A_51] : memref<10240x128xf32, #tpu.memory_space<vmem_shared>> -> memref<640x128xf32, #tpu.memory_space<vmem_shared>>
      tpu.wait_dma2 semaphore(%run_scoped3A_44 : memref<!tpu.dma_semaphore, #tpu.memory_space<semaphore_mem>>) src(%dma_wait3A_52 : memref<640x128xf32, #tpu.memory_space<vmem_shared>>) dst(%dma_wait3A_50 : memref<640x128xf32, #tpu.memory_space<hbm>>)
      tpu.yield
    }) : () -> ()
    return
  }
}

#map = affine_map<(d0, d1) -> (0, 0)>
#map1 = affine_map<(d0, d1) -> (0, 0, 0)>
module attributes {stable_mosaic.version = 14 : i64} {
  func.func @sc_gather(%arg0: i32, %arg1: i32, %arg2: memref<10240x128xf32, #tpu.memory_space<hbm>>, %arg3: memref<32x13x128xi32, #tpu.memory_space<hbm>>, %arg4: memref<53248x128xf32, #tpu.memory_space<hbm>>, %arg5: memref<13x128xi32, #tpu.memory_space<vmem>>, %arg6: memref<128x128xf32, #tpu.memory_space<vmem>>, %arg7: memref<!tpu.dma_semaphore, #tpu.memory_space<semaphore_mem>>) attributes {dimension_semantics = [#tpu.dimension_semantics<core_parallel>, #tpu.dimension_semantics<subcore_parallel>], iteration_bounds = array<i64: 2, 16>, scalar_prefetch = 0 : i64, scratch_operands = 3 : i64, tpu.core_type = #tpu.core_type<sc_vector_subcore>, window_params = [{transform_indices = #map}, {transform_indices = #map1}, {transform_indices = #map}]} {
    %mul3A = arith.constant 16 : i32
    %mul3A_0 = arith.muli %arg0, %mul3A : i32
    %add3A = arith.addi %mul3A_0, %arg1 : i32
    "tpu.region"() ({
      %run_scoped3A = tpu.sem_alloc : memref<!tpu.dma_semaphore, #tpu.memory_space<semaphore_mem>>
      %dma_start3A_209 = arith.constant 0 : i32
      %dma_start3A_210 = arith.constant 0 : i32
      %dma_start3A_211 = tpu.memref_slice %arg3[%add3A, %dma_start3A_209, %dma_start3A_210] : memref<32x13x128xi32, #tpu.memory_space<hbm>> -> memref<1x13x128xi32, #tpu.memory_space<hbm>>
      %dma_start3A_212 = tpu.memref_squeeze %dma_start3A_211 : memref<1x13x128xi32, #tpu.memory_space<hbm>> -> memref<13x128xi32, #tpu.memory_space<hbm>>
      %dma_start3A_213 = arith.constant 0 : i32
      %dma_start3A_214 = arith.constant 0 : i32
      %dma_start3A_215 = tpu.memref_slice %arg3[%add3A, %dma_start3A_213, %dma_start3A_214] : memref<32x13x128xi32, #tpu.memory_space<hbm>> -> memref<1x13x128xi32, #tpu.memory_space<hbm>>
      %dma_start3A_216 = tpu.memref_squeeze %dma_start3A_215 : memref<1x13x128xi32, #tpu.memory_space<hbm>> -> memref<13x128xi32, #tpu.memory_space<hbm>>
      tpu.enqueue_dma source(%dma_start3A_216 : memref<13x128xi32, #tpu.memory_space<hbm>>) target(%arg5 : memref<13x128xi32, #tpu.memory_space<vmem>>) target_semaphore(%run_scoped3A : memref<!tpu.dma_semaphore, #tpu.memory_space<semaphore_mem>>)
      %dma_wait3A_217 = arith.constant 0 : i32
      %dma_wait3A_218 = arith.constant 0 : i32
      %dma_wait3A_219 = tpu.memref_slice %arg3[%add3A, %dma_wait3A_217, %dma_wait3A_218] : memref<32x13x128xi32, #tpu.memory_space<hbm>> -> memref<1x13x128xi32, #tpu.memory_space<hbm>>
      %dma_wait3A_220 = tpu.memref_squeeze %dma_wait3A_219 : memref<1x13x128xi32, #tpu.memory_space<hbm>> -> memref<13x128xi32, #tpu.memory_space<hbm>>
      %dma_wait3A_221 = arith.constant 0 : i32
      %dma_wait3A_222 = arith.constant 0 : i32
      %dma_wait3A_223 = tpu.memref_slice %arg3[%add3A, %dma_wait3A_221, %dma_wait3A_222] : memref<32x13x128xi32, #tpu.memory_space<hbm>> -> memref<1x13x128xi32, #tpu.memory_space<hbm>>
      %dma_wait3A_224 = tpu.memref_squeeze %dma_wait3A_223 : memref<1x13x128xi32, #tpu.memory_space<hbm>> -> memref<13x128xi32, #tpu.memory_space<hbm>>
      tpu.wait_dma2 semaphore(%run_scoped3A : memref<!tpu.dma_semaphore, #tpu.memory_space<semaphore_mem>>) src(%dma_wait3A_224 : memref<13x128xi32, #tpu.memory_space<hbm>>) dst(%arg5 : memref<13x128xi32, #tpu.memory_space<vmem>>)
      tpu.yield
    }) : () -> ()
    %mul3A_1 = arith.constant 1664 : i32
    %mul3A_2 = arith.muli %add3A, %mul3A_1 : i32
    %dma_start3A = arith.constant 0 : i32
    %dma_start3A_3 = arith.constant 0 : i32
    %dma_start3A_4 = tpu.memref_slice %arg5[%dma_start3A, %dma_start3A_3] : memref<13x128xi32, #tpu.memory_space<vmem>> -> memref<1x128xi32, #tpu.memory_space<vmem>>
    %dma_start3A_5 = tpu.memref_squeeze %dma_start3A_4 : memref<1x128xi32, #tpu.memory_space<vmem>> -> memref<128xi32, #tpu.memory_space<vmem>>
    %dma_start3A_6 = arith.constant 0 : i32
    %dma_start3A_7 = arith.constant 0 : i32
    %dma_start3A_8 = tpu.memref_slice %arg2[%dma_start3A_6, %dma_start3A_7] : memref<10240x128xf32, #tpu.memory_space<hbm>> -> memref<10240x128xf32, #tpu.memory_space<hbm>>
    tpu.enqueue_indirect_dma source(%dma_start3A_8 : memref<10240x128xf32, #tpu.memory_space<hbm>>) target(%arg6 : memref<128x128xf32, #tpu.memory_space<vmem>>) offsets(%dma_start3A_5 : memref<128xi32, #tpu.memory_space<vmem>>) semaphore(%arg7 : memref<!tpu.dma_semaphore, #tpu.memory_space<semaphore_mem>>)
    %dma_wait3A = arith.constant 0 : i32
    %dma_wait3A_9 = arith.constant 0 : i32
    %dma_wait3A_10 = tpu.memref_slice %arg5[%dma_wait3A, %dma_wait3A_9] : memref<13x128xi32, #tpu.memory_space<vmem>> -> memref<1x128xi32, #tpu.memory_space<vmem>>
    %dma_wait3A_11 = tpu.memref_squeeze %dma_wait3A_10 : memref<1x128xi32, #tpu.memory_space<vmem>> -> memref<128xi32, #tpu.memory_space<vmem>>
    %dma_wait3A_12 = arith.constant 0 : i32
    %dma_wait3A_13 = arith.constant 0 : i32
    %dma_wait3A_14 = tpu.memref_slice %arg2[%dma_wait3A_12, %dma_wait3A_13] : memref<10240x128xf32, #tpu.memory_space<hbm>> -> memref<10240x128xf32, #tpu.memory_space<hbm>>
    tpu.wait_indirect_dma semaphore(%arg7 : memref<!tpu.dma_semaphore, #tpu.memory_space<semaphore_mem>>) src(%dma_wait3A_14 : memref<10240x128xf32, #tpu.memory_space<hbm>>) dst(%arg6 : memref<128x128xf32, #tpu.memory_space<vmem>>)
    %add3A_15 = arith.constant 0 : i32
    %add3A_16 = arith.addi %mul3A_2, %add3A_15 : i32
    "tpu.region"() ({
      %run_scoped3A = tpu.sem_alloc : memref<!tpu.dma_semaphore, #tpu.memory_space<semaphore_mem>>
      %dma_start3A_209 = arith.constant 0 : i32
      %dma_start3A_210 = tpu.memref_slice %arg4[%add3A_16, %dma_start3A_209] : memref<53248x128xf32, #tpu.memory_space<hbm>> -> memref<128x128xf32, #tpu.memory_space<hbm>>
      %dma_start3A_211 = arith.constant 0 : i32
      %dma_start3A_212 = tpu.memref_slice %arg4[%add3A_16, %dma_start3A_211] : memref<53248x128xf32, #tpu.memory_space<hbm>> -> memref<128x128xf32, #tpu.memory_space<hbm>>
      tpu.enqueue_dma source(%arg6 : memref<128x128xf32, #tpu.memory_space<vmem>>) target(%dma_start3A_212 : memref<128x128xf32, #tpu.memory_space<hbm>>) target_semaphore(%run_scoped3A : memref<!tpu.dma_semaphore, #tpu.memory_space<semaphore_mem>>)
      %dma_wait3A_213 = arith.constant 0 : i32
      %dma_wait3A_214 = tpu.memref_slice %arg4[%add3A_16, %dma_wait3A_213] : memref<53248x128xf32, #tpu.memory_space<hbm>> -> memref<128x128xf32, #tpu.memory_space<hbm>>
      %dma_wait3A_215 = arith.constant 0 : i32
      %dma_wait3A_216 = tpu.memref_slice %arg4[%add3A_16, %dma_wait3A_215] : memref<53248x128xf32, #tpu.memory_space<hbm>> -> memref<128x128xf32, #tpu.memory_space<hbm>>
      tpu.wait_dma2 semaphore(%run_scoped3A : memref<!tpu.dma_semaphore, #tpu.memory_space<semaphore_mem>>) src(%arg6 : memref<128x128xf32, #tpu.memory_space<vmem>>) dst(%dma_wait3A_216 : memref<128x128xf32, #tpu.memory_space<hbm>>)
      tpu.yield
    }) : () -> ()
    %dma_start3A_17 = arith.constant 1 : i32
    %dma_start3A_18 = arith.constant 0 : i32
    %dma_start3A_19 = tpu.memref_slice %arg5[%dma_start3A_17, %dma_start3A_18] : memref<13x128xi32, #tpu.memory_space<vmem>> -> memref<1x128xi32, #tpu.memory_space<vmem>>
    %dma_start3A_20 = tpu.memref_squeeze %dma_start3A_19 : memref<1x128xi32, #tpu.memory_space<vmem>> -> memref<128xi32, #tpu.memory_space<vmem>>
    %dma_start3A_21 = arith.constant 0 : i32
    %dma_start3A_22 = arith.constant 0 : i32
    %dma_start3A_23 = tpu.memref_slice %arg2[%dma_start3A_21, %dma_start3A_22] : memref<10240x128xf32, #tpu.memory_space<hbm>> -> memref<10240x128xf32, #tpu.memory_space<hbm>>
    tpu.enqueue_indirect_dma source(%dma_start3A_23 : memref<10240x128xf32, #tpu.memory_space<hbm>>) target(%arg6 : memref<128x128xf32, #tpu.memory_space<vmem>>) offsets(%dma_start3A_20 : memref<128xi32, #tpu.memory_space<vmem>>) semaphore(%arg7 : memref<!tpu.dma_semaphore, #tpu.memory_space<semaphore_mem>>)
    %dma_wait3A_24 = arith.constant 1 : i32
    %dma_wait3A_25 = arith.constant 0 : i32
    %dma_wait3A_26 = tpu.memref_slice %arg5[%dma_wait3A_24, %dma_wait3A_25] : memref<13x128xi32, #tpu.memory_space<vmem>> -> memref<1x128xi32, #tpu.memory_space<vmem>>
    %dma_wait3A_27 = tpu.memref_squeeze %dma_wait3A_26 : memref<1x128xi32, #tpu.memory_space<vmem>> -> memref<128xi32, #tpu.memory_space<vmem>>
    %dma_wait3A_28 = arith.constant 0 : i32
    %dma_wait3A_29 = arith.constant 0 : i32
    %dma_wait3A_30 = tpu.memref_slice %arg2[%dma_wait3A_28, %dma_wait3A_29] : memref<10240x128xf32, #tpu.memory_space<hbm>> -> memref<10240x128xf32, #tpu.memory_space<hbm>>
    tpu.wait_indirect_dma semaphore(%arg7 : memref<!tpu.dma_semaphore, #tpu.memory_space<semaphore_mem>>) src(%dma_wait3A_30 : memref<10240x128xf32, #tpu.memory_space<hbm>>) dst(%arg6 : memref<128x128xf32, #tpu.memory_space<vmem>>)
    %add3A_31 = arith.constant 128 : i32
    %add3A_32 = arith.addi %mul3A_2, %add3A_31 : i32
    "tpu.region"() ({
      %run_scoped3A = tpu.sem_alloc : memref<!tpu.dma_semaphore, #tpu.memory_space<semaphore_mem>>
      %dma_start3A_209 = arith.constant 0 : i32
      %dma_start3A_210 = tpu.memref_slice %arg4[%add3A_32, %dma_start3A_209] : memref<53248x128xf32, #tpu.memory_space<hbm>> -> memref<128x128xf32, #tpu.memory_space<hbm>>
      %dma_start3A_211 = arith.constant 0 : i32
      %dma_start3A_212 = tpu.memref_slice %arg4[%add3A_32, %dma_start3A_211] : memref<53248x128xf32, #tpu.memory_space<hbm>> -> memref<128x128xf32, #tpu.memory_space<hbm>>
      tpu.enqueue_dma source(%arg6 : memref<128x128xf32, #tpu.memory_space<vmem>>) target(%dma_start3A_212 : memref<128x128xf32, #tpu.memory_space<hbm>>) target_semaphore(%run_scoped3A : memref<!tpu.dma_semaphore, #tpu.memory_space<semaphore_mem>>)
      %dma_wait3A_213 = arith.constant 0 : i32
      %dma_wait3A_214 = tpu.memref_slice %arg4[%add3A_32, %dma_wait3A_213] : memref<53248x128xf32, #tpu.memory_space<hbm>> -> memref<128x128xf32, #tpu.memory_space<hbm>>
      %dma_wait3A_215 = arith.constant 0 : i32
      %dma_wait3A_216 = tpu.memref_slice %arg4[%add3A_32, %dma_wait3A_215] : memref<53248x128xf32, #tpu.memory_space<hbm>> -> memref<128x128xf32, #tpu.memory_space<hbm>>
      tpu.wait_dma2 semaphore(%run_scoped3A : memref<!tpu.dma_semaphore, #tpu.memory_space<semaphore_mem>>) src(%arg6 : memref<128x128xf32, #tpu.memory_space<vmem>>) dst(%dma_wait3A_216 : memref<128x128xf32, #tpu.memory_space<hbm>>)
      tpu.yield
    }) : () -> ()
    %dma_start3A_33 = arith.constant 2 : i32
    %dma_start3A_34 = arith.constant 0 : i32
    %dma_start3A_35 = tpu.memref_slice %arg5[%dma_start3A_33, %dma_start3A_34] : memref<13x128xi32, #tpu.memory_space<vmem>> -> memref<1x128xi32, #tpu.memory_space<vmem>>
    %dma_start3A_36 = tpu.memref_squeeze %dma_start3A_35 : memref<1x128xi32, #tpu.memory_space<vmem>> -> memref<128xi32, #tpu.memory_space<vmem>>
    %dma_start3A_37 = arith.constant 0 : i32
    %dma_start3A_38 = arith.constant 0 : i32
    %dma_start3A_39 = tpu.memref_slice %arg2[%dma_start3A_37, %dma_start3A_38] : memref<10240x128xf32, #tpu.memory_space<hbm>> -> memref<10240x128xf32, #tpu.memory_space<hbm>>
    tpu.enqueue_indirect_dma source(%dma_start3A_39 : memref<10240x128xf32, #tpu.memory_space<hbm>>) target(%arg6 : memref<128x128xf32, #tpu.memory_space<vmem>>) offsets(%dma_start3A_36 : memref<128xi32, #tpu.memory_space<vmem>>) semaphore(%arg7 : memref<!tpu.dma_semaphore, #tpu.memory_space<semaphore_mem>>)
    %dma_wait3A_40 = arith.constant 2 : i32
    %dma_wait3A_41 = arith.constant 0 : i32
    %dma_wait3A_42 = tpu.memref_slice %arg5[%dma_wait3A_40, %dma_wait3A_41] : memref<13x128xi32, #tpu.memory_space<vmem>> -> memref<1x128xi32, #tpu.memory_space<vmem>>
    %dma_wait3A_43 = tpu.memref_squeeze %dma_wait3A_42 : memref<1x128xi32, #tpu.memory_space<vmem>> -> memref<128xi32, #tpu.memory_space<vmem>>
    %dma_wait3A_44 = arith.constant 0 : i32
    %dma_wait3A_45 = arith.constant 0 : i32
    %dma_wait3A_46 = tpu.memref_slice %arg2[%dma_wait3A_44, %dma_wait3A_45] : memref<10240x128xf32, #tpu.memory_space<hbm>> -> memref<10240x128xf32, #tpu.memory_space<hbm>>
    tpu.wait_indirect_dma semaphore(%arg7 : memref<!tpu.dma_semaphore, #tpu.memory_space<semaphore_mem>>) src(%dma_wait3A_46 : memref<10240x128xf32, #tpu.memory_space<hbm>>) dst(%arg6 : memref<128x128xf32, #tpu.memory_space<vmem>>)
    %add3A_47 = arith.constant 256 : i32
    %add3A_48 = arith.addi %mul3A_2, %add3A_47 : i32
    "tpu.region"() ({
      %run_scoped3A = tpu.sem_alloc : memref<!tpu.dma_semaphore, #tpu.memory_space<semaphore_mem>>
      %dma_start3A_209 = arith.constant 0 : i32
      %dma_start3A_210 = tpu.memref_slice %arg4[%add3A_48, %dma_start3A_209] : memref<53248x128xf32, #tpu.memory_space<hbm>> -> memref<128x128xf32, #tpu.memory_space<hbm>>
      %dma_start3A_211 = arith.constant 0 : i32
      %dma_start3A_212 = tpu.memref_slice %arg4[%add3A_48, %dma_start3A_211] : memref<53248x128xf32, #tpu.memory_space<hbm>> -> memref<128x128xf32, #tpu.memory_space<hbm>>
      tpu.enqueue_dma source(%arg6 : memref<128x128xf32, #tpu.memory_space<vmem>>) target(%dma_start3A_212 : memref<128x128xf32, #tpu.memory_space<hbm>>) target_semaphore(%run_scoped3A : memref<!tpu.dma_semaphore, #tpu.memory_space<semaphore_mem>>)
      %dma_wait3A_213 = arith.constant 0 : i32
      %dma_wait3A_214 = tpu.memref_slice %arg4[%add3A_48, %dma_wait3A_213] : memref<53248x128xf32, #tpu.memory_space<hbm>> -> memref<128x128xf32, #tpu.memory_space<hbm>>
      %dma_wait3A_215 = arith.constant 0 : i32
      %dma_wait3A_216 = tpu.memref_slice %arg4[%add3A_48, %dma_wait3A_215] : memref<53248x128xf32, #tpu.memory_space<hbm>> -> memref<128x128xf32, #tpu.memory_space<hbm>>
      tpu.wait_dma2 semaphore(%run_scoped3A : memref<!tpu.dma_semaphore, #tpu.memory_space<semaphore_mem>>) src(%arg6 : memref<128x128xf32, #tpu.memory_space<vmem>>) dst(%dma_wait3A_216 : memref<128x128xf32, #tpu.memory_space<hbm>>)
      tpu.yield
    }) : () -> ()
    %dma_start3A_49 = arith.constant 3 : i32
    %dma_start3A_50 = arith.constant 0 : i32
    %dma_start3A_51 = tpu.memref_slice %arg5[%dma_start3A_49, %dma_start3A_50] : memref<13x128xi32, #tpu.memory_space<vmem>> -> memref<1x128xi32, #tpu.memory_space<vmem>>
    %dma_start3A_52 = tpu.memref_squeeze %dma_start3A_51 : memref<1x128xi32, #tpu.memory_space<vmem>> -> memref<128xi32, #tpu.memory_space<vmem>>
    %dma_start3A_53 = arith.constant 0 : i32
    %dma_start3A_54 = arith.constant 0 : i32
    %dma_start3A_55 = tpu.memref_slice %arg2[%dma_start3A_53, %dma_start3A_54] : memref<10240x128xf32, #tpu.memory_space<hbm>> -> memref<10240x128xf32, #tpu.memory_space<hbm>>
    tpu.enqueue_indirect_dma source(%dma_start3A_55 : memref<10240x128xf32, #tpu.memory_space<hbm>>) target(%arg6 : memref<128x128xf32, #tpu.memory_space<vmem>>) offsets(%dma_start3A_52 : memref<128xi32, #tpu.memory_space<vmem>>) semaphore(%arg7 : memref<!tpu.dma_semaphore, #tpu.memory_space<semaphore_mem>>)
    %dma_wait3A_56 = arith.constant 3 : i32
    %dma_wait3A_57 = arith.constant 0 : i32
    %dma_wait3A_58 = tpu.memref_slice %arg5[%dma_wait3A_56, %dma_wait3A_57] : memref<13x128xi32, #tpu.memory_space<vmem>> -> memref<1x128xi32, #tpu.memory_space<vmem>>
    %dma_wait3A_59 = tpu.memref_squeeze %dma_wait3A_58 : memref<1x128xi32, #tpu.memory_space<vmem>> -> memref<128xi32, #tpu.memory_space<vmem>>
    %dma_wait3A_60 = arith.constant 0 : i32
    %dma_wait3A_61 = arith.constant 0 : i32
    %dma_wait3A_62 = tpu.memref_slice %arg2[%dma_wait3A_60, %dma_wait3A_61] : memref<10240x128xf32, #tpu.memory_space<hbm>> -> memref<10240x128xf32, #tpu.memory_space<hbm>>
    tpu.wait_indirect_dma semaphore(%arg7 : memref<!tpu.dma_semaphore, #tpu.memory_space<semaphore_mem>>) src(%dma_wait3A_62 : memref<10240x128xf32, #tpu.memory_space<hbm>>) dst(%arg6 : memref<128x128xf32, #tpu.memory_space<vmem>>)
    %add3A_63 = arith.constant 384 : i32
    %add3A_64 = arith.addi %mul3A_2, %add3A_63 : i32
    "tpu.region"() ({
      %run_scoped3A = tpu.sem_alloc : memref<!tpu.dma_semaphore, #tpu.memory_space<semaphore_mem>>
      %dma_start3A_209 = arith.constant 0 : i32
      %dma_start3A_210 = tpu.memref_slice %arg4[%add3A_64, %dma_start3A_209] : memref<53248x128xf32, #tpu.memory_space<hbm>> -> memref<128x128xf32, #tpu.memory_space<hbm>>
      %dma_start3A_211 = arith.constant 0 : i32
      %dma_start3A_212 = tpu.memref_slice %arg4[%add3A_64, %dma_start3A_211] : memref<53248x128xf32, #tpu.memory_space<hbm>> -> memref<128x128xf32, #tpu.memory_space<hbm>>
      tpu.enqueue_dma source(%arg6 : memref<128x128xf32, #tpu.memory_space<vmem>>) target(%dma_start3A_212 : memref<128x128xf32, #tpu.memory_space<hbm>>) target_semaphore(%run_scoped3A : memref<!tpu.dma_semaphore, #tpu.memory_space<semaphore_mem>>)
      %dma_wait3A_213 = arith.constant 0 : i32
      %dma_wait3A_214 = tpu.memref_slice %arg4[%add3A_64, %dma_wait3A_213] : memref<53248x128xf32, #tpu.memory_space<hbm>> -> memref<128x128xf32, #tpu.memory_space<hbm>>
      %dma_wait3A_215 = arith.constant 0 : i32
      %dma_wait3A_216 = tpu.memref_slice %arg4[%add3A_64, %dma_wait3A_215] : memref<53248x128xf32, #tpu.memory_space<hbm>> -> memref<128x128xf32, #tpu.memory_space<hbm>>
      tpu.wait_dma2 semaphore(%run_scoped3A : memref<!tpu.dma_semaphore, #tpu.memory_space<semaphore_mem>>) src(%arg6 : memref<128x128xf32, #tpu.memory_space<vmem>>) dst(%dma_wait3A_216 : memref<128x128xf32, #tpu.memory_space<hbm>>)
      tpu.yield
    }) : () -> ()
    %dma_start3A_65 = arith.constant 4 : i32
    %dma_start3A_66 = arith.constant 0 : i32
    %dma_start3A_67 = tpu.memref_slice %arg5[%dma_start3A_65, %dma_start3A_66] : memref<13x128xi32, #tpu.memory_space<vmem>> -> memref<1x128xi32, #tpu.memory_space<vmem>>
    %dma_start3A_68 = tpu.memref_squeeze %dma_start3A_67 : memref<1x128xi32, #tpu.memory_space<vmem>> -> memref<128xi32, #tpu.memory_space<vmem>>
    %dma_start3A_69 = arith.constant 0 : i32
    %dma_start3A_70 = arith.constant 0 : i32
    %dma_start3A_71 = tpu.memref_slice %arg2[%dma_start3A_69, %dma_start3A_70] : memref<10240x128xf32, #tpu.memory_space<hbm>> -> memref<10240x128xf32, #tpu.memory_space<hbm>>
    tpu.enqueue_indirect_dma source(%dma_start3A_71 : memref<10240x128xf32, #tpu.memory_space<hbm>>) target(%arg6 : memref<128x128xf32, #tpu.memory_space<vmem>>) offsets(%dma_start3A_68 : memref<128xi32, #tpu.memory_space<vmem>>) semaphore(%arg7 : memref<!tpu.dma_semaphore, #tpu.memory_space<semaphore_mem>>)
    %dma_wait3A_72 = arith.constant 4 : i32
    %dma_wait3A_73 = arith.constant 0 : i32
    %dma_wait3A_74 = tpu.memref_slice %arg5[%dma_wait3A_72, %dma_wait3A_73] : memref<13x128xi32, #tpu.memory_space<vmem>> -> memref<1x128xi32, #tpu.memory_space<vmem>>
    %dma_wait3A_75 = tpu.memref_squeeze %dma_wait3A_74 : memref<1x128xi32, #tpu.memory_space<vmem>> -> memref<128xi32, #tpu.memory_space<vmem>>
    %dma_wait3A_76 = arith.constant 0 : i32
    %dma_wait3A_77 = arith.constant 0 : i32
    %dma_wait3A_78 = tpu.memref_slice %arg2[%dma_wait3A_76, %dma_wait3A_77] : memref<10240x128xf32, #tpu.memory_space<hbm>> -> memref<10240x128xf32, #tpu.memory_space<hbm>>
    tpu.wait_indirect_dma semaphore(%arg7 : memref<!tpu.dma_semaphore, #tpu.memory_space<semaphore_mem>>) src(%dma_wait3A_78 : memref<10240x128xf32, #tpu.memory_space<hbm>>) dst(%arg6 : memref<128x128xf32, #tpu.memory_space<vmem>>)
    %add3A_79 = arith.constant 512 : i32
    %add3A_80 = arith.addi %mul3A_2, %add3A_79 : i32
    "tpu.region"() ({
      %run_scoped3A = tpu.sem_alloc : memref<!tpu.dma_semaphore, #tpu.memory_space<semaphore_mem>>
      %dma_start3A_209 = arith.constant 0 : i32
      %dma_start3A_210 = tpu.memref_slice %arg4[%add3A_80, %dma_start3A_209] : memref<53248x128xf32, #tpu.memory_space<hbm>> -> memref<128x128xf32, #tpu.memory_space<hbm>>
      %dma_start3A_211 = arith.constant 0 : i32
      %dma_start3A_212 = tpu.memref_slice %arg4[%add3A_80, %dma_start3A_211] : memref<53248x128xf32, #tpu.memory_space<hbm>> -> memref<128x128xf32, #tpu.memory_space<hbm>>
      tpu.enqueue_dma source(%arg6 : memref<128x128xf32, #tpu.memory_space<vmem>>) target(%dma_start3A_212 : memref<128x128xf32, #tpu.memory_space<hbm>>) target_semaphore(%run_scoped3A : memref<!tpu.dma_semaphore, #tpu.memory_space<semaphore_mem>>)
      %dma_wait3A_213 = arith.constant 0 : i32
      %dma_wait3A_214 = tpu.memref_slice %arg4[%add3A_80, %dma_wait3A_213] : memref<53248x128xf32, #tpu.memory_space<hbm>> -> memref<128x128xf32, #tpu.memory_space<hbm>>
      %dma_wait3A_215 = arith.constant 0 : i32
      %dma_wait3A_216 = tpu.memref_slice %arg4[%add3A_80, %dma_wait3A_215] : memref<53248x128xf32, #tpu.memory_space<hbm>> -> memref<128x128xf32, #tpu.memory_space<hbm>>
      tpu.wait_dma2 semaphore(%run_scoped3A : memref<!tpu.dma_semaphore, #tpu.memory_space<semaphore_mem>>) src(%arg6 : memref<128x128xf32, #tpu.memory_space<vmem>>) dst(%dma_wait3A_216 : memref<128x128xf32, #tpu.memory_space<hbm>>)
      tpu.yield
    }) : () -> ()
    %dma_start3A_81 = arith.constant 5 : i32
    %dma_start3A_82 = arith.constant 0 : i32
    %dma_start3A_83 = tpu.memref_slice %arg5[%dma_start3A_81, %dma_start3A_82] : memref<13x128xi32, #tpu.memory_space<vmem>> -> memref<1x128xi32, #tpu.memory_space<vmem>>
    %dma_start3A_84 = tpu.memref_squeeze %dma_start3A_83 : memref<1x128xi32, #tpu.memory_space<vmem>> -> memref<128xi32, #tpu.memory_space<vmem>>
    %dma_start3A_85 = arith.constant 0 : i32
    %dma_start3A_86 = arith.constant 0 : i32
    %dma_start3A_87 = tpu.memref_slice %arg2[%dma_start3A_85, %dma_start3A_86] : memref<10240x128xf32, #tpu.memory_space<hbm>> -> memref<10240x128xf32, #tpu.memory_space<hbm>>
    tpu.enqueue_indirect_dma source(%dma_start3A_87 : memref<10240x128xf32, #tpu.memory_space<hbm>>) target(%arg6 : memref<128x128xf32, #tpu.memory_space<vmem>>) offsets(%dma_start3A_84 : memref<128xi32, #tpu.memory_space<vmem>>) semaphore(%arg7 : memref<!tpu.dma_semaphore, #tpu.memory_space<semaphore_mem>>)
    %dma_wait3A_88 = arith.constant 5 : i32
    %dma_wait3A_89 = arith.constant 0 : i32
    %dma_wait3A_90 = tpu.memref_slice %arg5[%dma_wait3A_88, %dma_wait3A_89] : memref<13x128xi32, #tpu.memory_space<vmem>> -> memref<1x128xi32, #tpu.memory_space<vmem>>
    %dma_wait3A_91 = tpu.memref_squeeze %dma_wait3A_90 : memref<1x128xi32, #tpu.memory_space<vmem>> -> memref<128xi32, #tpu.memory_space<vmem>>
    %dma_wait3A_92 = arith.constant 0 : i32
    %dma_wait3A_93 = arith.constant 0 : i32
    %dma_wait3A_94 = tpu.memref_slice %arg2[%dma_wait3A_92, %dma_wait3A_93] : memref<10240x128xf32, #tpu.memory_space<hbm>> -> memref<10240x128xf32, #tpu.memory_space<hbm>>
    tpu.wait_indirect_dma semaphore(%arg7 : memref<!tpu.dma_semaphore, #tpu.memory_space<semaphore_mem>>) src(%dma_wait3A_94 : memref<10240x128xf32, #tpu.memory_space<hbm>>) dst(%arg6 : memref<128x128xf32, #tpu.memory_space<vmem>>)
    %add3A_95 = arith.constant 640 : i32
    %add3A_96 = arith.addi %mul3A_2, %add3A_95 : i32
    "tpu.region"() ({
      %run_scoped3A = tpu.sem_alloc : memref<!tpu.dma_semaphore, #tpu.memory_space<semaphore_mem>>
      %dma_start3A_209 = arith.constant 0 : i32
      %dma_start3A_210 = tpu.memref_slice %arg4[%add3A_96, %dma_start3A_209] : memref<53248x128xf32, #tpu.memory_space<hbm>> -> memref<128x128xf32, #tpu.memory_space<hbm>>
      %dma_start3A_211 = arith.constant 0 : i32
      %dma_start3A_212 = tpu.memref_slice %arg4[%add3A_96, %dma_start3A_211] : memref<53248x128xf32, #tpu.memory_space<hbm>> -> memref<128x128xf32, #tpu.memory_space<hbm>>
      tpu.enqueue_dma source(%arg6 : memref<128x128xf32, #tpu.memory_space<vmem>>) target(%dma_start3A_212 : memref<128x128xf32, #tpu.memory_space<hbm>>) target_semaphore(%run_scoped3A : memref<!tpu.dma_semaphore, #tpu.memory_space<semaphore_mem>>)
      %dma_wait3A_213 = arith.constant 0 : i32
      %dma_wait3A_214 = tpu.memref_slice %arg4[%add3A_96, %dma_wait3A_213] : memref<53248x128xf32, #tpu.memory_space<hbm>> -> memref<128x128xf32, #tpu.memory_space<hbm>>
      %dma_wait3A_215 = arith.constant 0 : i32
      %dma_wait3A_216 = tpu.memref_slice %arg4[%add3A_96, %dma_wait3A_215] : memref<53248x128xf32, #tpu.memory_space<hbm>> -> memref<128x128xf32, #tpu.memory_space<hbm>>
      tpu.wait_dma2 semaphore(%run_scoped3A : memref<!tpu.dma_semaphore, #tpu.memory_space<semaphore_mem>>) src(%arg6 : memref<128x128xf32, #tpu.memory_space<vmem>>) dst(%dma_wait3A_216 : memref<128x128xf32, #tpu.memory_space<hbm>>)
      tpu.yield
    }) : () -> ()
    %dma_start3A_97 = arith.constant 6 : i32
    %dma_start3A_98 = arith.constant 0 : i32
    %dma_start3A_99 = tpu.memref_slice %arg5[%dma_start3A_97, %dma_start3A_98] : memref<13x128xi32, #tpu.memory_space<vmem>> -> memref<1x128xi32, #tpu.memory_space<vmem>>
    %dma_start3A_100 = tpu.memref_squeeze %dma_start3A_99 : memref<1x128xi32, #tpu.memory_space<vmem>> -> memref<128xi32, #tpu.memory_space<vmem>>
    %dma_start3A_101 = arith.constant 0 : i32
    %dma_start3A_102 = arith.constant 0 : i32
    %dma_start3A_103 = tpu.memref_slice %arg2[%dma_start3A_101, %dma_start3A_102] : memref<10240x128xf32, #tpu.memory_space<hbm>> -> memref<10240x128xf32, #tpu.memory_space<hbm>>
    tpu.enqueue_indirect_dma source(%dma_start3A_103 : memref<10240x128xf32, #tpu.memory_space<hbm>>) target(%arg6 : memref<128x128xf32, #tpu.memory_space<vmem>>) offsets(%dma_start3A_100 : memref<128xi32, #tpu.memory_space<vmem>>) semaphore(%arg7 : memref<!tpu.dma_semaphore, #tpu.memory_space<semaphore_mem>>)
    %dma_wait3A_104 = arith.constant 6 : i32
    %dma_wait3A_105 = arith.constant 0 : i32
    %dma_wait3A_106 = tpu.memref_slice %arg5[%dma_wait3A_104, %dma_wait3A_105] : memref<13x128xi32, #tpu.memory_space<vmem>> -> memref<1x128xi32, #tpu.memory_space<vmem>>
    %dma_wait3A_107 = tpu.memref_squeeze %dma_wait3A_106 : memref<1x128xi32, #tpu.memory_space<vmem>> -> memref<128xi32, #tpu.memory_space<vmem>>
    %dma_wait3A_108 = arith.constant 0 : i32
    %dma_wait3A_109 = arith.constant 0 : i32
    %dma_wait3A_110 = tpu.memref_slice %arg2[%dma_wait3A_108, %dma_wait3A_109] : memref<10240x128xf32, #tpu.memory_space<hbm>> -> memref<10240x128xf32, #tpu.memory_space<hbm>>
    tpu.wait_indirect_dma semaphore(%arg7 : memref<!tpu.dma_semaphore, #tpu.memory_space<semaphore_mem>>) src(%dma_wait3A_110 : memref<10240x128xf32, #tpu.memory_space<hbm>>) dst(%arg6 : memref<128x128xf32, #tpu.memory_space<vmem>>)
    %add3A_111 = arith.constant 768 : i32
    %add3A_112 = arith.addi %mul3A_2, %add3A_111 : i32
    "tpu.region"() ({
      %run_scoped3A = tpu.sem_alloc : memref<!tpu.dma_semaphore, #tpu.memory_space<semaphore_mem>>
      %dma_start3A_209 = arith.constant 0 : i32
      %dma_start3A_210 = tpu.memref_slice %arg4[%add3A_112, %dma_start3A_209] : memref<53248x128xf32, #tpu.memory_space<hbm>> -> memref<128x128xf32, #tpu.memory_space<hbm>>
      %dma_start3A_211 = arith.constant 0 : i32
      %dma_start3A_212 = tpu.memref_slice %arg4[%add3A_112, %dma_start3A_211] : memref<53248x128xf32, #tpu.memory_space<hbm>> -> memref<128x128xf32, #tpu.memory_space<hbm>>
      tpu.enqueue_dma source(%arg6 : memref<128x128xf32, #tpu.memory_space<vmem>>) target(%dma_start3A_212 : memref<128x128xf32, #tpu.memory_space<hbm>>) target_semaphore(%run_scoped3A : memref<!tpu.dma_semaphore, #tpu.memory_space<semaphore_mem>>)
      %dma_wait3A_213 = arith.constant 0 : i32
      %dma_wait3A_214 = tpu.memref_slice %arg4[%add3A_112, %dma_wait3A_213] : memref<53248x128xf32, #tpu.memory_space<hbm>> -> memref<128x128xf32, #tpu.memory_space<hbm>>
      %dma_wait3A_215 = arith.constant 0 : i32
      %dma_wait3A_216 = tpu.memref_slice %arg4[%add3A_112, %dma_wait3A_215] : memref<53248x128xf32, #tpu.memory_space<hbm>> -> memref<128x128xf32, #tpu.memory_space<hbm>>
      tpu.wait_dma2 semaphore(%run_scoped3A : memref<!tpu.dma_semaphore, #tpu.memory_space<semaphore_mem>>) src(%arg6 : memref<128x128xf32, #tpu.memory_space<vmem>>) dst(%dma_wait3A_216 : memref<128x128xf32, #tpu.memory_space<hbm>>)
      tpu.yield
    }) : () -> ()
    %dma_start3A_113 = arith.constant 7 : i32
    %dma_start3A_114 = arith.constant 0 : i32
    %dma_start3A_115 = tpu.memref_slice %arg5[%dma_start3A_113, %dma_start3A_114] : memref<13x128xi32, #tpu.memory_space<vmem>> -> memref<1x128xi32, #tpu.memory_space<vmem>>
    %dma_start3A_116 = tpu.memref_squeeze %dma_start3A_115 : memref<1x128xi32, #tpu.memory_space<vmem>> -> memref<128xi32, #tpu.memory_space<vmem>>
    %dma_start3A_117 = arith.constant 0 : i32
    %dma_start3A_118 = arith.constant 0 : i32
    %dma_start3A_119 = tpu.memref_slice %arg2[%dma_start3A_117, %dma_start3A_118] : memref<10240x128xf32, #tpu.memory_space<hbm>> -> memref<10240x128xf32, #tpu.memory_space<hbm>>
    tpu.enqueue_indirect_dma source(%dma_start3A_119 : memref<10240x128xf32, #tpu.memory_space<hbm>>) target(%arg6 : memref<128x128xf32, #tpu.memory_space<vmem>>) offsets(%dma_start3A_116 : memref<128xi32, #tpu.memory_space<vmem>>) semaphore(%arg7 : memref<!tpu.dma_semaphore, #tpu.memory_space<semaphore_mem>>)
    %dma_wait3A_120 = arith.constant 7 : i32
    %dma_wait3A_121 = arith.constant 0 : i32
    %dma_wait3A_122 = tpu.memref_slice %arg5[%dma_wait3A_120, %dma_wait3A_121] : memref<13x128xi32, #tpu.memory_space<vmem>> -> memref<1x128xi32, #tpu.memory_space<vmem>>
    %dma_wait3A_123 = tpu.memref_squeeze %dma_wait3A_122 : memref<1x128xi32, #tpu.memory_space<vmem>> -> memref<128xi32, #tpu.memory_space<vmem>>
    %dma_wait3A_124 = arith.constant 0 : i32
    %dma_wait3A_125 = arith.constant 0 : i32
    %dma_wait3A_126 = tpu.memref_slice %arg2[%dma_wait3A_124, %dma_wait3A_125] : memref<10240x128xf32, #tpu.memory_space<hbm>> -> memref<10240x128xf32, #tpu.memory_space<hbm>>
    tpu.wait_indirect_dma semaphore(%arg7 : memref<!tpu.dma_semaphore, #tpu.memory_space<semaphore_mem>>) src(%dma_wait3A_126 : memref<10240x128xf32, #tpu.memory_space<hbm>>) dst(%arg6 : memref<128x128xf32, #tpu.memory_space<vmem>>)
    %add3A_127 = arith.constant 896 : i32
    %add3A_128 = arith.addi %mul3A_2, %add3A_127 : i32
    "tpu.region"() ({
      %run_scoped3A = tpu.sem_alloc : memref<!tpu.dma_semaphore, #tpu.memory_space<semaphore_mem>>
      %dma_start3A_209 = arith.constant 0 : i32
      %dma_start3A_210 = tpu.memref_slice %arg4[%add3A_128, %dma_start3A_209] : memref<53248x128xf32, #tpu.memory_space<hbm>> -> memref<128x128xf32, #tpu.memory_space<hbm>>
      %dma_start3A_211 = arith.constant 0 : i32
      %dma_start3A_212 = tpu.memref_slice %arg4[%add3A_128, %dma_start3A_211] : memref<53248x128xf32, #tpu.memory_space<hbm>> -> memref<128x128xf32, #tpu.memory_space<hbm>>
      tpu.enqueue_dma source(%arg6 : memref<128x128xf32, #tpu.memory_space<vmem>>) target(%dma_start3A_212 : memref<128x128xf32, #tpu.memory_space<hbm>>) target_semaphore(%run_scoped3A : memref<!tpu.dma_semaphore, #tpu.memory_space<semaphore_mem>>)
      %dma_wait3A_213 = arith.constant 0 : i32
      %dma_wait3A_214 = tpu.memref_slice %arg4[%add3A_128, %dma_wait3A_213] : memref<53248x128xf32, #tpu.memory_space<hbm>> -> memref<128x128xf32, #tpu.memory_space<hbm>>
      %dma_wait3A_215 = arith.constant 0 : i32
      %dma_wait3A_216 = tpu.memref_slice %arg4[%add3A_128, %dma_wait3A_215] : memref<53248x128xf32, #tpu.memory_space<hbm>> -> memref<128x128xf32, #tpu.memory_space<hbm>>
      tpu.wait_dma2 semaphore(%run_scoped3A : memref<!tpu.dma_semaphore, #tpu.memory_space<semaphore_mem>>) src(%arg6 : memref<128x128xf32, #tpu.memory_space<vmem>>) dst(%dma_wait3A_216 : memref<128x128xf32, #tpu.memory_space<hbm>>)
      tpu.yield
    }) : () -> ()
    %dma_start3A_129 = arith.constant 8 : i32
    %dma_start3A_130 = arith.constant 0 : i32
    %dma_start3A_131 = tpu.memref_slice %arg5[%dma_start3A_129, %dma_start3A_130] : memref<13x128xi32, #tpu.memory_space<vmem>> -> memref<1x128xi32, #tpu.memory_space<vmem>>
    %dma_start3A_132 = tpu.memref_squeeze %dma_start3A_131 : memref<1x128xi32, #tpu.memory_space<vmem>> -> memref<128xi32, #tpu.memory_space<vmem>>
    %dma_start3A_133 = arith.constant 0 : i32
    %dma_start3A_134 = arith.constant 0 : i32
    %dma_start3A_135 = tpu.memref_slice %arg2[%dma_start3A_133, %dma_start3A_134] : memref<10240x128xf32, #tpu.memory_space<hbm>> -> memref<10240x128xf32, #tpu.memory_space<hbm>>
    tpu.enqueue_indirect_dma source(%dma_start3A_135 : memref<10240x128xf32, #tpu.memory_space<hbm>>) target(%arg6 : memref<128x128xf32, #tpu.memory_space<vmem>>) offsets(%dma_start3A_132 : memref<128xi32, #tpu.memory_space<vmem>>) semaphore(%arg7 : memref<!tpu.dma_semaphore, #tpu.memory_space<semaphore_mem>>)
    %dma_wait3A_136 = arith.constant 8 : i32
    %dma_wait3A_137 = arith.constant 0 : i32
    %dma_wait3A_138 = tpu.memref_slice %arg5[%dma_wait3A_136, %dma_wait3A_137] : memref<13x128xi32, #tpu.memory_space<vmem>> -> memref<1x128xi32, #tpu.memory_space<vmem>>
    %dma_wait3A_139 = tpu.memref_squeeze %dma_wait3A_138 : memref<1x128xi32, #tpu.memory_space<vmem>> -> memref<128xi32, #tpu.memory_space<vmem>>
    %dma_wait3A_140 = arith.constant 0 : i32
    %dma_wait3A_141 = arith.constant 0 : i32
    %dma_wait3A_142 = tpu.memref_slice %arg2[%dma_wait3A_140, %dma_wait3A_141] : memref<10240x128xf32, #tpu.memory_space<hbm>> -> memref<10240x128xf32, #tpu.memory_space<hbm>>
    tpu.wait_indirect_dma semaphore(%arg7 : memref<!tpu.dma_semaphore, #tpu.memory_space<semaphore_mem>>) src(%dma_wait3A_142 : memref<10240x128xf32, #tpu.memory_space<hbm>>) dst(%arg6 : memref<128x128xf32, #tpu.memory_space<vmem>>)
    %add3A_143 = arith.constant 1024 : i32
    %add3A_144 = arith.addi %mul3A_2, %add3A_143 : i32
    "tpu.region"() ({
      %run_scoped3A = tpu.sem_alloc : memref<!tpu.dma_semaphore, #tpu.memory_space<semaphore_mem>>
      %dma_start3A_209 = arith.constant 0 : i32
      %dma_start3A_210 = tpu.memref_slice %arg4[%add3A_144, %dma_start3A_209] : memref<53248x128xf32, #tpu.memory_space<hbm>> -> memref<128x128xf32, #tpu.memory_space<hbm>>
      %dma_start3A_211 = arith.constant 0 : i32
      %dma_start3A_212 = tpu.memref_slice %arg4[%add3A_144, %dma_start3A_211] : memref<53248x128xf32, #tpu.memory_space<hbm>> -> memref<128x128xf32, #tpu.memory_space<hbm>>
      tpu.enqueue_dma source(%arg6 : memref<128x128xf32, #tpu.memory_space<vmem>>) target(%dma_start3A_212 : memref<128x128xf32, #tpu.memory_space<hbm>>) target_semaphore(%run_scoped3A : memref<!tpu.dma_semaphore, #tpu.memory_space<semaphore_mem>>)
      %dma_wait3A_213 = arith.constant 0 : i32
      %dma_wait3A_214 = tpu.memref_slice %arg4[%add3A_144, %dma_wait3A_213] : memref<53248x128xf32, #tpu.memory_space<hbm>> -> memref<128x128xf32, #tpu.memory_space<hbm>>
      %dma_wait3A_215 = arith.constant 0 : i32
      %dma_wait3A_216 = tpu.memref_slice %arg4[%add3A_144, %dma_wait3A_215] : memref<53248x128xf32, #tpu.memory_space<hbm>> -> memref<128x128xf32, #tpu.memory_space<hbm>>
      tpu.wait_dma2 semaphore(%run_scoped3A : memref<!tpu.dma_semaphore, #tpu.memory_space<semaphore_mem>>) src(%arg6 : memref<128x128xf32, #tpu.memory_space<vmem>>) dst(%dma_wait3A_216 : memref<128x128xf32, #tpu.memory_space<hbm>>)
      tpu.yield
    }) : () -> ()
    %dma_start3A_145 = arith.constant 9 : i32
    %dma_start3A_146 = arith.constant 0 : i32
    %dma_start3A_147 = tpu.memref_slice %arg5[%dma_start3A_145, %dma_start3A_146] : memref<13x128xi32, #tpu.memory_space<vmem>> -> memref<1x128xi32, #tpu.memory_space<vmem>>
    %dma_start3A_148 = tpu.memref_squeeze %dma_start3A_147 : memref<1x128xi32, #tpu.memory_space<vmem>> -> memref<128xi32, #tpu.memory_space<vmem>>
    %dma_start3A_149 = arith.constant 0 : i32
    %dma_start3A_150 = arith.constant 0 : i32
    %dma_start3A_151 = tpu.memref_slice %arg2[%dma_start3A_149, %dma_start3A_150] : memref<10240x128xf32, #tpu.memory_space<hbm>> -> memref<10240x128xf32, #tpu.memory_space<hbm>>
    tpu.enqueue_indirect_dma source(%dma_start3A_151 : memref<10240x128xf32, #tpu.memory_space<hbm>>) target(%arg6 : memref<128x128xf32, #tpu.memory_space<vmem>>) offsets(%dma_start3A_148 : memref<128xi32, #tpu.memory_space<vmem>>) semaphore(%arg7 : memref<!tpu.dma_semaphore, #tpu.memory_space<semaphore_mem>>)
    %dma_wait3A_152 = arith.constant 9 : i32
    %dma_wait3A_153 = arith.constant 0 : i32
    %dma_wait3A_154 = tpu.memref_slice %arg5[%dma_wait3A_152, %dma_wait3A_153] : memref<13x128xi32, #tpu.memory_space<vmem>> -> memref<1x128xi32, #tpu.memory_space<vmem>>
    %dma_wait3A_155 = tpu.memref_squeeze %dma_wait3A_154 : memref<1x128xi32, #tpu.memory_space<vmem>> -> memref<128xi32, #tpu.memory_space<vmem>>
    %dma_wait3A_156 = arith.constant 0 : i32
    %dma_wait3A_157 = arith.constant 0 : i32
    %dma_wait3A_158 = tpu.memref_slice %arg2[%dma_wait3A_156, %dma_wait3A_157] : memref<10240x128xf32, #tpu.memory_space<hbm>> -> memref<10240x128xf32, #tpu.memory_space<hbm>>
    tpu.wait_indirect_dma semaphore(%arg7 : memref<!tpu.dma_semaphore, #tpu.memory_space<semaphore_mem>>) src(%dma_wait3A_158 : memref<10240x128xf32, #tpu.memory_space<hbm>>) dst(%arg6 : memref<128x128xf32, #tpu.memory_space<vmem>>)
    %add3A_159 = arith.constant 1152 : i32
    %add3A_160 = arith.addi %mul3A_2, %add3A_159 : i32
    "tpu.region"() ({
      %run_scoped3A = tpu.sem_alloc : memref<!tpu.dma_semaphore, #tpu.memory_space<semaphore_mem>>
      %dma_start3A_209 = arith.constant 0 : i32
      %dma_start3A_210 = tpu.memref_slice %arg4[%add3A_160, %dma_start3A_209] : memref<53248x128xf32, #tpu.memory_space<hbm>> -> memref<128x128xf32, #tpu.memory_space<hbm>>
      %dma_start3A_211 = arith.constant 0 : i32
      %dma_start3A_212 = tpu.memref_slice %arg4[%add3A_160, %dma_start3A_211] : memref<53248x128xf32, #tpu.memory_space<hbm>> -> memref<128x128xf32, #tpu.memory_space<hbm>>
      tpu.enqueue_dma source(%arg6 : memref<128x128xf32, #tpu.memory_space<vmem>>) target(%dma_start3A_212 : memref<128x128xf32, #tpu.memory_space<hbm>>) target_semaphore(%run_scoped3A : memref<!tpu.dma_semaphore, #tpu.memory_space<semaphore_mem>>)
      %dma_wait3A_213 = arith.constant 0 : i32
      %dma_wait3A_214 = tpu.memref_slice %arg4[%add3A_160, %dma_wait3A_213] : memref<53248x128xf32, #tpu.memory_space<hbm>> -> memref<128x128xf32, #tpu.memory_space<hbm>>
      %dma_wait3A_215 = arith.constant 0 : i32
      %dma_wait3A_216 = tpu.memref_slice %arg4[%add3A_160, %dma_wait3A_215] : memref<53248x128xf32, #tpu.memory_space<hbm>> -> memref<128x128xf32, #tpu.memory_space<hbm>>
      tpu.wait_dma2 semaphore(%run_scoped3A : memref<!tpu.dma_semaphore, #tpu.memory_space<semaphore_mem>>) src(%arg6 : memref<128x128xf32, #tpu.memory_space<vmem>>) dst(%dma_wait3A_216 : memref<128x128xf32, #tpu.memory_space<hbm>>)
      tpu.yield
    }) : () -> ()
    %dma_start3A_161 = arith.constant 10 : i32
    %dma_start3A_162 = arith.constant 0 : i32
    %dma_start3A_163 = tpu.memref_slice %arg5[%dma_start3A_161, %dma_start3A_162] : memref<13x128xi32, #tpu.memory_space<vmem>> -> memref<1x128xi32, #tpu.memory_space<vmem>>
    %dma_start3A_164 = tpu.memref_squeeze %dma_start3A_163 : memref<1x128xi32, #tpu.memory_space<vmem>> -> memref<128xi32, #tpu.memory_space<vmem>>
    %dma_start3A_165 = arith.constant 0 : i32
    %dma_start3A_166 = arith.constant 0 : i32
    %dma_start3A_167 = tpu.memref_slice %arg2[%dma_start3A_165, %dma_start3A_166] : memref<10240x128xf32, #tpu.memory_space<hbm>> -> memref<10240x128xf32, #tpu.memory_space<hbm>>
    tpu.enqueue_indirect_dma source(%dma_start3A_167 : memref<10240x128xf32, #tpu.memory_space<hbm>>) target(%arg6 : memref<128x128xf32, #tpu.memory_space<vmem>>) offsets(%dma_start3A_164 : memref<128xi32, #tpu.memory_space<vmem>>) semaphore(%arg7 : memref<!tpu.dma_semaphore, #tpu.memory_space<semaphore_mem>>)
    %dma_wait3A_168 = arith.constant 10 : i32
    %dma_wait3A_169 = arith.constant 0 : i32
    %dma_wait3A_170 = tpu.memref_slice %arg5[%dma_wait3A_168, %dma_wait3A_169] : memref<13x128xi32, #tpu.memory_space<vmem>> -> memref<1x128xi32, #tpu.memory_space<vmem>>
    %dma_wait3A_171 = tpu.memref_squeeze %dma_wait3A_170 : memref<1x128xi32, #tpu.memory_space<vmem>> -> memref<128xi32, #tpu.memory_space<vmem>>
    %dma_wait3A_172 = arith.constant 0 : i32
    %dma_wait3A_173 = arith.constant 0 : i32
    %dma_wait3A_174 = tpu.memref_slice %arg2[%dma_wait3A_172, %dma_wait3A_173] : memref<10240x128xf32, #tpu.memory_space<hbm>> -> memref<10240x128xf32, #tpu.memory_space<hbm>>
    tpu.wait_indirect_dma semaphore(%arg7 : memref<!tpu.dma_semaphore, #tpu.memory_space<semaphore_mem>>) src(%dma_wait3A_174 : memref<10240x128xf32, #tpu.memory_space<hbm>>) dst(%arg6 : memref<128x128xf32, #tpu.memory_space<vmem>>)
    %add3A_175 = arith.constant 1280 : i32
    %add3A_176 = arith.addi %mul3A_2, %add3A_175 : i32
    "tpu.region"() ({
      %run_scoped3A = tpu.sem_alloc : memref<!tpu.dma_semaphore, #tpu.memory_space<semaphore_mem>>
      %dma_start3A_209 = arith.constant 0 : i32
      %dma_start3A_210 = tpu.memref_slice %arg4[%add3A_176, %dma_start3A_209] : memref<53248x128xf32, #tpu.memory_space<hbm>> -> memref<128x128xf32, #tpu.memory_space<hbm>>
      %dma_start3A_211 = arith.constant 0 : i32
      %dma_start3A_212 = tpu.memref_slice %arg4[%add3A_176, %dma_start3A_211] : memref<53248x128xf32, #tpu.memory_space<hbm>> -> memref<128x128xf32, #tpu.memory_space<hbm>>
      tpu.enqueue_dma source(%arg6 : memref<128x128xf32, #tpu.memory_space<vmem>>) target(%dma_start3A_212 : memref<128x128xf32, #tpu.memory_space<hbm>>) target_semaphore(%run_scoped3A : memref<!tpu.dma_semaphore, #tpu.memory_space<semaphore_mem>>)
      %dma_wait3A_213 = arith.constant 0 : i32
      %dma_wait3A_214 = tpu.memref_slice %arg4[%add3A_176, %dma_wait3A_213] : memref<53248x128xf32, #tpu.memory_space<hbm>> -> memref<128x128xf32, #tpu.memory_space<hbm>>
      %dma_wait3A_215 = arith.constant 0 : i32
      %dma_wait3A_216 = tpu.memref_slice %arg4[%add3A_176, %dma_wait3A_215] : memref<53248x128xf32, #tpu.memory_space<hbm>> -> memref<128x128xf32, #tpu.memory_space<hbm>>
      tpu.wait_dma2 semaphore(%run_scoped3A : memref<!tpu.dma_semaphore, #tpu.memory_space<semaphore_mem>>) src(%arg6 : memref<128x128xf32, #tpu.memory_space<vmem>>) dst(%dma_wait3A_216 : memref<128x128xf32, #tpu.memory_space<hbm>>)
      tpu.yield
    }) : () -> ()
    %dma_start3A_177 = arith.constant 11 : i32
    %dma_start3A_178 = arith.constant 0 : i32
    %dma_start3A_179 = tpu.memref_slice %arg5[%dma_start3A_177, %dma_start3A_178] : memref<13x128xi32, #tpu.memory_space<vmem>> -> memref<1x128xi32, #tpu.memory_space<vmem>>
    %dma_start3A_180 = tpu.memref_squeeze %dma_start3A_179 : memref<1x128xi32, #tpu.memory_space<vmem>> -> memref<128xi32, #tpu.memory_space<vmem>>
    %dma_start3A_181 = arith.constant 0 : i32
    %dma_start3A_182 = arith.constant 0 : i32
    %dma_start3A_183 = tpu.memref_slice %arg2[%dma_start3A_181, %dma_start3A_182] : memref<10240x128xf32, #tpu.memory_space<hbm>> -> memref<10240x128xf32, #tpu.memory_space<hbm>>
    tpu.enqueue_indirect_dma source(%dma_start3A_183 : memref<10240x128xf32, #tpu.memory_space<hbm>>) target(%arg6 : memref<128x128xf32, #tpu.memory_space<vmem>>) offsets(%dma_start3A_180 : memref<128xi32, #tpu.memory_space<vmem>>) semaphore(%arg7 : memref<!tpu.dma_semaphore, #tpu.memory_space<semaphore_mem>>)
    %dma_wait3A_184 = arith.constant 11 : i32
    %dma_wait3A_185 = arith.constant 0 : i32
    %dma_wait3A_186 = tpu.memref_slice %arg5[%dma_wait3A_184, %dma_wait3A_185] : memref<13x128xi32, #tpu.memory_space<vmem>> -> memref<1x128xi32, #tpu.memory_space<vmem>>
    %dma_wait3A_187 = tpu.memref_squeeze %dma_wait3A_186 : memref<1x128xi32, #tpu.memory_space<vmem>> -> memref<128xi32, #tpu.memory_space<vmem>>
    %dma_wait3A_188 = arith.constant 0 : i32
    %dma_wait3A_189 = arith.constant 0 : i32
    %dma_wait3A_190 = tpu.memref_slice %arg2[%dma_wait3A_188, %dma_wait3A_189] : memref<10240x128xf32, #tpu.memory_space<hbm>> -> memref<10240x128xf32, #tpu.memory_space<hbm>>
    tpu.wait_indirect_dma semaphore(%arg7 : memref<!tpu.dma_semaphore, #tpu.memory_space<semaphore_mem>>) src(%dma_wait3A_190 : memref<10240x128xf32, #tpu.memory_space<hbm>>) dst(%arg6 : memref<128x128xf32, #tpu.memory_space<vmem>>)
    %add3A_191 = arith.constant 1408 : i32
    %add3A_192 = arith.addi %mul3A_2, %add3A_191 : i32
    "tpu.region"() ({
      %run_scoped3A = tpu.sem_alloc : memref<!tpu.dma_semaphore, #tpu.memory_space<semaphore_mem>>
      %dma_start3A_209 = arith.constant 0 : i32
      %dma_start3A_210 = tpu.memref_slice %arg4[%add3A_192, %dma_start3A_209] : memref<53248x128xf32, #tpu.memory_space<hbm>> -> memref<128x128xf32, #tpu.memory_space<hbm>>
      %dma_start3A_211 = arith.constant 0 : i32
      %dma_start3A_212 = tpu.memref_slice %arg4[%add3A_192, %dma_start3A_211] : memref<53248x128xf32, #tpu.memory_space<hbm>> -> memref<128x128xf32, #tpu.memory_space<hbm>>
      tpu.enqueue_dma source(%arg6 : memref<128x128xf32, #tpu.memory_space<vmem>>) target(%dma_start3A_212 : memref<128x128xf32, #tpu.memory_space<hbm>>) target_semaphore(%run_scoped3A : memref<!tpu.dma_semaphore, #tpu.memory_space<semaphore_mem>>)
      %dma_wait3A_213 = arith.constant 0 : i32
      %dma_wait3A_214 = tpu.memref_slice %arg4[%add3A_192, %dma_wait3A_213] : memref<53248x128xf32, #tpu.memory_space<hbm>> -> memref<128x128xf32, #tpu.memory_space<hbm>>
      %dma_wait3A_215 = arith.constant 0 : i32
      %dma_wait3A_216 = tpu.memref_slice %arg4[%add3A_192, %dma_wait3A_215] : memref<53248x128xf32, #tpu.memory_space<hbm>> -> memref<128x128xf32, #tpu.memory_space<hbm>>
      tpu.wait_dma2 semaphore(%run_scoped3A : memref<!tpu.dma_semaphore, #tpu.memory_space<semaphore_mem>>) src(%arg6 : memref<128x128xf32, #tpu.memory_space<vmem>>) dst(%dma_wait3A_216 : memref<128x128xf32, #tpu.memory_space<hbm>>)
      tpu.yield
    }) : () -> ()
    %dma_start3A_193 = arith.constant 12 : i32
    %dma_start3A_194 = arith.constant 0 : i32
    %dma_start3A_195 = tpu.memref_slice %arg5[%dma_start3A_193, %dma_start3A_194] : memref<13x128xi32, #tpu.memory_space<vmem>> -> memref<1x128xi32, #tpu.memory_space<vmem>>
    %dma_start3A_196 = tpu.memref_squeeze %dma_start3A_195 : memref<1x128xi32, #tpu.memory_space<vmem>> -> memref<128xi32, #tpu.memory_space<vmem>>
    %dma_start3A_197 = arith.constant 0 : i32
    %dma_start3A_198 = arith.constant 0 : i32
    %dma_start3A_199 = tpu.memref_slice %arg2[%dma_start3A_197, %dma_start3A_198] : memref<10240x128xf32, #tpu.memory_space<hbm>> -> memref<10240x128xf32, #tpu.memory_space<hbm>>
    tpu.enqueue_indirect_dma source(%dma_start3A_199 : memref<10240x128xf32, #tpu.memory_space<hbm>>) target(%arg6 : memref<128x128xf32, #tpu.memory_space<vmem>>) offsets(%dma_start3A_196 : memref<128xi32, #tpu.memory_space<vmem>>) semaphore(%arg7 : memref<!tpu.dma_semaphore, #tpu.memory_space<semaphore_mem>>)
    %dma_wait3A_200 = arith.constant 12 : i32
    %dma_wait3A_201 = arith.constant 0 : i32
    %dma_wait3A_202 = tpu.memref_slice %arg5[%dma_wait3A_200, %dma_wait3A_201] : memref<13x128xi32, #tpu.memory_space<vmem>> -> memref<1x128xi32, #tpu.memory_space<vmem>>
    %dma_wait3A_203 = tpu.memref_squeeze %dma_wait3A_202 : memref<1x128xi32, #tpu.memory_space<vmem>> -> memref<128xi32, #tpu.memory_space<vmem>>
    %dma_wait3A_204 = arith.constant 0 : i32
    %dma_wait3A_205 = arith.constant 0 : i32
    %dma_wait3A_206 = tpu.memref_slice %arg2[%dma_wait3A_204, %dma_wait3A_205] : memref<10240x128xf32, #tpu.memory_space<hbm>> -> memref<10240x128xf32, #tpu.memory_space<hbm>>
    tpu.wait_indirect_dma semaphore(%arg7 : memref<!tpu.dma_semaphore, #tpu.memory_space<semaphore_mem>>) src(%dma_wait3A_206 : memref<10240x128xf32, #tpu.memory_space<hbm>>) dst(%arg6 : memref<128x128xf32, #tpu.memory_space<vmem>>)
    %add3A_207 = arith.constant 1536 : i32
    %add3A_208 = arith.addi %mul3A_2, %add3A_207 : i32
    "tpu.region"() ({
      %run_scoped3A = tpu.sem_alloc : memref<!tpu.dma_semaphore, #tpu.memory_space<semaphore_mem>>
      %dma_start3A_209 = arith.constant 0 : i32
      %dma_start3A_210 = tpu.memref_slice %arg4[%add3A_208, %dma_start3A_209] : memref<53248x128xf32, #tpu.memory_space<hbm>> -> memref<128x128xf32, #tpu.memory_space<hbm>>
      %dma_start3A_211 = arith.constant 0 : i32
      %dma_start3A_212 = tpu.memref_slice %arg4[%add3A_208, %dma_start3A_211] : memref<53248x128xf32, #tpu.memory_space<hbm>> -> memref<128x128xf32, #tpu.memory_space<hbm>>
      tpu.enqueue_dma source(%arg6 : memref<128x128xf32, #tpu.memory_space<vmem>>) target(%dma_start3A_212 : memref<128x128xf32, #tpu.memory_space<hbm>>) target_semaphore(%run_scoped3A : memref<!tpu.dma_semaphore, #tpu.memory_space<semaphore_mem>>)
      %dma_wait3A_213 = arith.constant 0 : i32
      %dma_wait3A_214 = tpu.memref_slice %arg4[%add3A_208, %dma_wait3A_213] : memref<53248x128xf32, #tpu.memory_space<hbm>> -> memref<128x128xf32, #tpu.memory_space<hbm>>
      %dma_wait3A_215 = arith.constant 0 : i32
      %dma_wait3A_216 = tpu.memref_slice %arg4[%add3A_208, %dma_wait3A_215] : memref<53248x128xf32, #tpu.memory_space<hbm>> -> memref<128x128xf32, #tpu.memory_space<hbm>>
      tpu.wait_dma2 semaphore(%run_scoped3A : memref<!tpu.dma_semaphore, #tpu.memory_space<semaphore_mem>>) src(%arg6 : memref<128x128xf32, #tpu.memory_space<vmem>>) dst(%dma_wait3A_216 : memref<128x128xf32, #tpu.memory_space<hbm>>)
      tpu.yield
    }) : () -> ()
    return
  }
}

module attributes {stable_mosaic.version = 14 : i64} {
  func.func @body(%arg0: i32, %arg1: memref<512x16xf32, #tpu.memory_space<vmem>>, %arg2: memref<512x128xf32, #tpu.memory_space<vmem>>, %arg3: memref<16x64xbf16, #tpu.memory_space<vmem>>, %arg4: memref<1x64xf32, #tpu.memory_space<vmem>>, %arg5: memref<64x64xbf16, #tpu.memory_space<vmem>>, %arg6: memref<1x64xf32, #tpu.memory_space<vmem>>, %arg7: memref<64x64xbf16, #tpu.memory_space<vmem>>, %arg8: memref<1x64xf32, #tpu.memory_space<vmem>>, %arg9: memref<64x2048xbf16, #tpu.memory_space<vmem>>, %arg10: memref<32x64xbf16, #tpu.memory_space<vmem>>, %arg11: memref<32x2048xbf16, #tpu.memory_space<vmem>>, %arg12: memref<512x128xf32, #tpu.memory_space<vmem>>) attributes {dimension_semantics = [#tpu.dimension_semantics<arbitrary>], iteration_bounds = array<i64: 104>, scalar_prefetch = 0 : i64, scratch_operands = 0 : i64, tpu.core_type = #tpu.core_type<tc>, window_params = [{transform_indices = @transform_0, window_bounds = array<i64: 512, 16>}, {transform_indices = @transform_1, window_bounds = array<i64: 512, 128>}, {pipeline_mode = #tpu.pipeline_mode<synchronous>, transform_indices = @transform_2, window_bounds = array<i64: 16, 64>}, {pipeline_mode = #tpu.pipeline_mode<synchronous>, transform_indices = @transform_3, window_bounds = array<i64: 1, 64>}, {pipeline_mode = #tpu.pipeline_mode<synchronous>, transform_indices = @transform_4, window_bounds = array<i64: 64, 64>}, {pipeline_mode = #tpu.pipeline_mode<synchronous>, transform_indices = @transform_5, window_bounds = array<i64: 1, 64>}, {pipeline_mode = #tpu.pipeline_mode<synchronous>, transform_indices = @transform_6, window_bounds = array<i64: 64, 64>}, {pipeline_mode = #tpu.pipeline_mode<synchronous>, transform_indices = @transform_7, window_bounds = array<i64: 1, 64>}, {pipeline_mode = #tpu.pipeline_mode<synchronous>, transform_indices = @transform_8, window_bounds = array<i64: 64, 2048>}, {pipeline_mode = #tpu.pipeline_mode<synchronous>, transform_indices = @transform_9, window_bounds = array<i64: 32, 64>}, {pipeline_mode = #tpu.pipeline_mode<synchronous>, transform_indices = @transform_10, window_bounds = array<i64: 32, 2048>}, {transform_indices = @transform_11, window_bounds = array<i64: 512, 128>}]} {
    %get3A = arith.constant 0 : index
    %get3A_0 = arith.constant 0 : index
    %get3A_1 = vector.load %arg1[%get3A, %get3A_0] : memref<512x16xf32, #tpu.memory_space<vmem>>, vector<512x16xf32>
    %convert_element_type3A = arith.truncf %get3A_1 : vector<512x16xf32> to vector<512x16xbf16>
    %get3A_2 = arith.constant 0 : index
    %get3A_3 = arith.constant 0 : index
    %get3A_4 = vector.load %arg3[%get3A_2, %get3A_3] : memref<16x64xbf16, #tpu.memory_space<vmem>>, vector<16x64xbf16>
    %dot_general3A = arith.constant dense<0.000000e+00> : vector<512x64xf32>
    %dot_general3A_5 = tpu.matmul %convert_element_type3A, %get3A_4, %dot_general3A {dimension_numbers = #tpu.dot_dimension_numbers<[1], [0], [0], [1], [0, 0, 1, 1], [], []>, transpose_lhs_hint = false} : vector<512x16xbf16>, vector<16x64xbf16>, vector<512x64xf32> -> vector<512x64xf32>
    %get3A_6 = arith.constant 0 : index
    %get3A_7 = arith.constant 0 : index
    %get3A_8 = vector.load %arg4[%get3A_6, %get3A_7] : memref<1x64xf32, #tpu.memory_space<vmem>>, vector<1x64xf32>
    %add3A = vector.broadcast %get3A_8 : vector<1x64xf32> to vector<512x64xf32>
    %add3A_9 = arith.addf %dot_general3A_5, %add3A : vector<512x64xf32>
    %max3A = arith.constant 0.000000e+00 : f32
    %max3A_10 = vector.broadcast %max3A : f32 to vector<512x64xf32>
    %max3A_11 = arith.maximumf %add3A_9, %max3A_10 : vector<512x64xf32>
    %convert_element_type3A_12 = arith.truncf %max3A_11 : vector<512x64xf32> to vector<512x64xbf16>
    %get3A_13 = arith.constant 0 : index
    %get3A_14 = arith.constant 0 : index
    %get3A_15 = vector.load %arg5[%get3A_13, %get3A_14] : memref<64x64xbf16, #tpu.memory_space<vmem>>, vector<64x64xbf16>
    %dot_general3A_16 = arith.constant dense<0.000000e+00> : vector<512x64xf32>
    %dot_general3A_17 = tpu.matmul %convert_element_type3A_12, %get3A_15, %dot_general3A_16 {dimension_numbers = #tpu.dot_dimension_numbers<[1], [0], [0], [1], [0, 0, 1, 1], [], []>, transpose_lhs_hint = false} : vector<512x64xbf16>, vector<64x64xbf16>, vector<512x64xf32> -> vector<512x64xf32>
    %get3A_18 = arith.constant 0 : index
    %get3A_19 = arith.constant 0 : index
    %get3A_20 = vector.load %arg6[%get3A_18, %get3A_19] : memref<1x64xf32, #tpu.memory_space<vmem>>, vector<1x64xf32>
    %add3A_21 = vector.broadcast %get3A_20 : vector<1x64xf32> to vector<512x64xf32>
    %add3A_22 = arith.addf %dot_general3A_17, %add3A_21 : vector<512x64xf32>
    %max3A_23 = arith.constant 0.000000e+00 : f32
    %max3A_24 = vector.broadcast %max3A_23 : f32 to vector<512x64xf32>
    %max3A_25 = arith.maximumf %add3A_22, %max3A_24 : vector<512x64xf32>
    %convert_element_type3A_26 = arith.truncf %max3A_25 : vector<512x64xf32> to vector<512x64xbf16>
    %get3A_27 = arith.constant 0 : index
    %get3A_28 = arith.constant 0 : index
    %get3A_29 = vector.load %arg7[%get3A_27, %get3A_28] : memref<64x64xbf16, #tpu.memory_space<vmem>>, vector<64x64xbf16>
    %dot_general3A_30 = arith.constant dense<0.000000e+00> : vector<512x64xf32>
    %dot_general3A_31 = tpu.matmul %convert_element_type3A_26, %get3A_29, %dot_general3A_30 {dimension_numbers = #tpu.dot_dimension_numbers<[1], [0], [0], [1], [0, 0, 1, 1], [], []>, transpose_lhs_hint = false} : vector<512x64xbf16>, vector<64x64xbf16>, vector<512x64xf32> -> vector<512x64xf32>
    %get3A_32 = arith.constant 0 : index
    %get3A_33 = arith.constant 0 : index
    %get3A_34 = vector.load %arg8[%get3A_32, %get3A_33] : memref<1x64xf32, #tpu.memory_space<vmem>>, vector<1x64xf32>
    %add3A_35 = vector.broadcast %get3A_34 : vector<1x64xf32> to vector<512x64xf32>
    %add3A_36 = arith.addf %dot_general3A_31, %add3A_35 : vector<512x64xf32>
    %max3A_37 = arith.constant 0.000000e+00 : f32
    %max3A_38 = vector.broadcast %max3A_37 : f32 to vector<512x64xf32>
    %max3A_39 = arith.maximumf %add3A_36, %max3A_38 : vector<512x64xf32>
    %convert_element_type3A_40 = arith.truncf %max3A_39 : vector<512x64xf32> to vector<512x64xbf16>
    %get3A_41 = arith.constant 0 : index
    %get3A_42 = arith.constant 0 : index
    %get3A_43 = vector.load %arg9[%get3A_41, %get3A_42] : memref<64x2048xbf16, #tpu.memory_space<vmem>>, vector<64x2048xbf16>
    %dot_general3A_44 = arith.constant dense<0.000000e+00> : vector<512x2048xf32>
    %dot_general3A_45 = tpu.matmul %convert_element_type3A_40, %get3A_43, %dot_general3A_44 {dimension_numbers = #tpu.dot_dimension_numbers<[1], [0], [0], [1], [0, 0, 1, 1], [], []>, transpose_lhs_hint = false} : vector<512x64xbf16>, vector<64x2048xbf16>, vector<512x2048xf32> -> vector<512x2048xf32>
    %get3A_46 = arith.constant 0 : index
    %get3A_47 = arith.constant 0 : index
    %get3A_48 = vector.load %arg2[%get3A_46, %get3A_47] : memref<512x128xf32, #tpu.memory_space<vmem>>, vector<512x128xf32>
    %slice3A = vector.extract_strided_slice %get3A_48 {offsets = [0, 0], sizes = [512, 32], strides = [1, 1]} : vector<512x128xf32> to vector<512x32xf32>
    %convert_element_type3A_49 = arith.truncf %slice3A : vector<512x32xf32> to vector<512x32xbf16>
    %get3A_50 = arith.constant 0 : index
    %get3A_51 = arith.constant 0 : index
    %get3A_52 = vector.load %arg11[%get3A_50, %get3A_51] : memref<32x2048xbf16, #tpu.memory_space<vmem>>, vector<32x2048xbf16>
    %dot_general3A_53 = arith.constant dense<0.000000e+00> : vector<512x2048xf32>
    %dot_general3A_54 = tpu.matmul %convert_element_type3A_49, %get3A_52, %dot_general3A_53 {dimension_numbers = #tpu.dot_dimension_numbers<[1], [0], [0], [1], [0, 0, 1, 1], [], []>, transpose_lhs_hint = false} : vector<512x32xbf16>, vector<32x2048xbf16>, vector<512x2048xf32> -> vector<512x2048xf32>
    %slice3A_55 = vector.extract_strided_slice %dot_general3A_54 {offsets = [0, 0], sizes = [512, 128], strides = [1, 1]} : vector<512x2048xf32> to vector<512x128xf32>
    %slice3A_56 = vector.extract_strided_slice %dot_general3A_45 {offsets = [0, 0], sizes = [512, 128], strides = [1, 1]} : vector<512x2048xf32> to vector<512x128xf32>
    %mul3A = arith.mulf %slice3A_55, %slice3A_56 : vector<512x128xf32>
    %slice3A_57 = vector.extract_strided_slice %dot_general3A_54 {offsets = [0, 128], sizes = [512, 128], strides = [1, 1]} : vector<512x2048xf32> to vector<512x128xf32>
    %slice3A_58 = vector.extract_strided_slice %dot_general3A_45 {offsets = [0, 128], sizes = [512, 128], strides = [1, 1]} : vector<512x2048xf32> to vector<512x128xf32>
    %mul3A_59 = arith.mulf %slice3A_57, %slice3A_58 : vector<512x128xf32>
    %add3A_60 = arith.addf %mul3A, %mul3A_59 : vector<512x128xf32>
    %slice3A_61 = vector.extract_strided_slice %dot_general3A_54 {offsets = [0, 256], sizes = [512, 128], strides = [1, 1]} : vector<512x2048xf32> to vector<512x128xf32>
    %slice3A_62 = vector.extract_strided_slice %dot_general3A_45 {offsets = [0, 256], sizes = [512, 128], strides = [1, 1]} : vector<512x2048xf32> to vector<512x128xf32>
    %mul3A_63 = arith.mulf %slice3A_61, %slice3A_62 : vector<512x128xf32>
    %add3A_64 = arith.addf %add3A_60, %mul3A_63 : vector<512x128xf32>
    %slice3A_65 = vector.extract_strided_slice %dot_general3A_54 {offsets = [0, 384], sizes = [512, 128], strides = [1, 1]} : vector<512x2048xf32> to vector<512x128xf32>
    %slice3A_66 = vector.extract_strided_slice %dot_general3A_45 {offsets = [0, 384], sizes = [512, 128], strides = [1, 1]} : vector<512x2048xf32> to vector<512x128xf32>
    %mul3A_67 = arith.mulf %slice3A_65, %slice3A_66 : vector<512x128xf32>
    %add3A_68 = arith.addf %add3A_64, %mul3A_67 : vector<512x128xf32>
    %slice3A_69 = vector.extract_strided_slice %dot_general3A_54 {offsets = [0, 512], sizes = [512, 128], strides = [1, 1]} : vector<512x2048xf32> to vector<512x128xf32>
    %slice3A_70 = vector.extract_strided_slice %dot_general3A_45 {offsets = [0, 512], sizes = [512, 128], strides = [1, 1]} : vector<512x2048xf32> to vector<512x128xf32>
    %mul3A_71 = arith.mulf %slice3A_69, %slice3A_70 : vector<512x128xf32>
    %add3A_72 = arith.addf %add3A_68, %mul3A_71 : vector<512x128xf32>
    %slice3A_73 = vector.extract_strided_slice %dot_general3A_54 {offsets = [0, 640], sizes = [512, 128], strides = [1, 1]} : vector<512x2048xf32> to vector<512x128xf32>
    %slice3A_74 = vector.extract_strided_slice %dot_general3A_45 {offsets = [0, 640], sizes = [512, 128], strides = [1, 1]} : vector<512x2048xf32> to vector<512x128xf32>
    %mul3A_75 = arith.mulf %slice3A_73, %slice3A_74 : vector<512x128xf32>
    %add3A_76 = arith.addf %add3A_72, %mul3A_75 : vector<512x128xf32>
    %slice3A_77 = vector.extract_strided_slice %dot_general3A_54 {offsets = [0, 768], sizes = [512, 128], strides = [1, 1]} : vector<512x2048xf32> to vector<512x128xf32>
    %slice3A_78 = vector.extract_strided_slice %dot_general3A_45 {offsets = [0, 768], sizes = [512, 128], strides = [1, 1]} : vector<512x2048xf32> to vector<512x128xf32>
    %mul3A_79 = arith.mulf %slice3A_77, %slice3A_78 : vector<512x128xf32>
    %add3A_80 = arith.addf %add3A_76, %mul3A_79 : vector<512x128xf32>
    %slice3A_81 = vector.extract_strided_slice %dot_general3A_54 {offsets = [0, 896], sizes = [512, 128], strides = [1, 1]} : vector<512x2048xf32> to vector<512x128xf32>
    %slice3A_82 = vector.extract_strided_slice %dot_general3A_45 {offsets = [0, 896], sizes = [512, 128], strides = [1, 1]} : vector<512x2048xf32> to vector<512x128xf32>
    %mul3A_83 = arith.mulf %slice3A_81, %slice3A_82 : vector<512x128xf32>
    %add3A_84 = arith.addf %add3A_80, %mul3A_83 : vector<512x128xf32>
    %slice3A_85 = vector.extract_strided_slice %dot_general3A_54 {offsets = [0, 1024], sizes = [512, 128], strides = [1, 1]} : vector<512x2048xf32> to vector<512x128xf32>
    %slice3A_86 = vector.extract_strided_slice %dot_general3A_45 {offsets = [0, 1024], sizes = [512, 128], strides = [1, 1]} : vector<512x2048xf32> to vector<512x128xf32>
    %mul3A_87 = arith.mulf %slice3A_85, %slice3A_86 : vector<512x128xf32>
    %add3A_88 = arith.addf %add3A_84, %mul3A_87 : vector<512x128xf32>
    %slice3A_89 = vector.extract_strided_slice %dot_general3A_54 {offsets = [0, 1152], sizes = [512, 128], strides = [1, 1]} : vector<512x2048xf32> to vector<512x128xf32>
    %slice3A_90 = vector.extract_strided_slice %dot_general3A_45 {offsets = [0, 1152], sizes = [512, 128], strides = [1, 1]} : vector<512x2048xf32> to vector<512x128xf32>
    %mul3A_91 = arith.mulf %slice3A_89, %slice3A_90 : vector<512x128xf32>
    %add3A_92 = arith.addf %add3A_88, %mul3A_91 : vector<512x128xf32>
    %slice3A_93 = vector.extract_strided_slice %dot_general3A_54 {offsets = [0, 1280], sizes = [512, 128], strides = [1, 1]} : vector<512x2048xf32> to vector<512x128xf32>
    %slice3A_94 = vector.extract_strided_slice %dot_general3A_45 {offsets = [0, 1280], sizes = [512, 128], strides = [1, 1]} : vector<512x2048xf32> to vector<512x128xf32>
    %mul3A_95 = arith.mulf %slice3A_93, %slice3A_94 : vector<512x128xf32>
    %add3A_96 = arith.addf %add3A_92, %mul3A_95 : vector<512x128xf32>
    %slice3A_97 = vector.extract_strided_slice %dot_general3A_54 {offsets = [0, 1408], sizes = [512, 128], strides = [1, 1]} : vector<512x2048xf32> to vector<512x128xf32>
    %slice3A_98 = vector.extract_strided_slice %dot_general3A_45 {offsets = [0, 1408], sizes = [512, 128], strides = [1, 1]} : vector<512x2048xf32> to vector<512x128xf32>
    %mul3A_99 = arith.mulf %slice3A_97, %slice3A_98 : vector<512x128xf32>
    %add3A_100 = arith.addf %add3A_96, %mul3A_99 : vector<512x128xf32>
    %slice3A_101 = vector.extract_strided_slice %dot_general3A_54 {offsets = [0, 1536], sizes = [512, 128], strides = [1, 1]} : vector<512x2048xf32> to vector<512x128xf32>
    %slice3A_102 = vector.extract_strided_slice %dot_general3A_45 {offsets = [0, 1536], sizes = [512, 128], strides = [1, 1]} : vector<512x2048xf32> to vector<512x128xf32>
    %mul3A_103 = arith.mulf %slice3A_101, %slice3A_102 : vector<512x128xf32>
    %add3A_104 = arith.addf %add3A_100, %mul3A_103 : vector<512x128xf32>
    %slice3A_105 = vector.extract_strided_slice %dot_general3A_54 {offsets = [0, 1664], sizes = [512, 128], strides = [1, 1]} : vector<512x2048xf32> to vector<512x128xf32>
    %slice3A_106 = vector.extract_strided_slice %dot_general3A_45 {offsets = [0, 1664], sizes = [512, 128], strides = [1, 1]} : vector<512x2048xf32> to vector<512x128xf32>
    %mul3A_107 = arith.mulf %slice3A_105, %slice3A_106 : vector<512x128xf32>
    %add3A_108 = arith.addf %add3A_104, %mul3A_107 : vector<512x128xf32>
    %slice3A_109 = vector.extract_strided_slice %dot_general3A_54 {offsets = [0, 1792], sizes = [512, 128], strides = [1, 1]} : vector<512x2048xf32> to vector<512x128xf32>
    %slice3A_110 = vector.extract_strided_slice %dot_general3A_45 {offsets = [0, 1792], sizes = [512, 128], strides = [1, 1]} : vector<512x2048xf32> to vector<512x128xf32>
    %mul3A_111 = arith.mulf %slice3A_109, %slice3A_110 : vector<512x128xf32>
    %add3A_112 = arith.addf %add3A_108, %mul3A_111 : vector<512x128xf32>
    %slice3A_113 = vector.extract_strided_slice %dot_general3A_54 {offsets = [0, 1920], sizes = [512, 128], strides = [1, 1]} : vector<512x2048xf32> to vector<512x128xf32>
    %slice3A_114 = vector.extract_strided_slice %dot_general3A_45 {offsets = [0, 1920], sizes = [512, 128], strides = [1, 1]} : vector<512x2048xf32> to vector<512x128xf32>
    %mul3A_115 = arith.mulf %slice3A_113, %slice3A_114 : vector<512x128xf32>
    %add3A_116 = arith.addf %add3A_112, %mul3A_115 : vector<512x128xf32>
    %slice3A_117 = vector.extract_strided_slice %add3A_116 {offsets = [0, 0], sizes = [512, 64], strides = [1, 1]} : vector<512x128xf32> to vector<512x64xf32>
    %slice3A_118 = vector.extract_strided_slice %add3A_116 {offsets = [0, 64], sizes = [512, 64], strides = [1, 1]} : vector<512x128xf32> to vector<512x64xf32>
    %add3A_119 = arith.addf %slice3A_117, %slice3A_118 : vector<512x64xf32>
    %get3A_120 = arith.constant 0 : index
    %get3A_121 = arith.constant 0 : index
    %get3A_122 = vector.load %arg10[%get3A_120, %get3A_121] : memref<32x64xbf16, #tpu.memory_space<vmem>>, vector<32x64xbf16>
    %dot_general3A_123 = arith.constant dense<0.000000e+00> : vector<512x64xf32>
    %dot_general3A_124 = tpu.matmul %convert_element_type3A_49, %get3A_122, %dot_general3A_123 {dimension_numbers = #tpu.dot_dimension_numbers<[1], [0], [0], [1], [0, 0, 1, 1], [], []>, transpose_lhs_hint = false} : vector<512x32xbf16>, vector<32x64xbf16>, vector<512x64xf32> -> vector<512x64xf32>
    %add3A_125 = arith.addf %add3A_119, %dot_general3A_124 : vector<512x64xf32>
    %broadcast_in_dim3A = arith.constant 1.000000e+00 : f32
    %broadcast_in_dim3A_126 = vector.broadcast %broadcast_in_dim3A : f32 to vector<512x64xf32>
    %concatenate3A = tpu.concatenate %add3A_125, %broadcast_in_dim3A_126 in 1 : vector<512x64xf32>, vector<512x64xf32> -> vector<512x128xf32>
    %swap3A = arith.constant 0 : index
    %swap3A_127 = arith.constant 0 : index
    %swap3A_128 = vector.load %arg12[%swap3A, %swap3A_127] : memref<512x128xf32, #tpu.memory_space<vmem>>, vector<512x128xf32>
    tpu.vector_store %arg12[%swap3A, %swap3A_127], %concatenate3A {strides = array<i32>} : memref<512x128xf32, #tpu.memory_space<vmem>>, vector<512x128xf32>,
    return
  }
  func.func @transform_0(%arg0: i32) -> (i32, i32) {
    %c0_i32 = arith.constant 0 : i32
    %c0_i32_0 = arith.constant 0 : i32
    return %arg0, %c0_i32 : i32, i32
  }
  func.func @transform_1(%arg0: i32) -> (i32, i32) {
    %c0_i32 = arith.constant 0 : i32
    %c0_i32_0 = arith.constant 0 : i32
    return %arg0, %c0_i32 : i32, i32
  }
  func.func @transform_2(%arg0: i32) -> (i32, i32) {
    %c0_i32 = arith.constant 0 : i32
    %c0_i32_0 = arith.constant 0 : i32
    %c0_i32_1 = arith.constant 0 : i32
    return %c0_i32, %c0_i32_0 : i32, i32
  }
  func.func @transform_3(%arg0: i32) -> (i32, i32) {
    %c0_i32 = arith.constant 0 : i32
    %c0_i32_0 = arith.constant 0 : i32
    %c0_i32_1 = arith.constant 0 : i32
    return %c0_i32, %c0_i32_0 : i32, i32
  }
  func.func @transform_4(%arg0: i32) -> (i32, i32) {
    %c0_i32 = arith.constant 0 : i32
    %c0_i32_0 = arith.constant 0 : i32
    %c0_i32_1 = arith.constant 0 : i32
    return %c0_i32, %c0_i32_0 : i32, i32
  }
  func.func @transform_5(%arg0: i32) -> (i32, i32) {
    %c0_i32 = arith.constant 0 : i32
    %c0_i32_0 = arith.constant 0 : i32
    %c0_i32_1 = arith.constant 0 : i32
    return %c0_i32, %c0_i32_0 : i32, i32
  }
  func.func @transform_6(%arg0: i32) -> (i32, i32) {
    %c0_i32 = arith.constant 0 : i32
    %c0_i32_0 = arith.constant 0 : i32
    %c0_i32_1 = arith.constant 0 : i32
    return %c0_i32, %c0_i32_0 : i32, i32
  }
  func.func @transform_7(%arg0: i32) -> (i32, i32) {
    %c0_i32 = arith.constant 0 : i32
    %c0_i32_0 = arith.constant 0 : i32
    %c0_i32_1 = arith.constant 0 : i32
    return %c0_i32, %c0_i32_0 : i32, i32
  }
  func.func @transform_8(%arg0: i32) -> (i32, i32) {
    %c0_i32 = arith.constant 0 : i32
    %c0_i32_0 = arith.constant 0 : i32
    %c0_i32_1 = arith.constant 0 : i32
    return %c0_i32, %c0_i32_0 : i32, i32
  }
  func.func @transform_9(%arg0: i32) -> (i32, i32) {
    %c0_i32 = arith.constant 0 : i32
    %c0_i32_0 = arith.constant 0 : i32
    %c0_i32_1 = arith.constant 0 : i32
    return %c0_i32, %c0_i32_0 : i32, i32
  }
  func.func @transform_10(%arg0: i32) -> (i32, i32) {
    %c0_i32 = arith.constant 0 : i32
    %c0_i32_0 = arith.constant 0 : i32
    %c0_i32_1 = arith.constant 0 : i32
    return %c0_i32, %c0_i32_0 : i32, i32
  }
  func.func @transform_11(%arg0: i32) -> (i32, i32) {
    %c0_i32 = arith.constant 0 : i32
    %c0_i32_0 = arith.constant 0 : i32
    return %arg0, %c0_i32 : i32, i32
  }
}

module attributes {stable_mosaic.version = 14 : i64} {
  func.func @body(%arg0: i32, %arg1: memref<1x512x128xf32, #tpu.memory_space<vmem>>, %arg2: memref<1x512x128xf32, #tpu.memory_space<vmem>>, %arg3: memref<512x128xf32, #tpu.memory_space<vmem>>, %arg4: memref<32x64xf32, #tpu.memory_space<vmem>>, %arg5: memref<1x64xf32, #tpu.memory_space<vmem>>, %arg6: memref<512x128xf32, #tpu.memory_space<vmem>>, %arg7: memref<512x1xf32, #tpu.memory_space<vmem>>) attributes {dimension_semantics = [#tpu.dimension_semantics<arbitrary>], iteration_bounds = array<i64: 20>, scalar_prefetch = 0 : i64, scratch_operands = 0 : i64, tpu.core_type = #tpu.core_type<tc>, window_params = [{transform_indices = @transform_0, window_bounds = array<i64: 1, 512, 128>}, {transform_indices = @transform_1, window_bounds = array<i64: 1, 512, 128>}, {transform_indices = @transform_2, window_bounds = array<i64: 512, 128>}, {pipeline_mode = #tpu.pipeline_mode<synchronous>, transform_indices = @transform_3, window_bounds = array<i64: 32, 64>}, {pipeline_mode = #tpu.pipeline_mode<synchronous>, transform_indices = @transform_4, window_bounds = array<i64: 1, 64>}, {transform_indices = @transform_5, window_bounds = array<i64: 512, 128>}, {transform_indices = @transform_6, window_bounds = array<i64: 512, 1>}]} {
    %get3A = arith.constant 0 : index
    %get3A_0 = arith.constant 0 : index
    %get3A_1 = arith.constant 0 : index
    %get3A_2 = vector.load %arg1[%get3A, %get3A_0, %get3A_1] : memref<1x512x128xf32, #tpu.memory_space<vmem>>, vector<1x512x128xf32>
    %get3A_3 = vector.shape_cast %get3A_2 : vector<1x512x128xf32> to vector<512x128xf32>
    %get3A_4 = arith.constant 0 : index
    %get3A_5 = arith.constant 0 : index
    %get3A_6 = arith.constant 0 : index
    %get3A_7 = vector.load %arg2[%get3A_4, %get3A_5, %get3A_6] : memref<1x512x128xf32, #tpu.memory_space<vmem>>, vector<1x512x128xf32>
    %get3A_8 = vector.shape_cast %get3A_7 : vector<1x512x128xf32> to vector<512x128xf32>
    %add3A = arith.addf %get3A_3, %get3A_8 : vector<512x128xf32>
    %slice3A = vector.extract_strided_slice %add3A {offsets = [0, 64], sizes = [512, 1], strides = [1, 1]} : vector<512x128xf32> to vector<512x1xf32>
    %max3A = arith.constant 1.000000e+00 : f32
    %max3A_9 = vector.broadcast %max3A : f32 to vector<512x1xf32>
    %max3A_10 = arith.maximumf %slice3A, %max3A_9 : vector<512x1xf32>
    %slice3A_11 = vector.extract_strided_slice %add3A {offsets = [0, 0], sizes = [512, 64], strides = [1, 1]} : vector<512x128xf32> to vector<512x64xf32>
    %div3A = vector.broadcast %max3A_10 : vector<512x1xf32> to vector<512x64xf32>
    %div3A_12 = arith.divf %slice3A_11, %div3A : vector<512x64xf32>
    %get3A_13 = arith.constant 0 : index
    %get3A_14 = arith.constant 0 : index
    %get3A_15 = vector.load %arg3[%get3A_13, %get3A_14] : memref<512x128xf32, #tpu.memory_space<vmem>>, vector<512x128xf32>
    %slice3A_16 = vector.extract_strided_slice %get3A_15 {offsets = [0, 0], sizes = [512, 32], strides = [1, 1]} : vector<512x128xf32> to vector<512x32xf32>
    %get3A_17 = arith.constant 0 : index
    %get3A_18 = arith.constant 0 : index
    %get3A_19 = vector.load %arg4[%get3A_17, %get3A_18] : memref<32x64xf32, #tpu.memory_space<vmem>>, vector<32x64xf32>
    %dot_general3A = arith.constant dense<0.000000e+00> : vector<512x64xf32>
    %dot_general3A_20 = tpu.matmul %slice3A_16, %get3A_19, %dot_general3A {dimension_numbers = #tpu.dot_dimension_numbers<[1], [0], [0], [1], [0, 0, 1, 1], [], []>, transpose_lhs_hint = false} : vector<512x32xf32>, vector<32x64xf32>, vector<512x64xf32> -> vector<512x64xf32>
    %add3A_21 = arith.addf %div3A_12, %dot_general3A_20 : vector<512x64xf32>
    %get3A_22 = arith.constant 0 : index
    %get3A_23 = arith.constant 0 : index
    %get3A_24 = vector.load %arg5[%get3A_22, %get3A_23] : memref<1x64xf32, #tpu.memory_space<vmem>>, vector<1x64xf32>
    %add3A_25 = vector.broadcast %get3A_24 : vector<1x64xf32> to vector<512x64xf32>
    %add3A_26 = arith.addf %add3A_21, %add3A_25 : vector<512x64xf32>
    %gt3A = arith.constant 0.000000e+00 : f32
    %gt3A_27 = vector.broadcast %gt3A : f32 to vector<512x64xf32>
    %gt3A_28 = arith.cmpf ogt, %add3A_26, %gt3A_27 : vector<512x64xf32>
    %exp3A = math.exp %add3A_26 : vector<512x64xf32>
    %sub3A = arith.constant 1.000000e+00 : f32
    %sub3A_29 = vector.broadcast %sub3A : f32 to vector<512x64xf32>
    %sub3A_30 = arith.subf %exp3A, %sub3A_29 : vector<512x64xf32>
    %select_n3A = arith.select %gt3A_28, %add3A_26, %sub3A_30 : vector<512x64xi1>, vector<512x64xf32>
    %broadcast_in_dim3A = arith.constant 0.000000e+00 : f32
    %broadcast_in_dim3A_31 = vector.broadcast %broadcast_in_dim3A : f32 to vector<512x64xf32>
    %concatenate3A = tpu.concatenate %select_n3A, %broadcast_in_dim3A_31 in 1 : vector<512x64xf32>, vector<512x64xf32> -> vector<512x128xf32>
    %swap3A = arith.constant 0 : index
    %swap3A_32 = arith.constant 0 : index
    %swap3A_33 = vector.load %arg6[%swap3A, %swap3A_32] : memref<512x128xf32, #tpu.memory_space<vmem>>, vector<512x128xf32>
    tpu.vector_store %arg6[%swap3A, %swap3A_32], %concatenate3A {strides = array<i32>} : memref<512x128xf32, #tpu.memory_space<vmem>>, vector<512x128xf32>,
    %swap3A_34 = arith.constant 0 : index
    %swap3A_35 = arith.constant 0 : index
    %swap3A_36 = vector.load %arg7[%swap3A_34, %swap3A_35] : memref<512x1xf32, #tpu.memory_space<vmem>>, vector<512x1xf32>
    tpu.vector_store %arg7[%swap3A_34, %swap3A_35], %max3A_10 {strides = array<i32>} : memref<512x1xf32, #tpu.memory_space<vmem>>, vector<512x1xf32>,
    return
  }
  func.func @transform_0(%arg0: i32) -> (i32, i32, i32) {
    %c0_i32 = arith.constant 0 : i32
    %c0_i32_0 = arith.constant 0 : i32
    %c0_i32_1 = arith.constant 0 : i32
    return %c0_i32, %arg0, %c0_i32_0 : i32, i32, i32
  }
  func.func @transform_1(%arg0: i32) -> (i32, i32, i32) {
    %c1_i32 = arith.constant 1 : i32
    %c0_i32 = arith.constant 0 : i32
    %c0_i32_0 = arith.constant 0 : i32
    return %c1_i32, %arg0, %c0_i32 : i32, i32, i32
  }
  func.func @transform_2(%arg0: i32) -> (i32, i32) {
    %c0_i32 = arith.constant 0 : i32
    %c0_i32_0 = arith.constant 0 : i32
    return %arg0, %c0_i32 : i32, i32
  }
  func.func @transform_3(%arg0: i32) -> (i32, i32) {
    %c0_i32 = arith.constant 0 : i32
    %c0_i32_0 = arith.constant 0 : i32
    %c0_i32_1 = arith.constant 0 : i32
    return %c0_i32, %c0_i32_0 : i32, i32
  }
  func.func @transform_4(%arg0: i32) -> (i32, i32) {
    %c0_i32 = arith.constant 0 : i32
    %c0_i32_0 = arith.constant 0 : i32
    %c0_i32_1 = arith.constant 0 : i32
    return %c0_i32, %c0_i32_0 : i32, i32
  }
  func.func @transform_5(%arg0: i32) -> (i32, i32) {
    %c0_i32 = arith.constant 0 : i32
    %c0_i32_0 = arith.constant 0 : i32
    return %arg0, %c0_i32 : i32, i32
  }
  func.func @transform_6(%arg0: i32) -> (i32, i32) {
    %c0_i32 = arith.constant 0 : i32
    %c0_i32_0 = arith.constant 0 : i32
    return %arg0, %c0_i32 : i32, i32
  }
}

module attributes {stable_mosaic.version = 14 : i64} {
  func.func @body(%arg0: i32, %arg1: memref<512x16xf32, #tpu.memory_space<vmem>>, %arg2: memref<512x128xf32, #tpu.memory_space<vmem>>, %arg3: memref<16x25xbf16, #tpu.memory_space<vmem>>, %arg4: memref<1x25xf32, #tpu.memory_space<vmem>>, %arg5: memref<25x25xbf16, #tpu.memory_space<vmem>>, %arg6: memref<1x25xf32, #tpu.memory_space<vmem>>, %arg7: memref<25x25xbf16, #tpu.memory_space<vmem>>, %arg8: memref<1x25xf32, #tpu.memory_space<vmem>>, %arg9: memref<25x4096xbf16, #tpu.memory_space<vmem>>, %arg10: memref<64x64xbf16, #tpu.memory_space<vmem>>, %arg11: memref<64x4096xbf16, #tpu.memory_space<vmem>>, %arg12: memref<512x128xf32, #tpu.memory_space<vmem>>) attributes {dimension_semantics = [#tpu.dimension_semantics<arbitrary>], iteration_bounds = array<i64: 104>, scalar_prefetch = 0 : i64, scratch_operands = 0 : i64, tpu.core_type = #tpu.core_type<tc>, window_params = [{transform_indices = @transform_0, window_bounds = array<i64: 512, 16>}, {transform_indices = @transform_1, window_bounds = array<i64: 512, 128>}, {pipeline_mode = #tpu.pipeline_mode<synchronous>, transform_indices = @transform_2, window_bounds = array<i64: 16, 25>}, {pipeline_mode = #tpu.pipeline_mode<synchronous>, transform_indices = @transform_3, window_bounds = array<i64: 1, 25>}, {pipeline_mode = #tpu.pipeline_mode<synchronous>, transform_indices = @transform_4, window_bounds = array<i64: 25, 25>}, {pipeline_mode = #tpu.pipeline_mode<synchronous>, transform_indices = @transform_5, window_bounds = array<i64: 1, 25>}, {pipeline_mode = #tpu.pipeline_mode<synchronous>, transform_indices = @transform_6, window_bounds = array<i64: 25, 25>}, {pipeline_mode = #tpu.pipeline_mode<synchronous>, transform_indices = @transform_7, window_bounds = array<i64: 1, 25>}, {pipeline_mode = #tpu.pipeline_mode<synchronous>, transform_indices = @transform_8, window_bounds = array<i64: 25, 4096>}, {pipeline_mode = #tpu.pipeline_mode<synchronous>, transform_indices = @transform_9, window_bounds = array<i64: 64, 64>}, {pipeline_mode = #tpu.pipeline_mode<synchronous>, transform_indices = @transform_10, window_bounds = array<i64: 64, 4096>}, {transform_indices = @transform_11, window_bounds = array<i64: 512, 128>}]} {
    %get3A = arith.constant 0 : index
    %get3A_0 = arith.constant 0 : index
    %get3A_1 = vector.load %arg1[%get3A, %get3A_0] : memref<512x16xf32, #tpu.memory_space<vmem>>, vector<512x16xf32>
    %convert_element_type3A = arith.truncf %get3A_1 : vector<512x16xf32> to vector<512x16xbf16>
    %get3A_2 = arith.constant 0 : index
    %get3A_3 = arith.constant 0 : index
    %get3A_4 = vector.load %arg3[%get3A_2, %get3A_3] : memref<16x25xbf16, #tpu.memory_space<vmem>>, vector<16x25xbf16>
    %dot_general3A = arith.constant dense<0.000000e+00> : vector<512x25xf32>
    %dot_general3A_5 = tpu.matmul %convert_element_type3A, %get3A_4, %dot_general3A {dimension_numbers = #tpu.dot_dimension_numbers<[1], [0], [0], [1], [0, 0, 1, 1], [], []>, transpose_lhs_hint = false} : vector<512x16xbf16>, vector<16x25xbf16>, vector<512x25xf32> -> vector<512x25xf32>
    %get3A_6 = arith.constant 0 : index
    %get3A_7 = arith.constant 0 : index
    %get3A_8 = vector.load %arg4[%get3A_6, %get3A_7] : memref<1x25xf32, #tpu.memory_space<vmem>>, vector<1x25xf32>
    %add3A = vector.broadcast %get3A_8 : vector<1x25xf32> to vector<512x25xf32>
    %add3A_9 = arith.addf %dot_general3A_5, %add3A : vector<512x25xf32>
    %max3A = arith.constant 0.000000e+00 : f32
    %max3A_10 = vector.broadcast %max3A : f32 to vector<512x25xf32>
    %max3A_11 = arith.maximumf %add3A_9, %max3A_10 : vector<512x25xf32>
    %convert_element_type3A_12 = arith.truncf %max3A_11 : vector<512x25xf32> to vector<512x25xbf16>
    %get3A_13 = arith.constant 0 : index
    %get3A_14 = arith.constant 0 : index
    %get3A_15 = vector.load %arg5[%get3A_13, %get3A_14] : memref<25x25xbf16, #tpu.memory_space<vmem>>, vector<25x25xbf16>
    %dot_general3A_16 = arith.constant dense<0.000000e+00> : vector<512x25xf32>
    %dot_general3A_17 = tpu.matmul %convert_element_type3A_12, %get3A_15, %dot_general3A_16 {dimension_numbers = #tpu.dot_dimension_numbers<[1], [0], [0], [1], [0, 0, 1, 1], [], []>, transpose_lhs_hint = false} : vector<512x25xbf16>, vector<25x25xbf16>, vector<512x25xf32> -> vector<512x25xf32>
    %get3A_18 = arith.constant 0 : index
    %get3A_19 = arith.constant 0 : index
    %get3A_20 = vector.load %arg6[%get3A_18, %get3A_19] : memref<1x25xf32, #tpu.memory_space<vmem>>, vector<1x25xf32>
    %add3A_21 = vector.broadcast %get3A_20 : vector<1x25xf32> to vector<512x25xf32>
    %add3A_22 = arith.addf %dot_general3A_17, %add3A_21 : vector<512x25xf32>
    %max3A_23 = arith.constant 0.000000e+00 : f32
    %max3A_24 = vector.broadcast %max3A_23 : f32 to vector<512x25xf32>
    %max3A_25 = arith.maximumf %add3A_22, %max3A_24 : vector<512x25xf32>
    %convert_element_type3A_26 = arith.truncf %max3A_25 : vector<512x25xf32> to vector<512x25xbf16>
    %get3A_27 = arith.constant 0 : index
    %get3A_28 = arith.constant 0 : index
    %get3A_29 = vector.load %arg7[%get3A_27, %get3A_28] : memref<25x25xbf16, #tpu.memory_space<vmem>>, vector<25x25xbf16>
    %dot_general3A_30 = arith.constant dense<0.000000e+00> : vector<512x25xf32>
    %dot_general3A_31 = tpu.matmul %convert_element_type3A_26, %get3A_29, %dot_general3A_30 {dimension_numbers = #tpu.dot_dimension_numbers<[1], [0], [0], [1], [0, 0, 1, 1], [], []>, transpose_lhs_hint = false} : vector<512x25xbf16>, vector<25x25xbf16>, vector<512x25xf32> -> vector<512x25xf32>
    %get3A_32 = arith.constant 0 : index
    %get3A_33 = arith.constant 0 : index
    %get3A_34 = vector.load %arg8[%get3A_32, %get3A_33] : memref<1x25xf32, #tpu.memory_space<vmem>>, vector<1x25xf32>
    %add3A_35 = vector.broadcast %get3A_34 : vector<1x25xf32> to vector<512x25xf32>
    %add3A_36 = arith.addf %dot_general3A_31, %add3A_35 : vector<512x25xf32>
    %max3A_37 = arith.constant 0.000000e+00 : f32
    %max3A_38 = vector.broadcast %max3A_37 : f32 to vector<512x25xf32>
    %max3A_39 = arith.maximumf %add3A_36, %max3A_38 : vector<512x25xf32>
    %convert_element_type3A_40 = arith.truncf %max3A_39 : vector<512x25xf32> to vector<512x25xbf16>
    %get3A_41 = arith.constant 0 : index
    %get3A_42 = arith.constant 0 : index
    %get3A_43 = vector.load %arg9[%get3A_41, %get3A_42] : memref<25x4096xbf16, #tpu.memory_space<vmem>>, vector<25x4096xbf16>
    %dot_general3A_44 = arith.constant dense<0.000000e+00> : vector<512x4096xf32>
    %dot_general3A_45 = tpu.matmul %convert_element_type3A_40, %get3A_43, %dot_general3A_44 {dimension_numbers = #tpu.dot_dimension_numbers<[1], [0], [0], [1], [0, 0, 1, 1], [], []>, transpose_lhs_hint = false} : vector<512x25xbf16>, vector<25x4096xbf16>, vector<512x4096xf32> -> vector<512x4096xf32>
    %get3A_46 = arith.constant 0 : index
    %get3A_47 = arith.constant 0 : index
    %get3A_48 = vector.load %arg2[%get3A_46, %get3A_47] : memref<512x128xf32, #tpu.memory_space<vmem>>, vector<512x128xf32>
    %slice3A = vector.extract_strided_slice %get3A_48 {offsets = [0, 0], sizes = [512, 64], strides = [1, 1]} : vector<512x128xf32> to vector<512x64xf32>
    %convert_element_type3A_49 = arith.truncf %slice3A : vector<512x64xf32> to vector<512x64xbf16>
    %get3A_50 = arith.constant 0 : index
    %get3A_51 = arith.constant 0 : index
    %get3A_52 = vector.load %arg11[%get3A_50, %get3A_51] : memref<64x4096xbf16, #tpu.memory_space<vmem>>, vector<64x4096xbf16>
    %dot_general3A_53 = arith.constant dense<0.000000e+00> : vector<512x4096xf32>
    %dot_general3A_54 = tpu.matmul %convert_element_type3A_49, %get3A_52, %dot_general3A_53 {dimension_numbers = #tpu.dot_dimension_numbers<[1], [0], [0], [1], [0, 0, 1, 1], [], []>, transpose_lhs_hint = false} : vector<512x64xbf16>, vector<64x4096xbf16>, vector<512x4096xf32> -> vector<512x4096xf32>
    %slice3A_55 = vector.extract_strided_slice %dot_general3A_54 {offsets = [0, 0], sizes = [512, 128], strides = [1, 1]} : vector<512x4096xf32> to vector<512x128xf32>
    %slice3A_56 = vector.extract_strided_slice %dot_general3A_45 {offsets = [0, 0], sizes = [512, 128], strides = [1, 1]} : vector<512x4096xf32> to vector<512x128xf32>
    %mul3A = arith.mulf %slice3A_55, %slice3A_56 : vector<512x128xf32>
    %slice3A_57 = vector.extract_strided_slice %dot_general3A_54 {offsets = [0, 128], sizes = [512, 128], strides = [1, 1]} : vector<512x4096xf32> to vector<512x128xf32>
    %slice3A_58 = vector.extract_strided_slice %dot_general3A_45 {offsets = [0, 128], sizes = [512, 128], strides = [1, 1]} : vector<512x4096xf32> to vector<512x128xf32>
    %mul3A_59 = arith.mulf %slice3A_57, %slice3A_58 : vector<512x128xf32>
    %add3A_60 = arith.addf %mul3A, %mul3A_59 : vector<512x128xf32>
    %slice3A_61 = vector.extract_strided_slice %dot_general3A_54 {offsets = [0, 256], sizes = [512, 128], strides = [1, 1]} : vector<512x4096xf32> to vector<512x128xf32>
    %slice3A_62 = vector.extract_strided_slice %dot_general3A_45 {offsets = [0, 256], sizes = [512, 128], strides = [1, 1]} : vector<512x4096xf32> to vector<512x128xf32>
    %mul3A_63 = arith.mulf %slice3A_61, %slice3A_62 : vector<512x128xf32>
    %add3A_64 = arith.addf %add3A_60, %mul3A_63 : vector<512x128xf32>
    %slice3A_65 = vector.extract_strided_slice %dot_general3A_54 {offsets = [0, 384], sizes = [512, 128], strides = [1, 1]} : vector<512x4096xf32> to vector<512x128xf32>
    %slice3A_66 = vector.extract_strided_slice %dot_general3A_45 {offsets = [0, 384], sizes = [512, 128], strides = [1, 1]} : vector<512x4096xf32> to vector<512x128xf32>
    %mul3A_67 = arith.mulf %slice3A_65, %slice3A_66 : vector<512x128xf32>
    %add3A_68 = arith.addf %add3A_64, %mul3A_67 : vector<512x128xf32>
    %slice3A_69 = vector.extract_strided_slice %dot_general3A_54 {offsets = [0, 512], sizes = [512, 128], strides = [1, 1]} : vector<512x4096xf32> to vector<512x128xf32>
    %slice3A_70 = vector.extract_strided_slice %dot_general3A_45 {offsets = [0, 512], sizes = [512, 128], strides = [1, 1]} : vector<512x4096xf32> to vector<512x128xf32>
    %mul3A_71 = arith.mulf %slice3A_69, %slice3A_70 : vector<512x128xf32>
    %add3A_72 = arith.addf %add3A_68, %mul3A_71 : vector<512x128xf32>
    %slice3A_73 = vector.extract_strided_slice %dot_general3A_54 {offsets = [0, 640], sizes = [512, 128], strides = [1, 1]} : vector<512x4096xf32> to vector<512x128xf32>
    %slice3A_74 = vector.extract_strided_slice %dot_general3A_45 {offsets = [0, 640], sizes = [512, 128], strides = [1, 1]} : vector<512x4096xf32> to vector<512x128xf32>
    %mul3A_75 = arith.mulf %slice3A_73, %slice3A_74 : vector<512x128xf32>
    %add3A_76 = arith.addf %add3A_72, %mul3A_75 : vector<512x128xf32>
    %slice3A_77 = vector.extract_strided_slice %dot_general3A_54 {offsets = [0, 768], sizes = [512, 128], strides = [1, 1]} : vector<512x4096xf32> to vector<512x128xf32>
    %slice3A_78 = vector.extract_strided_slice %dot_general3A_45 {offsets = [0, 768], sizes = [512, 128], strides = [1, 1]} : vector<512x4096xf32> to vector<512x128xf32>
    %mul3A_79 = arith.mulf %slice3A_77, %slice3A_78 : vector<512x128xf32>
    %add3A_80 = arith.addf %add3A_76, %mul3A_79 : vector<512x128xf32>
    %slice3A_81 = vector.extract_strided_slice %dot_general3A_54 {offsets = [0, 896], sizes = [512, 128], strides = [1, 1]} : vector<512x4096xf32> to vector<512x128xf32>
    %slice3A_82 = vector.extract_strided_slice %dot_general3A_45 {offsets = [0, 896], sizes = [512, 128], strides = [1, 1]} : vector<512x4096xf32> to vector<512x128xf32>
    %mul3A_83 = arith.mulf %slice3A_81, %slice3A_82 : vector<512x128xf32>
    %add3A_84 = arith.addf %add3A_80, %mul3A_83 : vector<512x128xf32>
    %slice3A_85 = vector.extract_strided_slice %dot_general3A_54 {offsets = [0, 1024], sizes = [512, 128], strides = [1, 1]} : vector<512x4096xf32> to vector<512x128xf32>
    %slice3A_86 = vector.extract_strided_slice %dot_general3A_45 {offsets = [0, 1024], sizes = [512, 128], strides = [1, 1]} : vector<512x4096xf32> to vector<512x128xf32>
    %mul3A_87 = arith.mulf %slice3A_85, %slice3A_86 : vector<512x128xf32>
    %add3A_88 = arith.addf %add3A_84, %mul3A_87 : vector<512x128xf32>
    %slice3A_89 = vector.extract_strided_slice %dot_general3A_54 {offsets = [0, 1152], sizes = [512, 128], strides = [1, 1]} : vector<512x4096xf32> to vector<512x128xf32>
    %slice3A_90 = vector.extract_strided_slice %dot_general3A_45 {offsets = [0, 1152], sizes = [512, 128], strides = [1, 1]} : vector<512x4096xf32> to vector<512x128xf32>
    %mul3A_91 = arith.mulf %slice3A_89, %slice3A_90 : vector<512x128xf32>
    %add3A_92 = arith.addf %add3A_88, %mul3A_91 : vector<512x128xf32>
    %slice3A_93 = vector.extract_strided_slice %dot_general3A_54 {offsets = [0, 1280], sizes = [512, 128], strides = [1, 1]} : vector<512x4096xf32> to vector<512x128xf32>
    %slice3A_94 = vector.extract_strided_slice %dot_general3A_45 {offsets = [0, 1280], sizes = [512, 128], strides = [1, 1]} : vector<512x4096xf32> to vector<512x128xf32>
    %mul3A_95 = arith.mulf %slice3A_93, %slice3A_94 : vector<512x128xf32>
    %add3A_96 = arith.addf %add3A_92, %mul3A_95 : vector<512x128xf32>
    %slice3A_97 = vector.extract_strided_slice %dot_general3A_54 {offsets = [0, 1408], sizes = [512, 128], strides = [1, 1]} : vector<512x4096xf32> to vector<512x128xf32>
    %slice3A_98 = vector.extract_strided_slice %dot_general3A_45 {offsets = [0, 1408], sizes = [512, 128], strides = [1, 1]} : vector<512x4096xf32> to vector<512x128xf32>
    %mul3A_99 = arith.mulf %slice3A_97, %slice3A_98 : vector<512x128xf32>
    %add3A_100 = arith.addf %add3A_96, %mul3A_99 : vector<512x128xf32>
    %slice3A_101 = vector.extract_strided_slice %dot_general3A_54 {offsets = [0, 1536], sizes = [512, 128], strides = [1, 1]} : vector<512x4096xf32> to vector<512x128xf32>
    %slice3A_102 = vector.extract_strided_slice %dot_general3A_45 {offsets = [0, 1536], sizes = [512, 128], strides = [1, 1]} : vector<512x4096xf32> to vector<512x128xf32>
    %mul3A_103 = arith.mulf %slice3A_101, %slice3A_102 : vector<512x128xf32>
    %add3A_104 = arith.addf %add3A_100, %mul3A_103 : vector<512x128xf32>
    %slice3A_105 = vector.extract_strided_slice %dot_general3A_54 {offsets = [0, 1664], sizes = [512, 128], strides = [1, 1]} : vector<512x4096xf32> to vector<512x128xf32>
    %slice3A_106 = vector.extract_strided_slice %dot_general3A_45 {offsets = [0, 1664], sizes = [512, 128], strides = [1, 1]} : vector<512x4096xf32> to vector<512x128xf32>
    %mul3A_107 = arith.mulf %slice3A_105, %slice3A_106 : vector<512x128xf32>
    %add3A_108 = arith.addf %add3A_104, %mul3A_107 : vector<512x128xf32>
    %slice3A_109 = vector.extract_strided_slice %dot_general3A_54 {offsets = [0, 1792], sizes = [512, 128], strides = [1, 1]} : vector<512x4096xf32> to vector<512x128xf32>
    %slice3A_110 = vector.extract_strided_slice %dot_general3A_45 {offsets = [0, 1792], sizes = [512, 128], strides = [1, 1]} : vector<512x4096xf32> to vector<512x128xf32>
    %mul3A_111 = arith.mulf %slice3A_109, %slice3A_110 : vector<512x128xf32>
    %add3A_112 = arith.addf %add3A_108, %mul3A_111 : vector<512x128xf32>
    %slice3A_113 = vector.extract_strided_slice %dot_general3A_54 {offsets = [0, 1920], sizes = [512, 128], strides = [1, 1]} : vector<512x4096xf32> to vector<512x128xf32>
    %slice3A_114 = vector.extract_strided_slice %dot_general3A_45 {offsets = [0, 1920], sizes = [512, 128], strides = [1, 1]} : vector<512x4096xf32> to vector<512x128xf32>
    %mul3A_115 = arith.mulf %slice3A_113, %slice3A_114 : vector<512x128xf32>
    %add3A_116 = arith.addf %add3A_112, %mul3A_115 : vector<512x128xf32>
    %slice3A_117 = vector.extract_strided_slice %dot_general3A_54 {offsets = [0, 2048], sizes = [512, 128], strides = [1, 1]} : vector<512x4096xf32> to vector<512x128xf32>
    %slice3A_118 = vector.extract_strided_slice %dot_general3A_45 {offsets = [0, 2048], sizes = [512, 128], strides = [1, 1]} : vector<512x4096xf32> to vector<512x128xf32>
    %mul3A_119 = arith.mulf %slice3A_117, %slice3A_118 : vector<512x128xf32>
    %add3A_120 = arith.addf %add3A_116, %mul3A_119 : vector<512x128xf32>
    %slice3A_121 = vector.extract_strided_slice %dot_general3A_54 {offsets = [0, 2176], sizes = [512, 128], strides = [1, 1]} : vector<512x4096xf32> to vector<512x128xf32>
    %slice3A_122 = vector.extract_strided_slice %dot_general3A_45 {offsets = [0, 2176], sizes = [512, 128], strides = [1, 1]} : vector<512x4096xf32> to vector<512x128xf32>
    %mul3A_123 = arith.mulf %slice3A_121, %slice3A_122 : vector<512x128xf32>
    %add3A_124 = arith.addf %add3A_120, %mul3A_123 : vector<512x128xf32>
    %slice3A_125 = vector.extract_strided_slice %dot_general3A_54 {offsets = [0, 2304], sizes = [512, 128], strides = [1, 1]} : vector<512x4096xf32> to vector<512x128xf32>
    %slice3A_126 = vector.extract_strided_slice %dot_general3A_45 {offsets = [0, 2304], sizes = [512, 128], strides = [1, 1]} : vector<512x4096xf32> to vector<512x128xf32>
    %mul3A_127 = arith.mulf %slice3A_125, %slice3A_126 : vector<512x128xf32>
    %add3A_128 = arith.addf %add3A_124, %mul3A_127 : vector<512x128xf32>
    %slice3A_129 = vector.extract_strided_slice %dot_general3A_54 {offsets = [0, 2432], sizes = [512, 128], strides = [1, 1]} : vector<512x4096xf32> to vector<512x128xf32>
    %slice3A_130 = vector.extract_strided_slice %dot_general3A_45 {offsets = [0, 2432], sizes = [512, 128], strides = [1, 1]} : vector<512x4096xf32> to vector<512x128xf32>
    %mul3A_131 = arith.mulf %slice3A_129, %slice3A_130 : vector<512x128xf32>
    %add3A_132 = arith.addf %add3A_128, %mul3A_131 : vector<512x128xf32>
    %slice3A_133 = vector.extract_strided_slice %dot_general3A_54 {offsets = [0, 2560], sizes = [512, 128], strides = [1, 1]} : vector<512x4096xf32> to vector<512x128xf32>
    %slice3A_134 = vector.extract_strided_slice %dot_general3A_45 {offsets = [0, 2560], sizes = [512, 128], strides = [1, 1]} : vector<512x4096xf32> to vector<512x128xf32>
    %mul3A_135 = arith.mulf %slice3A_133, %slice3A_134 : vector<512x128xf32>
    %add3A_136 = arith.addf %add3A_132, %mul3A_135 : vector<512x128xf32>
    %slice3A_137 = vector.extract_strided_slice %dot_general3A_54 {offsets = [0, 2688], sizes = [512, 128], strides = [1, 1]} : vector<512x4096xf32> to vector<512x128xf32>
    %slice3A_138 = vector.extract_strided_slice %dot_general3A_45 {offsets = [0, 2688], sizes = [512, 128], strides = [1, 1]} : vector<512x4096xf32> to vector<512x128xf32>
    %mul3A_139 = arith.mulf %slice3A_137, %slice3A_138 : vector<512x128xf32>
    %add3A_140 = arith.addf %add3A_136, %mul3A_139 : vector<512x128xf32>
    %slice3A_141 = vector.extract_strided_slice %dot_general3A_54 {offsets = [0, 2816], sizes = [512, 128], strides = [1, 1]} : vector<512x4096xf32> to vector<512x128xf32>
    %slice3A_142 = vector.extract_strided_slice %dot_general3A_45 {offsets = [0, 2816], sizes = [512, 128], strides = [1, 1]} : vector<512x4096xf32> to vector<512x128xf32>
    %mul3A_143 = arith.mulf %slice3A_141, %slice3A_142 : vector<512x128xf32>
    %add3A_144 = arith.addf %add3A_140, %mul3A_143 : vector<512x128xf32>
    %slice3A_145 = vector.extract_strided_slice %dot_general3A_54 {offsets = [0, 2944], sizes = [512, 128], strides = [1, 1]} : vector<512x4096xf32> to vector<512x128xf32>
    %slice3A_146 = vector.extract_strided_slice %dot_general3A_45 {offsets = [0, 2944], sizes = [512, 128], strides = [1, 1]} : vector<512x4096xf32> to vector<512x128xf32>
    %mul3A_147 = arith.mulf %slice3A_145, %slice3A_146 : vector<512x128xf32>
    %add3A_148 = arith.addf %add3A_144, %mul3A_147 : vector<512x128xf32>
    %slice3A_149 = vector.extract_strided_slice %dot_general3A_54 {offsets = [0, 3072], sizes = [512, 128], strides = [1, 1]} : vector<512x4096xf32> to vector<512x128xf32>
    %slice3A_150 = vector.extract_strided_slice %dot_general3A_45 {offsets = [0, 3072], sizes = [512, 128], strides = [1, 1]} : vector<512x4096xf32> to vector<512x128xf32>
    %mul3A_151 = arith.mulf %slice3A_149, %slice3A_150 : vector<512x128xf32>
    %add3A_152 = arith.addf %add3A_148, %mul3A_151 : vector<512x128xf32>
    %slice3A_153 = vector.extract_strided_slice %dot_general3A_54 {offsets = [0, 3200], sizes = [512, 128], strides = [1, 1]} : vector<512x4096xf32> to vector<512x128xf32>
    %slice3A_154 = vector.extract_strided_slice %dot_general3A_45 {offsets = [0, 3200], sizes = [512, 128], strides = [1, 1]} : vector<512x4096xf32> to vector<512x128xf32>
    %mul3A_155 = arith.mulf %slice3A_153, %slice3A_154 : vector<512x128xf32>
    %add3A_156 = arith.addf %add3A_152, %mul3A_155 : vector<512x128xf32>
    %slice3A_157 = vector.extract_strided_slice %dot_general3A_54 {offsets = [0, 3328], sizes = [512, 128], strides = [1, 1]} : vector<512x4096xf32> to vector<512x128xf32>
    %slice3A_158 = vector.extract_strided_slice %dot_general3A_45 {offsets = [0, 3328], sizes = [512, 128], strides = [1, 1]} : vector<512x4096xf32> to vector<512x128xf32>
    %mul3A_159 = arith.mulf %slice3A_157, %slice3A_158 : vector<512x128xf32>
    %add3A_160 = arith.addf %add3A_156, %mul3A_159 : vector<512x128xf32>
    %slice3A_161 = vector.extract_strided_slice %dot_general3A_54 {offsets = [0, 3456], sizes = [512, 128], strides = [1, 1]} : vector<512x4096xf32> to vector<512x128xf32>
    %slice3A_162 = vector.extract_strided_slice %dot_general3A_45 {offsets = [0, 3456], sizes = [512, 128], strides = [1, 1]} : vector<512x4096xf32> to vector<512x128xf32>
    %mul3A_163 = arith.mulf %slice3A_161, %slice3A_162 : vector<512x128xf32>
    %add3A_164 = arith.addf %add3A_160, %mul3A_163 : vector<512x128xf32>
    %slice3A_165 = vector.extract_strided_slice %dot_general3A_54 {offsets = [0, 3584], sizes = [512, 128], strides = [1, 1]} : vector<512x4096xf32> to vector<512x128xf32>
    %slice3A_166 = vector.extract_strided_slice %dot_general3A_45 {offsets = [0, 3584], sizes = [512, 128], strides = [1, 1]} : vector<512x4096xf32> to vector<512x128xf32>
    %mul3A_167 = arith.mulf %slice3A_165, %slice3A_166 : vector<512x128xf32>
    %add3A_168 = arith.addf %add3A_164, %mul3A_167 : vector<512x128xf32>
    %slice3A_169 = vector.extract_strided_slice %dot_general3A_54 {offsets = [0, 3712], sizes = [512, 128], strides = [1, 1]} : vector<512x4096xf32> to vector<512x128xf32>
    %slice3A_170 = vector.extract_strided_slice %dot_general3A_45 {offsets = [0, 3712], sizes = [512, 128], strides = [1, 1]} : vector<512x4096xf32> to vector<512x128xf32>
    %mul3A_171 = arith.mulf %slice3A_169, %slice3A_170 : vector<512x128xf32>
    %add3A_172 = arith.addf %add3A_168, %mul3A_171 : vector<512x128xf32>
    %slice3A_173 = vector.extract_strided_slice %dot_general3A_54 {offsets = [0, 3840], sizes = [512, 128], strides = [1, 1]} : vector<512x4096xf32> to vector<512x128xf32>
    %slice3A_174 = vector.extract_strided_slice %dot_general3A_45 {offsets = [0, 3840], sizes = [512, 128], strides = [1, 1]} : vector<512x4096xf32> to vector<512x128xf32>
    %mul3A_175 = arith.mulf %slice3A_173, %slice3A_174 : vector<512x128xf32>
    %add3A_176 = arith.addf %add3A_172, %mul3A_175 : vector<512x128xf32>
    %slice3A_177 = vector.extract_strided_slice %dot_general3A_54 {offsets = [0, 3968], sizes = [512, 128], strides = [1, 1]} : vector<512x4096xf32> to vector<512x128xf32>
    %slice3A_178 = vector.extract_strided_slice %dot_general3A_45 {offsets = [0, 3968], sizes = [512, 128], strides = [1, 1]} : vector<512x4096xf32> to vector<512x128xf32>
    %mul3A_179 = arith.mulf %slice3A_177, %slice3A_178 : vector<512x128xf32>
    %add3A_180 = arith.addf %add3A_176, %mul3A_179 : vector<512x128xf32>
    %slice3A_181 = vector.extract_strided_slice %add3A_180 {offsets = [0, 0], sizes = [512, 64], strides = [1, 1]} : vector<512x128xf32> to vector<512x64xf32>
    %slice3A_182 = vector.extract_strided_slice %add3A_180 {offsets = [0, 64], sizes = [512, 64], strides = [1, 1]} : vector<512x128xf32> to vector<512x64xf32>
    %add3A_183 = arith.addf %slice3A_181, %slice3A_182 : vector<512x64xf32>
    %get3A_184 = arith.constant 0 : index
    %get3A_185 = arith.constant 0 : index
    %get3A_186 = vector.load %arg10[%get3A_184, %get3A_185] : memref<64x64xbf16, #tpu.memory_space<vmem>>, vector<64x64xbf16>
    %dot_general3A_187 = arith.constant dense<0.000000e+00> : vector<512x64xf32>
    %dot_general3A_188 = tpu.matmul %convert_element_type3A_49, %get3A_186, %dot_general3A_187 {dimension_numbers = #tpu.dot_dimension_numbers<[1], [0], [0], [1], [0, 0, 1, 1], [], []>, transpose_lhs_hint = false} : vector<512x64xbf16>, vector<64x64xbf16>, vector<512x64xf32> -> vector<512x64xf32>
    %add3A_189 = arith.addf %add3A_183, %dot_general3A_188 : vector<512x64xf32>
    %broadcast_in_dim3A = arith.constant 1.000000e+00 : f32
    %broadcast_in_dim3A_190 = vector.broadcast %broadcast_in_dim3A : f32 to vector<512x64xf32>
    %concatenate3A = tpu.concatenate %add3A_189, %broadcast_in_dim3A_190 in 1 : vector<512x64xf32>, vector<512x64xf32> -> vector<512x128xf32>
    %swap3A = arith.constant 0 : index
    %swap3A_191 = arith.constant 0 : index
    %swap3A_192 = vector.load %arg12[%swap3A, %swap3A_191] : memref<512x128xf32, #tpu.memory_space<vmem>>, vector<512x128xf32>
    tpu.vector_store %arg12[%swap3A, %swap3A_191], %concatenate3A {strides = array<i32>} : memref<512x128xf32, #tpu.memory_space<vmem>>, vector<512x128xf32>,
    return
  }
  func.func @transform_0(%arg0: i32) -> (i32, i32) {
    %c0_i32 = arith.constant 0 : i32
    %c0_i32_0 = arith.constant 0 : i32
    return %arg0, %c0_i32 : i32, i32
  }
  func.func @transform_1(%arg0: i32) -> (i32, i32) {
    %c0_i32 = arith.constant 0 : i32
    %c0_i32_0 = arith.constant 0 : i32
    return %arg0, %c0_i32 : i32, i32
  }
  func.func @transform_2(%arg0: i32) -> (i32, i32) {
    %c0_i32 = arith.constant 0 : i32
    %c0_i32_0 = arith.constant 0 : i32
    %c0_i32_1 = arith.constant 0 : i32
    return %c0_i32, %c0_i32_0 : i32, i32
  }
  func.func @transform_3(%arg0: i32) -> (i32, i32) {
    %c0_i32 = arith.constant 0 : i32
    %c0_i32_0 = arith.constant 0 : i32
    %c0_i32_1 = arith.constant 0 : i32
    return %c0_i32, %c0_i32_0 : i32, i32
  }
  func.func @transform_4(%arg0: i32) -> (i32, i32) {
    %c0_i32 = arith.constant 0 : i32
    %c0_i32_0 = arith.constant 0 : i32
    %c0_i32_1 = arith.constant 0 : i32
    return %c0_i32, %c0_i32_0 : i32, i32
  }
  func.func @transform_5(%arg0: i32) -> (i32, i32) {
    %c0_i32 = arith.constant 0 : i32
    %c0_i32_0 = arith.constant 0 : i32
    %c0_i32_1 = arith.constant 0 : i32
    return %c0_i32, %c0_i32_0 : i32, i32
  }
  func.func @transform_6(%arg0: i32) -> (i32, i32) {
    %c0_i32 = arith.constant 0 : i32
    %c0_i32_0 = arith.constant 0 : i32
    %c0_i32_1 = arith.constant 0 : i32
    return %c0_i32, %c0_i32_0 : i32, i32
  }
  func.func @transform_7(%arg0: i32) -> (i32, i32) {
    %c0_i32 = arith.constant 0 : i32
    %c0_i32_0 = arith.constant 0 : i32
    %c0_i32_1 = arith.constant 0 : i32
    return %c0_i32, %c0_i32_0 : i32, i32
  }
  func.func @transform_8(%arg0: i32) -> (i32, i32) {
    %c0_i32 = arith.constant 0 : i32
    %c0_i32_0 = arith.constant 0 : i32
    %c0_i32_1 = arith.constant 0 : i32
    return %c0_i32, %c0_i32_0 : i32, i32
  }
  func.func @transform_9(%arg0: i32) -> (i32, i32) {
    %c0_i32 = arith.constant 0 : i32
    %c0_i32_0 = arith.constant 0 : i32
    %c0_i32_1 = arith.constant 0 : i32
    return %c0_i32, %c0_i32_0 : i32, i32
  }
  func.func @transform_10(%arg0: i32) -> (i32, i32) {
    %c0_i32 = arith.constant 0 : i32
    %c0_i32_0 = arith.constant 0 : i32
    %c0_i32_1 = arith.constant 0 : i32
    return %c0_i32, %c0_i32_0 : i32, i32
  }
  func.func @transform_11(%arg0: i32) -> (i32, i32) {
    %c0_i32 = arith.constant 0 : i32
    %c0_i32_0 = arith.constant 0 : i32
    return %arg0, %c0_i32 : i32, i32
  }
}

module attributes {stable_mosaic.version = 14 : i64} {
  func.func @body(%arg0: i32, %arg1: memref<1x512x128xf32, #tpu.memory_space<vmem>>, %arg2: memref<1x512x128xf32, #tpu.memory_space<vmem>>, %arg3: memref<512x1xf32, #tpu.memory_space<vmem>>, %arg4: memref<512x128xf32, #tpu.memory_space<vmem>>, %arg5: memref<64x64xf32, #tpu.memory_space<vmem>>, %arg6: memref<1x64xf32, #tpu.memory_space<vmem>>, %arg7: memref<512x64xf32, #tpu.memory_space<vmem>>) attributes {dimension_semantics = [#tpu.dimension_semantics<arbitrary>], iteration_bounds = array<i64: 20>, scalar_prefetch = 0 : i64, scratch_operands = 0 : i64, tpu.core_type = #tpu.core_type<tc>, window_params = [{transform_indices = @transform_0, window_bounds = array<i64: 1, 512, 128>}, {transform_indices = @transform_1, window_bounds = array<i64: 1, 512, 128>}, {transform_indices = @transform_2, window_bounds = array<i64: 512, 1>}, {transform_indices = @transform_3, window_bounds = array<i64: 512, 128>}, {pipeline_mode = #tpu.pipeline_mode<synchronous>, transform_indices = @transform_4, window_bounds = array<i64: 64, 64>}, {pipeline_mode = #tpu.pipeline_mode<synchronous>, transform_indices = @transform_5, window_bounds = array<i64: 1, 64>}, {transform_indices = @transform_6, window_bounds = array<i64: 512, 64>}]} {
    %get3A = arith.constant 0 : index
    %get3A_0 = arith.constant 0 : index
    %get3A_1 = arith.constant 0 : index
    %get3A_2 = vector.load %arg1[%get3A, %get3A_0, %get3A_1] : memref<1x512x128xf32, #tpu.memory_space<vmem>>, vector<1x512x128xf32>
    %get3A_3 = vector.shape_cast %get3A_2 : vector<1x512x128xf32> to vector<512x128xf32>
    %get3A_4 = arith.constant 0 : index
    %get3A_5 = arith.constant 0 : index
    %get3A_6 = arith.constant 0 : index
    %get3A_7 = vector.load %arg2[%get3A_4, %get3A_5, %get3A_6] : memref<1x512x128xf32, #tpu.memory_space<vmem>>, vector<1x512x128xf32>
    %get3A_8 = vector.shape_cast %get3A_7 : vector<1x512x128xf32> to vector<512x128xf32>
    %add3A = arith.addf %get3A_3, %get3A_8 : vector<512x128xf32>
    %slice3A = vector.extract_strided_slice %add3A {offsets = [0, 0], sizes = [512, 64], strides = [1, 1]} : vector<512x128xf32> to vector<512x64xf32>
    %get3A_9 = arith.constant 0 : index
    %get3A_10 = arith.constant 0 : index
    %get3A_11 = vector.load %arg3[%get3A_9, %get3A_10] : memref<512x1xf32, #tpu.memory_space<vmem>>, vector<512x1xf32>
    %div3A = vector.broadcast %get3A_11 : vector<512x1xf32> to vector<512x64xf32>
    %div3A_12 = arith.divf %slice3A, %div3A : vector<512x64xf32>
    %get3A_13 = arith.constant 0 : index
    %get3A_14 = arith.constant 0 : index
    %get3A_15 = vector.load %arg4[%get3A_13, %get3A_14] : memref<512x128xf32, #tpu.memory_space<vmem>>, vector<512x128xf32>
    %slice3A_16 = vector.extract_strided_slice %get3A_15 {offsets = [0, 0], sizes = [512, 64], strides = [1, 1]} : vector<512x128xf32> to vector<512x64xf32>
    %get3A_17 = arith.constant 0 : index
    %get3A_18 = arith.constant 0 : index
    %get3A_19 = vector.load %arg5[%get3A_17, %get3A_18] : memref<64x64xf32, #tpu.memory_space<vmem>>, vector<64x64xf32>
    %dot_general3A = arith.constant dense<0.000000e+00> : vector<512x64xf32>
    %dot_general3A_20 = tpu.matmul %slice3A_16, %get3A_19, %dot_general3A {dimension_numbers = #tpu.dot_dimension_numbers<[1], [0], [0], [1], [0, 0, 1, 1], [], []>, transpose_lhs_hint = false} : vector<512x64xf32>, vector<64x64xf32>, vector<512x64xf32> -> vector<512x64xf32>
    %add3A_21 = arith.addf %div3A_12, %dot_general3A_20 : vector<512x64xf32>
    %get3A_22 = arith.constant 0 : index
    %get3A_23 = arith.constant 0 : index
    %get3A_24 = vector.load %arg6[%get3A_22, %get3A_23] : memref<1x64xf32, #tpu.memory_space<vmem>>, vector<1x64xf32>
    %add3A_25 = vector.broadcast %get3A_24 : vector<1x64xf32> to vector<512x64xf32>
    %add3A_26 = arith.addf %add3A_21, %add3A_25 : vector<512x64xf32>
    %gt3A = arith.constant 0.000000e+00 : f32
    %gt3A_27 = vector.broadcast %gt3A : f32 to vector<512x64xf32>
    %gt3A_28 = arith.cmpf ogt, %add3A_26, %gt3A_27 : vector<512x64xf32>
    %exp3A = math.exp %add3A_26 : vector<512x64xf32>
    %sub3A = arith.constant 1.000000e+00 : f32
    %sub3A_29 = vector.broadcast %sub3A : f32 to vector<512x64xf32>
    %sub3A_30 = arith.subf %exp3A, %sub3A_29 : vector<512x64xf32>
    %select_n3A = arith.select %gt3A_28, %add3A_26, %sub3A_30 : vector<512x64xi1>, vector<512x64xf32>
    %swap3A = arith.constant 0 : index
    %swap3A_31 = arith.constant 0 : index
    %swap3A_32 = vector.load %arg7[%swap3A, %swap3A_31] : memref<512x64xf32, #tpu.memory_space<vmem>>, vector<512x64xf32>
    tpu.vector_store %arg7[%swap3A, %swap3A_31], %select_n3A {strides = array<i32>} : memref<512x64xf32, #tpu.memory_space<vmem>>, vector<512x64xf32>,
    return
  }
  func.func @transform_0(%arg0: i32) -> (i32, i32, i32) {
    %c0_i32 = arith.constant 0 : i32
    %c0_i32_0 = arith.constant 0 : i32
    %c0_i32_1 = arith.constant 0 : i32
    return %c0_i32, %arg0, %c0_i32_0 : i32, i32, i32
  }
  func.func @transform_1(%arg0: i32) -> (i32, i32, i32) {
    %c1_i32 = arith.constant 1 : i32
    %c0_i32 = arith.constant 0 : i32
    %c0_i32_0 = arith.constant 0 : i32
    return %c1_i32, %arg0, %c0_i32 : i32, i32, i32
  }
  func.func @transform_2(%arg0: i32) -> (i32, i32) {
    %c0_i32 = arith.constant 0 : i32
    %c0_i32_0 = arith.constant 0 : i32
    return %arg0, %c0_i32 : i32, i32
  }
  func.func @transform_3(%arg0: i32) -> (i32, i32) {
    %c0_i32 = arith.constant 0 : i32
    %c0_i32_0 = arith.constant 0 : i32
    return %arg0, %c0_i32 : i32, i32
  }
  func.func @transform_4(%arg0: i32) -> (i32, i32) {
    %c0_i32 = arith.constant 0 : i32
    %c0_i32_0 = arith.constant 0 : i32
    %c0_i32_1 = arith.constant 0 : i32
    return %c0_i32, %c0_i32_0 : i32, i32
  }
  func.func @transform_5(%arg0: i32) -> (i32, i32) {
    %c0_i32 = arith.constant 0 : i32
    %c0_i32_0 = arith.constant 0 : i32
    %c0_i32_1 = arith.constant 0 : i32
    return %c0_i32, %c0_i32_0 : i32, i32
  }
  func.func @transform_6(%arg0: i32) -> (i32, i32) {
    %c0_i32 = arith.constant 0 : i32
    %c0_i32_0 = arith.constant 0 : i32
    return %arg0, %c0_i32 : i32, i32
  }
}

module attributes {stable_mosaic.version = 14 : i64} {
  func.func @body(%arg0: i32, %arg1: memref<512x64xf32, #tpu.memory_space<vmem>>, %arg2: memref<64x64xf32, #tpu.memory_space<vmem>>, %arg3: memref<1x64xf32, #tpu.memory_space<vmem>>, %arg4: memref<64x16xf32, #tpu.memory_space<vmem>>, %arg5: memref<1x16xf32, #tpu.memory_space<vmem>>, %arg6: memref<512x16xf32, #tpu.memory_space<vmem>>) attributes {dimension_semantics = [#tpu.dimension_semantics<arbitrary>], iteration_bounds = array<i64: 20>, scalar_prefetch = 0 : i64, scratch_operands = 0 : i64, tpu.core_type = #tpu.core_type<tc>, window_params = [{transform_indices = @transform_0, window_bounds = array<i64: 512, 64>}, {pipeline_mode = #tpu.pipeline_mode<synchronous>, transform_indices = @transform_1, window_bounds = array<i64: 64, 64>}, {pipeline_mode = #tpu.pipeline_mode<synchronous>, transform_indices = @transform_2, window_bounds = array<i64: 1, 64>}, {pipeline_mode = #tpu.pipeline_mode<synchronous>, transform_indices = @transform_3, window_bounds = array<i64: 64, 16>}, {pipeline_mode = #tpu.pipeline_mode<synchronous>, transform_indices = @transform_4, window_bounds = array<i64: 1, 16>}, {transform_indices = @transform_5, window_bounds = array<i64: 512, 16>}]} {
    %get3A = arith.constant 0 : index
    %get3A_0 = arith.constant 0 : index
    %get3A_1 = vector.load %arg1[%get3A, %get3A_0] : memref<512x64xf32, #tpu.memory_space<vmem>>, vector<512x64xf32>
    %get3A_2 = arith.constant 0 : index
    %get3A_3 = arith.constant 0 : index
    %get3A_4 = vector.load %arg2[%get3A_2, %get3A_3] : memref<64x64xf32, #tpu.memory_space<vmem>>, vector<64x64xf32>
    %dot_general3A = arith.constant dense<0.000000e+00> : vector<512x64xf32>
    %dot_general3A_5 = tpu.matmul %get3A_1, %get3A_4, %dot_general3A {dimension_numbers = #tpu.dot_dimension_numbers<[1], [0], [0], [1], [0, 0, 1, 1], [], []>, transpose_lhs_hint = false} : vector<512x64xf32>, vector<64x64xf32>, vector<512x64xf32> -> vector<512x64xf32>
    %get3A_6 = arith.constant 0 : index
    %get3A_7 = arith.constant 0 : index
    %get3A_8 = vector.load %arg3[%get3A_6, %get3A_7] : memref<1x64xf32, #tpu.memory_space<vmem>>, vector<1x64xf32>
    %add3A = vector.broadcast %get3A_8 : vector<1x64xf32> to vector<512x64xf32>
    %add3A_9 = arith.addf %dot_general3A_5, %add3A : vector<512x64xf32>
    %gt3A = arith.constant 0.000000e+00 : f32
    %gt3A_10 = vector.broadcast %gt3A : f32 to vector<512x64xf32>
    %gt3A_11 = arith.cmpf ogt, %add3A_9, %gt3A_10 : vector<512x64xf32>
    %exp3A = math.exp %add3A_9 : vector<512x64xf32>
    %sub3A = arith.constant 1.000000e+00 : f32
    %sub3A_12 = vector.broadcast %sub3A : f32 to vector<512x64xf32>
    %sub3A_13 = arith.subf %exp3A, %sub3A_12 : vector<512x64xf32>
    %select_n3A = arith.select %gt3A_11, %add3A_9, %sub3A_13 : vector<512x64xi1>, vector<512x64xf32>
    %get3A_14 = arith.constant 0 : index
    %get3A_15 = arith.constant 0 : index
    %get3A_16 = vector.load %arg4[%get3A_14, %get3A_15] : memref<64x16xf32, #tpu.memory_space<vmem>>, vector<64x16xf32>
    %dot_general3A_17 = arith.constant dense<0.000000e+00> : vector<512x16xf32>
    %dot_general3A_18 = tpu.matmul %select_n3A, %get3A_16, %dot_general3A_17 {dimension_numbers = #tpu.dot_dimension_numbers<[1], [0], [0], [1], [0, 0, 1, 1], [], []>, transpose_lhs_hint = false} : vector<512x64xf32>, vector<64x16xf32>, vector<512x16xf32> -> vector<512x16xf32>
    %get3A_19 = arith.constant 0 : index
    %get3A_20 = arith.constant 0 : index
    %get3A_21 = vector.load %arg5[%get3A_19, %get3A_20] : memref<1x16xf32, #tpu.memory_space<vmem>>, vector<1x16xf32>
    %add3A_22 = vector.broadcast %get3A_21 : vector<1x16xf32> to vector<512x16xf32>
    %add3A_23 = arith.addf %dot_general3A_18, %add3A_22 : vector<512x16xf32>
    %reduce_max3A = arith.constant dense<0xFF800000> : vector<512xf32>
    %reduce_max3A_24 = vector.multi_reduction <maximumf>, %add3A_23, %reduce_max3A [1] : vector<512x16xf32> to vector<512xf32>
    %broadcast_in_dim3A = vector.shape_cast %reduce_max3A_24 : vector<512xf32> to vector<512x1xf32>
    %sub3A_25 = vector.broadcast %broadcast_in_dim3A : vector<512x1xf32> to vector<512x16xf32>
    %sub3A_26 = arith.subf %add3A_23, %sub3A_25 : vector<512x16xf32>
    %exp3A_27 = math.exp %sub3A_26 : vector<512x16xf32>
    %reduce_sum3A = arith.constant dense<0.000000e+00> : vector<512xf32>
    %reduce_sum3A_28 = vector.multi_reduction <add>, %exp3A_27, %reduce_sum3A [1] : vector<512x16xf32> to vector<512xf32>
    %broadcast_in_dim3A_29 = vector.shape_cast %reduce_sum3A_28 : vector<512xf32> to vector<512x1xf32>
    %log3A = math.log %broadcast_in_dim3A_29 : vector<512x1xf32>
    %add3A_30 = arith.addf %log3A, %broadcast_in_dim3A : vector<512x1xf32>
    %sub3A_31 = vector.broadcast %add3A_30 : vector<512x1xf32> to vector<512x16xf32>
    %sub3A_32 = arith.subf %add3A_23, %sub3A_31 : vector<512x16xf32>
    %swap3A = arith.constant 0 : index
    %swap3A_33 = arith.constant 0 : index
    %swap3A_34 = vector.load %arg6[%swap3A, %swap3A_33] : memref<512x16xf32, #tpu.memory_space<vmem>>, vector<512x16xf32>
    tpu.vector_store %arg6[%swap3A, %swap3A_33], %sub3A_32 {strides = array<i32>} : memref<512x16xf32, #tpu.memory_space<vmem>>, vector<512x16xf32>,
    return
  }
  func.func @transform_0(%arg0: i32) -> (i32, i32) {
    %c0_i32 = arith.constant 0 : i32
    %c0_i32_0 = arith.constant 0 : i32
    return %arg0, %c0_i32 : i32, i32
  }
  func.func @transform_1(%arg0: i32) -> (i32, i32) {
    %c0_i32 = arith.constant 0 : i32
    %c0_i32_0 = arith.constant 0 : i32
    %c0_i32_1 = arith.constant 0 : i32
    return %c0_i32, %c0_i32_0 : i32, i32
  }
  func.func @transform_2(%arg0: i32) -> (i32, i32) {
    %c0_i32 = arith.constant 0 : i32
    %c0_i32_0 = arith.constant 0 : i32
    %c0_i32_1 = arith.constant 0 : i32
    return %c0_i32, %c0_i32_0 : i32, i32
  }
  func.func @transform_3(%arg0: i32) -> (i32, i32) {
    %c0_i32 = arith.constant 0 : i32
    %c0_i32_0 = arith.constant 0 : i32
    %c0_i32_1 = arith.constant 0 : i32
    return %c0_i32, %c0_i32_0 : i32, i32
  }
  func.func @transform_4(%arg0: i32) -> (i32, i32) {
    %c0_i32 = arith.constant 0 : i32
    %c0_i32_0 = arith.constant 0 : i32
    %c0_i32_1 = arith.constant 0 : i32
    return %c0_i32, %c0_i32_0 : i32, i32
  }
  func.func @transform_5(%arg0: i32) -> (i32, i32) {
    %c0_i32 = arith.constant 0 : i32
    %c0_i32_0 = arith.constant 0 : i32
    return %arg0, %c0_i32 : i32, i32
  }
}

</mosaic_0001>

<sc_bundles>
// kernel: sc_gather.4.cloned.1.call-start
scs
__scs_entry_jumppad:
0x0: {  	(pc) =	sbr.rel $0x88, $3  }
0x1: {  	(tag) =	ssettag $0x0;
	lr =	simm.s32 $0x1  }
0x2: {  	[smem:$0x3F86] =	sst lr;
	_ =	strace $0xD0000000  }
0x3: {  	_ = 	snop  }
0x4: {  	_ = 	snop  }
0x5: {  	_ = 	snop  }
0x6: {  	_ = 	snop  }
0x7: {  	_ = 	snop  }
__scs_overlays_trampoline_lowered:
0x8: {  	[smem:$0x3F95] =	sst s0  }
0x9: {  	[smem:$0x3F96] =	sst s1  }
0xa: {  	[smem:$0x3F97] =	sst s2  }
0xb: {  	[smem:$0x3F98] =	sst s3  }
0xc: {  	[smem:$0x3F99] =	sst s4  }
0xd: {  	[smem:$0x3F9A] =	sst s5  }
0xe: {  	[smem:$0x3F9B] =	sst s6  }
0xf: {  	[smem:$0x3F9C] =	sst s7  }
0x10: {  	[smem:$0x3F9D] =	sst s8  }
0x11: {  	[smem:$0x3F9E] =	sst s9;
	s0 =	simm.s32 @!p0 $0x0  }
0x12: {  	s1 =	sld [smem:$0x3F84];
	s0 =	simm.s32 @p0 $0x1  }
0x13: {  	[smem:$0x3F9F] =	sst s0;
	s0 =	simm.s32 @!p1 $0x0  }
0x14: {  	s2 =	sld [smem:$0x3F83];
	s0 =	simm.s32 @p1 $0x1  }
0x15: {  	[smem:$0x3FA0] =	sst s0;
	s0 =	simm.s32 @!p2 $0x0  }
0x16: {  	s3 =	sld [smem:$0x3FDB];
	s0 =	simm.s32 @p2 $0x1  }
0x17: {  	s4 =	simm.s32 $0x1BF5;
	[smem:$0x3FA2] =	sst s0  }
0x18: {  	s0 =	sld [smem:$0x3F85];
	_ =	swait.ge [sflag:s4], $0x0  }
0x19: {  	s7 =	sld [smem:$0x3F86]  }
0x1a: {  	s8 =	sadd.s32 $0xFFFFE003, lr  }
0x1b: {  	s9 =	sadd.s32 $0xFFFFFEF7, lr;
	s5 =	simm.s32 $0xFFFFFFFF;
	p2 =	slt.u32 s8, $0xFFFFF086  }
0x1c: {  	p1 =	slt.u32 s9, $0xF7A;
	s5 =	simm.s32 @!p2 $0x0  }
0x1d: {  	s5 =	simm.s32 @p1 $0x1;
	p0 =	seq.s32 s7, s2  }
0x1e: {  	s7 =	smul.u32 @!p0 $0xF7A, s2;
	p2 =	seq.s32 @!p0 s5, $0x0  }
0x1f: {  	s9 =	smul.u32 $0xF7A, s1;
	s8 =	simm.s32 @!p0 $0x1BF5;
	p2 =	por !p2, p0  }
0x20: {  	[sflag:s8] =	ssyncset.s32 @!p0 $0xFFFFF086;
	s6 =	sadd.s32 @!p0 s3, s7;
	s7 =	simm.s32 @!p0 $0x108  }
0x21: {  	s3 =	sadd.s32 s3, s9;
	s6 =	sadd.s32 @!p0 $0x88, s6;
	s7 =	simm.s32 @p2 $0x1082  }
0x22: {  	[simem:s7], [sflag:s8] =	dma.local @!p0 [hbm:s6], $0xF7A  }
0x23: {  	s9 =	sor.u32 $0xD0000000, s2;
	s6 =	simm.s32 $0x108;
	_ =	swait.ge @!p0 [sflag:s8], $0x0  }
0x24: {  	s3 =	sadd.s32 $0x88, s3;
	s6 =	simm.s32 @!p1 $0x1082;
	[sflag:s4] =	ssyncset.s32 $0xFFFFF086  }
0x25: {  	[simem:s6], [sflag:s4] =	dma.local [hbm:s3], $0xF7A  }
0x26: {  	[smem:$0x3F86] =	sst s1;
	(tag) =	ssettag s2;
	_ =	strace s9  }
0x27: {  	s1 =	sld [smem:$0x3F96]  }
0x28: {  	s2 =	sld [smem:$0x3F97]  }
0x29: {  	s4 =	sld [smem:$0x3F99]  }
0x2a: {  	p0 =	seq.s32 s5, $0x0;
	s5 =	sld [smem:$0x3F9A]  }
0x2b: {  	s6 =	sld [smem:$0x3F9B]  }
0x2c: {  	s7 =	sld [smem:$0x3F9C]  }
0x2d: {  	s3 =	simm.s32 $0x108;
	s8 =	sld [smem:$0x3F9D]  }
0x2e: {  	s3 =	simm.s32 @!p0 $0x1082;
	s9 =	sld [smem:$0x3F9E]  }
0x2f: {  	lr =	sadd.s32 s0, s3;
	s0 =	sld [smem:$0x3F95]  }
0x30: {  	s3 =	sld [smem:$0x3F98]  }
0x31: {  	[smem:$0x3FA1] =	sst s10  }
0x32: {  	s10 =	sld [smem:$0x3F9F];
	_ =	sdelay $0x3  }
0x33: {  	p0 =	seq.s32 s10, $0x1;
	s10 =	sld [smem:$0x3FA1];
	_ =	sdelay $0x3  }
0x34: {  	[smem:$0x3FA1] =	sst s10  }
0x35: {  	s10 =	sld [smem:$0x3FA0];
	_ =	sdelay $0x3  }
0x36: {  	p1 =	seq.s32 s10, $0x1;
	s10 =	sld [smem:$0x3FA1];
	_ =	sdelay $0x3  }
0x37: {  	[smem:$0x3FA1] =	sst s10  }
0x38: {  	s10 =	sld [smem:$0x3FA2]  }
0x39: {  	_ = 	snop;
	(pc) =	sbr.ind lr, $3  }
0x3a: {  	_ = 	snop  }
0x3b: {  	_ = 	snop  }
0x3c: {  	p2 =	seq.s32 s10, $0x1;
	s10 =	sld [smem:$0x3FA1]  }
0x3d: {  	_ =	shalt  }
0x3e: {  	_ =	shalt  }
0x3f: {  	_ =	shalt  }
0x40: {  	_ =	shalt  }
0x41: {  	_ =	shalt  }
0x42: {  	_ =	shalt  }
0x43: {  	_ =	shalt  }
0x44: {  	_ =	shalt  }
0x45: {  	_ =	shalt  }
0x46: {  	_ =	shalt  }
0x47: {  	_ =	shalt  }
0x48: {  	_ =	shalt  }
0x49: {  	_ =	shalt  }
0x4a: {  	_ =	shalt  }
0x4b: {  	_ =	shalt  }
0x4c: {  	_ =	shalt  }
0x4d: {  	_ =	shalt  }
0x4e: {  	_ =	shalt  }
0x4f: {  	_ =	shalt  }
0x50: {  	_ =	shalt  }
0x51: {  	_ =	shalt  }
0x52: {  	_ =	shalt  }
0x53: {  	_ =	shalt  }
0x54: {  	_ =	shalt  }
0x55: {  	_ =	shalt  }
0x56: {  	_ =	shalt  }
0x57: {  	_ =	shalt  }
0x58: {  	_ =	shalt  }
0x59: {  	_ =	shalt  }
0x5a: {  	_ =	shalt  }
0x5b: {  	_ =	shalt  }
0x5c: {  	_ =	shalt  }
0x5d: {  	_ =	shalt  }
0x5e: {  	_ =	shalt  }
0x5f: {  	_ =	shalt  }
0x60: {  	_ =	shalt  }
0x61: {  	_ =	shalt  }
0x62: {  	_ =	shalt  }
0x63: {  	_ =	shalt  }
0x64: {  	_ =	shalt  }
0x65: {  	_ =	shalt  }
0x66: {  	_ =	shalt  }
0x67: {  	_ =	shalt  }
0x68: {  	_ =	shalt  }
0x69: {  	_ =	shalt  }
0x6a: {  	_ =	shalt  }
0x6b: {  	_ =	shalt  }
0x6c: {  	_ =	shalt  }
0x6d: {  	_ =	shalt  }
0x6e: {  	_ =	shalt  }
0x6f: {  	_ =	shalt  }
0x70: {  	_ =	shalt  }
0x71: {  	_ =	shalt  }
0x72: {  	_ =	shalt  }
0x73: {  	_ =	shalt  }
0x74: {  	_ =	shalt  }
0x75: {  	_ =	shalt  }
0x76: {  	_ =	shalt  }
0x77: {  	_ =	shalt  }
0x78: {  	_ =	shalt  }
0x79: {  	_ =	shalt  }
0x7a: {  	_ =	shalt  }
0x7b: {  	_ =	shalt  }
0x7c: {  	_ =	shalt  }
0x7d: {  	_ =	shalt  }
0x7e: {  	_ =	shalt  }
0x7f: {  	_ =	shalt  }
0x80: {  	_ =	shalt  }
0x81: {  	_ =	shalt  }
0x82: {  	_ =	shalt  }
0x83: {  	_ =	shalt  }
0x84: {  	_ =	shalt  }
0x85: {  	_ =	shalt  }
0x86: {  	_ =	shalt  }
0x87: {  	_ =	shalt  }
.Lfunc_end0:
.L_simem_size_0:
called_computation_lowered:
.L_overlay_start_0:
0x88: {  	s2 =	sld [smem:$0x3FD9]  }
0x89: {  	s3 =	sld [smem:$0x3FFE];
	_ =	sdelay $0x1  }
0x8a: {  	s1 =	srdreg.scid  }
0x8b: {  	s0 =	sand.u32 $0x1, s1  }
0x8c: {  	s17 =	sshll.u32 s0, $0xA;
	s2 =	sadd.s32 s3, s2  }
0x8d: {  	s2 =	sadd.s32 s2, s17  }
0x8e: {  	[smem:$0x3FAD] =	sst s2  }
0x8f: {  	_ = 	snop  }
0x90: {  	s2 =	sld [smem:$0x3FD0];
	(tm) =	ssettm $0x1  }
0x91: {  	s18 =	sld [smem:$0x3FFB];
	_ =	sdelay $0x3  }
0x92: {  	_ =	strace s18  }
0x93: {  	s3 =	sld [smem:$0x3FFC];
	_ =	sdelay $0x3  }
0x94: {  	_ =	strace s3  }
0x95: {  	s3 =	sld [smem:$0x3FFD];
	_ =	sdelay $0x3  }
0x96: {  	_ =	strace s3  }
0x97: {  	_ =	strace $0x8FFFFFFF  }
0x98: {  	s19 =	sld [smem:$0x3FDB];
	_ =	sdelay $0x1  }
0x99: {  	s4 =	simm.s32 $_scs_section_size  }
0x9a: {  	s5 =	simm.s32 $_size__tile_overlayer_lowered;
	s6 =	simm.s32 $_tile_overlayer_lowered  }
0x9b: {  	s22 =	simm.s32 $0x1BFF;
	s21 =	sshll.u32 s6, $0x1;
	s3 =	sadd.s32 s4, s19  }
0x9c: {  	s7 =	simm.s32 $0x0;
	s20 =	sshll.u32 s5, $0x1;
	s5 =	sadd.s32 s21, s3  }
0x9d: {  	[timem:s7], [sflag:s22] =	dma.local [hbm:s5], s20  }
0x9e: {  	_ =	swait.ge [sflag:s22], s20  }
0x9f: {  	s4 =	ssub.s32 $0x0, s20;
	[sflag:s22] =	ssyncset.done $0x0  }
0xa0: {  	[sflag:s22] =	ssyncadd.s32 s4;
	_ =	sdelay $0x1  }
0xa1: {  	s23 =	simm.s32 $0x1B8B  }
0xa2: {  	_ =	swait.ge [sflag:s23], $0x1  }
0xa3: {  	[sflag:s23] =	ssyncset.done $0x0  }
0xa4: {  	s25 =	simm.s32 $0x1B8E;
	s24 =	sld [smem:$0x3FFE];
	[sflag:s23] =	ssyncadd.s32 $0xFFFFFFFF  }
0xa5: {  	s26 =	simm.s32 $execute0_lowered;
	[smem:$0x3FD2] =	sst s25  }
0xa6: {  	s5 =	sshll.u32 s26, $0x1;
	_ =	strace $0x80000046;
	[dreg:$0x1] =	wrdreg $0xFFFFFFFF  }
0xa7: {  	s28 =	simm.s32 $_size_execute0_lowered;
	s3 =	sadd.s32 s3, s5;
	[dreg:$0x0] =	wrdreg $0x0  }
0xa8: {  	s5 =	sshll.u32 s28, $0x1;
	[dreg:$0x2] =	wrdreg s3  }
0xa9: {  	[dreg:$0x3] =	wrdreg s5  }
0xaa: {  	[dreg:$0x4] =	wrdreg $0xC0  }
0xab: {  	_ =	task [dreg:s7], $0x5FFFF  }
0xac: {  	[dreg:$0x1] =	wrdreg $0xFFFFFFFF  }
0xad: {  	[dreg:$0x0] =	wrdreg $0x60  }
0xae: {  	[dreg:$0x2] =	wrdreg s24  }
0xaf: {  	[dreg:$0x3] =	wrdreg s2  }
0xb0: {  	[dreg:$0x4] =	wrdreg $0x9  }
0xb1: {  	_ =	task.clear_ibuf [dreg:s7], $0x5FFFF;
	_ =	strace $0x90000046  }
0xb2: {  	s29 =	simm.s32 $0x9;
	_ =	strace $0x80000048  }
0xb3: {  	_ =	swait.ge [sflag:s29], $0x1  }
0xb4: {  	[sflag:s29] =	ssyncadd.s32 $0xFFFFFFFF  }
0xb5: {  	_ =	strace $0x90000048  }
0xb6: {  	_ =	sfence  }
0xb7: {  	s30 =	sld [smem:$0x0];
	_ =	sdelay $0x2  }
0xb8: {  	s31 =	sshll.u32 s1, $0xD;
	s1 =	sshrl.u32 s1, $0x2  }
0xb9: {  	s3 =	sand.u32 $0x4000, s31;
	s1 =	sadd.s32 s1, s30  }
0xba: {  	s0 =	sor.u32 s3, s0;
	s1 =	sshll.u32 s1, $0x11  }
0xbb: {  	s0 =	sor.u32 s1, s0  }
0xbc: {  	s0 =	sadd.s32 $0x8F2B, s0  }
0xbd: {  	[sflag:s0] =	ssyncadd.remote.s32 $0x1  }
0xbe: {  	_ =	sfence.sel $0xFFFF  }
0xbf: {  	[dreg:$0x0] =	wrdreg $0xFFFFFFFF;
	(pc) =	sbr.abs _section_cstart, $3  }
0xc0: {  	[dreg:$0x1] =	wrdreg $0xFFFFFFFF  }
0xc1: {  	_ =	task.clear_ibuf [dreg:s7], $0x2FFFF;
	_ =	strace $0x9FFFFFFF  }
0xc2: {  	(tm) =	ssettm $0x7FFFFFFF  }
0xc3: {  	_ =	shalt  }
tec
execute0_lowered:
.L_overlay_start_1:
0x0: {  	(tag) =	ssettag $0x1  }
0x1: {  	s0 =	srdreg.scid  }
0x2: {  	s0 =	sand.u32 $0x1, s0  }
0x3: {  	s1 =	stileid.u32;
	s5 =	sshll.u32 s0, $0x4  }
0x4: {  	s4 =	rddreg [dreg:$0x0];
	s8 =	sor.u32 s1, s5  }
0x5: {  	s3 =	rddreg [dreg:$0x1];
	s2 =	simm.s32 $0x0;
	s5 =	sshll.u32 s8, $0x8  }
0x6: {  	[smem:$0x7FF] =	sst s2;
	s25 =	smul.u32 $0x6800, s8;
	s3 =	sadd.s32 s3, s5  }
0x7: {  	s9 =	sadd.s32 $0x2D200, s4;
	_ =	strace $0x80000047;
	[dreg:$0x3] =	wrdreg s3  }
0x8: {  	s3 =	sadd.s32 s9, s25;
	s26 =	rddreg [dreg:$0x3]  }
0x9: {  	[dreg:$0x4] =	wrdreg s3;
	s3 =	simm.s32 $0x2  }
0xa: {  	[tilespmem:s2], [sflag:$0x2] =	stream.linear.gather [hbm4b:s26+s2], $0x680, $0x38;
	[tilespmem:$0x4800] =	vst v63  }
0xb: {  	_ =	swait.ge [sflag:s3], $0x680  }
0xc: {  	s6 =	simm.s32 $0x800;
	s7 =	simm.s32 $0x1;
	[sflag:s3] =	ssyncset.done $0x0  }
0xd: {  	s4 =	sadd.s32 $0x5200, s4;
	s5 =	simm.s32 $0x80;
	[sflag:s3] =	ssyncadd.s32 $0xFFFFF980  }
0xe: {  	[tilespmem:s6], [sflag:$0x1] =	stream.indirect.gather [hbm4b:s4+s5], $0x80, s2, s5, $0xb8;
	[tilespmem:$0x4800] =	vst v63  }
0xf: {  	_ =	swait.ge [sflag:s7], $0x4000  }
0x10: {  	[sflag:s7] =	ssyncset.done $0x0  }
0x11: {  	s10 =	rddreg [dreg:$0x4];
	[sflag:s7] =	ssyncadd.s32 $0xFFFFC000  }
0x12: {  	[hbm4b:s10+s2] =	stream.linear.scatter [tilespmem:s6], [sflag:$0x2], $0x4000, $0x38;
	[tilespmem:$0x4800] =	vst v63  }
0x13: {  	_ =	swait.ge [sflag:s3], $0x4000  }
0x14: {  	[sflag:s3] =	ssyncset.done $0x0  }
0x15: {  	s8 =	smul.u32 $0x34000, s8;
	[sflag:s3] =	ssyncadd.s32 $0xFFFFC000  }
0x16: {  	[tilespmem:s6], [sflag:$0x1] =	stream.indirect.gather [hbm4b:s4+s5], $0x80, s5, s5, $0xb8;
	[tilespmem:$0x4800] =	vst v63  }
0x17: {  	s8 =	sshrl.u32 s8, $0x3;
	_ =	swait.ge [sflag:s7], $0x4000  }
0x18: {  	s31 =	sadd.s32 s9, s8;
	[sflag:s7] =	ssyncset.done $0x0  }
0x19: {  	s8 =	sadd.s32 $0x800, s31;
	[sflag:s7] =	ssyncadd.s32 $0xFFFFC000  }
0x1a: {  	[hbm4b:s8+s2] =	stream.linear.scatter [tilespmem:s6], [sflag:$0x2], $0x4000, $0x38;
	[tilespmem:$0x4800] =	vst v63  }
0x1b: {  	_ =	swait.ge [sflag:s3], $0x4000  }
0x1c: {  	[sflag:s3] =	ssyncset.done $0x0  }
0x1d: {  	s9 =	simm.s32 $0x100;
	[sflag:s3] =	ssyncadd.s32 $0xFFFFC000  }
0x1e: {  	[tilespmem:s6], [sflag:$0x1] =	stream.indirect.gather [hbm4b:s4+s5], $0x80, s9, s5, $0xb8;
	[tilespmem:$0x4800] =	vst v63  }
0x1f: {  	_ =	swait.ge [sflag:s7], $0x4000  }
0x20: {  	[sflag:s7] =	ssyncset.done $0x0  }
0x21: {  	s10 =	sadd.s32 $0x1000, s31;
	[sflag:s7] =	ssyncadd.s32 $0xFFFFC000  }
0x22: {  	[hbm4b:s10+s2] =	stream.linear.scatter [tilespmem:s6], [sflag:$0x2], $0x4000, $0x38;
	[tilespmem:$0x4800] =	vst v63  }
0x23: {  	_ =	swait.ge [sflag:s3], $0x4000  }
0x24: {  	[sflag:s3] =	ssyncset.done $0x0  }
0x25: {  	s11 =	simm.s32 $0x180;
	[sflag:s3] =	ssyncadd.s32 $0xFFFFC000  }
0x26: {  	[tilespmem:s6], [sflag:$0x1] =	stream.indirect.gather [hbm4b:s4+s5], $0x80, s11, s5, $0xb8;
	[tilespmem:$0x4800] =	vst v63  }
0x27: {  	_ =	swait.ge [sflag:s7], $0x4000  }
0x28: {  	[sflag:s7] =	ssyncset.done $0x0  }
0x29: {  	s12 =	sadd.s32 $0x1800, s31;
	[sflag:s7] =	ssyncadd.s32 $0xFFFFC000  }
0x2a: {  	[hbm4b:s12+s2] =	stream.linear.scatter [tilespmem:s6], [sflag:$0x2], $0x4000, $0x38;
	[tilespmem:$0x4800] =	vst v63  }
0x2b: {  	_ =	swait.ge [sflag:s3], $0x4000  }
0x2c: {  	[sflag:s3] =	ssyncset.done $0x0  }
0x2d: {  	s13 =	simm.s32 $0x200;
	[sflag:s3] =	ssyncadd.s32 $0xFFFFC000  }
0x2e: {  	[tilespmem:s6], [sflag:$0x1] =	stream.indirect.gather [hbm4b:s4+s5], $0x80, s13, s5, $0xb8;
	[tilespmem:$0x4800] =	vst v63  }
0x2f: {  	_ =	swait.ge [sflag:s7], $0x4000  }
0x30: {  	[sflag:s7] =	ssyncset.done $0x0  }
0x31: {  	s14 =	sadd.s32 $0x2000, s31;
	[sflag:s7] =	ssyncadd.s32 $0xFFFFC000  }
0x32: {  	[hbm4b:s14+s2] =	stream.linear.scatter [tilespmem:s6], [sflag:$0x2], $0x4000, $0x38;
	[tilespmem:$0x4800] =	vst v63  }
0x33: {  	_ =	swait.ge [sflag:s3], $0x4000  }
0x34: {  	[sflag:s3] =	ssyncset.done $0x0  }
0x35: {  	s15 =	simm.s32 $0x280;
	[sflag:s3] =	ssyncadd.s32 $0xFFFFC000  }
0x36: {  	[tilespmem:s6], [sflag:$0x1] =	stream.indirect.gather [hbm4b:s4+s5], $0x80, s15, s5, $0xb8;
	[tilespmem:$0x4800] =	vst v63  }
0x37: {  	_ =	swait.ge [sflag:s7], $0x4000  }
0x38: {  	[sflag:s7] =	ssyncset.done $0x0  }
0x39: {  	s16 =	sadd.s32 $0x2800, s31;
	[sflag:s7] =	ssyncadd.s32 $0xFFFFC000  }
0x3a: {  	[hbm4b:s16+s2] =	stream.linear.scatter [tilespmem:s6], [sflag:$0x2], $0x4000, $0x38;
	[tilespmem:$0x4800] =	vst v63  }
0x3b: {  	_ =	swait.ge [sflag:s3], $0x4000  }
0x3c: {  	[sflag:s3] =	ssyncset.done $0x0  }
0x3d: {  	s17 =	simm.s32 $0x300;
	[sflag:s3] =	ssyncadd.s32 $0xFFFFC000  }
0x3e: {  	[tilespmem:s6], [sflag:$0x1] =	stream.indirect.gather [hbm4b:s4+s5], $0x80, s17, s5, $0xb8;
	[tilespmem:$0x4800] =	vst v63  }
0x3f: {  	_ =	swait.ge [sflag:s7], $0x4000  }
0x40: {  	[sflag:s7] =	ssyncset.done $0x0  }
0x41: {  	s18 =	sadd.s32 $0x3000, s31;
	[sflag:s7] =	ssyncadd.s32 $0xFFFFC000  }
0x42: {  	[hbm4b:s18+s2] =	stream.linear.scatter [tilespmem:s6], [sflag:$0x2], $0x4000, $0x38;
	[tilespmem:$0x4800] =	vst v63  }
0x43: {  	_ =	swait.ge [sflag:s3], $0x4000  }
0x44: {  	[sflag:s3] =	ssyncset.done $0x0  }
0x45: {  	s19 =	simm.s32 $0x380;
	[sflag:s3] =	ssyncadd.s32 $0xFFFFC000  }
0x46: {  	[tilespmem:s6], [sflag:$0x1] =	stream.indirect.gather [hbm4b:s4+s5], $0x80, s19, s5, $0xb8;
	[tilespmem:$0x4800] =	vst v63  }
0x47: {  	_ =	swait.ge [sflag:s7], $0x4000  }
0x48: {  	[sflag:s7] =	ssyncset.done $0x0  }
0x49: {  	s20 =	sadd.s32 $0x3800, s31;
	[sflag:s7] =	ssyncadd.s32 $0xFFFFC000  }
0x4a: {  	[hbm4b:s20+s2] =	stream.linear.scatter [tilespmem:s6], [sflag:$0x2], $0x4000, $0x38;
	[tilespmem:$0x4800] =	vst v63  }
0x4b: {  	_ =	swait.ge [sflag:s3], $0x4000  }
0x4c: {  	[sflag:s3] =	ssyncset.done $0x0  }
0x4d: {  	s21 =	simm.s32 $0x400;
	[sflag:s3] =	ssyncadd.s32 $0xFFFFC000  }
0x4e: {  	[tilespmem:s6], [sflag:$0x1] =	stream.indirect.gather [hbm4b:s4+s5], $0x80, s21, s5, $0xb8;
	[tilespmem:$0x4800] =	vst v63  }
0x4f: {  	_ =	swait.ge [sflag:s7], $0x4000  }
0x50: {  	[sflag:s7] =	ssyncset.done $0x0  }
0x51: {  	s22 =	sadd.s32 $0x4000, s31;
	[sflag:s7] =	ssyncadd.s32 $0xFFFFC000  }
0x52: {  	[hbm4b:s22+s2] =	stream.linear.scatter [tilespmem:s6], [sflag:$0x2], $0x4000, $0x38;
	[tilespmem:$0x4800] =	vst v63  }
0x53: {  	_ =	swait.ge [sflag:s3], $0x4000  }
0x54: {  	[sflag:s3] =	ssyncset.done $0x0  }
0x55: {  	s23 =	simm.s32 $0x480;
	[sflag:s3] =	ssyncadd.s32 $0xFFFFC000  }
0x56: {  	[tilespmem:s6], [sflag:$0x1] =	stream.indirect.gather [hbm4b:s4+s5], $0x80, s23, s5, $0xb8;
	[tilespmem:$0x4800] =	vst v63  }
0x57: {  	_ =	swait.ge [sflag:s7], $0x4000  }
0x58: {  	[sflag:s7] =	ssyncset.done $0x0  }
0x59: {  	s24 =	sadd.s32 $0x4800, s31;
	[sflag:s7] =	ssyncadd.s32 $0xFFFFC000  }
0x5a: {  	[hbm4b:s24+s2] =	stream.linear.scatter [tilespmem:s6], [sflag:$0x2], $0x4000, $0x38;
	[tilespmem:$0x4800] =	vst v63  }
0x5b: {  	_ =	swait.ge [sflag:s3], $0x4000  }
0x5c: {  	[sflag:s3] =	ssyncset.done $0x0  }
0x5d: {  	s25 =	simm.s32 $0x500;
	[sflag:s3] =	ssyncadd.s32 $0xFFFFC000  }
0x5e: {  	[tilespmem:s6], [sflag:$0x1] =	stream.indirect.gather [hbm4b:s4+s5], $0x80, s25, s5, $0xb8;
	[tilespmem:$0x4800] =	vst v63  }
0x5f: {  	_ =	swait.ge [sflag:s7], $0x4000  }
0x60: {  	[sflag:s7] =	ssyncset.done $0x0  }
0x61: {  	s26 =	sadd.s32 $0x5000, s31;
	[sflag:s7] =	ssyncadd.s32 $0xFFFFC000  }
0x62: {  	[hbm4b:s26+s2] =	stream.linear.scatter [tilespmem:s6], [sflag:$0x2], $0x4000, $0x38;
	[tilespmem:$0x4800] =	vst v63  }
0x63: {  	_ =	swait.ge [sflag:s3], $0x4000  }
0x64: {  	[sflag:s3] =	ssyncset.done $0x0  }
0x65: {  	s28 =	simm.s32 $0x580;
	[sflag:s3] =	ssyncadd.s32 $0xFFFFC000  }
0x66: {  	[tilespmem:s6], [sflag:$0x1] =	stream.indirect.gather [hbm4b:s4+s5], $0x80, s28, s5, $0xb8;
	[tilespmem:$0x4800] =	vst v63  }
0x67: {  	_ =	swait.ge [sflag:s7], $0x4000  }
0x68: {  	s0 =	ssub.s32 $0x2, s0;
	[sflag:s7] =	ssyncset.done $0x0  }
0x69: {  	s1 =	sshrl.u32 s0, $0x1;
	s29 =	sadd.s32 $0x5800, s31;
	[sflag:s7] =	ssyncadd.s32 $0xFFFFC000  }
0x6a: {  	[hbm4b:s29+s2] =	stream.linear.scatter [tilespmem:s6], [sflag:$0x2], $0x4000, $0x38;
	[tilespmem:$0x4800] =	vst v63  }
0x6b: {  	s0 =	ssub.s32 s0, s1;
	_ =	swait.ge [sflag:s3], $0x4000  }
0x6c: {  	s0 =	smax.u32 s0, $0x1;
	[sflag:s3] =	ssyncset.done $0x0  }
0x6d: {  	s30 =	simm.s32 $0x600;
	p0 =	sne.s32 s0, $0x1;
	[sflag:s3] =	ssyncadd.s32 $0xFFFFC000  }
0x6e: {  	[tilespmem:s6], [sflag:$0x1] =	stream.indirect.gather [hbm4b:s4+s5], $0x80, s30, s5, $0xb8;
	[tilespmem:$0x4800] =	vst v63  }
.Ltmp0:
0x6f: {  	_ =	swait.ge [sflag:s7], $0x4000;
	(pc) =	sbr.rel @!p0 .LBB2_2-.Ltmp0, $4  }
0x70: {  	[sflag:s7] =	ssyncset.done $0x0  }
0x71: {  	s31 =	sadd.s32 $0x6000, s31;
	[sflag:s7] =	ssyncadd.s32 $0xFFFFC000  }
0x72: {  	[hbm4b:s31+s2] =	stream.linear.scatter [tilespmem:s6], [sflag:$0x2], $0x4000, $0x38;
	[tilespmem:$0x4800] =	vst v63  }
0x73: {  	s0 =	sadd.s32 $0xFFFFFFFF, s0;
	_ =	swait.ge [sflag:s3], $0x4000  }
.LBB2_1:
0x74: {  	[sflag:s3] =	ssyncset.done $0x0  }
0x75: {  	s1 =	rddreg [dreg:$0x3];
	[sflag:s3] =	ssyncadd.s32 $0xFFFFC000  }
0x76: {  	[tilespmem:s2], [sflag:$0x2] =	stream.linear.gather [hbm4b:s1+s2], $0x680, $0x38;
	[tilespmem:$0x4800] =	vst v63  }
0x77: {  	_ =	swait.ge [sflag:s3], $0x680  }
0x78: {  	[sflag:s3] =	ssyncset.done $0x0  }
0x79: {  	[sflag:s3] =	ssyncadd.s32 $0xFFFFF980  }
0x7a: {  	[tilespmem:s6], [sflag:$0x1] =	stream.indirect.gather [hbm4b:s4+s5], $0x80, s2, s5, $0xb8;
	[tilespmem:$0x4800] =	vst v63  }
0x7b: {  	_ =	swait.ge [sflag:s7], $0x4000  }
0x7c: {  	[sflag:s7] =	ssyncset.done $0x0  }
0x7d: {  	s1 =	rddreg [dreg:$0x4];
	[sflag:s7] =	ssyncadd.s32 $0xFFFFC000  }
0x7e: {  	[hbm4b:s1+s2] =	stream.linear.scatter [tilespmem:s6], [sflag:$0x2], $0x4000, $0x38;
	[tilespmem:$0x4800] =	vst v63  }
0x7f: {  	_ =	swait.ge [sflag:s3], $0x4000  }
0x80: {  	[sflag:s3] =	ssyncset.done $0x0  }
0x81: {  	[sflag:s3] =	ssyncadd.s32 $0xFFFFC000  }
0x82: {  	[tilespmem:s6], [sflag:$0x1] =	stream.indirect.gather [hbm4b:s4+s5], $0x80, s5, s5, $0xb8;
	[tilespmem:$0x4800] =	vst v63  }
0x83: {  	_ =	swait.ge [sflag:s7], $0x4000  }
0x84: {  	[sflag:s7] =	ssyncset.done $0x0  }
0x85: {  	[sflag:s7] =	ssyncadd.s32 $0xFFFFC000  }
0x86: {  	[hbm4b:s8+s2] =	stream.linear.scatter [tilespmem:s6], [sflag:$0x2], $0x4000, $0x38;
	[tilespmem:$0x4800] =	vst v63  }
0x87: {  	_ =	swait.ge [sflag:s3], $0x4000  }
0x88: {  	[sflag:s3] =	ssyncset.done $0x0  }
0x89: {  	[sflag:s3] =	ssyncadd.s32 $0xFFFFC000  }
0x8a: {  	[tilespmem:s6], [sflag:$0x1] =	stream.indirect.gather [hbm4b:s4+s5], $0x80, s9, s5, $0xb8;
	[tilespmem:$0x4800] =	vst v63  }
0x8b: {  	_ =	swait.ge [sflag:s7], $0x4000  }
0x8c: {  	[sflag:s7] =	ssyncset.done $0x0  }
0x8d: {  	[sflag:s7] =	ssyncadd.s32 $0xFFFFC000  }
0x8e: {  	[hbm4b:s10+s2] =	stream.linear.scatter [tilespmem:s6], [sflag:$0x2], $0x4000, $0x38;
	[tilespmem:$0x4800] =	vst v63  }
0x8f: {  	_ =	swait.ge [sflag:s3], $0x4000  }
0x90: {  	[sflag:s3] =	ssyncset.done $0x0  }
0x91: {  	[sflag:s3] =	ssyncadd.s32 $0xFFFFC000  }
0x92: {  	[tilespmem:s6], [sflag:$0x1] =	stream.indirect.gather [hbm4b:s4+s5], $0x80, s11, s5, $0xb8;
	[tilespmem:$0x4800] =	vst v63  }
0x93: {  	_ =	swait.ge [sflag:s7], $0x4000  }
0x94: {  	[sflag:s7] =	ssyncset.done $0x0  }
0x95: {  	[sflag:s7] =	ssyncadd.s32 $0xFFFFC000  }
0x96: {  	[hbm4b:s12+s2] =	stream.linear.scatter [tilespmem:s6], [sflag:$0x2], $0x4000, $0x38;
	[tilespmem:$0x4800] =	vst v63  }
0x97: {  	_ =	swait.ge [sflag:s3], $0x4000  }
0x98: {  	[sflag:s3] =	ssyncset.done $0x0  }
0x99: {  	[sflag:s3] =	ssyncadd.s32 $0xFFFFC000  }
0x9a: {  	[tilespmem:s6], [sflag:$0x1] =	stream.indirect.gather [hbm4b:s4+s5], $0x80, s13, s5, $0xb8;
	[tilespmem:$0x4800] =	vst v63  }
0x9b: {  	_ =	swait.ge [sflag:s7], $0x4000  }
0x9c: {  	[sflag:s7] =	ssyncset.done $0x0  }
0x9d: {  	[sflag:s7] =	ssyncadd.s32 $0xFFFFC000  }
0x9e: {  	[hbm4b:s14+s2] =	stream.linear.scatter [tilespmem:s6], [sflag:$0x2], $0x4000, $0x38;
	[tilespmem:$0x4800] =	vst v63  }
0x9f: {  	_ =	swait.ge [sflag:s3], $0x4000  }
0xa0: {  	[sflag:s3] =	ssyncset.done $0x0  }
0xa1: {  	[sflag:s3] =	ssyncadd.s32 $0xFFFFC000  }
0xa2: {  	[tilespmem:s6], [sflag:$0x1] =	stream.indirect.gather [hbm4b:s4+s5], $0x80, s15, s5, $0xb8;
	[tilespmem:$0x4800] =	vst v63  }
0xa3: {  	_ =	swait.ge [sflag:s7], $0x4000  }
0xa4: {  	[sflag:s7] =	ssyncset.done $0x0  }
0xa5: {  	[sflag:s7] =	ssyncadd.s32 $0xFFFFC000  }
0xa6: {  	[hbm4b:s16+s2] =	stream.linear.scatter [tilespmem:s6], [sflag:$0x2], $0x4000, $0x38;
	[tilespmem:$0x4800] =	vst v63  }
0xa7: {  	_ =	swait.ge [sflag:s3], $0x4000  }
0xa8: {  	[sflag:s3] =	ssyncset.done $0x0  }
0xa9: {  	[sflag:s3] =	ssyncadd.s32 $0xFFFFC000  }
0xaa: {  	[tilespmem:s6], [sflag:$0x1] =	stream.indirect.gather [hbm4b:s4+s5], $0x80, s17, s5, $0xb8;
	[tilespmem:$0x4800] =	vst v63  }
0xab: {  	_ =	swait.ge [sflag:s7], $0x4000  }
0xac: {  	[sflag:s7] =	ssyncset.done $0x0  }
0xad: {  	[sflag:s7] =	ssyncadd.s32 $0xFFFFC000  }
0xae: {  	[hbm4b:s18+s2] =	stream.linear.scatter [tilespmem:s6], [sflag:$0x2], $0x4000, $0x38;
	[tilespmem:$0x4800] =	vst v63  }
0xaf: {  	_ =	swait.ge [sflag:s3], $0x4000  }
0xb0: {  	[sflag:s3] =	ssyncset.done $0x0  }
0xb1: {  	[sflag:s3] =	ssyncadd.s32 $0xFFFFC000  }
0xb2: {  	[tilespmem:s6], [sflag:$0x1] =	stream.indirect.gather [hbm4b:s4+s5], $0x80, s19, s5, $0xb8;
	[tilespmem:$0x4800] =	vst v63  }
0xb3: {  	_ =	swait.ge [sflag:s7], $0x4000  }
0xb4: {  	[sflag:s7] =	ssyncset.done $0x0  }
0xb5: {  	[sflag:s7] =	ssyncadd.s32 $0xFFFFC000  }
0xb6: {  	[hbm4b:s20+s2] =	stream.linear.scatter [tilespmem:s6], [sflag:$0x2], $0x4000, $0x38;
	[tilespmem:$0x4800] =	vst v63  }
0xb7: {  	_ =	swait.ge [sflag:s3], $0x4000  }
0xb8: {  	[sflag:s3] =	ssyncset.done $0x0  }
0xb9: {  	[sflag:s3] =	ssyncadd.s32 $0xFFFFC000  }
0xba: {  	[tilespmem:s6], [sflag:$0x1] =	stream.indirect.gather [hbm4b:s4+s5], $0x80, s21, s5, $0xb8;
	[tilespmem:$0x4800] =	vst v63  }
0xbb: {  	_ =	swait.ge [sflag:s7], $0x4000  }
0xbc: {  	[sflag:s7] =	ssyncset.done $0x0  }
0xbd: {  	[sflag:s7] =	ssyncadd.s32 $0xFFFFC000  }
0xbe: {  	[hbm4b:s22+s2] =	stream.linear.scatter [tilespmem:s6], [sflag:$0x2], $0x4000, $0x38;
	[tilespmem:$0x4800] =	vst v63  }
0xbf: {  	_ =	swait.ge [sflag:s3], $0x4000  }
0xc0: {  	[sflag:s3] =	ssyncset.done $0x0  }
0xc1: {  	[sflag:s3] =	ssyncadd.s32 $0xFFFFC000  }
0xc2: {  	[tilespmem:s6], [sflag:$0x1] =	stream.indirect.gather [hbm4b:s4+s5], $0x80, s23, s5, $0xb8;
	[tilespmem:$0x4800] =	vst v63  }
0xc3: {  	_ =	swait.ge [sflag:s7], $0x4000  }
0xc4: {  	[sflag:s7] =	ssyncset.done $0x0  }
0xc5: {  	[sflag:s7] =	ssyncadd.s32 $0xFFFFC000  }
0xc6: {  	[hbm4b:s24+s2] =	stream.linear.scatter [tilespmem:s6], [sflag:$0x2], $0x4000, $0x38;
	[tilespmem:$0x4800] =	vst v63  }
0xc7: {  	_ =	swait.ge [sflag:s3], $0x4000  }
0xc8: {  	[sflag:s3] =	ssyncset.done $0x0  }
0xc9: {  	[sflag:s3] =	ssyncadd.s32 $0xFFFFC000  }
0xca: {  	[tilespmem:s6], [sflag:$0x1] =	stream.indirect.gather [hbm4b:s4+s5], $0x80, s25, s5, $0xb8;
	[tilespmem:$0x4800] =	vst v63  }
0xcb: {  	_ =	swait.ge [sflag:s7], $0x4000  }
0xcc: {  	[sflag:s7] =	ssyncset.done $0x0  }
0xcd: {  	[sflag:s7] =	ssyncadd.s32 $0xFFFFC000  }
0xce: {  	[hbm4b:s26+s2] =	stream.linear.scatter [tilespmem:s6], [sflag:$0x2], $0x4000, $0x38;
	[tilespmem:$0x4800] =	vst v63  }
0xcf: {  	_ =	swait.ge [sflag:s3], $0x4000  }
0xd0: {  	[sflag:s3] =	ssyncset.done $0x0  }
0xd1: {  	[sflag:s3] =	ssyncadd.s32 $0xFFFFC000  }
0xd2: {  	[tilespmem:s6], [sflag:$0x1] =	stream.indirect.gather [hbm4b:s4+s5], $0x80, s28, s5, $0xb8;
	[tilespmem:$0x4800] =	vst v63  }
0xd3: {  	_ =	swait.ge [sflag:s7], $0x4000  }
0xd4: {  	[sflag:s7] =	ssyncset.done $0x0  }
0xd5: {  	[sflag:s7] =	ssyncadd.s32 $0xFFFFC000  }
0xd6: {  	[hbm4b:s29+s2] =	stream.linear.scatter [tilespmem:s6], [sflag:$0x2], $0x4000, $0x38;
	[tilespmem:$0x4800] =	vst v63  }
0xd7: {  	_ =	swait.ge [sflag:s3], $0x4000  }
0xd8: {  	[sflag:s3] =	ssyncset.done $0x0  }
0xd9: {  	p0 =	sne.s32 s0, $0x1;
	[sflag:s3] =	ssyncadd.s32 $0xFFFFC000  }
0xda: {  	[tilespmem:s6], [sflag:$0x1] =	stream.indirect.gather [hbm4b:s4+s5], $0x80, s30, s5, $0xb8;
	[tilespmem:$0x4800] =	vst v63  }
.Ltmp1:
0xdb: {  	_ =	swait.ge [sflag:s7], $0x4000;
	(pc) =	sbr.rel @p0 .LBB2_1-.Ltmp1, $4  }
0xdc: {  	[sflag:s7] =	ssyncset.done $0x0  }
0xdd: {  	[sflag:s7] =	ssyncadd.s32 $0xFFFFC000  }
0xde: {  	[hbm4b:s31+s2] =	stream.linear.scatter [tilespmem:s6], [sflag:$0x2], $0x4000, $0x38;
	[tilespmem:$0x4800] =	vst v63  }
0xdf: {  	s0 =	sadd.s32 $0xFFFFFFFF, s0;
	_ =	swait.ge [sflag:s3], $0x4000  }
.LBB2_2:
0xe0: {  	[sflag:s3] =	ssyncset.done $0x0  }
0xe1: {  	[sflag:s3] =	ssyncadd.s32 $0xFFFFC000  }
0xe2: {  	_ =	sfence.sel $0x180000  }
0xe3: {  	[bflag:$0x0] =	sbarrier.arrive $0xFFFF  }
0xe4: {  	_ =	strace $0x90000047  }
0xe5: {  	s0 =	stileid.u32;
	[bflag:$0x2] =	sbarrier.arrive $0xFFFF  }
0xe6: {  	p0 =	sne.s32 s0, $0x0;
	s0 =	rddreg [dreg:$0x2]  }
0xe7: {  	s0 =	sadd.s32 @!p0 $0x100000, s0  }
0xe8: {  	[sflag:s0] =	ssyncadd.tile.s32 @!p0 $0x1;
	_ =	shalt  }
.Lfunc_end2:
_tile_overlayer_lowered:
.L_overlay_start_2:
0xe9: {  	(tag) =	ssettag $0x2  }
0xea: {  	s0 =	rddreg [dreg:$0x0];
	s2 =	stileid.u32  }
0xeb: {  	s1 =	rddreg [dreg:$0x1];
	p0 =	sne.s32 s2, $0x0  }
0xec: {  	s3 =	rddreg [dreg:$0x2];
	[bflag:$0x3] =	sbarrier.arrive $0xFFFF;
	s2 =	simm.s32 @!p0 $0x1C02  }
0xed: {  	[timem:s3], [sflag:s2] =	dma.local @!p0 [hbm:s0], s1  }
0xee: {  	s0 =	simm.s32 @!p0 $0x2  }
0xef: {  	_ =	swait.ge @!p0 [sflag:s0], s1  }
0xf0: {  	s1 =	ssub.s32 @!p0 $0x0, s1;
	[sflag:s0] =	ssyncset.done @!p0 $0x0  }
0xf1: {  	[sflag:s0] =	ssyncadd.s32 @!p0 s1  }
0xf2: {  	[bflag:$0x3] =	sbarrier.arrive $0xFFFF  }
0xf3: {  	_ =	shalt  }

// kernel: sc_gather.7.cloned.1.call-start
scs
__scs_entry_jumppad:
0x0: {  	(pc) =	sbr.rel $0x88, $3  }
0x1: {  	(tag) =	ssettag $0x0;
	lr =	simm.s32 $0x1  }
0x2: {  	[smem:$0x3F86] =	sst lr;
	_ =	strace $0xD0000000  }
0x3: {  	_ = 	snop  }
0x4: {  	_ = 	snop  }
0x5: {  	_ = 	snop  }
0x6: {  	_ = 	snop  }
0x7: {  	_ = 	snop  }
__scs_overlays_trampoline_lowered:
0x8: {  	[smem:$0x3F95] =	sst s0  }
0x9: {  	[smem:$0x3F96] =	sst s1  }
0xa: {  	[smem:$0x3F97] =	sst s2  }
0xb: {  	[smem:$0x3F98] =	sst s3  }
0xc: {  	[smem:$0x3F99] =	sst s4  }
0xd: {  	[smem:$0x3F9A] =	sst s5  }
0xe: {  	[smem:$0x3F9B] =	sst s6  }
0xf: {  	[smem:$0x3F9C] =	sst s7  }
0x10: {  	[smem:$0x3F9D] =	sst s8  }
0x11: {  	[smem:$0x3F9E] =	sst s9;
	s0 =	simm.s32 @!p0 $0x0  }
0x12: {  	s1 =	sld [smem:$0x3F84];
	s0 =	simm.s32 @p0 $0x1  }
0x13: {  	[smem:$0x3F9F] =	sst s0;
	s0 =	simm.s32 @!p1 $0x0  }
0x14: {  	s2 =	sld [smem:$0x3F83];
	s0 =	simm.s32 @p1 $0x1  }
0x15: {  	[smem:$0x3FA0] =	sst s0;
	s0 =	simm.s32 @!p2 $0x0  }
0x16: {  	s3 =	sld [smem:$0x3FDB];
	s0 =	simm.s32 @p2 $0x1  }
0x17: {  	s4 =	simm.s32 $0x1BF5;
	[smem:$0x3FA2] =	sst s0  }
0x18: {  	s0 =	sld [smem:$0x3F85];
	_ =	swait.ge [sflag:s4], $0x0  }
0x19: {  	s7 =	sld [smem:$0x3F86]  }
0x1a: {  	s8 =	sadd.s32 $0xFFFFE003, lr  }
0x1b: {  	s9 =	sadd.s32 $0xFFFFFEF7, lr;
	s5 =	simm.s32 $0xFFFFFFFF;
	p2 =	slt.u32 s8, $0xFFFFF086  }
0x1c: {  	p1 =	slt.u32 s9, $0xF7A;
	s5 =	simm.s32 @!p2 $0x0  }
0x1d: {  	s5 =	simm.s32 @p1 $0x1;
	p0 =	seq.s32 s7, s2  }
0x1e: {  	s7 =	smul.u32 @!p0 $0xF7A, s2;
	p2 =	seq.s32 @!p0 s5, $0x0  }
0x1f: {  	s9 =	smul.u32 $0xF7A, s1;
	s8 =	simm.s32 @!p0 $0x1BF5;
	p2 =	por !p2, p0  }
0x20: {  	[sflag:s8] =	ssyncset.s32 @!p0 $0xFFFFF086;
	s6 =	sadd.s32 @!p0 s3, s7;
	s7 =	simm.s32 @!p0 $0x108  }
0x21: {  	s3 =	sadd.s32 s3, s9;
	s6 =	sadd.s32 @!p0 $0x88, s6;
	s7 =	simm.s32 @p2 $0x1082  }
0x22: {  	[simem:s7], [sflag:s8] =	dma.local @!p0 [hbm:s6], $0xF7A  }
0x23: {  	s9 =	sor.u32 $0xD0000000, s2;
	s6 =	simm.s32 $0x108;
	_ =	swait.ge @!p0 [sflag:s8], $0x0  }
0x24: {  	s3 =	sadd.s32 $0x88, s3;
	s6 =	simm.s32 @!p1 $0x1082;
	[sflag:s4] =	ssyncset.s32 $0xFFFFF086  }
0x25: {  	[simem:s6], [sflag:s4] =	dma.local [hbm:s3], $0xF7A  }
0x26: {  	[smem:$0x3F86] =	sst s1;
	(tag) =	ssettag s2;
	_ =	strace s9  }
0x27: {  	s1 =	sld [smem:$0x3F96]  }
0x28: {  	s2 =	sld [smem:$0x3F97]  }
0x29: {  	s4 =	sld [smem:$0x3F99]  }
0x2a: {  	p0 =	seq.s32 s5, $0x0;
	s5 =	sld [smem:$0x3F9A]  }
0x2b: {  	s6 =	sld [smem:$0x3F9B]  }
0x2c: {  	s7 =	sld [smem:$0x3F9C]  }
0x2d: {  	s3 =	simm.s32 $0x108;
	s8 =	sld [smem:$0x3F9D]  }
0x2e: {  	s3 =	simm.s32 @!p0 $0x1082;
	s9 =	sld [smem:$0x3F9E]  }
0x2f: {  	lr =	sadd.s32 s0, s3;
	s0 =	sld [smem:$0x3F95]  }
0x30: {  	s3 =	sld [smem:$0x3F98]  }
0x31: {  	[smem:$0x3FA1] =	sst s10  }
0x32: {  	s10 =	sld [smem:$0x3F9F];
	_ =	sdelay $0x3  }
0x33: {  	p0 =	seq.s32 s10, $0x1;
	s10 =	sld [smem:$0x3FA1];
	_ =	sdelay $0x3  }
0x34: {  	[smem:$0x3FA1] =	sst s10  }
0x35: {  	s10 =	sld [smem:$0x3FA0];
	_ =	sdelay $0x3  }
0x36: {  	p1 =	seq.s32 s10, $0x1;
	s10 =	sld [smem:$0x3FA1];
	_ =	sdelay $0x3  }
0x37: {  	[smem:$0x3FA1] =	sst s10  }
0x38: {  	s10 =	sld [smem:$0x3FA2]  }
0x39: {  	_ = 	snop;
	(pc) =	sbr.ind lr, $3  }
0x3a: {  	_ = 	snop  }
0x3b: {  	_ = 	snop  }
0x3c: {  	p2 =	seq.s32 s10, $0x1;
	s10 =	sld [smem:$0x3FA1]  }
0x3d: {  	_ =	shalt  }
0x3e: {  	_ =	shalt  }
0x3f: {  	_ =	shalt  }
0x40: {  	_ =	shalt  }
0x41: {  	_ =	shalt  }
0x42: {  	_ =	shalt  }
0x43: {  	_ =	shalt  }
0x44: {  	_ =	shalt  }
0x45: {  	_ =	shalt  }
0x46: {  	_ =	shalt  }
0x47: {  	_ =	shalt  }
0x48: {  	_ =	shalt  }
0x49: {  	_ =	shalt  }
0x4a: {  	_ =	shalt  }
0x4b: {  	_ =	shalt  }
0x4c: {  	_ =	shalt  }
0x4d: {  	_ =	shalt  }
0x4e: {  	_ =	shalt  }
0x4f: {  	_ =	shalt  }
0x50: {  	_ =	shalt  }
0x51: {  	_ =	shalt  }
0x52: {  	_ =	shalt  }
0x53: {  	_ =	shalt  }
0x54: {  	_ =	shalt  }
0x55: {  	_ =	shalt  }
0x56: {  	_ =	shalt  }
0x57: {  	_ =	shalt  }
0x58: {  	_ =	shalt  }
0x59: {  	_ =	shalt  }
0x5a: {  	_ =	shalt  }
0x5b: {  	_ =	shalt  }
0x5c: {  	_ =	shalt  }
0x5d: {  	_ =	shalt  }
0x5e: {  	_ =	shalt  }
0x5f: {  	_ =	shalt  }
0x60: {  	_ =	shalt  }
0x61: {  	_ =	shalt  }
0x62: {  	_ =	shalt  }
0x63: {  	_ =	shalt  }
0x64: {  	_ =	shalt  }
0x65: {  	_ =	shalt  }
0x66: {  	_ =	shalt  }
0x67: {  	_ =	shalt  }
0x68: {  	_ =	shalt  }
0x69: {  	_ =	shalt  }
0x6a: {  	_ =	shalt  }
0x6b: {  	_ =	shalt  }
0x6c: {  	_ =	shalt  }
0x6d: {  	_ =	shalt  }
0x6e: {  	_ =	shalt  }
0x6f: {  	_ =	shalt  }
0x70: {  	_ =	shalt  }
0x71: {  	_ =	shalt  }
0x72: {  	_ =	shalt  }
0x73: {  	_ =	shalt  }
0x74: {  	_ =	shalt  }
0x75: {  	_ =	shalt  }
0x76: {  	_ =	shalt  }
0x77: {  	_ =	shalt  }
0x78: {  	_ =	shalt  }
0x79: {  	_ =	shalt  }
0x7a: {  	_ =	shalt  }
0x7b: {  	_ =	shalt  }
0x7c: {  	_ =	shalt  }
0x7d: {  	_ =	shalt  }
0x7e: {  	_ =	shalt  }
0x7f: {  	_ =	shalt  }
0x80: {  	_ =	shalt  }
0x81: {  	_ =	shalt  }
0x82: {  	_ =	shalt  }
0x83: {  	_ =	shalt  }
0x84: {  	_ =	shalt  }
0x85: {  	_ =	shalt  }
0x86: {  	_ =	shalt  }
0x87: {  	_ =	shalt  }
.Lfunc_end0:
.L_simem_size_0:
called_computation.2_lowered:
.L_overlay_start_0:
0x88: {  	s2 =	sld [smem:$0x3FD9]  }
0x89: {  	s3 =	sld [smem:$0x3FFE];
	_ =	sdelay $0x1  }
0x8a: {  	s1 =	srdreg.scid  }
0x8b: {  	s0 =	sand.u32 $0x1, s1  }
0x8c: {  	s17 =	sshll.u32 s0, $0xA;
	s2 =	sadd.s32 s3, s2  }
0x8d: {  	s2 =	sadd.s32 s2, s17  }
0x8e: {  	[smem:$0x3FAD] =	sst s2  }
0x8f: {  	_ = 	snop  }
0x90: {  	s2 =	sld [smem:$0x3FD0];
	(tm) =	ssettm $0x1  }
0x91: {  	s18 =	sld [smem:$0x3FFB];
	_ =	sdelay $0x3  }
0x92: {  	_ =	strace s18  }
0x93: {  	s3 =	sld [smem:$0x3FFC];
	_ =	sdelay $0x3  }
0x94: {  	_ =	strace s3  }
0x95: {  	s3 =	sld [smem:$0x3FFD];
	_ =	sdelay $0x3  }
0x96: {  	_ =	strace s3  }
0x97: {  	_ =	strace $0x8FFFFFFF  }
0x98: {  	s19 =	sld [smem:$0x3FDB];
	_ =	sdelay $0x1  }
0x99: {  	s4 =	simm.s32 $_scs_section_size  }
0x9a: {  	s5 =	simm.s32 $_size__tile_overlayer_lowered;
	s6 =	simm.s32 $_tile_overlayer_lowered  }
0x9b: {  	s22 =	simm.s32 $0x1BFF;
	s21 =	sshll.u32 s6, $0x1;
	s3 =	sadd.s32 s4, s19  }
0x9c: {  	s7 =	simm.s32 $0x0;
	s20 =	sshll.u32 s5, $0x1;
	s5 =	sadd.s32 s21, s3  }
0x9d: {  	[timem:s7], [sflag:s22] =	dma.local [hbm:s5], s20  }
0x9e: {  	_ =	swait.ge [sflag:s22], s20  }
0x9f: {  	s4 =	ssub.s32 $0x0, s20;
	[sflag:s22] =	ssyncset.done $0x0  }
0xa0: {  	[sflag:s22] =	ssyncadd.s32 s4;
	_ =	sdelay $0x1  }
0xa1: {  	s23 =	simm.s32 $0x1B8B  }
0xa2: {  	_ =	swait.ge [sflag:s23], $0x1  }
0xa3: {  	[sflag:s23] =	ssyncset.done $0x0  }
0xa4: {  	s25 =	simm.s32 $0x1B8E;
	s24 =	sld [smem:$0x3FFE];
	[sflag:s23] =	ssyncadd.s32 $0xFFFFFFFF  }
0xa5: {  	s26 =	simm.s32 $execute0_lowered;
	[smem:$0x3FD2] =	sst s25  }
0xa6: {  	s5 =	sshll.u32 s26, $0x1;
	_ =	strace $0x8000004C;
	[dreg:$0x1] =	wrdreg $0xFFFFFFFF  }
0xa7: {  	s28 =	simm.s32 $_size_execute0_lowered;
	s3 =	sadd.s32 s3, s5;
	[dreg:$0x0] =	wrdreg $0x0  }
0xa8: {  	s5 =	sshll.u32 s28, $0x1;
	[dreg:$0x2] =	wrdreg s3  }
0xa9: {  	[dreg:$0x3] =	wrdreg s5  }
0xaa: {  	[dreg:$0x4] =	wrdreg $0xC0  }
0xab: {  	_ =	task [dreg:s7], $0x5FFFF  }
0xac: {  	[dreg:$0x1] =	wrdreg $0xFFFFFFFF  }
0xad: {  	[dreg:$0x0] =	wrdreg $0x60  }
0xae: {  	[dreg:$0x2] =	wrdreg s24  }
0xaf: {  	[dreg:$0x3] =	wrdreg s2  }
0xb0: {  	[dreg:$0x4] =	wrdreg $0x9  }
0xb1: {  	_ =	task.clear_ibuf [dreg:s7], $0x5FFFF;
	_ =	strace $0x9000004C  }
0xb2: {  	s29 =	simm.s32 $0x9;
	_ =	strace $0x8000004E  }
0xb3: {  	_ =	swait.ge [sflag:s29], $0x1  }
0xb4: {  	[sflag:s29] =	ssyncadd.s32 $0xFFFFFFFF  }
0xb5: {  	_ =	strace $0x9000004E  }
0xb6: {  	_ =	sfence  }
0xb7: {  	s30 =	sld [smem:$0x0];
	_ =	sdelay $0x2  }
0xb8: {  	s31 =	sshll.u32 s1, $0xD;
	s1 =	sshrl.u32 s1, $0x2  }
0xb9: {  	s3 =	sand.u32 $0x4000, s31;
	s1 =	sadd.s32 s1, s30  }
0xba: {  	s0 =	sor.u32 s3, s0;
	s1 =	sshll.u32 s1, $0x11  }
0xbb: {  	s0 =	sor.u32 s1, s0  }
0xbc: {  	s0 =	sadd.s32 $0x8F2B, s0  }
0xbd: {  	[sflag:s0] =	ssyncadd.remote.s32 $0x1  }
0xbe: {  	_ =	sfence.sel $0xFFFF  }
0xbf: {  	[dreg:$0x0] =	wrdreg $0xFFFFFFFF;
	(pc) =	sbr.abs _section_cstart, $3  }
0xc0: {  	[dreg:$0x1] =	wrdreg $0xFFFFFFFF  }
0xc1: {  	_ =	task.clear_ibuf [dreg:s7], $0x2FFFF;
	_ =	strace $0x9FFFFFFF  }
0xc2: {  	(tm) =	ssettm $0x7FFFFFFF  }
0xc3: {  	_ =	shalt  }
tec
execute0_lowered:
.L_overlay_start_1:
0x0: {  	(tag) =	ssettag $0x1  }
0x1: {  	s0 =	srdreg.scid  }
0x2: {  	s0 =	sand.u32 $0x1, s0  }
0x3: {  	s1 =	stileid.u32;
	s5 =	sshll.u32 s0, $0x4  }
0x4: {  	s4 =	rddreg [dreg:$0x0];
	s8 =	sor.u32 s1, s5  }
0x5: {  	s3 =	rddreg [dreg:$0x1];
	s2 =	simm.s32 $0x0;
	s5 =	sshll.u32 s8, $0x8  }
0x6: {  	[smem:$0x7FF] =	sst s2;
	s25 =	smul.u32 $0x6800, s8;
	s3 =	sadd.s32 s3, s5  }
0x7: {  	s9 =	sadd.s32 $0x1CF200, s4;
	_ =	strace $0x8000004D;
	[dreg:$0x3] =	wrdreg s3  }
0x8: {  	s3 =	sadd.s32 s9, s25;
	s26 =	rddreg [dreg:$0x3]  }
0x9: {  	[dreg:$0x4] =	wrdreg s3;
	s3 =	simm.s32 $0x2  }
0xa: {  	[tilespmem:s2], [sflag:$0x2] =	stream.linear.gather [hbm4b:s26+s2], $0x680, $0x38;
	[tilespmem:$0x4800] =	vst v63  }
0xb: {  	_ =	swait.ge [sflag:s3], $0x680  }
0xc: {  	s6 =	simm.s32 $0x800;
	s7 =	simm.s32 $0x1;
	[sflag:s3] =	ssyncset.done $0x0  }
0xd: {  	s4 =	sadd.s32 $0x5200, s4;
	s5 =	simm.s32 $0x80;
	[sflag:s3] =	ssyncadd.s32 $0xFFFFF980  }
0xe: {  	[tilespmem:s6], [sflag:$0x1] =	stream.indirect.gather [hbm4b:s4+s5], $0x80, s2, s5, $0xb8;
	[tilespmem:$0x4800] =	vst v63  }
0xf: {  	_ =	swait.ge [sflag:s7], $0x4000  }
0x10: {  	[sflag:s7] =	ssyncset.done $0x0  }
0x11: {  	s10 =	rddreg [dreg:$0x4];
	[sflag:s7] =	ssyncadd.s32 $0xFFFFC000  }
0x12: {  	[hbm4b:s10+s2] =	stream.linear.scatter [tilespmem:s6], [sflag:$0x2], $0x4000, $0x38;
	[tilespmem:$0x4800] =	vst v63  }
0x13: {  	_ =	swait.ge [sflag:s3], $0x4000  }
0x14: {  	[sflag:s3] =	ssyncset.done $0x0  }
0x15: {  	s8 =	smul.u32 $0x34000, s8;
	[sflag:s3] =	ssyncadd.s32 $0xFFFFC000  }
0x16: {  	[tilespmem:s6], [sflag:$0x1] =	stream.indirect.gather [hbm4b:s4+s5], $0x80, s5, s5, $0xb8;
	[tilespmem:$0x4800] =	vst v63  }
0x17: {  	s8 =	sshrl.u32 s8, $0x3;
	_ =	swait.ge [sflag:s7], $0x4000  }
0x18: {  	s31 =	sadd.s32 s9, s8;
	[sflag:s7] =	ssyncset.done $0x0  }
0x19: {  	s8 =	sadd.s32 $0x800, s31;
	[sflag:s7] =	ssyncadd.s32 $0xFFFFC000  }
0x1a: {  	[hbm4b:s8+s2] =	stream.linear.scatter [tilespmem:s6], [sflag:$0x2], $0x4000, $0x38;
	[tilespmem:$0x4800] =	vst v63  }
0x1b: {  	_ =	swait.ge [sflag:s3], $0x4000  }
0x1c: {  	[sflag:s3] =	ssyncset.done $0x0  }
0x1d: {  	s9 =	simm.s32 $0x100;
	[sflag:s3] =	ssyncadd.s32 $0xFFFFC000  }
0x1e: {  	[tilespmem:s6], [sflag:$0x1] =	stream.indirect.gather [hbm4b:s4+s5], $0x80, s9, s5, $0xb8;
	[tilespmem:$0x4800] =	vst v63  }
0x1f: {  	_ =	swait.ge [sflag:s7], $0x4000  }
0x20: {  	[sflag:s7] =	ssyncset.done $0x0  }
0x21: {  	s10 =	sadd.s32 $0x1000, s31;
	[sflag:s7] =	ssyncadd.s32 $0xFFFFC000  }
0x22: {  	[hbm4b:s10+s2] =	stream.linear.scatter [tilespmem:s6], [sflag:$0x2], $0x4000, $0x38;
	[tilespmem:$0x4800] =	vst v63  }
0x23: {  	_ =	swait.ge [sflag:s3], $0x4000  }
0x24: {  	[sflag:s3] =	ssyncset.done $0x0  }
0x25: {  	s11 =	simm.s32 $0x180;
	[sflag:s3] =	ssyncadd.s32 $0xFFFFC000  }
0x26: {  	[tilespmem:s6], [sflag:$0x1] =	stream.indirect.gather [hbm4b:s4+s5], $0x80, s11, s5, $0xb8;
	[tilespmem:$0x4800] =	vst v63  }
0x27: {  	_ =	swait.ge [sflag:s7], $0x4000  }
0x28: {  	[sflag:s7] =	ssyncset.done $0x0  }
0x29: {  	s12 =	sadd.s32 $0x1800, s31;
	[sflag:s7] =	ssyncadd.s32 $0xFFFFC000  }
0x2a: {  	[hbm4b:s12+s2] =	stream.linear.scatter [tilespmem:s6], [sflag:$0x2], $0x4000, $0x38;
	[tilespmem:$0x4800] =	vst v63  }
0x2b: {  	_ =	swait.ge [sflag:s3], $0x4000  }
0x2c: {  	[sflag:s3] =	ssyncset.done $0x0  }
0x2d: {  	s13 =	simm.s32 $0x200;
	[sflag:s3] =	ssyncadd.s32 $0xFFFFC000  }
0x2e: {  	[tilespmem:s6], [sflag:$0x1] =	stream.indirect.gather [hbm4b:s4+s5], $0x80, s13, s5, $0xb8;
	[tilespmem:$0x4800] =	vst v63  }
0x2f: {  	_ =	swait.ge [sflag:s7], $0x4000  }
0x30: {  	[sflag:s7] =	ssyncset.done $0x0  }
0x31: {  	s14 =	sadd.s32 $0x2000, s31;
	[sflag:s7] =	ssyncadd.s32 $0xFFFFC000  }
0x32: {  	[hbm4b:s14+s2] =	stream.linear.scatter [tilespmem:s6], [sflag:$0x2], $0x4000, $0x38;
	[tilespmem:$0x4800] =	vst v63  }
0x33: {  	_ =	swait.ge [sflag:s3], $0x4000  }
0x34: {  	[sflag:s3] =	ssyncset.done $0x0  }
0x35: {  	s15 =	simm.s32 $0x280;
	[sflag:s3] =	ssyncadd.s32 $0xFFFFC000  }
0x36: {  	[tilespmem:s6], [sflag:$0x1] =	stream.indirect.gather [hbm4b:s4+s5], $0x80, s15, s5, $0xb8;
	[tilespmem:$0x4800] =	vst v63  }
0x37: {  	_ =	swait.ge [sflag:s7], $0x4000  }
0x38: {  	[sflag:s7] =	ssyncset.done $0x0  }
0x39: {  	s16 =	sadd.s32 $0x2800, s31;
	[sflag:s7] =	ssyncadd.s32 $0xFFFFC000  }
0x3a: {  	[hbm4b:s16+s2] =	stream.linear.scatter [tilespmem:s6], [sflag:$0x2], $0x4000, $0x38;
	[tilespmem:$0x4800] =	vst v63  }
0x3b: {  	_ =	swait.ge [sflag:s3], $0x4000  }
0x3c: {  	[sflag:s3] =	ssyncset.done $0x0  }
0x3d: {  	s17 =	simm.s32 $0x300;
	[sflag:s3] =	ssyncadd.s32 $0xFFFFC000  }
0x3e: {  	[tilespmem:s6], [sflag:$0x1] =	stream.indirect.gather [hbm4b:s4+s5], $0x80, s17, s5, $0xb8;
	[tilespmem:$0x4800] =	vst v63  }
0x3f: {  	_ =	swait.ge [sflag:s7], $0x4000  }
0x40: {  	[sflag:s7] =	ssyncset.done $0x0  }
0x41: {  	s18 =	sadd.s32 $0x3000, s31;
	[sflag:s7] =	ssyncadd.s32 $0xFFFFC000  }
0x42: {  	[hbm4b:s18+s2] =	stream.linear.scatter [tilespmem:s6], [sflag:$0x2], $0x4000, $0x38;
	[tilespmem:$0x4800] =	vst v63  }
0x43: {  	_ =	swait.ge [sflag:s3], $0x4000  }
0x44: {  	[sflag:s3] =	ssyncset.done $0x0  }
0x45: {  	s19 =	simm.s32 $0x380;
	[sflag:s3] =	ssyncadd.s32 $0xFFFFC000  }
0x46: {  	[tilespmem:s6], [sflag:$0x1] =	stream.indirect.gather [hbm4b:s4+s5], $0x80, s19, s5, $0xb8;
	[tilespmem:$0x4800] =	vst v63  }
0x47: {  	_ =	swait.ge [sflag:s7], $0x4000  }
0x48: {  	[sflag:s7] =	ssyncset.done $0x0  }
0x49: {  	s20 =	sadd.s32 $0x3800, s31;
	[sflag:s7] =	ssyncadd.s32 $0xFFFFC000  }
0x4a: {  	[hbm4b:s20+s2] =	stream.linear.scatter [tilespmem:s6], [sflag:$0x2], $0x4000, $0x38;
	[tilespmem:$0x4800] =	vst v63  }
0x4b: {  	_ =	swait.ge [sflag:s3], $0x4000  }
0x4c: {  	[sflag:s3] =	ssyncset.done $0x0  }
0x4d: {  	s21 =	simm.s32 $0x400;
	[sflag:s3] =	ssyncadd.s32 $0xFFFFC000  }
0x4e: {  	[tilespmem:s6], [sflag:$0x1] =	stream.indirect.gather [hbm4b:s4+s5], $0x80, s21, s5, $0xb8;
	[tilespmem:$0x4800] =	vst v63  }
0x4f: {  	_ =	swait.ge [sflag:s7], $0x4000  }
0x50: {  	[sflag:s7] =	ssyncset.done $0x0  }
0x51: {  	s22 =	sadd.s32 $0x4000, s31;
	[sflag:s7] =	ssyncadd.s32 $0xFFFFC000  }
0x52: {  	[hbm4b:s22+s2] =	stream.linear.scatter [tilespmem:s6], [sflag:$0x2], $0x4000, $0x38;
	[tilespmem:$0x4800] =	vst v63  }
0x53: {  	_ =	swait.ge [sflag:s3], $0x4000  }
0x54: {  	[sflag:s3] =	ssyncset.done $0x0  }
0x55: {  	s23 =	simm.s32 $0x480;
	[sflag:s3] =	ssyncadd.s32 $0xFFFFC000  }
0x56: {  	[tilespmem:s6], [sflag:$0x1] =	stream.indirect.gather [hbm4b:s4+s5], $0x80, s23, s5, $0xb8;
	[tilespmem:$0x4800] =	vst v63  }
0x57: {  	_ =	swait.ge [sflag:s7], $0x4000  }
0x58: {  	[sflag:s7] =	ssyncset.done $0x0  }
0x59: {  	s24 =	sadd.s32 $0x4800, s31;
	[sflag:s7] =	ssyncadd.s32 $0xFFFFC000  }
0x5a: {  	[hbm4b:s24+s2] =	stream.linear.scatter [tilespmem:s6], [sflag:$0x2], $0x4000, $0x38;
	[tilespmem:$0x4800] =	vst v63  }
0x5b: {  	_ =	swait.ge [sflag:s3], $0x4000  }
0x5c: {  	[sflag:s3] =	ssyncset.done $0x0  }
0x5d: {  	s25 =	simm.s32 $0x500;
	[sflag:s3] =	ssyncadd.s32 $0xFFFFC000  }
0x5e: {  	[tilespmem:s6], [sflag:$0x1] =	stream.indirect.gather [hbm4b:s4+s5], $0x80, s25, s5, $0xb8;
	[tilespmem:$0x4800] =	vst v63  }
0x5f: {  	_ =	swait.ge [sflag:s7], $0x4000  }
0x60: {  	[sflag:s7] =	ssyncset.done $0x0  }
0x61: {  	s26 =	sadd.s32 $0x5000, s31;
	[sflag:s7] =	ssyncadd.s32 $0xFFFFC000  }
0x62: {  	[hbm4b:s26+s2] =	stream.linear.scatter [tilespmem:s6], [sflag:$0x2], $0x4000, $0x38;
	[tilespmem:$0x4800] =	vst v63  }
0x63: {  	_ =	swait.ge [sflag:s3], $0x4000  }
0x64: {  	[sflag:s3] =	ssyncset.done $0x0  }
0x65: {  	s28 =	simm.s32 $0x580;
	[sflag:s3] =	ssyncadd.s32 $0xFFFFC000  }
0x66: {  	[tilespmem:s6], [sflag:$0x1] =	stream.indirect.gather [hbm4b:s4+s5], $0x80, s28, s5, $0xb8;
	[tilespmem:$0x4800] =	vst v63  }
0x67: {  	_ =	swait.ge [sflag:s7], $0x4000  }
0x68: {  	s0 =	ssub.s32 $0x2, s0;
	[sflag:s7] =	ssyncset.done $0x0  }
0x69: {  	s1 =	sshrl.u32 s0, $0x1;
	s29 =	sadd.s32 $0x5800, s31;
	[sflag:s7] =	ssyncadd.s32 $0xFFFFC000  }
0x6a: {  	[hbm4b:s29+s2] =	stream.linear.scatter [tilespmem:s6], [sflag:$0x2], $0x4000, $0x38;
	[tilespmem:$0x4800] =	vst v63  }
0x6b: {  	s0 =	ssub.s32 s0, s1;
	_ =	swait.ge [sflag:s3], $0x4000  }
0x6c: {  	s0 =	smax.u32 s0, $0x1;
	[sflag:s3] =	ssyncset.done $0x0  }
0x6d: {  	s30 =	simm.s32 $0x600;
	p0 =	sne.s32 s0, $0x1;
	[sflag:s3] =	ssyncadd.s32 $0xFFFFC000  }
0x6e: {  	[tilespmem:s6], [sflag:$0x1] =	stream.indirect.gather [hbm4b:s4+s5], $0x80, s30, s5, $0xb8;
	[tilespmem:$0x4800] =	vst v63  }
.Ltmp0:
0x6f: {  	_ =	swait.ge [sflag:s7], $0x4000;
	(pc) =	sbr.rel @!p0 .LBB2_2-.Ltmp0, $4  }
0x70: {  	[sflag:s7] =	ssyncset.done $0x0  }
0x71: {  	s31 =	sadd.s32 $0x6000, s31;
	[sflag:s7] =	ssyncadd.s32 $0xFFFFC000  }
0x72: {  	[hbm4b:s31+s2] =	stream.linear.scatter [tilespmem:s6], [sflag:$0x2], $0x4000, $0x38;
	[tilespmem:$0x4800] =	vst v63  }
0x73: {  	s0 =	sadd.s32 $0xFFFFFFFF, s0;
	_ =	swait.ge [sflag:s3], $0x4000  }
.LBB2_1:
0x74: {  	[sflag:s3] =	ssyncset.done $0x0  }
0x75: {  	s1 =	rddreg [dreg:$0x3];
	[sflag:s3] =	ssyncadd.s32 $0xFFFFC000  }
0x76: {  	[tilespmem:s2], [sflag:$0x2] =	stream.linear.gather [hbm4b:s1+s2], $0x680, $0x38;
	[tilespmem:$0x4800] =	vst v63  }
0x77: {  	_ =	swait.ge [sflag:s3], $0x680  }
0x78: {  	[sflag:s3] =	ssyncset.done $0x0  }
0x79: {  	[sflag:s3] =	ssyncadd.s32 $0xFFFFF980  }
0x7a: {  	[tilespmem:s6], [sflag:$0x1] =	stream.indirect.gather [hbm4b:s4+s5], $0x80, s2, s5, $0xb8;
	[tilespmem:$0x4800] =	vst v63  }
0x7b: {  	_ =	swait.ge [sflag:s7], $0x4000  }
0x7c: {  	[sflag:s7] =	ssyncset.done $0x0  }
0x7d: {  	s1 =	rddreg [dreg:$0x4];
	[sflag:s7] =	ssyncadd.s32 $0xFFFFC000  }
0x7e: {  	[hbm4b:s1+s2] =	stream.linear.scatter [tilespmem:s6], [sflag:$0x2], $0x4000, $0x38;
	[tilespmem:$0x4800] =	vst v63  }
0x7f: {  	_ =	swait.ge [sflag:s3], $0x4000  }
0x80: {  	[sflag:s3] =	ssyncset.done $0x0  }
0x81: {  	[sflag:s3] =	ssyncadd.s32 $0xFFFFC000  }
0x82: {  	[tilespmem:s6], [sflag:$0x1] =	stream.indirect.gather [hbm4b:s4+s5], $0x80, s5, s5, $0xb8;
	[tilespmem:$0x4800] =	vst v63  }
0x83: {  	_ =	swait.ge [sflag:s7], $0x4000  }
0x84: {  	[sflag:s7] =	ssyncset.done $0x0  }
0x85: {  	[sflag:s7] =	ssyncadd.s32 $0xFFFFC000  }
0x86: {  	[hbm4b:s8+s2] =	stream.linear.scatter [tilespmem:s6], [sflag:$0x2], $0x4000, $0x38;
	[tilespmem:$0x4800] =	vst v63  }
0x87: {  	_ =	swait.ge [sflag:s3], $0x4000  }
0x88: {  	[sflag:s3] =	ssyncset.done $0x0  }
0x89: {  	[sflag:s3] =	ssyncadd.s32 $0xFFFFC000  }
0x8a: {  	[tilespmem:s6], [sflag:$0x1] =	stream.indirect.gather [hbm4b:s4+s5], $0x80, s9, s5, $0xb8;
	[tilespmem:$0x4800] =	vst v63  }
0x8b: {  	_ =	swait.ge [sflag:s7], $0x4000  }
0x8c: {  	[sflag:s7] =	ssyncset.done $0x0  }
0x8d: {  	[sflag:s7] =	ssyncadd.s32 $0xFFFFC000  }
0x8e: {  	[hbm4b:s10+s2] =	stream.linear.scatter [tilespmem:s6], [sflag:$0x2], $0x4000, $0x38;
	[tilespmem:$0x4800] =	vst v63  }
0x8f: {  	_ =	swait.ge [sflag:s3], $0x4000  }
0x90: {  	[sflag:s3] =	ssyncset.done $0x0  }
0x91: {  	[sflag:s3] =	ssyncadd.s32 $0xFFFFC000  }
0x92: {  	[tilespmem:s6], [sflag:$0x1] =	stream.indirect.gather [hbm4b:s4+s5], $0x80, s11, s5, $0xb8;
	[tilespmem:$0x4800] =	vst v63  }
0x93: {  	_ =	swait.ge [sflag:s7], $0x4000  }
0x94: {  	[sflag:s7] =	ssyncset.done $0x0  }
0x95: {  	[sflag:s7] =	ssyncadd.s32 $0xFFFFC000  }
0x96: {  	[hbm4b:s12+s2] =	stream.linear.scatter [tilespmem:s6], [sflag:$0x2], $0x4000, $0x38;
	[tilespmem:$0x4800] =	vst v63  }
0x97: {  	_ =	swait.ge [sflag:s3], $0x4000  }
0x98: {  	[sflag:s3] =	ssyncset.done $0x0  }
0x99: {  	[sflag:s3] =	ssyncadd.s32 $0xFFFFC000  }
0x9a: {  	[tilespmem:s6], [sflag:$0x1] =	stream.indirect.gather [hbm4b:s4+s5], $0x80, s13, s5, $0xb8;
	[tilespmem:$0x4800] =	vst v63  }
0x9b: {  	_ =	swait.ge [sflag:s7], $0x4000  }
0x9c: {  	[sflag:s7] =	ssyncset.done $0x0  }
0x9d: {  	[sflag:s7] =	ssyncadd.s32 $0xFFFFC000  }
0x9e: {  	[hbm4b:s14+s2] =	stream.linear.scatter [tilespmem:s6], [sflag:$0x2], $0x4000, $0x38;
	[tilespmem:$0x4800] =	vst v63  }
0x9f: {  	_ =	swait.ge [sflag:s3], $0x4000  }
0xa0: {  	[sflag:s3] =	ssyncset.done $0x0  }
0xa1: {  	[sflag:s3] =	ssyncadd.s32 $0xFFFFC000  }
0xa2: {  	[tilespmem:s6], [sflag:$0x1] =	stream.indirect.gather [hbm4b:s4+s5], $0x80, s15, s5, $0xb8;
	[tilespmem:$0x4800] =	vst v63  }
0xa3: {  	_ =	swait.ge [sflag:s7], $0x4000  }
0xa4: {  	[sflag:s7] =	ssyncset.done $0x0  }
0xa5: {  	[sflag:s7] =	ssyncadd.s32 $0xFFFFC000  }
0xa6: {  	[hbm4b:s16+s2] =	stream.linear.scatter [tilespmem:s6], [sflag:$0x2], $0x4000, $0x38;
	[tilespmem:$0x4800] =	vst v63  }
0xa7: {  	_ =	swait.ge [sflag:s3], $0x4000  }
0xa8: {  	[sflag:s3] =	ssyncset.done $0x0  }
0xa9: {  	[sflag:s3] =	ssyncadd.s32 $0xFFFFC000  }
0xaa: {  	[tilespmem:s6], [sflag:$0x1] =	stream.indirect.gather [hbm4b:s4+s5], $0x80, s17, s5, $0xb8;
	[tilespmem:$0x4800] =	vst v63  }
0xab: {  	_ =	swait.ge [sflag:s7], $0x4000  }
0xac: {  	[sflag:s7] =	ssyncset.done $0x0  }
0xad: {  	[sflag:s7] =	ssyncadd.s32 $0xFFFFC000  }
0xae: {  	[hbm4b:s18+s2] =	stream.linear.scatter [tilespmem:s6], [sflag:$0x2], $0x4000, $0x38;
	[tilespmem:$0x4800] =	vst v63  }
0xaf: {  	_ =	swait.ge [sflag:s3], $0x4000  }
0xb0: {  	[sflag:s3] =	ssyncset.done $0x0  }
0xb1: {  	[sflag:s3] =	ssyncadd.s32 $0xFFFFC000  }
0xb2: {  	[tilespmem:s6], [sflag:$0x1] =	stream.indirect.gather [hbm4b:s4+s5], $0x80, s19, s5, $0xb8;
	[tilespmem:$0x4800] =	vst v63  }
0xb3: {  	_ =	swait.ge [sflag:s7], $0x4000  }
0xb4: {  	[sflag:s7] =	ssyncset.done $0x0  }
0xb5: {  	[sflag:s7] =	ssyncadd.s32 $0xFFFFC000  }
0xb6: {  	[hbm4b:s20+s2] =	stream.linear.scatter [tilespmem:s6], [sflag:$0x2], $0x4000, $0x38;
	[tilespmem:$0x4800] =	vst v63  }
0xb7: {  	_ =	swait.ge [sflag:s3], $0x4000  }
0xb8: {  	[sflag:s3] =	ssyncset.done $0x0  }
0xb9: {  	[sflag:s3] =	ssyncadd.s32 $0xFFFFC000  }
0xba: {  	[tilespmem:s6], [sflag:$0x1] =	stream.indirect.gather [hbm4b:s4+s5], $0x80, s21, s5, $0xb8;
	[tilespmem:$0x4800] =	vst v63  }
0xbb: {  	_ =	swait.ge [sflag:s7], $0x4000  }
0xbc: {  	[sflag:s7] =	ssyncset.done $0x0  }
0xbd: {  	[sflag:s7] =	ssyncadd.s32 $0xFFFFC000  }
0xbe: {  	[hbm4b:s22+s2] =	stream.linear.scatter [tilespmem:s6], [sflag:$0x2], $0x4000, $0x38;
	[tilespmem:$0x4800] =	vst v63  }
0xbf: {  	_ =	swait.ge [sflag:s3], $0x4000  }
0xc0: {  	[sflag:s3] =	ssyncset.done $0x0  }
0xc1: {  	[sflag:s3] =	ssyncadd.s32 $0xFFFFC000  }
0xc2: {  	[tilespmem:s6], [sflag:$0x1] =	stream.indirect.gather [hbm4b:s4+s5], $0x80, s23, s5, $0xb8;
	[tilespmem:$0x4800] =	vst v63  }
0xc3: {  	_ =	swait.ge [sflag:s7], $0x4000  }
0xc4: {  	[sflag:s7] =	ssyncset.done $0x0  }
0xc5: {  	[sflag:s7] =	ssyncadd.s32 $0xFFFFC000  }
0xc6: {  	[hbm4b:s24+s2] =	stream.linear.scatter [tilespmem:s6], [sflag:$0x2], $0x4000, $0x38;
	[tilespmem:$0x4800] =	vst v63  }
0xc7: {  	_ =	swait.ge [sflag:s3], $0x4000  }
0xc8: {  	[sflag:s3] =	ssyncset.done $0x0  }
0xc9: {  	[sflag:s3] =	ssyncadd.s32 $0xFFFFC000  }
0xca: {  	[tilespmem:s6], [sflag:$0x1] =	stream.indirect.gather [hbm4b:s4+s5], $0x80, s25, s5, $0xb8;
	[tilespmem:$0x4800] =	vst v63  }
0xcb: {  	_ =	swait.ge [sflag:s7], $0x4000  }
0xcc: {  	[sflag:s7] =	ssyncset.done $0x0  }
0xcd: {  	[sflag:s7] =	ssyncadd.s32 $0xFFFFC000  }
0xce: {  	[hbm4b:s26+s2] =	stream.linear.scatter [tilespmem:s6], [sflag:$0x2], $0x4000, $0x38;
	[tilespmem:$0x4800] =	vst v63  }
0xcf: {  	_ =	swait.ge [sflag:s3], $0x4000  }
0xd0: {  	[sflag:s3] =	ssyncset.done $0x0  }
0xd1: {  	[sflag:s3] =	ssyncadd.s32 $0xFFFFC000  }
0xd2: {  	[tilespmem:s6], [sflag:$0x1] =	stream.indirect.gather [hbm4b:s4+s5], $0x80, s28, s5, $0xb8;
	[tilespmem:$0x4800] =	vst v63  }
0xd3: {  	_ =	swait.ge [sflag:s7], $0x4000  }
0xd4: {  	[sflag:s7] =	ssyncset.done $0x0  }
0xd5: {  	[sflag:s7] =	ssyncadd.s32 $0xFFFFC000  }
0xd6: {  	[hbm4b:s29+s2] =	stream.linear.scatter [tilespmem:s6], [sflag:$0x2], $0x4000, $0x38;
	[tilespmem:$0x4800] =	vst v63  }
0xd7: {  	_ =	swait.ge [sflag:s3], $0x4000  }
0xd8: {  	[sflag:s3] =	ssyncset.done $0x0  }
0xd9: {  	p0 =	sne.s32 s0, $0x1;
	[sflag:s3] =	ssyncadd.s32 $0xFFFFC000  }
0xda: {  	[tilespmem:s6], [sflag:$0x1] =	stream.indirect.gather [hbm4b:s4+s5], $0x80, s30, s5, $0xb8;
	[tilespmem:$0x4800] =	vst v63  }
.Ltmp1:
0xdb: {  	_ =	swait.ge [sflag:s7], $0x4000;
	(pc) =	sbr.rel @p0 .LBB2_1-.Ltmp1, $4  }
0xdc: {  	[sflag:s7] =	ssyncset.done $0x0  }
0xdd: {  	[sflag:s7] =	ssyncadd.s32 $0xFFFFC000  }
0xde: {  	[hbm4b:s31+s2] =	stream.linear.scatter [tilespmem:s6], [sflag:$0x2], $0x4000, $0x38;
	[tilespmem:$0x4800] =	vst v63  }
0xdf: {  	s0 =	sadd.s32 $0xFFFFFFFF, s0;
	_ =	swait.ge [sflag:s3], $0x4000  }
.LBB2_2:
0xe0: {  	[sflag:s3] =	ssyncset.done $0x0  }
0xe1: {  	[sflag:s3] =	ssyncadd.s32 $0xFFFFC000  }
0xe2: {  	_ =	sfence.sel $0x180000  }
0xe3: {  	[bflag:$0x0] =	sbarrier.arrive $0xFFFF  }
0xe4: {  	_ =	strace $0x9000004D  }
0xe5: {  	s0 =	stileid.u32;
	[bflag:$0x2] =	sbarrier.arrive $0xFFFF  }
0xe6: {  	p0 =	sne.s32 s0, $0x0;
	s0 =	rddreg [dreg:$0x2]  }
0xe7: {  	s0 =	sadd.s32 @!p0 $0x100000, s0  }
0xe8: {  	[sflag:s0] =	ssyncadd.tile.s32 @!p0 $0x1;
	_ =	shalt  }
.Lfunc_end2:
_tile_overlayer_lowered:
.L_overlay_start_2:
0xe9: {  	(tag) =	ssettag $0x2  }
0xea: {  	s0 =	rddreg [dreg:$0x0];
	s2 =	stileid.u32  }
0xeb: {  	s1 =	rddreg [dreg:$0x1];
	p0 =	sne.s32 s2, $0x0  }
0xec: {  	s3 =	rddreg [dreg:$0x2];
	[bflag:$0x3] =	sbarrier.arrive $0xFFFF;
	s2 =	simm.s32 @!p0 $0x1C02  }
0xed: {  	[timem:s3], [sflag:s2] =	dma.local @!p0 [hbm:s0], s1  }
0xee: {  	s0 =	simm.s32 @!p0 $0x2  }
0xef: {  	_ =	swait.ge @!p0 [sflag:s0], s1  }
0xf0: {  	s1 =	ssub.s32 @!p0 $0x0, s1;
	[sflag:s0] =	ssyncset.done @!p0 $0x0  }
0xf1: {  	[sflag:s0] =	ssyncadd.s32 @!p0 s1  }
0xf2: {  	[bflag:$0x3] =	sbarrier.arrive $0xFFFF  }
0xf3: {  	_ =	shalt  }

// kernel: sc_scatter.4.cloned.1.call-start
scs
__scs_entry_jumppad:
0x0: {  	(pc) =	sbr.rel $0x88, $3  }
0x1: {  	(tag) =	ssettag $0x0;
	lr =	simm.s32 $0x1  }
0x2: {  	[smem:$0x3F86] =	sst lr;
	_ =	strace $0xD0000000  }
0x3: {  	_ = 	snop  }
0x4: {  	_ = 	snop  }
0x5: {  	_ = 	snop  }
0x6: {  	_ = 	snop  }
0x7: {  	_ = 	snop  }
__scs_overlays_trampoline_lowered:
0x8: {  	[smem:$0x3F95] =	sst s0  }
0x9: {  	[smem:$0x3F96] =	sst s1  }
0xa: {  	[smem:$0x3F97] =	sst s2  }
0xb: {  	[smem:$0x3F98] =	sst s3  }
0xc: {  	[smem:$0x3F99] =	sst s4  }
0xd: {  	[smem:$0x3F9A] =	sst s5  }
0xe: {  	[smem:$0x3F9B] =	sst s6  }
0xf: {  	[smem:$0x3F9C] =	sst s7  }
0x10: {  	[smem:$0x3F9D] =	sst s8  }
0x11: {  	[smem:$0x3F9E] =	sst s9;
	s0 =	simm.s32 @!p0 $0x0  }
0x12: {  	s1 =	sld [smem:$0x3F84];
	s0 =	simm.s32 @p0 $0x1  }
0x13: {  	[smem:$0x3F9F] =	sst s0;
	s0 =	simm.s32 @!p1 $0x0  }
0x14: {  	s2 =	sld [smem:$0x3F83];
	s0 =	simm.s32 @p1 $0x1  }
0x15: {  	[smem:$0x3FA0] =	sst s0;
	s0 =	simm.s32 @!p2 $0x0  }
0x16: {  	s3 =	sld [smem:$0x3FDB];
	s0 =	simm.s32 @p2 $0x1  }
0x17: {  	s4 =	simm.s32 $0x1BF5;
	[smem:$0x3FA2] =	sst s0  }
0x18: {  	s0 =	sld [smem:$0x3F85];
	_ =	swait.ge [sflag:s4], $0x0  }
0x19: {  	s7 =	sld [smem:$0x3F86]  }
0x1a: {  	s8 =	sadd.s32 $0xFFFFE003, lr  }
0x1b: {  	s9 =	sadd.s32 $0xFFFFFEF7, lr;
	s5 =	simm.s32 $0xFFFFFFFF;
	p2 =	slt.u32 s8, $0xFFFFF086  }
0x1c: {  	p1 =	slt.u32 s9, $0xF7A;
	s5 =	simm.s32 @!p2 $0x0  }
0x1d: {  	s5 =	simm.s32 @p1 $0x1;
	p0 =	seq.s32 s7, s2  }
0x1e: {  	s7 =	smul.u32 @!p0 $0xF7A, s2;
	p2 =	seq.s32 @!p0 s5, $0x0  }
0x1f: {  	s9 =	smul.u32 $0xF7A, s1;
	s8 =	simm.s32 @!p0 $0x1BF5;
	p2 =	por !p2, p0  }
0x20: {  	[sflag:s8] =	ssyncset.s32 @!p0 $0xFFFFF086;
	s6 =	sadd.s32 @!p0 s3, s7;
	s7 =	simm.s32 @!p0 $0x108  }
0x21: {  	s3 =	sadd.s32 s3, s9;
	s6 =	sadd.s32 @!p0 $0x88, s6;
	s7 =	simm.s32 @p2 $0x1082  }
0x22: {  	[simem:s7], [sflag:s8] =	dma.local @!p0 [hbm:s6], $0xF7A  }
0x23: {  	s9 =	sor.u32 $0xD0000000, s2;
	s6 =	simm.s32 $0x108;
	_ =	swait.ge @!p0 [sflag:s8], $0x0  }
0x24: {  	s3 =	sadd.s32 $0x88, s3;
	s6 =	simm.s32 @!p1 $0x1082;
	[sflag:s4] =	ssyncset.s32 $0xFFFFF086  }
0x25: {  	[simem:s6], [sflag:s4] =	dma.local [hbm:s3], $0xF7A  }
0x26: {  	[smem:$0x3F86] =	sst s1;
	(tag) =	ssettag s2;
	_ =	strace s9  }
0x27: {  	s1 =	sld [smem:$0x3F96]  }
0x28: {  	s2 =	sld [smem:$0x3F97]  }
0x29: {  	s4 =	sld [smem:$0x3F99]  }
0x2a: {  	p0 =	seq.s32 s5, $0x0;
	s5 =	sld [smem:$0x3F9A]  }
0x2b: {  	s6 =	sld [smem:$0x3F9B]  }
0x2c: {  	s7 =	sld [smem:$0x3F9C]  }
0x2d: {  	s3 =	simm.s32 $0x108;
	s8 =	sld [smem:$0x3F9D]  }
0x2e: {  	s3 =	simm.s32 @!p0 $0x1082;
	s9 =	sld [smem:$0x3F9E]  }
0x2f: {  	lr =	sadd.s32 s0, s3;
	s0 =	sld [smem:$0x3F95]  }
0x30: {  	s3 =	sld [smem:$0x3F98]  }
0x31: {  	[smem:$0x3FA1] =	sst s10  }
0x32: {  	s10 =	sld [smem:$0x3F9F];
	_ =	sdelay $0x3  }
0x33: {  	p0 =	seq.s32 s10, $0x1;
	s10 =	sld [smem:$0x3FA1];
	_ =	sdelay $0x3  }
0x34: {  	[smem:$0x3FA1] =	sst s10  }
0x35: {  	s10 =	sld [smem:$0x3FA0];
	_ =	sdelay $0x3  }
0x36: {  	p1 =	seq.s32 s10, $0x1;
	s10 =	sld [smem:$0x3FA1];
	_ =	sdelay $0x3  }
0x37: {  	[smem:$0x3FA1] =	sst s10  }
0x38: {  	s10 =	sld [smem:$0x3FA2]  }
0x39: {  	_ = 	snop;
	(pc) =	sbr.ind lr, $3  }
0x3a: {  	_ = 	snop  }
0x3b: {  	_ = 	snop  }
0x3c: {  	p2 =	seq.s32 s10, $0x1;
	s10 =	sld [smem:$0x3FA1]  }
0x3d: {  	_ =	shalt  }
0x3e: {  	_ =	shalt  }
0x3f: {  	_ =	shalt  }
0x40: {  	_ =	shalt  }
0x41: {  	_ =	shalt  }
0x42: {  	_ =	shalt  }
0x43: {  	_ =	shalt  }
0x44: {  	_ =	shalt  }
0x45: {  	_ =	shalt  }
0x46: {  	_ =	shalt  }
0x47: {  	_ =	shalt  }
0x48: {  	_ =	shalt  }
0x49: {  	_ =	shalt  }
0x4a: {  	_ =	shalt  }
0x4b: {  	_ =	shalt  }
0x4c: {  	_ =	shalt  }
0x4d: {  	_ =	shalt  }
0x4e: {  	_ =	shalt  }
0x4f: {  	_ =	shalt  }
0x50: {  	_ =	shalt  }
0x51: {  	_ =	shalt  }
0x52: {  	_ =	shalt  }
0x53: {  	_ =	shalt  }
0x54: {  	_ =	shalt  }
0x55: {  	_ =	shalt  }
0x56: {  	_ =	shalt  }
0x57: {  	_ =	shalt  }
0x58: {  	_ =	shalt  }
0x59: {  	_ =	shalt  }
0x5a: {  	_ =	shalt  }
0x5b: {  	_ =	shalt  }
0x5c: {  	_ =	shalt  }
0x5d: {  	_ =	shalt  }
0x5e: {  	_ =	shalt  }
0x5f: {  	_ =	shalt  }
0x60: {  	_ =	shalt  }
0x61: {  	_ =	shalt  }
0x62: {  	_ =	shalt  }
0x63: {  	_ =	shalt  }
0x64: {  	_ =	shalt  }
0x65: {  	_ =	shalt  }
0x66: {  	_ =	shalt  }
0x67: {  	_ =	shalt  }
0x68: {  	_ =	shalt  }
0x69: {  	_ =	shalt  }
0x6a: {  	_ =	shalt  }
0x6b: {  	_ =	shalt  }
0x6c: {  	_ =	shalt  }
0x6d: {  	_ =	shalt  }
0x6e: {  	_ =	shalt  }
0x6f: {  	_ =	shalt  }
0x70: {  	_ =	shalt  }
0x71: {  	_ =	shalt  }
0x72: {  	_ =	shalt  }
0x73: {  	_ =	shalt  }
0x74: {  	_ =	shalt  }
0x75: {  	_ =	shalt  }
0x76: {  	_ =	shalt  }
0x77: {  	_ =	shalt  }
0x78: {  	_ =	shalt  }
0x79: {  	_ =	shalt  }
0x7a: {  	_ =	shalt  }
0x7b: {  	_ =	shalt  }
0x7c: {  	_ =	shalt  }
0x7d: {  	_ =	shalt  }
0x7e: {  	_ =	shalt  }
0x7f: {  	_ =	shalt  }
0x80: {  	_ =	shalt  }
0x81: {  	_ =	shalt  }
0x82: {  	_ =	shalt  }
0x83: {  	_ =	shalt  }
0x84: {  	_ =	shalt  }
0x85: {  	_ =	shalt  }
0x86: {  	_ =	shalt  }
0x87: {  	_ =	shalt  }
.Lfunc_end0:
.L_simem_size_0:
called_computation.1_lowered:
.L_overlay_start_0:
0x88: {  	s2 =	sld [smem:$0x3FD9]  }
0x89: {  	s3 =	sld [smem:$0x3FFE];
	_ =	sdelay $0x1  }
0x8a: {  	s1 =	srdreg.scid  }
0x8b: {  	s0 =	sand.u32 $0x1, s1  }
0x8c: {  	s16 =	sshll.u32 s0, $0xA;
	s2 =	sadd.s32 s3, s2  }
0x8d: {  	s2 =	sadd.s32 s2, s16  }
0x8e: {  	[smem:$0x3FAD] =	sst s2  }
0x8f: {  	_ = 	snop  }
0x90: {  	(tm) =	ssettm $0x1  }
0x91: {  	s17 =	sld [smem:$0x3FFB];
	_ =	sdelay $0x3  }
0x92: {  	_ =	strace s17  }
0x93: {  	s2 =	sld [smem:$0x3FFC];
	_ =	sdelay $0x3  }
0x94: {  	_ =	strace s2  }
0x95: {  	s2 =	sld [smem:$0x3FFD];
	_ =	sdelay $0x3  }
0x96: {  	_ =	strace s2  }
0x97: {  	_ =	strace $0x8FFFFFFF  }
0x98: {  	s18 =	sld [smem:$0x3FDB];
	_ =	sdelay $0x1  }
0x99: {  	s19 =	simm.s32 $_scs_section_size  }
0x9a: {  	s4 =	simm.s32 $_size__tile_overlayer_lowered;
	s5 =	simm.s32 $_tile_overlayer_lowered  }
0x9b: {  	s22 =	simm.s32 $0x1BFF;
	s21 =	sshll.u32 s5, $0x1;
	s2 =	sadd.s32 s19, s18  }
0x9c: {  	s6 =	simm.s32 $0x0;
	s20 =	sshll.u32 s4, $0x1;
	s4 =	sadd.s32 s21, s2  }
0x9d: {  	[timem:s6], [sflag:s22] =	dma.local [hbm:s4], s20  }
0x9e: {  	_ =	swait.ge [sflag:s22], s20  }
0x9f: {  	s3 =	ssub.s32 $0x0, s20;
	[sflag:s22] =	ssyncset.done $0x0  }
0xa0: {  	[sflag:s22] =	ssyncadd.s32 s3;
	_ =	sdelay $0x1  }
0xa1: {  	s23 =	simm.s32 $0x1B8B  }
0xa2: {  	_ =	swait.ge [sflag:s23], $0x1  }
0xa3: {  	[sflag:s23] =	ssyncset.done $0x0  }
0xa4: {  	s25 =	simm.s32 $0x1B8E;
	s24 =	sld [smem:$0x3FFE];
	[sflag:s23] =	ssyncadd.s32 $0xFFFFFFFF  }
0xa5: {  	s26 =	simm.s32 $execute0_lowered;
	[smem:$0x3FD2] =	sst s25  }
0xa6: {  	s4 =	sshll.u32 s26, $0x1;
	_ =	strace $0x80000049;
	[dreg:$0x1] =	wrdreg $0xFFFFFFFF  }
0xa7: {  	s28 =	simm.s32 $_size_execute0_lowered;
	s2 =	sadd.s32 s2, s4;
	[dreg:$0x0] =	wrdreg $0x0  }
0xa8: {  	s4 =	sshll.u32 s28, $0x1;
	[dreg:$0x2] =	wrdreg s2  }
0xa9: {  	[dreg:$0x3] =	wrdreg s4  }
0xaa: {  	[dreg:$0x4] =	wrdreg $0xC0  }
0xab: {  	_ =	task [dreg:s6], $0x5FFFF  }
0xac: {  	[dreg:$0x1] =	wrdreg $0xFFFFFFFF  }
0xad: {  	[dreg:$0x0] =	wrdreg $0x60  }
0xae: {  	[dreg:$0x2] =	wrdreg s24  }
0xaf: {  	[dreg:$0x3] =	wrdreg $0x48000  }
0xb0: {  	[dreg:$0x4] =	wrdreg $0x9  }
0xb1: {  	_ =	task.clear_ibuf [dreg:s6], $0x5FFFF;
	_ =	strace $0x90000049  }
0xb2: {  	s29 =	simm.s32 $0x9;
	_ =	strace $0x8000004B  }
0xb3: {  	_ =	swait.ge [sflag:s29], $0x1  }
0xb4: {  	[sflag:s29] =	ssyncadd.s32 $0xFFFFFFFF  }
0xb5: {  	_ =	strace $0x9000004B  }
0xb6: {  	_ =	sfence  }
0xb7: {  	s30 =	sld [smem:$0x0];
	_ =	sdelay $0x2  }
0xb8: {  	s31 =	sshll.u32 s1, $0xD;
	s1 =	sshrl.u32 s1, $0x2  }
0xb9: {  	s3 =	sand.u32 $0x4000, s31;
	s1 =	sadd.s32 s1, s30  }
0xba: {  	s0 =	sor.u32 s3, s0;
	s1 =	sshll.u32 s1, $0x11  }
0xbb: {  	s0 =	sor.u32 s1, s0  }
0xbc: {  	s0 =	sadd.s32 $0x8F2B, s0  }
0xbd: {  	[sflag:s0] =	ssyncadd.remote.s32 $0x1  }
0xbe: {  	_ =	sfence.sel $0xFFFF  }
0xbf: {  	[dreg:$0x0] =	wrdreg $0xFFFFFFFF;
	(pc) =	sbr.abs _section_cstart, $3  }
0xc0: {  	[dreg:$0x1] =	wrdreg $0xFFFFFFFF  }
0xc1: {  	_ =	task.clear_ibuf [dreg:s6], $0x2FFFF;
	_ =	strace $0x9FFFFFFF  }
0xc2: {  	(tm) =	ssettm $0x7FFFFFFF  }
0xc3: {  	_ =	shalt  }
tec
execute0_lowered:
.L_overlay_start_1:
0x0: {  	(tag) =	ssettag $0x1  }
0x1: {  	s10 =	rddreg [dreg:$0x0]  }
0x2: {  	s2 =	rddreg [dreg:$0x1]  }
0x3: {  	s3 =	simm.s32 $0x0;
	s1 =	srdreg.scid;
	s0 =	stileid.u32  }
0x4: {  	[smem:$0x7FF] =	sst s3;
	s31 =	sand.u32 $0x1, s1;
	s1 =	smul.u32 $0x14000, s0  }
0x5: {  	s4 =	sadd.s32 $0x1CF200, s10;
	s7 =	smul.u32 $0x50000, s0;
	s5 =	sshll.u32 s31, $0x4  }
0x6: {  	s21 =	sshll.u32 s0, $0x6;
	s5 =	sor.u32 s0, s5;
	s6 =	sshrl.u32 s1, $0x3  }
0x7: {  	s8 =	sshll.u32 s5, $0x8;
	s6 =	sadd.s32 s6, s10;
	s9 =	smul.u32 $0x6800, s5  }
0x8: {  	s5 =	smul.u32 $0x34000, s5;
	s8 =	sadd.s32 s8, s10;
	s6 =	sadd.s32 $0x2D200, s6  }
0x9: {  	_ =	strace $0x8000004A;
	[dreg:$0x3] =	wrdreg s6;
	s19 =	sadd.s32 $0x1CD200, s8  }
0xa: {  	s20 =	sadd.s32 s4, s9;
	s5 =	sshrl.u32 s5, $0x3;
	[dreg:$0x4] =	wrdreg s19  }
0xb: {  	s7 =	sshrl.u32 s7, $0x2;
	[dreg:$0x5] =	wrdreg s20;
	s29 =	sadd.s32 s4, s5  }
0xc: {  	s7 =	sadd.s32 s7, s2;
	s22 =	rddreg [dreg:$0x3];
	s5 =	sadd.s32 $0x800, s29  }
0xd: {  	s6 =	sshrl.u32 s7, $0x3;
	s23 =	sadd.s32 $0x1000, s29;
	[dreg:$0x6] =	wrdreg s5  }
0xe: {  	s4 =	sor.u32 $0x1C01, s21;
	[dreg:$0x7] =	wrdreg s23;
	s5 =	simm.s32 $0x1  }
0xf: {  	[spmem:s6], [sflag:s4] =	dma.local [hbm:s22], $0x2800  }
0x10: {  	_ =	swait.ge [sflag:s5], $0x2800  }
0x11: {  	[sflag:s5] =	ssyncset.done $0x0  }
0x12: {  	s24 =	rddreg [dreg:$0x4];
	[sflag:s5] =	ssyncadd.s32 $0xFFFFD800  }
0x13: {  	[tilespmem:s3], [sflag:$0x1] =	stream.linear.gather [hbm4b:s24+s3], $0x680, $0x38;
	[tilespmem:$0x18800] =	vst v63  }
0x14: {  	_ =	swait.ge [sflag:s5], $0x680  }
0x15: {  	[sflag:s5] =	ssyncset.done $0x0  }
0x16: {  	[sflag:s5] =	ssyncadd.s32 $0xFFFFF980  }
0x17: {  	[bflag:$0x0] =	sbarrier.arrive $0xFFFF  }
0x18: {  	s7 =	simm.s32 $0x800;
	s25 =	rddreg [dreg:$0x5]  }
0x19: {  	[tilespmem:s7], [sflag:$0x1] =	stream.linear.gather [hbm4b:s25+s3], $0x4000, $0x38;
	[tilespmem:$0x18800] =	vst v63  }
0x1a: {  	_ =	swait.ge [sflag:s5], $0x4000  }
0x1b: {  	[sflag:s5] =	ssyncset.done $0x0  }
0x1c: {  	s8 =	simm.s32 $0x80;
	[sflag:s5] =	ssyncadd.s32 $0xFFFFC000  }
0x1d: {  	[spmem:s2] =	stream.indirect.scatter.add.f32 [tilespmem:s7], [sflag:$0x1], $0x80, s3, s8, $0xb8;
	[tilespmem:$0x18800] =	vst v63  }
0x1e: {  	_ =	swait.ge [sflag:s5], $0x4000  }
0x1f: {  	[sflag:s5] =	ssyncset.done $0x0  }
0x20: {  	s26 =	rddreg [dreg:$0x6];
	[sflag:s5] =	ssyncadd.s32 $0xFFFFC000  }
0x21: {  	[tilespmem:s7], [sflag:$0x1] =	stream.linear.gather [hbm4b:s26+s3], $0x4000, $0x38;
	[tilespmem:$0x18800] =	vst v63  }
0x22: {  	_ =	swait.ge [sflag:s5], $0x4000  }
0x23: {  	[sflag:s5] =	ssyncset.done $0x0  }
0x24: {  	[sflag:s5] =	ssyncadd.s32 $0xFFFFC000  }
0x25: {  	[spmem:s2] =	stream.indirect.scatter.add.f32 [tilespmem:s7], [sflag:$0x1], $0x80, s8, s8, $0xb8;
	[tilespmem:$0x18800] =	vst v63  }
0x26: {  	_ =	swait.ge [sflag:s5], $0x4000  }
0x27: {  	[sflag:s5] =	ssyncset.done $0x0  }
0x28: {  	s0 =	rddreg [dreg:$0x7];
	[sflag:s5] =	ssyncadd.s32 $0xFFFFC000  }
0x29: {  	[tilespmem:s7], [sflag:$0x1] =	stream.linear.gather [hbm4b:s0+s3], $0x4000, $0x38;
	[tilespmem:$0x18800] =	vst v63  }
0x2a: {  	_ =	swait.ge [sflag:s5], $0x4000  }
0x2b: {  	[sflag:s5] =	ssyncset.done $0x0  }
0x2c: {  	s9 =	simm.s32 $0x100;
	[sflag:s5] =	ssyncadd.s32 $0xFFFFC000  }
0x2d: {  	[spmem:s2] =	stream.indirect.scatter.add.f32 [tilespmem:s7], [sflag:$0x1], $0x80, s9, s8, $0xb8;
	[tilespmem:$0x18800] =	vst v63  }
0x2e: {  	_ =	swait.ge [sflag:s5], $0x4000  }
0x2f: {  	[sflag:s5] =	ssyncset.done $0x0  }
0x30: {  	s10 =	sadd.s32 $0x1800, s29;
	[sflag:s5] =	ssyncadd.s32 $0xFFFFC000  }
0x31: {  	[tilespmem:s7], [sflag:$0x1] =	stream.linear.gather [hbm4b:s10+s3], $0x4000, $0x38;
	[tilespmem:$0x18800] =	vst v63  }
0x32: {  	_ =	swait.ge [sflag:s5], $0x4000  }
0x33: {  	[sflag:s5] =	ssyncset.done $0x0  }
0x34: {  	s11 =	simm.s32 $0x180;
	[sflag:s5] =	ssyncadd.s32 $0xFFFFC000  }
0x35: {  	[spmem:s2] =	stream.indirect.scatter.add.f32 [tilespmem:s7], [sflag:$0x1], $0x80, s11, s8, $0xb8;
	[tilespmem:$0x18800] =	vst v63  }
0x36: {  	_ =	swait.ge [sflag:s5], $0x4000  }
0x37: {  	[sflag:s5] =	ssyncset.done $0x0  }
0x38: {  	s12 =	sadd.s32 $0x2000, s29;
	[sflag:s5] =	ssyncadd.s32 $0xFFFFC000  }
0x39: {  	[tilespmem:s7], [sflag:$0x1] =	stream.linear.gather [hbm4b:s12+s3], $0x4000, $0x38;
	[tilespmem:$0x18800] =	vst v63  }
0x3a: {  	_ =	swait.ge [sflag:s5], $0x4000  }
0x3b: {  	[sflag:s5] =	ssyncset.done $0x0  }
0x3c: {  	s13 =	simm.s32 $0x200;
	[sflag:s5] =	ssyncadd.s32 $0xFFFFC000  }
0x3d: {  	[spmem:s2] =	stream.indirect.scatter.add.f32 [tilespmem:s7], [sflag:$0x1], $0x80, s13, s8, $0xb8;
	[tilespmem:$0x18800] =	vst v63  }
0x3e: {  	_ =	swait.ge [sflag:s5], $0x4000  }
0x3f: {  	[sflag:s5] =	ssyncset.done $0x0  }
0x40: {  	s14 =	sadd.s32 $0x2800, s29;
	[sflag:s5] =	ssyncadd.s32 $0xFFFFC000  }
0x41: {  	[tilespmem:s7], [sflag:$0x1] =	stream.linear.gather [hbm4b:s14+s3], $0x4000, $0x38;
	[tilespmem:$0x18800] =	vst v63  }
0x42: {  	_ =	swait.ge [sflag:s5], $0x4000  }
0x43: {  	[sflag:s5] =	ssyncset.done $0x0  }
0x44: {  	s15 =	simm.s32 $0x280;
	[sflag:s5] =	ssyncadd.s32 $0xFFFFC000  }
0x45: {  	[spmem:s2] =	stream.indirect.scatter.add.f32 [tilespmem:s7], [sflag:$0x1], $0x80, s15, s8, $0xb8;
	[tilespmem:$0x18800] =	vst v63  }
0x46: {  	_ =	swait.ge [sflag:s5], $0x4000  }
0x47: {  	[sflag:s5] =	ssyncset.done $0x0  }
0x48: {  	s16 =	sadd.s32 $0x3000, s29;
	[sflag:s5] =	ssyncadd.s32 $0xFFFFC000  }
0x49: {  	[tilespmem:s7], [sflag:$0x1] =	stream.linear.gather [hbm4b:s16+s3], $0x4000, $0x38;
	[tilespmem:$0x18800] =	vst v63  }
0x4a: {  	_ =	swait.ge [sflag:s5], $0x4000  }
0x4b: {  	[sflag:s5] =	ssyncset.done $0x0  }
0x4c: {  	s17 =	simm.s32 $0x300;
	[sflag:s5] =	ssyncadd.s32 $0xFFFFC000  }
0x4d: {  	[spmem:s2] =	stream.indirect.scatter.add.f32 [tilespmem:s7], [sflag:$0x1], $0x80, s17, s8, $0xb8;
	[tilespmem:$0x18800] =	vst v63  }
0x4e: {  	_ =	swait.ge [sflag:s5], $0x4000  }
0x4f: {  	[sflag:s5] =	ssyncset.done $0x0  }
0x50: {  	s18 =	sadd.s32 $0x3800, s29;
	[sflag:s5] =	ssyncadd.s32 $0xFFFFC000  }
0x51: {  	[tilespmem:s7], [sflag:$0x1] =	stream.linear.gather [hbm4b:s18+s3], $0x4000, $0x38;
	[tilespmem:$0x18800] =	vst v63  }
0x52: {  	_ =	swait.ge [sflag:s5], $0x4000  }
0x53: {  	[sflag:s5] =	ssyncset.done $0x0  }
0x54: {  	s19 =	simm.s32 $0x380;
	[sflag:s5] =	ssyncadd.s32 $0xFFFFC000  }
0x55: {  	[spmem:s2] =	stream.indirect.scatter.add.f32 [tilespmem:s7], [sflag:$0x1], $0x80, s19, s8, $0xb8;
	[tilespmem:$0x18800] =	vst v63  }
0x56: {  	_ =	swait.ge [sflag:s5], $0x4000  }
0x57: {  	[sflag:s5] =	ssyncset.done $0x0  }
0x58: {  	s20 =	sadd.s32 $0x4000, s29;
	[sflag:s5] =	ssyncadd.s32 $0xFFFFC000  }
0x59: {  	[tilespmem:s7], [sflag:$0x1] =	stream.linear.gather [hbm4b:s20+s3], $0x4000, $0x38;
	[tilespmem:$0x18800] =	vst v63  }
0x5a: {  	_ =	swait.ge [sflag:s5], $0x4000  }
0x5b: {  	[sflag:s5] =	ssyncset.done $0x0  }
0x5c: {  	s21 =	simm.s32 $0x400;
	[sflag:s5] =	ssyncadd.s32 $0xFFFFC000  }
0x5d: {  	[spmem:s2] =	stream.indirect.scatter.add.f32 [tilespmem:s7], [sflag:$0x1], $0x80, s21, s8, $0xb8;
	[tilespmem:$0x18800] =	vst v63  }
0x5e: {  	_ =	swait.ge [sflag:s5], $0x4000  }
0x5f: {  	[sflag:s5] =	ssyncset.done $0x0  }
0x60: {  	s22 =	sadd.s32 $0x4800, s29;
	[sflag:s5] =	ssyncadd.s32 $0xFFFFC000  }
0x61: {  	[tilespmem:s7], [sflag:$0x1] =	stream.linear.gather [hbm4b:s22+s3], $0x4000, $0x38;
	[tilespmem:$0x18800] =	vst v63  }
0x62: {  	_ =	swait.ge [sflag:s5], $0x4000  }
0x63: {  	[sflag:s5] =	ssyncset.done $0x0  }
0x64: {  	s23 =	simm.s32 $0x480;
	[sflag:s5] =	ssyncadd.s32 $0xFFFFC000  }
0x65: {  	[spmem:s2] =	stream.indirect.scatter.add.f32 [tilespmem:s7], [sflag:$0x1], $0x80, s23, s8, $0xb8;
	[tilespmem:$0x18800] =	vst v63  }
0x66: {  	_ =	swait.ge [sflag:s5], $0x4000  }
0x67: {  	[sflag:s5] =	ssyncset.done $0x0  }
0x68: {  	s24 =	sadd.s32 $0x5000, s29;
	[sflag:s5] =	ssyncadd.s32 $0xFFFFC000  }
0x69: {  	[tilespmem:s7], [sflag:$0x1] =	stream.linear.gather [hbm4b:s24+s3], $0x4000, $0x38;
	[tilespmem:$0x18800] =	vst v63  }
0x6a: {  	_ =	swait.ge [sflag:s5], $0x4000  }
0x6b: {  	[sflag:s5] =	ssyncset.done $0x0  }
0x6c: {  	s25 =	simm.s32 $0x500;
	[sflag:s5] =	ssyncadd.s32 $0xFFFFC000  }
0x6d: {  	[spmem:s2] =	stream.indirect.scatter.add.f32 [tilespmem:s7], [sflag:$0x1], $0x80, s25, s8, $0xb8;
	[tilespmem:$0x18800] =	vst v63  }
0x6e: {  	_ =	swait.ge [sflag:s5], $0x4000  }
0x6f: {  	[sflag:s5] =	ssyncset.done $0x0  }
0x70: {  	s26 =	sadd.s32 $0x5800, s29;
	[sflag:s5] =	ssyncadd.s32 $0xFFFFC000  }
0x71: {  	[tilespmem:s7], [sflag:$0x1] =	stream.linear.gather [hbm4b:s26+s3], $0x4000, $0x38;
	[tilespmem:$0x18800] =	vst v63  }
0x72: {  	_ =	swait.ge [sflag:s5], $0x4000  }
0x73: {  	[sflag:s5] =	ssyncset.done $0x0  }
0x74: {  	s28 =	simm.s32 $0x580;
	[sflag:s5] =	ssyncadd.s32 $0xFFFFC000  }
0x75: {  	[spmem:s2] =	stream.indirect.scatter.add.f32 [tilespmem:s7], [sflag:$0x1], $0x80, s28, s8, $0xb8;
	[tilespmem:$0x18800] =	vst v63  }
0x76: {  	_ =	swait.ge [sflag:s5], $0x4000  }
0x77: {  	[sflag:s5] =	ssyncset.done $0x0  }
0x78: {  	s29 =	sadd.s32 $0x6000, s29;
	s0 =	smul.u32 $0x140000, s31;
	[sflag:s5] =	ssyncadd.s32 $0xFFFFC000  }
0x79: {  	[tilespmem:s7], [sflag:$0x1] =	stream.linear.gather [hbm4b:s29+s3], $0x4000, $0x38;
	[tilespmem:$0x18800] =	vst v63  }
0x7a: {  	_ =	swait.ge [sflag:s5], $0x4000  }
0x7b: {  	s30 =	simm.s32 $0x600;
	s0 =	sadd.s32 s1, s0;
	[sflag:s5] =	ssyncset.done $0x0  }
0x7c: {  	s1 =	ssub.s32 $0x2, s31;
	s0 =	sshrl.u32 s0, $0x3;
	[sflag:s5] =	ssyncadd.s32 $0xFFFFC000  }
0x7d: {  	[spmem:s2] =	stream.indirect.scatter.add.f32 [tilespmem:s7], [sflag:$0x1], $0x80, s30, s8, $0xb8;
	[tilespmem:$0x18800] =	vst v63  }
0x7e: {  	_ =	swait.ge [sflag:s5], $0x4000;
	[dreg:$0x8] =	wrdreg s0;
	s0 =	sshrl.u32 s1, $0x1  }
0x7f: {  	[dreg:$0x9] =	wrdreg s0  }
0x80: {  	[sflag:s5] =	ssyncset.done $0x0;
	s31 =	rddreg [dreg:$0x8]  }
0x81: {  	s0 =	rddreg [dreg:$0x0]  }
0x82: {  	s0 =	sadd.s32 s31, s0;
	s31 =	rddreg [dreg:$0x9]  }
0x83: {  	s1 =	ssub.s32 s1, s31  }
0x84: {  	s1 =	smax.u32 s1, $0x1  }
0x85: {  	p0 =	sne.s32 s1, $0x1  }
.Ltmp0:
0x86: {  	_ = 	snop;
	(pc) =	sbr.rel @!p0 .LBB2_2-.Ltmp0, $4  }
0x87: {  	[sflag:s5] =	ssyncadd.s32 $0xFFFFC000  }
0x88: {  	[bflag:$0x0] =	sbarrier.arrive $0xFFFF;
	s31 =	sadd.s32 $0x55200, s0  }
0x89: {  	[hbm:s31], [sflag:s4] =	dma.local [spmem:s6], $0x2800  }
0x8a: {  	s0 =	sadd.s32 $0xFFFFFFFF, s1;
	_ =	swait.ge [sflag:s5], $0x2800  }
.LBB2_1:
0x8b: {  	[sflag:s5] =	ssyncset.done $0x0  }
0x8c: {  	s1 =	rddreg [dreg:$0x3];
	[sflag:s5] =	ssyncadd.s32 $0xFFFFD800  }
0x8d: {  	[spmem:s6], [sflag:s4] =	dma.local [hbm:s1], $0x2800  }
0x8e: {  	_ =	swait.ge [sflag:s5], $0x2800  }
0x8f: {  	[sflag:s5] =	ssyncset.done $0x0  }
0x90: {  	s1 =	rddreg [dreg:$0x4];
	[sflag:s5] =	ssyncadd.s32 $0xFFFFD800  }
0x91: {  	[tilespmem:s3], [sflag:$0x1] =	stream.linear.gather [hbm4b:s1+s3], $0x680, $0x38;
	[tilespmem:$0x18800] =	vst v63  }
0x92: {  	_ =	swait.ge [sflag:s5], $0x680  }
0x93: {  	[sflag:s5] =	ssyncset.done $0x0  }
0x94: {  	[sflag:s5] =	ssyncadd.s32 $0xFFFFF980  }
0x95: {  	[bflag:$0x0] =	sbarrier.arrive $0xFFFF  }
0x96: {  	s1 =	rddreg [dreg:$0x5]  }
0x97: {  	[tilespmem:s7], [sflag:$0x1] =	stream.linear.gather [hbm4b:s1+s3], $0x4000, $0x38;
	[tilespmem:$0x18800] =	vst v63  }
0x98: {  	_ =	swait.ge [sflag:s5], $0x4000  }
0x99: {  	[sflag:s5] =	ssyncset.done $0x0  }
0x9a: {  	[sflag:s5] =	ssyncadd.s32 $0xFFFFC000  }
0x9b: {  	[spmem:s2] =	stream.indirect.scatter.add.f32 [tilespmem:s7], [sflag:$0x1], $0x80, s3, s8, $0xb8;
	[tilespmem:$0x18800] =	vst v63  }
0x9c: {  	_ =	swait.ge [sflag:s5], $0x4000  }
0x9d: {  	[sflag:s5] =	ssyncset.done $0x0  }
0x9e: {  	s1 =	rddreg [dreg:$0x6];
	[sflag:s5] =	ssyncadd.s32 $0xFFFFC000  }
0x9f: {  	[tilespmem:s7], [sflag:$0x1] =	stream.linear.gather [hbm4b:s1+s3], $0x4000, $0x38;
	[tilespmem:$0x18800] =	vst v63  }
0xa0: {  	_ =	swait.ge [sflag:s5], $0x4000  }
0xa1: {  	[sflag:s5] =	ssyncset.done $0x0  }
0xa2: {  	[sflag:s5] =	ssyncadd.s32 $0xFFFFC000  }
0xa3: {  	[spmem:s2] =	stream.indirect.scatter.add.f32 [tilespmem:s7], [sflag:$0x1], $0x80, s8, s8, $0xb8;
	[tilespmem:$0x18800] =	vst v63  }
0xa4: {  	_ =	swait.ge [sflag:s5], $0x4000  }
0xa5: {  	[sflag:s5] =	ssyncset.done $0x0  }
0xa6: {  	s1 =	rddreg [dreg:$0x7];
	[sflag:s5] =	ssyncadd.s32 $0xFFFFC000  }
0xa7: {  	[tilespmem:s7], [sflag:$0x1] =	stream.linear.gather [hbm4b:s1+s3], $0x4000, $0x38;
	[tilespmem:$0x18800] =	vst v63  }
0xa8: {  	_ =	swait.ge [sflag:s5], $0x4000  }
0xa9: {  	[sflag:s5] =	ssyncset.done $0x0  }
0xaa: {  	[sflag:s5] =	ssyncadd.s32 $0xFFFFC000  }
0xab: {  	[spmem:s2] =	stream.indirect.scatter.add.f32 [tilespmem:s7], [sflag:$0x1], $0x80, s9, s8, $0xb8;
	[tilespmem:$0x18800] =	vst v63  }
0xac: {  	_ =	swait.ge [sflag:s5], $0x4000  }
0xad: {  	[sflag:s5] =	ssyncset.done $0x0  }
0xae: {  	[sflag:s5] =	ssyncadd.s32 $0xFFFFC000  }
0xaf: {  	[tilespmem:s7], [sflag:$0x1] =	stream.linear.gather [hbm4b:s10+s3], $0x4000, $0x38;
	[tilespmem:$0x18800] =	vst v63  }
0xb0: {  	_ =	swait.ge [sflag:s5], $0x4000  }
0xb1: {  	[sflag:s5] =	ssyncset.done $0x0  }
0xb2: {  	[sflag:s5] =	ssyncadd.s32 $0xFFFFC000  }
0xb3: {  	[spmem:s2] =	stream.indirect.scatter.add.f32 [tilespmem:s7], [sflag:$0x1], $0x80, s11, s8, $0xb8;
	[tilespmem:$0x18800] =	vst v63  }
0xb4: {  	_ =	swait.ge [sflag:s5], $0x4000  }
0xb5: {  	[sflag:s5] =	ssyncset.done $0x0  }
0xb6: {  	[sflag:s5] =	ssyncadd.s32 $0xFFFFC000  }
0xb7: {  	[tilespmem:s7], [sflag:$0x1] =	stream.linear.gather [hbm4b:s12+s3], $0x4000, $0x38;
	[tilespmem:$0x18800] =	vst v63  }
0xb8: {  	_ =	swait.ge [sflag:s5], $0x4000  }
0xb9: {  	[sflag:s5] =	ssyncset.done $0x0  }
0xba: {  	[sflag:s5] =	ssyncadd.s32 $0xFFFFC000  }
0xbb: {  	[spmem:s2] =	stream.indirect.scatter.add.f32 [tilespmem:s7], [sflag:$0x1], $0x80, s13, s8, $0xb8;
	[tilespmem:$0x18800] =	vst v63  }
0xbc: {  	_ =	swait.ge [sflag:s5], $0x4000  }
0xbd: {  	[sflag:s5] =	ssyncset.done $0x0  }
0xbe: {  	[sflag:s5] =	ssyncadd.s32 $0xFFFFC000  }
0xbf: {  	[tilespmem:s7], [sflag:$0x1] =	stream.linear.gather [hbm4b:s14+s3], $0x4000, $0x38;
	[tilespmem:$0x18800] =	vst v63  }
0xc0: {  	_ =	swait.ge [sflag:s5], $0x4000  }
0xc1: {  	[sflag:s5] =	ssyncset.done $0x0  }
0xc2: {  	[sflag:s5] =	ssyncadd.s32 $0xFFFFC000  }
0xc3: {  	[spmem:s2] =	stream.indirect.scatter.add.f32 [tilespmem:s7], [sflag:$0x1], $0x80, s15, s8, $0xb8;
	[tilespmem:$0x18800] =	vst v63  }
0xc4: {  	_ =	swait.ge [sflag:s5], $0x4000  }
0xc5: {  	[sflag:s5] =	ssyncset.done $0x0  }
0xc6: {  	[sflag:s5] =	ssyncadd.s32 $0xFFFFC000  }
0xc7: {  	[tilespmem:s7], [sflag:$0x1] =	stream.linear.gather [hbm4b:s16+s3], $0x4000, $0x38;
	[tilespmem:$0x18800] =	vst v63  }
0xc8: {  	_ =	swait.ge [sflag:s5], $0x4000  }
0xc9: {  	[sflag:s5] =	ssyncset.done $0x0  }
0xca: {  	[sflag:s5] =	ssyncadd.s32 $0xFFFFC000  }
0xcb: {  	[spmem:s2] =	stream.indirect.scatter.add.f32 [tilespmem:s7], [sflag:$0x1], $0x80, s17, s8, $0xb8;
	[tilespmem:$0x18800] =	vst v63  }
0xcc: {  	_ =	swait.ge [sflag:s5], $0x4000  }
0xcd: {  	[sflag:s5] =	ssyncset.done $0x0  }
0xce: {  	[sflag:s5] =	ssyncadd.s32 $0xFFFFC000  }
0xcf: {  	[tilespmem:s7], [sflag:$0x1] =	stream.linear.gather [hbm4b:s18+s3], $0x4000, $0x38;
	[tilespmem:$0x18800] =	vst v63  }
0xd0: {  	_ =	swait.ge [sflag:s5], $0x4000  }
0xd1: {  	[sflag:s5] =	ssyncset.done $0x0  }
0xd2: {  	[sflag:s5] =	ssyncadd.s32 $0xFFFFC000  }
0xd3: {  	[spmem:s2] =	stream.indirect.scatter.add.f32 [tilespmem:s7], [sflag:$0x1], $0x80, s19, s8, $0xb8;
	[tilespmem:$0x18800] =	vst v63  }
0xd4: {  	_ =	swait.ge [sflag:s5], $0x4000  }
0xd5: {  	[sflag:s5] =	ssyncset.done $0x0  }
0xd6: {  	[sflag:s5] =	ssyncadd.s32 $0xFFFFC000  }
0xd7: {  	[tilespmem:s7], [sflag:$0x1] =	stream.linear.gather [hbm4b:s20+s3], $0x4000, $0x38;
	[tilespmem:$0x18800] =	vst v63  }
0xd8: {  	_ =	swait.ge [sflag:s5], $0x4000  }
0xd9: {  	[sflag:s5] =	ssyncset.done $0x0  }
0xda: {  	[sflag:s5] =	ssyncadd.s32 $0xFFFFC000  }
0xdb: {  	[spmem:s2] =	stream.indirect.scatter.add.f32 [tilespmem:s7], [sflag:$0x1], $0x80, s21, s8, $0xb8;
	[tilespmem:$0x18800] =	vst v63  }
0xdc: {  	_ =	swait.ge [sflag:s5], $0x4000  }
0xdd: {  	[sflag:s5] =	ssyncset.done $0x0  }
0xde: {  	[sflag:s5] =	ssyncadd.s32 $0xFFFFC000  }
0xdf: {  	[tilespmem:s7], [sflag:$0x1] =	stream.linear.gather [hbm4b:s22+s3], $0x4000, $0x38;
	[tilespmem:$0x18800] =	vst v63  }
0xe0: {  	_ =	swait.ge [sflag:s5], $0x4000  }
0xe1: {  	[sflag:s5] =	ssyncset.done $0x0  }
0xe2: {  	[sflag:s5] =	ssyncadd.s32 $0xFFFFC000  }
0xe3: {  	[spmem:s2] =	stream.indirect.scatter.add.f32 [tilespmem:s7], [sflag:$0x1], $0x80, s23, s8, $0xb8;
	[tilespmem:$0x18800] =	vst v63  }
0xe4: {  	_ =	swait.ge [sflag:s5], $0x4000  }
0xe5: {  	[sflag:s5] =	ssyncset.done $0x0  }
0xe6: {  	[sflag:s5] =	ssyncadd.s32 $0xFFFFC000  }
0xe7: {  	[tilespmem:s7], [sflag:$0x1] =	stream.linear.gather [hbm4b:s24+s3], $0x4000, $0x38;
	[tilespmem:$0x18800] =	vst v63  }
0xe8: {  	_ =	swait.ge [sflag:s5], $0x4000  }
0xe9: {  	[sflag:s5] =	ssyncset.done $0x0  }
0xea: {  	[sflag:s5] =	ssyncadd.s32 $0xFFFFC000  }
0xeb: {  	[spmem:s2] =	stream.indirect.scatter.add.f32 [tilespmem:s7], [sflag:$0x1], $0x80, s25, s8, $0xb8;
	[tilespmem:$0x18800] =	vst v63  }
0xec: {  	_ =	swait.ge [sflag:s5], $0x4000  }
0xed: {  	[sflag:s5] =	ssyncset.done $0x0  }
0xee: {  	[sflag:s5] =	ssyncadd.s32 $0xFFFFC000  }
0xef: {  	[tilespmem:s7], [sflag:$0x1] =	stream.linear.gather [hbm4b:s26+s3], $0x4000, $0x38;
	[tilespmem:$0x18800] =	vst v63  }
0xf0: {  	_ =	swait.ge [sflag:s5], $0x4000  }
0xf1: {  	[sflag:s5] =	ssyncset.done $0x0  }
0xf2: {  	[sflag:s5] =	ssyncadd.s32 $0xFFFFC000  }
0xf3: {  	[spmem:s2] =	stream.indirect.scatter.add.f32 [tilespmem:s7], [sflag:$0x1], $0x80, s28, s8, $0xb8;
	[tilespmem:$0x18800] =	vst v63  }
0xf4: {  	_ =	swait.ge [sflag:s5], $0x4000  }
0xf5: {  	[sflag:s5] =	ssyncset.done $0x0  }
0xf6: {  	[sflag:s5] =	ssyncadd.s32 $0xFFFFC000  }
0xf7: {  	[tilespmem:s7], [sflag:$0x1] =	stream.linear.gather [hbm4b:s29+s3], $0x4000, $0x38;
	[tilespmem:$0x18800] =	vst v63  }
0xf8: {  	_ =	swait.ge [sflag:s5], $0x4000  }
0xf9: {  	[sflag:s5] =	ssyncset.done $0x0  }
0xfa: {  	[sflag:s5] =	ssyncadd.s32 $0xFFFFC000  }
0xfb: {  	[spmem:s2] =	stream.indirect.scatter.add.f32 [tilespmem:s7], [sflag:$0x1], $0x80, s30, s8, $0xb8;
	[tilespmem:$0x18800] =	vst v63  }
0xfc: {  	p0 =	sne.s32 s0, $0x1;
	_ =	swait.ge [sflag:s5], $0x4000  }
.Ltmp1:
0xfd: {  	[sflag:s5] =	ssyncset.done $0x0;
	(pc) =	sbr.rel @p0 .LBB2_1-.Ltmp1, $4  }
0xfe: {  	[sflag:s5] =	ssyncadd.s32 $0xFFFFC000  }
0xff: {  	[bflag:$0x0] =	sbarrier.arrive $0xFFFF  }
0x100: {  	[hbm:s31], [sflag:s4] =	dma.local [spmem:s6], $0x2800  }
0x101: {  	s0 =	sadd.s32 $0xFFFFFFFF, s0;
	_ =	swait.ge [sflag:s5], $0x2800  }
.LBB2_2:
0x102: {  	[sflag:s5] =	ssyncset.done $0x0  }
0x103: {  	[sflag:s5] =	ssyncadd.s32 $0xFFFFD800  }
0x104: {  	_ =	sfence.sel $0x180000  }
0x105: {  	[bflag:$0x0] =	sbarrier.arrive $0xFFFF  }
0x106: {  	_ =	strace $0x9000004A  }
0x107: {  	s0 =	stileid.u32;
	[bflag:$0x2] =	sbarrier.arrive $0xFFFF  }
0x108: {  	p0 =	sne.s32 s0, $0x0;
	s0 =	rddreg [dreg:$0x2]  }
0x109: {  	s0 =	sadd.s32 @!p0 $0x100000, s0  }
0x10a: {  	[sflag:s0] =	ssyncadd.tile.s32 @!p0 $0x1;
	_ =	shalt  }
.Lfunc_end2:
_tile_overlayer_lowered:
.L_overlay_start_2:
0x10b: {  	(tag) =	ssettag $0x2  }
0x10c: {  	s0 =	rddreg [dreg:$0x0];
	s2 =	stileid.u32  }
0x10d: {  	s1 =	rddreg [dreg:$0x1];
	p0 =	sne.s32 s2, $0x0  }
0x10e: {  	s3 =	rddreg [dreg:$0x2];
	[bflag:$0x3] =	sbarrier.arrive $0xFFFF;
	s2 =	simm.s32 @!p0 $0x1C01  }
0x10f: {  	[timem:s3], [sflag:s2] =	dma.local @!p0 [hbm:s0], s1  }
0x110: {  	s0 =	simm.s32 @!p0 $0x1  }
0x111: {  	_ =	swait.ge @!p0 [sflag:s0], s1  }
0x112: {  	s1 =	ssub.s32 @!p0 $0x0, s1;
	[sflag:s0] =	ssyncset.done @!p0 $0x0  }
0x113: {  	[sflag:s0] =	ssyncadd.s32 @!p0 s1  }
0x114: {  	[bflag:$0x3] =	sbarrier.arrive $0xFFFF  }
0x115: {  	_ =	shalt  }

// kernel: sc_scatter.7.cloned.1.call-start
scs
__scs_entry_jumppad:
0x0: {  	(pc) =	sbr.rel $0x88, $3  }
0x1: {  	(tag) =	ssettag $0x0;
	lr =	simm.s32 $0x1  }
0x2: {  	[smem:$0x3F86] =	sst lr;
	_ =	strace $0xD0000000  }
0x3: {  	_ = 	snop  }
0x4: {  	_ = 	snop  }
0x5: {  	_ = 	snop  }
0x6: {  	_ = 	snop  }
0x7: {  	_ = 	snop  }
__scs_overlays_trampoline_lowered:
0x8: {  	[smem:$0x3F95] =	sst s0  }
0x9: {  	[smem:$0x3F96] =	sst s1  }
0xa: {  	[smem:$0x3F97] =	sst s2  }
0xb: {  	[smem:$0x3F98] =	sst s3  }
0xc: {  	[smem:$0x3F99] =	sst s4  }
0xd: {  	[smem:$0x3F9A] =	sst s5  }
0xe: {  	[smem:$0x3F9B] =	sst s6  }
0xf: {  	[smem:$0x3F9C] =	sst s7  }
0x10: {  	[smem:$0x3F9D] =	sst s8  }
0x11: {  	[smem:$0x3F9E] =	sst s9;
	s0 =	simm.s32 @!p0 $0x0  }
0x12: {  	s1 =	sld [smem:$0x3F84];
	s0 =	simm.s32 @p0 $0x1  }
0x13: {  	[smem:$0x3F9F] =	sst s0;
	s0 =	simm.s32 @!p1 $0x0  }
0x14: {  	s2 =	sld [smem:$0x3F83];
	s0 =	simm.s32 @p1 $0x1  }
0x15: {  	[smem:$0x3FA0] =	sst s0;
	s0 =	simm.s32 @!p2 $0x0  }
0x16: {  	s3 =	sld [smem:$0x3FDB];
	s0 =	simm.s32 @p2 $0x1  }
0x17: {  	s4 =	simm.s32 $0x1BF5;
	[smem:$0x3FA2] =	sst s0  }
0x18: {  	s0 =	sld [smem:$0x3F85];
	_ =	swait.ge [sflag:s4], $0x0  }
0x19: {  	s7 =	sld [smem:$0x3F86]  }
0x1a: {  	s8 =	sadd.s32 $0xFFFFE003, lr  }
0x1b: {  	s9 =	sadd.s32 $0xFFFFFEF7, lr;
	s5 =	simm.s32 $0xFFFFFFFF;
	p2 =	slt.u32 s8, $0xFFFFF086  }
0x1c: {  	p1 =	slt.u32 s9, $0xF7A;
	s5 =	simm.s32 @!p2 $0x0  }
0x1d: {  	s5 =	simm.s32 @p1 $0x1;
	p0 =	seq.s32 s7, s2  }
0x1e: {  	s7 =	smul.u32 @!p0 $0xF7A, s2;
	p2 =	seq.s32 @!p0 s5, $0x0  }
0x1f: {  	s9 =	smul.u32 $0xF7A, s1;
	s8 =	simm.s32 @!p0 $0x1BF5;
	p2 =	por !p2, p0  }
0x20: {  	[sflag:s8] =	ssyncset.s32 @!p0 $0xFFFFF086;
	s6 =	sadd.s32 @!p0 s3, s7;
	s7 =	simm.s32 @!p0 $0x108  }
0x21: {  	s3 =	sadd.s32 s3, s9;
	s6 =	sadd.s32 @!p0 $0x88, s6;
	s7 =	simm.s32 @p2 $0x1082  }
0x22: {  	[simem:s7], [sflag:s8] =	dma.local @!p0 [hbm:s6], $0xF7A  }
0x23: {  	s9 =	sor.u32 $0xD0000000, s2;
	s6 =	simm.s32 $0x108;
	_ =	swait.ge @!p0 [sflag:s8], $0x0  }
0x24: {  	s3 =	sadd.s32 $0x88, s3;
	s6 =	simm.s32 @!p1 $0x1082;
	[sflag:s4] =	ssyncset.s32 $0xFFFFF086  }
0x25: {  	[simem:s6], [sflag:s4] =	dma.local [hbm:s3], $0xF7A  }
0x26: {  	[smem:$0x3F86] =	sst s1;
	(tag) =	ssettag s2;
	_ =	strace s9  }
0x27: {  	s1 =	sld [smem:$0x3F96]  }
0x28: {  	s2 =	sld [smem:$0x3F97]  }
0x29: {  	s4 =	sld [smem:$0x3F99]  }
0x2a: {  	p0 =	seq.s32 s5, $0x0;
	s5 =	sld [smem:$0x3F9A]  }
0x2b: {  	s6 =	sld [smem:$0x3F9B]  }
0x2c: {  	s7 =	sld [smem:$0x3F9C]  }
0x2d: {  	s3 =	simm.s32 $0x108;
	s8 =	sld [smem:$0x3F9D]  }
0x2e: {  	s3 =	simm.s32 @!p0 $0x1082;
	s9 =	sld [smem:$0x3F9E]  }
0x2f: {  	lr =	sadd.s32 s0, s3;
	s0 =	sld [smem:$0x3F95]  }
0x30: {  	s3 =	sld [smem:$0x3F98]  }
0x31: {  	[smem:$0x3FA1] =	sst s10  }
0x32: {  	s10 =	sld [smem:$0x3F9F];
	_ =	sdelay $0x3  }
0x33: {  	p0 =	seq.s32 s10, $0x1;
	s10 =	sld [smem:$0x3FA1];
	_ =	sdelay $0x3  }
0x34: {  	[smem:$0x3FA1] =	sst s10  }
0x35: {  	s10 =	sld [smem:$0x3FA0];
	_ =	sdelay $0x3  }
0x36: {  	p1 =	seq.s32 s10, $0x1;
	s10 =	sld [smem:$0x3FA1];
	_ =	sdelay $0x3  }
0x37: {  	[smem:$0x3FA1] =	sst s10  }
0x38: {  	s10 =	sld [smem:$0x3FA2]  }
0x39: {  	_ = 	snop;
	(pc) =	sbr.ind lr, $3  }
0x3a: {  	_ = 	snop  }
0x3b: {  	_ = 	snop  }
0x3c: {  	p2 =	seq.s32 s10, $0x1;
	s10 =	sld [smem:$0x3FA1]  }
0x3d: {  	_ =	shalt  }
0x3e: {  	_ =	shalt  }
0x3f: {  	_ =	shalt  }
0x40: {  	_ =	shalt  }
0x41: {  	_ =	shalt  }
0x42: {  	_ =	shalt  }
0x43: {  	_ =	shalt  }
0x44: {  	_ =	shalt  }
0x45: {  	_ =	shalt  }
0x46: {  	_ =	shalt  }
0x47: {  	_ =	shalt  }
0x48: {  	_ =	shalt  }
0x49: {  	_ =	shalt  }
0x4a: {  	_ =	shalt  }
0x4b: {  	_ =	shalt  }
0x4c: {  	_ =	shalt  }
0x4d: {  	_ =	shalt  }
0x4e: {  	_ =	shalt  }
0x4f: {  	_ =	shalt  }
0x50: {  	_ =	shalt  }
0x51: {  	_ =	shalt  }
0x52: {  	_ =	shalt  }
0x53: {  	_ =	shalt  }
0x54: {  	_ =	shalt  }
0x55: {  	_ =	shalt  }
0x56: {  	_ =	shalt  }
0x57: {  	_ =	shalt  }
0x58: {  	_ =	shalt  }
0x59: {  	_ =	shalt  }
0x5a: {  	_ =	shalt  }
0x5b: {  	_ =	shalt  }
0x5c: {  	_ =	shalt  }
0x5d: {  	_ =	shalt  }
0x5e: {  	_ =	shalt  }
0x5f: {  	_ =	shalt  }
0x60: {  	_ =	shalt  }
0x61: {  	_ =	shalt  }
0x62: {  	_ =	shalt  }
0x63: {  	_ =	shalt  }
0x64: {  	_ =	shalt  }
0x65: {  	_ =	shalt  }
0x66: {  	_ =	shalt  }
0x67: {  	_ =	shalt  }
0x68: {  	_ =	shalt  }
0x69: {  	_ =	shalt  }
0x6a: {  	_ =	shalt  }
0x6b: {  	_ =	shalt  }
0x6c: {  	_ =	shalt  }
0x6d: {  	_ =	shalt  }
0x6e: {  	_ =	shalt  }
0x6f: {  	_ =	shalt  }
0x70: {  	_ =	shalt  }
0x71: {  	_ =	shalt  }
0x72: {  	_ =	shalt  }
0x73: {  	_ =	shalt  }
0x74: {  	_ =	shalt  }
0x75: {  	_ =	shalt  }
0x76: {  	_ =	shalt  }
0x77: {  	_ =	shalt  }
0x78: {  	_ =	shalt  }
0x79: {  	_ =	shalt  }
0x7a: {  	_ =	shalt  }
0x7b: {  	_ =	shalt  }
0x7c: {  	_ =	shalt  }
0x7d: {  	_ =	shalt  }
0x7e: {  	_ =	shalt  }
0x7f: {  	_ =	shalt  }
0x80: {  	_ =	shalt  }
0x81: {  	_ =	shalt  }
0x82: {  	_ =	shalt  }
0x83: {  	_ =	shalt  }
0x84: {  	_ =	shalt  }
0x85: {  	_ =	shalt  }
0x86: {  	_ =	shalt  }
0x87: {  	_ =	shalt  }
.Lfunc_end0:
.L_simem_size_0:
called_computation.3_lowered:
.L_overlay_start_0:
0x88: {  	s2 =	sld [smem:$0x3FD9]  }
0x89: {  	s3 =	sld [smem:$0x3FFE];
	_ =	sdelay $0x1  }
0x8a: {  	s1 =	srdreg.scid  }
0x8b: {  	s0 =	sand.u32 $0x1, s1  }
0x8c: {  	s16 =	sshll.u32 s0, $0xA;
	s2 =	sadd.s32 s3, s2  }
0x8d: {  	s2 =	sadd.s32 s2, s16  }
0x8e: {  	[smem:$0x3FAD] =	sst s2  }
0x8f: {  	_ = 	snop  }
0x90: {  	(tm) =	ssettm $0x1  }
0x91: {  	s17 =	sld [smem:$0x3FFB];
	_ =	sdelay $0x3  }
0x92: {  	_ =	strace s17  }
0x93: {  	s2 =	sld [smem:$0x3FFC];
	_ =	sdelay $0x3  }
0x94: {  	_ =	strace s2  }
0x95: {  	s2 =	sld [smem:$0x3FFD];
	_ =	sdelay $0x3  }
0x96: {  	_ =	strace s2  }
0x97: {  	_ =	strace $0x8FFFFFFF  }
0x98: {  	s18 =	sld [smem:$0x3FDB];
	_ =	sdelay $0x1  }
0x99: {  	s19 =	simm.s32 $_scs_section_size  }
0x9a: {  	s4 =	simm.s32 $_size__tile_overlayer_lowered;
	s5 =	simm.s32 $_tile_overlayer_lowered  }
0x9b: {  	s22 =	simm.s32 $0x1BFF;
	s21 =	sshll.u32 s5, $0x1;
	s2 =	sadd.s32 s19, s18  }
0x9c: {  	s6 =	simm.s32 $0x0;
	s20 =	sshll.u32 s4, $0x1;
	s4 =	sadd.s32 s21, s2  }
0x9d: {  	[timem:s6], [sflag:s22] =	dma.local [hbm:s4], s20  }
0x9e: {  	_ =	swait.ge [sflag:s22], s20  }
0x9f: {  	s3 =	ssub.s32 $0x0, s20;
	[sflag:s22] =	ssyncset.done $0x0  }
0xa0: {  	[sflag:s22] =	ssyncadd.s32 s3;
	_ =	sdelay $0x1  }
0xa1: {  	s23 =	simm.s32 $0x1B8B  }
0xa2: {  	_ =	swait.ge [sflag:s23], $0x1  }
0xa3: {  	[sflag:s23] =	ssyncset.done $0x0  }
0xa4: {  	s25 =	simm.s32 $0x1B8E;
	s24 =	sld [smem:$0x3FFE];
	[sflag:s23] =	ssyncadd.s32 $0xFFFFFFFF  }
0xa5: {  	s26 =	simm.s32 $execute0_lowered;
	[smem:$0x3FD2] =	sst s25  }
0xa6: {  	s4 =	sshll.u32 s26, $0x1;
	_ =	strace $0x8000004F;
	[dreg:$0x1] =	wrdreg $0xFFFFFFFF  }
0xa7: {  	s28 =	simm.s32 $_size_execute0_lowered;
	s2 =	sadd.s32 s2, s4;
	[dreg:$0x0] =	wrdreg $0x0  }
0xa8: {  	s4 =	sshll.u32 s28, $0x1;
	[dreg:$0x2] =	wrdreg s2  }
0xa9: {  	[dreg:$0x3] =	wrdreg s4  }
0xaa: {  	[dreg:$0x4] =	wrdreg $0xC0  }
0xab: {  	_ =	task [dreg:s6], $0x5FFFF  }
0xac: {  	[dreg:$0x1] =	wrdreg $0xFFFFFFFF  }
0xad: {  	[dreg:$0x0] =	wrdreg $0x60  }
0xae: {  	[dreg:$0x2] =	wrdreg s24  }
0xaf: {  	[dreg:$0x3] =	wrdreg $0x48000  }
0xb0: {  	[dreg:$0x4] =	wrdreg $0x9  }
0xb1: {  	_ =	task.clear_ibuf [dreg:s6], $0x5FFFF;
	_ =	strace $0x9000004F  }
0xb2: {  	s29 =	simm.s32 $0x9;
	_ =	strace $0x80000051  }
0xb3: {  	_ =	swait.ge [sflag:s29], $0x1  }
0xb4: {  	[sflag:s29] =	ssyncadd.s32 $0xFFFFFFFF  }
0xb5: {  	_ =	strace $0x90000051  }
0xb6: {  	_ =	sfence  }
0xb7: {  	s30 =	sld [smem:$0x0];
	_ =	sdelay $0x2  }
0xb8: {  	s31 =	sshll.u32 s1, $0xD;
	s1 =	sshrl.u32 s1, $0x2  }
0xb9: {  	s3 =	sand.u32 $0x4000, s31;
	s1 =	sadd.s32 s1, s30  }
0xba: {  	s0 =	sor.u32 s3, s0;
	s1 =	sshll.u32 s1, $0x11  }
0xbb: {  	s0 =	sor.u32 s1, s0  }
0xbc: {  	s0 =	sadd.s32 $0x8F2B, s0  }
0xbd: {  	[sflag:s0] =	ssyncadd.remote.s32 $0x1  }
0xbe: {  	_ =	sfence.sel $0xFFFF  }
0xbf: {  	[dreg:$0x0] =	wrdreg $0xFFFFFFFF;
	(pc) =	sbr.abs _section_cstart, $3  }
0xc0: {  	[dreg:$0x1] =	wrdreg $0xFFFFFFFF  }
0xc1: {  	_ =	task.clear_ibuf [dreg:s6], $0x2FFFF;
	_ =	strace $0x9FFFFFFF  }
0xc2: {  	(tm) =	ssettm $0x7FFFFFFF  }
0xc3: {  	_ =	shalt  }
tec
execute0_lowered:
.L_overlay_start_1:
0x0: {  	(tag) =	ssettag $0x1  }
0x1: {  	s10 =	rddreg [dreg:$0x0]  }
0x2: {  	s2 =	rddreg [dreg:$0x1]  }
0x3: {  	s3 =	simm.s32 $0x0;
	s1 =	srdreg.scid;
	s0 =	stileid.u32  }
0x4: {  	[smem:$0x7FF] =	sst s3;
	s31 =	sand.u32 $0x1, s1;
	s1 =	smul.u32 $0x14000, s0  }
0x5: {  	s4 =	sadd.s32 $0x29F200, s10;
	s7 =	smul.u32 $0x50000, s0;
	s5 =	sshll.u32 s31, $0x4  }
0x6: {  	s21 =	sshll.u32 s0, $0x6;
	s5 =	sor.u32 s0, s5;
	s6 =	sshrl.u32 s1, $0x3  }
0x7: {  	s8 =	sshll.u32 s5, $0x8;
	s6 =	sadd.s32 s6, s10;
	s9 =	smul.u32 $0x6800, s5  }
0x8: {  	s5 =	smul.u32 $0x34000, s5;
	s8 =	sadd.s32 s8, s10;
	s6 =	sadd.s32 $0x2D200, s6  }
0x9: {  	_ =	strace $0x80000050;
	[dreg:$0x3] =	wrdreg s6;
	s19 =	sadd.s32 $0x1CD200, s8  }
0xa: {  	s20 =	sadd.s32 s4, s9;
	s5 =	sshrl.u32 s5, $0x3;
	[dreg:$0x4] =	wrdreg s19  }
0xb: {  	s7 =	sshrl.u32 s7, $0x2;
	[dreg:$0x5] =	wrdreg s20;
	s29 =	sadd.s32 s4, s5  }
0xc: {  	s7 =	sadd.s32 s7, s2;
	s22 =	rddreg [dreg:$0x3];
	s5 =	sadd.s32 $0x800, s29  }
0xd: {  	s6 =	sshrl.u32 s7, $0x3;
	s23 =	sadd.s32 $0x1000, s29;
	[dreg:$0x6] =	wrdreg s5  }
0xe: {  	s4 =	sor.u32 $0x1C01, s21;
	[dreg:$0x7] =	wrdreg s23;
	s5 =	simm.s32 $0x1  }
0xf: {  	[spmem:s6], [sflag:s4] =	dma.local [hbm:s22], $0x2800  }
0x10: {  	_ =	swait.ge [sflag:s5], $0x2800  }
0x11: {  	[sflag:s5] =	ssyncset.done $0x0  }
0x12: {  	s24 =	rddreg [dreg:$0x4];
	[sflag:s5] =	ssyncadd.s32 $0xFFFFD800  }
0x13: {  	[tilespmem:s3], [sflag:$0x1] =	stream.linear.gather [hbm4b:s24+s3], $0x680, $0x38;
	[tilespmem:$0x18800] =	vst v63  }
0x14: {  	_ =	swait.ge [sflag:s5], $0x680  }
0x15: {  	[sflag:s5] =	ssyncset.done $0x0  }
0x16: {  	[sflag:s5] =	ssyncadd.s32 $0xFFFFF980  }
0x17: {  	[bflag:$0x0] =	sbarrier.arrive $0xFFFF  }
0x18: {  	s7 =	simm.s32 $0x800;
	s25 =	rddreg [dreg:$0x5]  }
0x19: {  	[tilespmem:s7], [sflag:$0x1] =	stream.linear.gather [hbm4b:s25+s3], $0x4000, $0x38;
	[tilespmem:$0x18800] =	vst v63  }
0x1a: {  	_ =	swait.ge [sflag:s5], $0x4000  }
0x1b: {  	[sflag:s5] =	ssyncset.done $0x0  }
0x1c: {  	s8 =	simm.s32 $0x80;
	[sflag:s5] =	ssyncadd.s32 $0xFFFFC000  }
0x1d: {  	[spmem:s2] =	stream.indirect.scatter.add.f32 [tilespmem:s7], [sflag:$0x1], $0x80, s3, s8, $0xb8;
	[tilespmem:$0x18800] =	vst v63  }
0x1e: {  	_ =	swait.ge [sflag:s5], $0x4000  }
0x1f: {  	[sflag:s5] =	ssyncset.done $0x0  }
0x20: {  	s26 =	rddreg [dreg:$0x6];
	[sflag:s5] =	ssyncadd.s32 $0xFFFFC000  }
0x21: {  	[tilespmem:s7], [sflag:$0x1] =	stream.linear.gather [hbm4b:s26+s3], $0x4000, $0x38;
	[tilespmem:$0x18800] =	vst v63  }
0x22: {  	_ =	swait.ge [sflag:s5], $0x4000  }
0x23: {  	[sflag:s5] =	ssyncset.done $0x0  }
0x24: {  	[sflag:s5] =	ssyncadd.s32 $0xFFFFC000  }
0x25: {  	[spmem:s2] =	stream.indirect.scatter.add.f32 [tilespmem:s7], [sflag:$0x1], $0x80, s8, s8, $0xb8;
	[tilespmem:$0x18800] =	vst v63  }
0x26: {  	_ =	swait.ge [sflag:s5], $0x4000  }
0x27: {  	[sflag:s5] =	ssyncset.done $0x0  }
0x28: {  	s0 =	rddreg [dreg:$0x7];
	[sflag:s5] =	ssyncadd.s32 $0xFFFFC000  }
0x29: {  	[tilespmem:s7], [sflag:$0x1] =	stream.linear.gather [hbm4b:s0+s3], $0x4000, $0x38;
	[tilespmem:$0x18800] =	vst v63  }
0x2a: {  	_ =	swait.ge [sflag:s5], $0x4000  }
0x2b: {  	[sflag:s5] =	ssyncset.done $0x0  }
0x2c: {  	s9 =	simm.s32 $0x100;
	[sflag:s5] =	ssyncadd.s32 $0xFFFFC000  }
0x2d: {  	[spmem:s2] =	stream.indirect.scatter.add.f32 [tilespmem:s7], [sflag:$0x1], $0x80, s9, s8, $0xb8;
	[tilespmem:$0x18800] =	vst v63  }
0x2e: {  	_ =	swait.ge [sflag:s5], $0x4000  }
0x2f: {  	[sflag:s5] =	ssyncset.done $0x0  }
0x30: {  	s10 =	sadd.s32 $0x1800, s29;
	[sflag:s5] =	ssyncadd.s32 $0xFFFFC000  }
0x31: {  	[tilespmem:s7], [sflag:$0x1] =	stream.linear.gather [hbm4b:s10+s3], $0x4000, $0x38;
	[tilespmem:$0x18800] =	vst v63  }
0x32: {  	_ =	swait.ge [sflag:s5], $0x4000  }
0x33: {  	[sflag:s5] =	ssyncset.done $0x0  }
0x34: {  	s11 =	simm.s32 $0x180;
	[sflag:s5] =	ssyncadd.s32 $0xFFFFC000  }
0x35: {  	[spmem:s2] =	stream.indirect.scatter.add.f32 [tilespmem:s7], [sflag:$0x1], $0x80, s11, s8, $0xb8;
	[tilespmem:$0x18800] =	vst v63  }
0x36: {  	_ =	swait.ge [sflag:s5], $0x4000  }
0x37: {  	[sflag:s5] =	ssyncset.done $0x0  }
0x38: {  	s12 =	sadd.s32 $0x2000, s29;
	[sflag:s5] =	ssyncadd.s32 $0xFFFFC000  }
0x39: {  	[tilespmem:s7], [sflag:$0x1] =	stream.linear.gather [hbm4b:s12+s3], $0x4000, $0x38;
	[tilespmem:$0x18800] =	vst v63  }
0x3a: {  	_ =	swait.ge [sflag:s5], $0x4000  }
0x3b: {  	[sflag:s5] =	ssyncset.done $0x0  }
0x3c: {  	s13 =	simm.s32 $0x200;
	[sflag:s5] =	ssyncadd.s32 $0xFFFFC000  }
0x3d: {  	[spmem:s2] =	stream.indirect.scatter.add.f32 [tilespmem:s7], [sflag:$0x1], $0x80, s13, s8, $0xb8;
	[tilespmem:$0x18800] =	vst v63  }
0x3e: {  	_ =	swait.ge [sflag:s5], $0x4000  }
0x3f: {  	[sflag:s5] =	ssyncset.done $0x0  }
0x40: {  	s14 =	sadd.s32 $0x2800, s29;
	[sflag:s5] =	ssyncadd.s32 $0xFFFFC000  }
0x41: {  	[tilespmem:s7], [sflag:$0x1] =	stream.linear.gather [hbm4b:s14+s3], $0x4000, $0x38;
	[tilespmem:$0x18800] =	vst v63  }
0x42: {  	_ =	swait.ge [sflag:s5], $0x4000  }
0x43: {  	[sflag:s5] =	ssyncset.done $0x0  }
0x44: {  	s15 =	simm.s32 $0x280;
	[sflag:s5] =	ssyncadd.s32 $0xFFFFC000  }
0x45: {  	[spmem:s2] =	stream.indirect.scatter.add.f32 [tilespmem:s7], [sflag:$0x1], $0x80, s15, s8, $0xb8;
	[tilespmem:$0x18800] =	vst v63  }
0x46: {  	_ =	swait.ge [sflag:s5], $0x4000  }
0x47: {  	[sflag:s5] =	ssyncset.done $0x0  }
0x48: {  	s16 =	sadd.s32 $0x3000, s29;
	[sflag:s5] =	ssyncadd.s32 $0xFFFFC000  }
0x49: {  	[tilespmem:s7], [sflag:$0x1] =	stream.linear.gather [hbm4b:s16+s3], $0x4000, $0x38;
	[tilespmem:$0x18800] =	vst v63  }
0x4a: {  	_ =	swait.ge [sflag:s5], $0x4000  }
0x4b: {  	[sflag:s5] =	ssyncset.done $0x0  }
0x4c: {  	s17 =	simm.s32 $0x300;
	[sflag:s5] =	ssyncadd.s32 $0xFFFFC000  }
0x4d: {  	[spmem:s2] =	stream.indirect.scatter.add.f32 [tilespmem:s7], [sflag:$0x1], $0x80, s17, s8, $0xb8;
	[tilespmem:$0x18800] =	vst v63  }
0x4e: {  	_ =	swait.ge [sflag:s5], $0x4000  }
0x4f: {  	[sflag:s5] =	ssyncset.done $0x0  }
0x50: {  	s18 =	sadd.s32 $0x3800, s29;
	[sflag:s5] =	ssyncadd.s32 $0xFFFFC000  }
0x51: {  	[tilespmem:s7], [sflag:$0x1] =	stream.linear.gather [hbm4b:s18+s3], $0x4000, $0x38;
	[tilespmem:$0x18800] =	vst v63  }
0x52: {  	_ =	swait.ge [sflag:s5], $0x4000  }
0x53: {  	[sflag:s5] =	ssyncset.done $0x0  }
0x54: {  	s19 =	simm.s32 $0x380;
	[sflag:s5] =	ssyncadd.s32 $0xFFFFC000  }
0x55: {  	[spmem:s2] =	stream.indirect.scatter.add.f32 [tilespmem:s7], [sflag:$0x1], $0x80, s19, s8, $0xb8;
	[tilespmem:$0x18800] =	vst v63  }
0x56: {  	_ =	swait.ge [sflag:s5], $0x4000  }
0x57: {  	[sflag:s5] =	ssyncset.done $0x0  }
0x58: {  	s20 =	sadd.s32 $0x4000, s29;
	[sflag:s5] =	ssyncadd.s32 $0xFFFFC000  }
0x59: {  	[tilespmem:s7], [sflag:$0x1] =	stream.linear.gather [hbm4b:s20+s3], $0x4000, $0x38;
	[tilespmem:$0x18800] =	vst v63  }
0x5a: {  	_ =	swait.ge [sflag:s5], $0x4000  }
0x5b: {  	[sflag:s5] =	ssyncset.done $0x0  }
0x5c: {  	s21 =	simm.s32 $0x400;
	[sflag:s5] =	ssyncadd.s32 $0xFFFFC000  }
0x5d: {  	[spmem:s2] =	stream.indirect.scatter.add.f32 [tilespmem:s7], [sflag:$0x1], $0x80, s21, s8, $0xb8;
	[tilespmem:$0x18800] =	vst v63  }
0x5e: {  	_ =	swait.ge [sflag:s5], $0x4000  }
0x5f: {  	[sflag:s5] =	ssyncset.done $0x0  }
0x60: {  	s22 =	sadd.s32 $0x4800, s29;
	[sflag:s5] =	ssyncadd.s32 $0xFFFFC000  }
0x61: {  	[tilespmem:s7], [sflag:$0x1] =	stream.linear.gather [hbm4b:s22+s3], $0x4000, $0x38;
	[tilespmem:$0x18800] =	vst v63  }
0x62: {  	_ =	swait.ge [sflag:s5], $0x4000  }
0x63: {  	[sflag:s5] =	ssyncset.done $0x0  }
0x64: {  	s23 =	simm.s32 $0x480;
	[sflag:s5] =	ssyncadd.s32 $0xFFFFC000  }
0x65: {  	[spmem:s2] =	stream.indirect.scatter.add.f32 [tilespmem:s7], [sflag:$0x1], $0x80, s23, s8, $0xb8;
	[tilespmem:$0x18800] =	vst v63  }
0x66: {  	_ =	swait.ge [sflag:s5], $0x4000  }
0x67: {  	[sflag:s5] =	ssyncset.done $0x0  }
0x68: {  	s24 =	sadd.s32 $0x5000, s29;
	[sflag:s5] =	ssyncadd.s32 $0xFFFFC000  }
0x69: {  	[tilespmem:s7], [sflag:$0x1] =	stream.linear.gather [hbm4b:s24+s3], $0x4000, $0x38;
	[tilespmem:$0x18800] =	vst v63  }
0x6a: {  	_ =	swait.ge [sflag:s5], $0x4000  }
0x6b: {  	[sflag:s5] =	ssyncset.done $0x0  }
0x6c: {  	s25 =	simm.s32 $0x500;
	[sflag:s5] =	ssyncadd.s32 $0xFFFFC000  }
0x6d: {  	[spmem:s2] =	stream.indirect.scatter.add.f32 [tilespmem:s7], [sflag:$0x1], $0x80, s25, s8, $0xb8;
	[tilespmem:$0x18800] =	vst v63  }
0x6e: {  	_ =	swait.ge [sflag:s5], $0x4000  }
0x6f: {  	[sflag:s5] =	ssyncset.done $0x0  }
0x70: {  	s26 =	sadd.s32 $0x5800, s29;
	[sflag:s5] =	ssyncadd.s32 $0xFFFFC000  }
0x71: {  	[tilespmem:s7], [sflag:$0x1] =	stream.linear.gather [hbm4b:s26+s3], $0x4000, $0x38;
	[tilespmem:$0x18800] =	vst v63  }
0x72: {  	_ =	swait.ge [sflag:s5], $0x4000  }
0x73: {  	[sflag:s5] =	ssyncset.done $0x0  }
0x74: {  	s28 =	simm.s32 $0x580;
	[sflag:s5] =	ssyncadd.s32 $0xFFFFC000  }
0x75: {  	[spmem:s2] =	stream.indirect.scatter.add.f32 [tilespmem:s7], [sflag:$0x1], $0x80, s28, s8, $0xb8;
	[tilespmem:$0x18800] =	vst v63  }
0x76: {  	_ =	swait.ge [sflag:s5], $0x4000  }
0x77: {  	[sflag:s5] =	ssyncset.done $0x0  }
0x78: {  	s29 =	sadd.s32 $0x6000, s29;
	s0 =	smul.u32 $0x140000, s31;
	[sflag:s5] =	ssyncadd.s32 $0xFFFFC000  }
0x79: {  	[tilespmem:s7], [sflag:$0x1] =	stream.linear.gather [hbm4b:s29+s3], $0x4000, $0x38;
	[tilespmem:$0x18800] =	vst v63  }
0x7a: {  	_ =	swait.ge [sflag:s5], $0x4000  }
0x7b: {  	s30 =	simm.s32 $0x600;
	s0 =	sadd.s32 s1, s0;
	[sflag:s5] =	ssyncset.done $0x0  }
0x7c: {  	s1 =	ssub.s32 $0x2, s31;
	s0 =	sshrl.u32 s0, $0x3;
	[sflag:s5] =	ssyncadd.s32 $0xFFFFC000  }
0x7d: {  	[spmem:s2] =	stream.indirect.scatter.add.f32 [tilespmem:s7], [sflag:$0x1], $0x80, s30, s8, $0xb8;
	[tilespmem:$0x18800] =	vst v63  }
0x7e: {  	_ =	swait.ge [sflag:s5], $0x4000;
	[dreg:$0x8] =	wrdreg s0;
	s0 =	sshrl.u32 s1, $0x1  }
0x7f: {  	[dreg:$0x9] =	wrdreg s0  }
0x80: {  	[sflag:s5] =	ssyncset.done $0x0;
	s31 =	rddreg [dreg:$0x8]  }
0x81: {  	s0 =	rddreg [dreg:$0x0]  }
0x82: {  	s0 =	sadd.s32 s31, s0;
	s31 =	rddreg [dreg:$0x9]  }
0x83: {  	s1 =	ssub.s32 s1, s31  }
0x84: {  	s1 =	smax.u32 s1, $0x1  }
0x85: {  	p0 =	sne.s32 s1, $0x1  }
.Ltmp0:
0x86: {  	_ = 	snop;
	(pc) =	sbr.rel @!p0 .LBB2_2-.Ltmp0, $4  }
0x87: {  	[sflag:s5] =	ssyncadd.s32 $0xFFFFC000  }
0x88: {  	[bflag:$0x0] =	sbarrier.arrive $0xFFFF;
	s31 =	sadd.s32 $0x1CF200, s0  }
0x89: {  	[hbm:s31], [sflag:s4] =	dma.local [spmem:s6], $0x2800  }
0x8a: {  	s0 =	sadd.s32 $0xFFFFFFFF, s1;
	_ =	swait.ge [sflag:s5], $0x2800  }
.LBB2_1:
0x8b: {  	[sflag:s5] =	ssyncset.done $0x0  }
0x8c: {  	s1 =	rddreg [dreg:$0x3];
	[sflag:s5] =	ssyncadd.s32 $0xFFFFD800  }
0x8d: {  	[spmem:s6], [sflag:s4] =	dma.local [hbm:s1], $0x2800  }
0x8e: {  	_ =	swait.ge [sflag:s5], $0x2800  }
0x8f: {  	[sflag:s5] =	ssyncset.done $0x0  }
0x90: {  	s1 =	rddreg [dreg:$0x4];
	[sflag:s5] =	ssyncadd.s32 $0xFFFFD800  }
0x91: {  	[tilespmem:s3], [sflag:$0x1] =	stream.linear.gather [hbm4b:s1+s3], $0x680, $0x38;
	[tilespmem:$0x18800] =	vst v63  }
0x92: {  	_ =	swait.ge [sflag:s5], $0x680  }
0x93: {  	[sflag:s5] =	ssyncset.done $0x0  }
0x94: {  	[sflag:s5] =	ssyncadd.s32 $0xFFFFF980  }
0x95: {  	[bflag:$0x0] =	sbarrier.arrive $0xFFFF  }
0x96: {  	s1 =	rddreg [dreg:$0x5]  }
0x97: {  	[tilespmem:s7], [sflag:$0x1] =	stream.linear.gather [hbm4b:s1+s3], $0x4000, $0x38;
	[tilespmem:$0x18800] =	vst v63  }
0x98: {  	_ =	swait.ge [sflag:s5], $0x4000  }
0x99: {  	[sflag:s5] =	ssyncset.done $0x0  }
0x9a: {  	[sflag:s5] =	ssyncadd.s32 $0xFFFFC000  }
0x9b: {  	[spmem:s2] =	stream.indirect.scatter.add.f32 [tilespmem:s7], [sflag:$0x1], $0x80, s3, s8, $0xb8;
	[tilespmem:$0x18800] =	vst v63  }
0x9c: {  	_ =	swait.ge [sflag:s5], $0x4000  }
0x9d: {  	[sflag:s5] =	ssyncset.done $0x0  }
0x9e: {  	s1 =	rddreg [dreg:$0x6];
	[sflag:s5] =	ssyncadd.s32 $0xFFFFC000  }
0x9f: {  	[tilespmem:s7], [sflag:$0x1] =	stream.linear.gather [hbm4b:s1+s3], $0x4000, $0x38;
	[tilespmem:$0x18800] =	vst v63  }
0xa0: {  	_ =	swait.ge [sflag:s5], $0x4000  }
0xa1: {  	[sflag:s5] =	ssyncset.done $0x0  }
0xa2: {  	[sflag:s5] =	ssyncadd.s32 $0xFFFFC000  }
0xa3: {  	[spmem:s2] =	stream.indirect.scatter.add.f32 [tilespmem:s7], [sflag:$0x1], $0x80, s8, s8, $0xb8;
	[tilespmem:$0x18800] =	vst v63  }
0xa4: {  	_ =	swait.ge [sflag:s5], $0x4000  }
0xa5: {  	[sflag:s5] =	ssyncset.done $0x0  }
0xa6: {  	s1 =	rddreg [dreg:$0x7];
	[sflag:s5] =	ssyncadd.s32 $0xFFFFC000  }
0xa7: {  	[tilespmem:s7], [sflag:$0x1] =	stream.linear.gather [hbm4b:s1+s3], $0x4000, $0x38;
	[tilespmem:$0x18800] =	vst v63  }
0xa8: {  	_ =	swait.ge [sflag:s5], $0x4000  }
0xa9: {  	[sflag:s5] =	ssyncset.done $0x0  }
0xaa: {  	[sflag:s5] =	ssyncadd.s32 $0xFFFFC000  }
0xab: {  	[spmem:s2] =	stream.indirect.scatter.add.f32 [tilespmem:s7], [sflag:$0x1], $0x80, s9, s8, $0xb8;
	[tilespmem:$0x18800] =	vst v63  }
0xac: {  	_ =	swait.ge [sflag:s5], $0x4000  }
0xad: {  	[sflag:s5] =	ssyncset.done $0x0  }
0xae: {  	[sflag:s5] =	ssyncadd.s32 $0xFFFFC000  }
0xaf: {  	[tilespmem:s7], [sflag:$0x1] =	stream.linear.gather [hbm4b:s10+s3], $0x4000, $0x38;
	[tilespmem:$0x18800] =	vst v63  }
0xb0: {  	_ =	swait.ge [sflag:s5], $0x4000  }
0xb1: {  	[sflag:s5] =	ssyncset.done $0x0  }
0xb2: {  	[sflag:s5] =	ssyncadd.s32 $0xFFFFC000  }
0xb3: {  	[spmem:s2] =	stream.indirect.scatter.add.f32 [tilespmem:s7], [sflag:$0x1], $0x80, s11, s8, $0xb8;
	[tilespmem:$0x18800] =	vst v63  }
0xb4: {  	_ =	swait.ge [sflag:s5], $0x4000  }
0xb5: {  	[sflag:s5] =	ssyncset.done $0x0  }
0xb6: {  	[sflag:s5] =	ssyncadd.s32 $0xFFFFC000  }
0xb7: {  	[tilespmem:s7], [sflag:$0x1] =	stream.linear.gather [hbm4b:s12+s3], $0x4000, $0x38;
	[tilespmem:$0x18800] =	vst v63  }
0xb8: {  	_ =	swait.ge [sflag:s5], $0x4000  }
0xb9: {  	[sflag:s5] =	ssyncset.done $0x0  }
0xba: {  	[sflag:s5] =	ssyncadd.s32 $0xFFFFC000  }
0xbb: {  	[spmem:s2] =	stream.indirect.scatter.add.f32 [tilespmem:s7], [sflag:$0x1], $0x80, s13, s8, $0xb8;
	[tilespmem:$0x18800] =	vst v63  }
0xbc: {  	_ =	swait.ge [sflag:s5], $0x4000  }
0xbd: {  	[sflag:s5] =	ssyncset.done $0x0  }
0xbe: {  	[sflag:s5] =	ssyncadd.s32 $0xFFFFC000  }
0xbf: {  	[tilespmem:s7], [sflag:$0x1] =	stream.linear.gather [hbm4b:s14+s3], $0x4000, $0x38;
	[tilespmem:$0x18800] =	vst v63  }
0xc0: {  	_ =	swait.ge [sflag:s5], $0x4000  }
0xc1: {  	[sflag:s5] =	ssyncset.done $0x0  }
0xc2: {  	[sflag:s5] =	ssyncadd.s32 $0xFFFFC000  }
0xc3: {  	[spmem:s2] =	stream.indirect.scatter.add.f32 [tilespmem:s7], [sflag:$0x1], $0x80, s15, s8, $0xb8;
	[tilespmem:$0x18800] =	vst v63  }
0xc4: {  	_ =	swait.ge [sflag:s5], $0x4000  }
0xc5: {  	[sflag:s5] =	ssyncset.done $0x0  }
0xc6: {  	[sflag:s5] =	ssyncadd.s32 $0xFFFFC000  }
0xc7: {  	[tilespmem:s7], [sflag:$0x1] =	stream.linear.gather [hbm4b:s16+s3], $0x4000, $0x38;
	[tilespmem:$0x18800] =	vst v63  }
0xc8: {  	_ =	swait.ge [sflag:s5], $0x4000  }
0xc9: {  	[sflag:s5] =	ssyncset.done $0x0  }
0xca: {  	[sflag:s5] =	ssyncadd.s32 $0xFFFFC000  }
0xcb: {  	[spmem:s2] =	stream.indirect.scatter.add.f32 [tilespmem:s7], [sflag:$0x1], $0x80, s17, s8, $0xb8;
	[tilespmem:$0x18800] =	vst v63  }
0xcc: {  	_ =	swait.ge [sflag:s5], $0x4000  }
0xcd: {  	[sflag:s5] =	ssyncset.done $0x0  }
0xce: {  	[sflag:s5] =	ssyncadd.s32 $0xFFFFC000  }
0xcf: {  	[tilespmem:s7], [sflag:$0x1] =	stream.linear.gather [hbm4b:s18+s3], $0x4000, $0x38;
	[tilespmem:$0x18800] =	vst v63  }
0xd0: {  	_ =	swait.ge [sflag:s5], $0x4000  }
0xd1: {  	[sflag:s5] =	ssyncset.done $0x0  }
0xd2: {  	[sflag:s5] =	ssyncadd.s32 $0xFFFFC000  }
0xd3: {  	[spmem:s2] =	stream.indirect.scatter.add.f32 [tilespmem:s7], [sflag:$0x1], $0x80, s19, s8, $0xb8;
	[tilespmem:$0x18800] =	vst v63  }
0xd4: {  	_ =	swait.ge [sflag:s5], $0x4000  }
0xd5: {  	[sflag:s5] =	ssyncset.done $0x0  }
0xd6: {  	[sflag:s5] =	ssyncadd.s32 $0xFFFFC000  }
0xd7: {  	[tilespmem:s7], [sflag:$0x1] =	stream.linear.gather [hbm4b:s20+s3], $0x4000, $0x38;
	[tilespmem:$0x18800] =	vst v63  }
0xd8: {  	_ =	swait.ge [sflag:s5], $0x4000  }
0xd9: {  	[sflag:s5] =	ssyncset.done $0x0  }
0xda: {  	[sflag:s5] =	ssyncadd.s32 $0xFFFFC000  }
0xdb: {  	[spmem:s2] =	stream.indirect.scatter.add.f32 [tilespmem:s7], [sflag:$0x1], $0x80, s21, s8, $0xb8;
	[tilespmem:$0x18800] =	vst v63  }
0xdc: {  	_ =	swait.ge [sflag:s5], $0x4000  }
0xdd: {  	[sflag:s5] =	ssyncset.done $0x0  }
0xde: {  	[sflag:s5] =	ssyncadd.s32 $0xFFFFC000  }
0xdf: {  	[tilespmem:s7], [sflag:$0x1] =	stream.linear.gather [hbm4b:s22+s3], $0x4000, $0x38;
	[tilespmem:$0x18800] =	vst v63  }
0xe0: {  	_ =	swait.ge [sflag:s5], $0x4000  }
0xe1: {  	[sflag:s5] =	ssyncset.done $0x0  }
0xe2: {  	[sflag:s5] =	ssyncadd.s32 $0xFFFFC000  }
0xe3: {  	[spmem:s2] =	stream.indirect.scatter.add.f32 [tilespmem:s7], [sflag:$0x1], $0x80, s23, s8, $0xb8;
	[tilespmem:$0x18800] =	vst v63  }
0xe4: {  	_ =	swait.ge [sflag:s5], $0x4000  }
0xe5: {  	[sflag:s5] =	ssyncset.done $0x0  }
0xe6: {  	[sflag:s5] =	ssyncadd.s32 $0xFFFFC000  }
0xe7: {  	[tilespmem:s7], [sflag:$0x1] =	stream.linear.gather [hbm4b:s24+s3], $0x4000, $0x38;
	[tilespmem:$0x18800] =	vst v63  }
0xe8: {  	_ =	swait.ge [sflag:s5], $0x4000  }
0xe9: {  	[sflag:s5] =	ssyncset.done $0x0  }
0xea: {  	[sflag:s5] =	ssyncadd.s32 $0xFFFFC000  }
0xeb: {  	[spmem:s2] =	stream.indirect.scatter.add.f32 [tilespmem:s7], [sflag:$0x1], $0x80, s25, s8, $0xb8;
	[tilespmem:$0x18800] =	vst v63  }
0xec: {  	_ =	swait.ge [sflag:s5], $0x4000  }
0xed: {  	[sflag:s5] =	ssyncset.done $0x0  }
0xee: {  	[sflag:s5] =	ssyncadd.s32 $0xFFFFC000  }
0xef: {  	[tilespmem:s7], [sflag:$0x1] =	stream.linear.gather [hbm4b:s26+s3], $0x4000, $0x38;
	[tilespmem:$0x18800] =	vst v63  }
0xf0: {  	_ =	swait.ge [sflag:s5], $0x4000  }
0xf1: {  	[sflag:s5] =	ssyncset.done $0x0  }
0xf2: {  	[sflag:s5] =	ssyncadd.s32 $0xFFFFC000  }
0xf3: {  	[spmem:s2] =	stream.indirect.scatter.add.f32 [tilespmem:s7], [sflag:$0x1], $0x80, s28, s8, $0xb8;
	[tilespmem:$0x18800] =	vst v63  }
0xf4: {  	_ =	swait.ge [sflag:s5], $0x4000  }
0xf5: {  	[sflag:s5] =	ssyncset.done $0x0  }
0xf6: {  	[sflag:s5] =	ssyncadd.s32 $0xFFFFC000  }
0xf7: {  	[tilespmem:s7], [sflag:$0x1] =	stream.linear.gather [hbm4b:s29+s3], $0x4000, $0x38;
	[tilespmem:$0x18800] =	vst v63  }
0xf8: {  	_ =	swait.ge [sflag:s5], $0x4000  }
0xf9: {  	[sflag:s5] =	ssyncset.done $0x0  }
0xfa: {  	[sflag:s5] =	ssyncadd.s32 $0xFFFFC000  }
0xfb: {  	[spmem:s2] =	stream.indirect.scatter.add.f32 [tilespmem:s7], [sflag:$0x1], $0x80, s30, s8, $0xb8;
	[tilespmem:$0x18800] =	vst v63  }
0xfc: {  	p0 =	sne.s32 s0, $0x1;
	_ =	swait.ge [sflag:s5], $0x4000  }
.Ltmp1:
0xfd: {  	[sflag:s5] =	ssyncset.done $0x0;
	(pc) =	sbr.rel @p0 .LBB2_1-.Ltmp1, $4  }
0xfe: {  	[sflag:s5] =	ssyncadd.s32 $0xFFFFC000  }
0xff: {  	[bflag:$0x0] =	sbarrier.arrive $0xFFFF  }
0x100: {  	[hbm:s31], [sflag:s4] =	dma.local [spmem:s6], $0x2800  }
0x101: {  	s0 =	sadd.s32 $0xFFFFFFFF, s0;
	_ =	swait.ge [sflag:s5], $0x2800  }
.LBB2_2:
0x102: {  	[sflag:s5] =	ssyncset.done $0x0  }
0x103: {  	[sflag:s5] =	ssyncadd.s32 $0xFFFFD800  }
0x104: {  	_ =	sfence.sel $0x180000  }
0x105: {  	[bflag:$0x0] =	sbarrier.arrive $0xFFFF  }
0x106: {  	_ =	strace $0x90000050  }
0x107: {  	s0 =	stileid.u32;
	[bflag:$0x2] =	sbarrier.arrive $0xFFFF  }
0x108: {  	p0 =	sne.s32 s0, $0x0;
	s0 =	rddreg [dreg:$0x2]  }
0x109: {  	s0 =	sadd.s32 @!p0 $0x100000, s0  }
0x10a: {  	[sflag:s0] =	ssyncadd.tile.s32 @!p0 $0x1;
	_ =	shalt  }
.Lfunc_end2:
_tile_overlayer_lowered:
.L_overlay_start_2:
0x10b: {  	(tag) =	ssettag $0x2  }
0x10c: {  	s0 =	rddreg [dreg:$0x0];
	s2 =	stileid.u32  }
0x10d: {  	s1 =	rddreg [dreg:$0x1];
	p0 =	sne.s32 s2, $0x0  }
0x10e: {  	s3 =	rddreg [dreg:$0x2];
	[bflag:$0x3] =	sbarrier.arrive $0xFFFF;
	s2 =	simm.s32 @!p0 $0x1C01  }
0x10f: {  	[timem:s3], [sflag:s2] =	dma.local @!p0 [hbm:s0], s1  }
0x110: {  	s0 =	simm.s32 @!p0 $0x1  }
0x111: {  	_ =	swait.ge @!p0 [sflag:s0], s1  }
0x112: {  	s1 =	ssub.s32 @!p0 $0x0, s1;
	[sflag:s0] =	ssyncset.done @!p0 $0x0  }
0x113: {  	[sflag:s0] =	ssyncadd.s32 @!p0 s1  }
0x114: {  	[bflag:$0x3] =	sbarrier.arrive $0xFFFF  }
0x115: {  	_ =	shalt  }

</sc_bundles>
